<compile_context>
chip_gen: v7x
topology: tpu7x:2x2x1
jax: 0.10.2.dev20260603
libtpu: 0.0.44.dev20260713+nightly
codegen_flags: <defaults>
</compile_context>

<pallas_src>
import functools

import jax
import jax.numpy as jnp
from jax import lax
from jax.experimental import pallas as pl
from jax.experimental.pallas import tpu as pltpu
from jax.experimental.pallas import tpu_sc as plsc

NC = 2
NS = 16
NW = NC * NS
CHUNK = 128
SBLK = 16
LANES = 16

_BCAST_DNUMS = lax.GatherDimensionNumbers(
    offset_dims=(), collapsed_slice_dims=(0,), start_index_map=(0,)
)


def _bcast_lane(vec16, k):
    idx = jnp.full((LANES, 1), k, jnp.int32)
    return lax.gather(
        vec16, idx, _BCAST_DNUMS, (1,),
        mode=lax.GatherScatterMode.PROMISE_IN_BOUNDS,
    )


def _matmul_combine(partials, w, b2d):
    _, n, d_in = partials.shape
    d_out = w.shape[1]
    bm = 2000
    grid = n // bm

    def body(p_ref, w_ref, b_ref, o_ref):
        agg = p_ref[0] + p_ref[1]
        o_ref[:] = (
            jnp.dot(agg, w_ref[:], preferred_element_type=jnp.float32) + b_ref[:]
        )

    return pl.pallas_call(
        body,
        grid=(grid,),
        in_specs=[
            pl.BlockSpec((2, bm, d_in), lambda i: (0, i, 0)),
            pl.BlockSpec((d_in, d_out), lambda i: (0, 0)),
            pl.BlockSpec((1, d_out), lambda i: (0, 0)),
        ],
        out_specs=pl.BlockSpec((bm, d_out), lambda i: (i, 0)),
        out_shape=jax.ShapeDtypeStruct((n, d_out), jnp.float32),
    )(partials, w, b2d)


def _make_aggregate(n, d, nch):
    mesh = plsc.VectorSubcoreMesh(core_axis_name="c", subcore_axis_name="s")
    wtiles = 10
    rows_per_tile = n // wtiles
    dslices = d // LANES
    groups = CHUNK // LANES
    nblk = nch // SBLK

    @functools.partial(
        pl.kernel,
        out_type=jax.ShapeDtypeStruct((NC, n, d), jnp.float32),
        mesh=mesh,
        scratch_types=[
            pltpu.VMEM((SBLK, CHUNK), jnp.int32),
            pltpu.VMEM((SBLK, CHUNK), jnp.int32),
            pltpu.VMEM((SBLK, CHUNK), jnp.float32),
            pltpu.VMEM((2, CHUNK, d), jnp.float32),
            pltpu.VMEM_SHARED((n, d), jnp.float32),
            pltpu.SemaphoreType.DMA,
            pltpu.SemaphoreType.DMA,
            pltpu.SemaphoreType.DMA,
            pltpu.SemaphoreType.DMA,
            pltpu.SemaphoreType.DMA,
        ],
    )
    def agg(support_hbm, src_hbm, dst_hbm, val_hbm, out_hbm,
            src_v, dst_v, val_v, rows2, acc, sem0, sem1, ssem0, ssem1, stsem):
        cid = lax.axis_index("c")
        sid = lax.axis_index("s")
        wid = sid * NC + cid

        sems = (sem0, sem1)

        @pl.loop(0, CHUNK)
        def _zero(r):
            for c in range(dslices):
                rows2[0, r, pl.ds(c * LANES, LANES)] = jnp.zeros((LANES,), jnp.float32)

        @pl.when(sid < wtiles)
        def _zacc_all():
            @pl.loop(0, rows_per_tile // CHUNK)
            def _zacc(r):
                pltpu.sync_copy(rows2.at[0],
                                acc.at[pl.ds(sid * rows_per_tile + r * CHUNK, CHUNK)])
            rem = rows_per_tile % CHUNK
            if rem:
                pltpu.sync_copy(
                    rows2.at[0, pl.ds(0, rem)],
                    acc.at[pl.ds(sid * rows_per_tile + (rows_per_tile // CHUNK) * CHUNK, rem)],
                )

        plsc.subcore_barrier()

        def _scale(r, j):
            @pl.loop(0, groups)
            def _grp(g):
                vv = val_v[j, pl.ds(g * LANES, LANES)]
                for k in range(LANES):
                    v16 = _bcast_lane(vv, k)
                    i = g * LANES + k
                    for c in range(dslices):
                        sl = pl.ds(c * LANES, LANES)
                        rows2[r, i, sl] = rows2[r, i, sl] * v16

        ssems = (ssem0, ssem1)

        @pl.loop(0, nblk)
        def _blk(t):
            pltpu.async_copy(src_hbm.at[wid, pl.ds(t * SBLK, SBLK)], src_v, stsem)
            pltpu.async_copy(dst_hbm.at[wid, pl.ds(t * SBLK, SBLK)], dst_v, stsem)
            pltpu.async_copy(val_hbm.at[wid, pl.ds(t * SBLK, SBLK)], val_v, stsem)
            pltpu.make_async_copy(src_hbm.at[wid, pl.ds(t * SBLK, SBLK)], src_v, stsem).wait()
            pltpu.make_async_copy(dst_hbm.at[wid, pl.ds(t * SBLK, SBLK)], dst_v, stsem).wait()
            pltpu.make_async_copy(val_hbm.at[wid, pl.ds(t * SBLK, SBLK)], val_v, stsem).wait()

            pltpu.async_copy(support_hbm.at[src_v.at[0]], rows2.at[0], sem0)

            @pl.loop(0, SBLK // 2)
            def _step(s):
                for r in range(2):
                    j = s * 2 + r
                    pltpu.make_async_copy(
                        support_hbm.at[src_v.at[j]], rows2.at[r], sems[r]
                    ).wait()
                    ro = 1 - r
                    if r == 0:
                        @pl.when(s > 0)
                        def _drain_prev():
                            pltpu.make_async_copy(
                                rows2.at[ro], acc.at[dst_v.at[j]], ssems[ro]
                            ).wait()
                        pltpu.async_copy(
                            support_hbm.at[src_v.at[j + 1]], rows2.at[1], sem1
                        )
                    else:
                        pltpu.make_async_copy(
                            rows2.at[ro], acc.at[dst_v.at[j]], ssems[ro]
                        ).wait()

                        @pl.when(s < SBLK // 2 - 1)
                        def _prefetch():
                            pltpu.async_copy(
                                support_hbm.at[src_v.at[j + 1]], rows2.at[0], sem0
                            )
                    _scale(r, j)
                    pltpu.async_copy(rows2.at[r], acc.at[dst_v.at[j]], ssems[r], add=True)

            pltpu.make_async_copy(rows2.at[1], acc.at[dst_v.at[0]], ssem1).wait()

        plsc.subcore_barrier()

        @pl.when(sid < wtiles)
        def _writeback():
            pltpu.sync_copy(
                acc.at[pl.ds(sid * rows_per_tile, rows_per_tile)],
                out_hbm.at[cid, pl.ds(sid * rows_per_tile, rows_per_tile)],
            )

    return agg


def kernel(input_feature, edge_index, adj_values, W, b):
    n, d_in = input_feature.shape
    d_out = W.shape[1]
    e = adj_values.shape[0]

    eblk = NW * SBLK * CHUNK
    e_pad = -(-e // eblk) * eblk
    nch = e_pad // (NW * CHUNK)
    pad = e_pad - e
    src = edge_index[0]
    dst = edge_index[1]
    if pad:
        spread = (jnp.arange(pad, dtype=jnp.int32) * 97) % n
        src = jnp.concatenate([src, spread])
        dst = jnp.concatenate([dst, spread])
        adj_values = jnp.concatenate([adj_values, jnp.zeros((pad,), jnp.float32)])
    src3 = src.reshape(NW, nch, CHUNK)
    dst3 = dst.reshape(NW, nch, CHUNK)
    val3 = adj_values.reshape(NW, nch, CHUNK)

    partials = _make_aggregate(n, d_in, nch)(input_feature, src3, dst3, val3)
    return _matmul_combine(partials, W, b.reshape(1, d_out))

# --- scband reference (transcript-rebuilt; emitter-appended) ---
"""Pipeline reference for scband-graph-convolution-13211319403105 (READ-ONLY COPY).

The authoritative reference and input builder live on the scoring server;
editing this copy changes nothing except your own understanding.
"""

import jax, jax.numpy as jnp
import numpy as np

N = 10000
E = 320000
D_IN = 128
D_OUT = 128


def setup_inputs(seed: int = 0) -> dict:
    key = jax.random.key(seed)
    k1, k2, k3, k4, k5 = jax.random.split(key, 5)
    x = jax.random.normal(k1, (N, D_IN), dtype=jnp.float32)
    edge_index = jax.random.randint(k2, (2, E), 0, N, dtype=jnp.int32)
    adj_values = jax.random.uniform(k3, (E,), dtype=jnp.float32)
    # kaiming_uniform-ish init for weight
    bound = np.sqrt(6.0 / D_IN)
    W = jax.random.uniform(k4, (D_IN, D_OUT), dtype=jnp.float32, minval=-bound, maxval=bound)
    b = jnp.zeros((D_OUT,), dtype=jnp.float32)
    return {"input_feature": x, "edge_index": edge_index, "adj_values": adj_values, "W": W, "b": b}


def reference(input_feature, edge_index, adj_values, W, b):
    # support = X @ Theta
    support = input_feature @ W
    # sparse adjacency matmul: out[dst] += val * support[src]
    src = edge_index[0]
    dst = edge_index[1]
    msgs = support[src] * adj_values[:, None]
    out = jax.ops.segment_sum(msgs, dst, num_segments=N)
    out = out + b
    return out

if __name__ == "__main__":
    import jax
    _d = setup_inputs()
    print(jax.jit(kernel)(*tuple(_d.values())))

</pallas_src>

<mosaic_0001>
#map = affine_map<(d0, d1) -> (0, 0)>
#map1 = affine_map<(d0, d1) -> (0, 0, 0)>
module attributes {stable_mosaic.version = 14 : i64} {
  func.func @agg(%arg0: i32, %arg1: i32, %arg2: memref<10000x128xf32, #tpu.memory_space<hbm>>, %arg3: memref<32x80x128xi32, #tpu.memory_space<hbm>>, %arg4: memref<32x80x128xi32, #tpu.memory_space<hbm>>, %arg5: memref<32x80x128xf32, #tpu.memory_space<hbm>>, %arg6: memref<2x10000x128xf32, #tpu.memory_space<hbm>>, %arg7: memref<16x128xi32, #tpu.memory_space<vmem>>, %arg8: memref<16x128xi32, #tpu.memory_space<vmem>>, %arg9: memref<16x128xf32, #tpu.memory_space<vmem>>, %arg10: memref<2x128x128xf32, #tpu.memory_space<vmem>>, %arg11: memref<10000x128xf32, #tpu.memory_space<vmem_shared>>, %arg12: memref<!tpu.dma_semaphore, #tpu.memory_space<semaphore_mem>>, %arg13: memref<!tpu.dma_semaphore, #tpu.memory_space<semaphore_mem>>, %arg14: memref<!tpu.dma_semaphore, #tpu.memory_space<semaphore_mem>>, %arg15: memref<!tpu.dma_semaphore, #tpu.memory_space<semaphore_mem>>, %arg16: memref<!tpu.dma_semaphore, #tpu.memory_space<semaphore_mem>>) attributes {dimension_semantics = [#tpu.dimension_semantics<core_parallel>, #tpu.dimension_semantics<subcore_parallel>], iteration_bounds = array<i64: 2, 16>, scalar_prefetch = 0 : i64, scratch_operands = 10 : i64, tpu.core_type = #tpu.core_type<sc_vector_subcore>, window_params = [{transform_indices = #map}, {transform_indices = #map1}, {transform_indices = #map1}, {transform_indices = #map1}, {transform_indices = #map1}]} {
    %mul3A = arith.constant 2 : i32
    %mul3A_0 = arith.muli %arg1, %mul3A : i32
    %add3A = arith.addi %mul3A_0, %arg0 : i32
    %scan3A = arith.constant 0 : i32
    %scan3A_1 = arith.constant 128 : i32
    %scan3A_2 = arith.addi %scan3A, %scan3A_1 : i32
    %scan3A_3 = arith.constant 1 : i32
    scf.for %scan3A_18 = %scan3A to %scan3A_2 step %scan3A_3  : i32 {
      %mul3A_19 = arith.constant 1 : i32
      %mul3A_20 = arith.muli %scan3A_18, %mul3A_19 : i32
      %add3A_21 = arith.constant 0 : i32
      %add3A_22 = arith.addi %add3A_21, %mul3A_20 : i32
      %broadcast_in_dim3A = arith.constant 0.000000e+00 : f32
      %broadcast_in_dim3A_23 = vector.broadcast %broadcast_in_dim3A : f32 to vector<16xf32>
      %swap3A = arith.constant 0 : i32
      %swap3A_24 = arith.index_cast %swap3A : i32 to index
      %swap3A_25 = arith.index_cast %add3A_22 : i32 to index
      %swap3A_26 = arith.constant 0 : index
      %swap3A_27 = tpu.vector_load %arg10[%swap3A_24, %swap3A_25, %swap3A_26] {strides = array<i32>} : memref<2x128x128xf32, #tpu.memory_space<vmem>>, vector<1x1x16xf32>,
      %swap3A_28 = vector.shape_cast %swap3A_27 : vector<1x1x16xf32> to vector<16xf32>
      %swap3A_29 = vector.shape_cast %broadcast_in_dim3A_23 : vector<16xf32> to vector<1x1x16xf32>
      tpu.vector_store %arg10[%swap3A_24, %swap3A_25, %swap3A_26], %swap3A_29 {strides = array<i32>} : memref<2x128x128xf32, #tpu.memory_space<vmem>>, vector<1x1x16xf32>,
      %broadcast_in_dim3A_30 = arith.constant 0.000000e+00 : f32
      %broadcast_in_dim3A_31 = vector.broadcast %broadcast_in_dim3A_30 : f32 to vector<16xf32>
      %swap3A_32 = arith.constant 0 : i32
      %swap3A_33 = arith.index_cast %swap3A_32 : i32 to index
      %swap3A_34 = arith.index_cast %add3A_22 : i32 to index
      %swap3A_35 = arith.constant 16 : index
      %swap3A_36 = tpu.vector_load %arg10[%swap3A_33, %swap3A_34, %swap3A_35] {strides = array<i32>} : memref<2x128x128xf32, #tpu.memory_space<vmem>>, vector<1x1x16xf32>,
      %swap3A_37 = vector.shape_cast %swap3A_36 : vector<1x1x16xf32> to vector<16xf32>
      %swap3A_38 = vector.shape_cast %broadcast_in_dim3A_31 : vector<16xf32> to vector<1x1x16xf32>
      tpu.vector_store %arg10[%swap3A_33, %swap3A_34, %swap3A_35], %swap3A_38 {strides = array<i32>} : memref<2x128x128xf32, #tpu.memory_space<vmem>>, vector<1x1x16xf32>,
      %broadcast_in_dim3A_39 = arith.constant 0.000000e+00 : f32
      %broadcast_in_dim3A_40 = vector.broadcast %broadcast_in_dim3A_39 : f32 to vector<16xf32>
      %swap3A_41 = arith.constant 0 : i32
      %swap3A_42 = arith.index_cast %swap3A_41 : i32 to index
      %swap3A_43 = arith.index_cast %add3A_22 : i32 to index
      %swap3A_44 = arith.constant 32 : index
      %swap3A_45 = tpu.vector_load %arg10[%swap3A_42, %swap3A_43, %swap3A_44] {strides = array<i32>} : memref<2x128x128xf32, #tpu.memory_space<vmem>>, vector<1x1x16xf32>,
      %swap3A_46 = vector.shape_cast %swap3A_45 : vector<1x1x16xf32> to vector<16xf32>
      %swap3A_47 = vector.shape_cast %broadcast_in_dim3A_40 : vector<16xf32> to vector<1x1x16xf32>
      tpu.vector_store %arg10[%swap3A_42, %swap3A_43, %swap3A_44], %swap3A_47 {strides = array<i32>} : memref<2x128x128xf32, #tpu.memory_space<vmem>>, vector<1x1x16xf32>,
      %broadcast_in_dim3A_48 = arith.constant 0.000000e+00 : f32
      %broadcast_in_dim3A_49 = vector.broadcast %broadcast_in_dim3A_48 : f32 to vector<16xf32>
      %swap3A_50 = arith.constant 0 : i32
      %swap3A_51 = arith.index_cast %swap3A_50 : i32 to index
      %swap3A_52 = arith.index_cast %add3A_22 : i32 to index
      %swap3A_53 = arith.constant 48 : index
      %swap3A_54 = tpu.vector_load %arg10[%swap3A_51, %swap3A_52, %swap3A_53] {strides = array<i32>} : memref<2x128x128xf32, #tpu.memory_space<vmem>>, vector<1x1x16xf32>,
      %swap3A_55 = vector.shape_cast %swap3A_54 : vector<1x1x16xf32> to vector<16xf32>
      %swap3A_56 = vector.shape_cast %broadcast_in_dim3A_49 : vector<16xf32> to vector<1x1x16xf32>
      tpu.vector_store %arg10[%swap3A_51, %swap3A_52, %swap3A_53], %swap3A_56 {strides = array<i32>} : memref<2x128x128xf32, #tpu.memory_space<vmem>>, vector<1x1x16xf32>,
      %broadcast_in_dim3A_57 = arith.constant 0.000000e+00 : f32
      %broadcast_in_dim3A_58 = vector.broadcast %broadcast_in_dim3A_57 : f32 to vector<16xf32>
      %swap3A_59 = arith.constant 0 : i32
      %swap3A_60 = arith.index_cast %swap3A_59 : i32 to index
      %swap3A_61 = arith.index_cast %add3A_22 : i32 to index
      %swap3A_62 = arith.constant 64 : index
      %swap3A_63 = tpu.vector_load %arg10[%swap3A_60, %swap3A_61, %swap3A_62] {strides = array<i32>} : memref<2x128x128xf32, #tpu.memory_space<vmem>>, vector<1x1x16xf32>,
      %swap3A_64 = vector.shape_cast %swap3A_63 : vector<1x1x16xf32> to vector<16xf32>
      %swap3A_65 = vector.shape_cast %broadcast_in_dim3A_58 : vector<16xf32> to vector<1x1x16xf32>
      tpu.vector_store %arg10[%swap3A_60, %swap3A_61, %swap3A_62], %swap3A_65 {strides = array<i32>} : memref<2x128x128xf32, #tpu.memory_space<vmem>>, vector<1x1x16xf32>,
      %broadcast_in_dim3A_66 = arith.constant 0.000000e+00 : f32
      %broadcast_in_dim3A_67 = vector.broadcast %broadcast_in_dim3A_66 : f32 to vector<16xf32>
      %swap3A_68 = arith.constant 0 : i32
      %swap3A_69 = arith.index_cast %swap3A_68 : i32 to index
      %swap3A_70 = arith.index_cast %add3A_22 : i32 to index
      %swap3A_71 = arith.constant 80 : index
      %swap3A_72 = tpu.vector_load %arg10[%swap3A_69, %swap3A_70, %swap3A_71] {strides = array<i32>} : memref<2x128x128xf32, #tpu.memory_space<vmem>>, vector<1x1x16xf32>,
      %swap3A_73 = vector.shape_cast %swap3A_72 : vector<1x1x16xf32> to vector<16xf32>
      %swap3A_74 = vector.shape_cast %broadcast_in_dim3A_67 : vector<16xf32> to vector<1x1x16xf32>
      tpu.vector_store %arg10[%swap3A_69, %swap3A_70, %swap3A_71], %swap3A_74 {strides = array<i32>} : memref<2x128x128xf32, #tpu.memory_space<vmem>>, vector<1x1x16xf32>,
      %broadcast_in_dim3A_75 = arith.constant 0.000000e+00 : f32
      %broadcast_in_dim3A_76 = vector.broadcast %broadcast_in_dim3A_75 : f32 to vector<16xf32>
      %swap3A_77 = arith.constant 0 : i32
      %swap3A_78 = arith.index_cast %swap3A_77 : i32 to index
      %swap3A_79 = arith.index_cast %add3A_22 : i32 to index
      %swap3A_80 = arith.constant 96 : index
      %swap3A_81 = tpu.vector_load %arg10[%swap3A_78, %swap3A_79, %swap3A_80] {strides = array<i32>} : memref<2x128x128xf32, #tpu.memory_space<vmem>>, vector<1x1x16xf32>,
      %swap3A_82 = vector.shape_cast %swap3A_81 : vector<1x1x16xf32> to vector<16xf32>
      %swap3A_83 = vector.shape_cast %broadcast_in_dim3A_76 : vector<16xf32> to vector<1x1x16xf32>
      tpu.vector_store %arg10[%swap3A_78, %swap3A_79, %swap3A_80], %swap3A_83 {strides = array<i32>} : memref<2x128x128xf32, #tpu.memory_space<vmem>>, vector<1x1x16xf32>,
      %broadcast_in_dim3A_84 = arith.constant 0.000000e+00 : f32
      %broadcast_in_dim3A_85 = vector.broadcast %broadcast_in_dim3A_84 : f32 to vector<16xf32>
      %swap3A_86 = arith.constant 0 : i32
      %swap3A_87 = arith.index_cast %swap3A_86 : i32 to index
      %swap3A_88 = arith.index_cast %add3A_22 : i32 to index
      %swap3A_89 = arith.constant 112 : index
      %swap3A_90 = tpu.vector_load %arg10[%swap3A_87, %swap3A_88, %swap3A_89] {strides = array<i32>} : memref<2x128x128xf32, #tpu.memory_space<vmem>>, vector<1x1x16xf32>,
      %swap3A_91 = vector.shape_cast %swap3A_90 : vector<1x1x16xf32> to vector<16xf32>
      %swap3A_92 = vector.shape_cast %broadcast_in_dim3A_85 : vector<16xf32> to vector<1x1x16xf32>
      tpu.vector_store %arg10[%swap3A_87, %swap3A_88, %swap3A_89], %swap3A_92 {strides = array<i32>} : memref<2x128x128xf32, #tpu.memory_space<vmem>>, vector<1x1x16xf32>,
    }
    %scan3A_4 = arith.constant 128 : i32
    %lt3A = arith.constant 10 : i32
    %lt3A_5 = arith.cmpi slt, %arg1, %lt3A : i32
    %convert_element_type3A = arith.extui %lt3A_5 : i1 to i32
    %cond3A = arith.constant 0 : i32
    %cond3A_6 = arith.cmpi ne, %convert_element_type3A, %cond3A : i32
    scf.if %cond3A_6 {
      %scan3A_18 = arith.constant 0 : i32
      %scan3A_19 = arith.constant 7 : i32
      %scan3A_20 = arith.addi %scan3A_18, %scan3A_19 : i32
      %scan3A_21 = arith.constant 1 : i32
      scf.for %scan3A_27 = %scan3A_18 to %scan3A_20 step %scan3A_21  : i32 {
        %mul3A_28 = arith.constant 1 : i32
        %mul3A_29 = arith.muli %scan3A_27, %mul3A_28 : i32
        %add3A_30 = arith.constant 0 : i32
        %add3A_31 = arith.addi %add3A_30, %mul3A_29 : i32
        %mul3A_32 = arith.constant 1000 : i32
        %mul3A_33 = arith.muli %arg1, %mul3A_32 : i32
        %mul3A_34 = arith.constant 128 : i32
        %mul3A_35 = arith.muli %add3A_31, %mul3A_34 : i32
        %add3A_36 = arith.addi %mul3A_33, %mul3A_35 : i32
        %run_scoped3A_37 = arith.constant 0 : i32
        "tpu.region"() ({
          %run_scoped3A_38 = tpu.sem_alloc : memref<!tpu.dma_semaphore, #tpu.memory_space<semaphore_mem>>
          %dma_start3A = arith.constant 0 : i32
          %dma_start3A_39 = arith.constant 0 : i32
          %dma_start3A_40 = tpu.memref_slice %arg10[%run_scoped3A_37, %dma_start3A, %dma_start3A_39] : memref<2x128x128xf32, #tpu.memory_space<vmem>> -> memref<1x128x128xf32, #tpu.memory_space<vmem>>
          %dma_start3A_41 = tpu.memref_squeeze %dma_start3A_40 : memref<1x128x128xf32, #tpu.memory_space<vmem>> -> memref<128x128xf32, #tpu.memory_space<vmem>>
          %dma_start3A_42 = arith.constant 0 : i32
          %dma_start3A_43 = tpu.memref_slice %arg11[%add3A_36, %dma_start3A_42] : memref<10000x128xf32, #tpu.memory_space<vmem_shared>> -> memref<128x128xf32, #tpu.memory_space<vmem_shared>>
          %dma_start3A_44 = arith.constant 0 : i32
          %dma_start3A_45 = tpu.memref_slice %arg11[%add3A_36, %dma_start3A_44] : memref<10000x128xf32, #tpu.memory_space<vmem_shared>> -> memref<128x128xf32, #tpu.memory_space<vmem_shared>>
          %dma_start3A_46 = arith.constant 0 : i32
          %dma_start3A_47 = arith.constant 0 : i32
          %dma_start3A_48 = tpu.memref_slice %arg10[%run_scoped3A_37, %dma_start3A_46, %dma_start3A_47] : memref<2x128x128xf32, #tpu.memory_space<vmem>> -> memref<1x128x128xf32, #tpu.memory_space<vmem>>
          %dma_start3A_49 = tpu.memref_squeeze %dma_start3A_48 : memref<1x128x128xf32, #tpu.memory_space<vmem>> -> memref<128x128xf32, #tpu.memory_space<vmem>>
          tpu.enqueue_dma source(%dma_start3A_49 : memref<128x128xf32, #tpu.memory_space<vmem>>) target(%dma_start3A_45 : memref<128x128xf32, #tpu.memory_space<vmem_shared>>) target_semaphore(%run_scoped3A_38 : memref<!tpu.dma_semaphore, #tpu.memory_space<semaphore_mem>>)
          %dma_wait3A = arith.constant 0 : i32
          %dma_wait3A_50 = arith.constant 0 : i32
          %dma_wait3A_51 = tpu.memref_slice %arg10[%run_scoped3A_37, %dma_wait3A, %dma_wait3A_50] : memref<2x128x128xf32, #tpu.memory_space<vmem>> -> memref<1x128x128xf32, #tpu.memory_space<vmem>>
          %dma_wait3A_52 = tpu.memref_squeeze %dma_wait3A_51 : memref<1x128x128xf32, #tpu.memory_space<vmem>> -> memref<128x128xf32, #tpu.memory_space<vmem>>
          %dma_wait3A_53 = arith.constant 0 : i32
          %dma_wait3A_54 = tpu.memref_slice %arg11[%add3A_36, %dma_wait3A_53] : memref<10000x128xf32, #tpu.memory_space<vmem_shared>> -> memref<128x128xf32, #tpu.memory_space<vmem_shared>>
          %dma_wait3A_55 = arith.constant 0 : i32
          %dma_wait3A_56 = tpu.memref_slice %arg11[%add3A_36, %dma_wait3A_55] : memref<10000x128xf32, #tpu.memory_space<vmem_shared>> -> memref<128x128xf32, #tpu.memory_space<vmem_shared>>
          %dma_wait3A_57 = arith.constant 0 : i32
          %dma_wait3A_58 = arith.constant 0 : i32
          %dma_wait3A_59 = tpu.memref_slice %arg10[%run_scoped3A_37, %dma_wait3A_57, %dma_wait3A_58] : memref<2x128x128xf32, #tpu.memory_space<vmem>> -> memref<1x128x128xf32, #tpu.memory_space<vmem>>
          %dma_wait3A_60 = tpu.memref_squeeze %dma_wait3A_59 : memref<1x128x128xf32, #tpu.memory_space<vmem>> -> memref<128x128xf32, #tpu.memory_space<vmem>>
          tpu.wait_dma2 semaphore(%run_scoped3A_38 : memref<!tpu.dma_semaphore, #tpu.memory_space<semaphore_mem>>) src(%dma_wait3A_60 : memref<128x128xf32, #tpu.memory_space<vmem>>) dst(%dma_wait3A_56 : memref<128x128xf32, #tpu.memory_space<vmem_shared>>)
          tpu.yield
        }) : () -> ()
      }
      %scan3A_22 = arith.constant 7 : i32
      %mul3A_23 = arith.constant 1000 : i32
      %mul3A_24 = arith.muli %arg1, %mul3A_23 : i32
      %add3A_25 = arith.constant 896 : i32
      %add3A_26 = arith.addi %mul3A_24, %add3A_25 : i32
      %run_scoped3A = arith.constant 0 : i32
      "tpu.region"() ({
        %run_scoped3A_27 = tpu.sem_alloc : memref<!tpu.dma_semaphore, #tpu.memory_space<semaphore_mem>>
        %dma_start3A = arith.constant 0 : i32
        %dma_start3A_28 = arith.constant 0 : i32
        %dma_start3A_29 = tpu.memref_slice %arg10[%run_scoped3A, %dma_start3A, %dma_start3A_28] : memref<2x128x128xf32, #tpu.memory_space<vmem>> -> memref<1x104x128xf32, #tpu.memory_space<vmem>>
        %dma_start3A_30 = tpu.memref_squeeze %dma_start3A_29 : memref<1x104x128xf32, #tpu.memory_space<vmem>> -> memref<104x128xf32, #tpu.memory_space<vmem>>
        %dma_start3A_31 = arith.constant 0 : i32
        %dma_start3A_32 = tpu.memref_slice %arg11[%add3A_26, %dma_start3A_31] : memref<10000x128xf32, #tpu.memory_space<vmem_shared>> -> memref<104x128xf32, #tpu.memory_space<vmem_shared>>
        %dma_start3A_33 = arith.constant 0 : i32
        %dma_start3A_34 = tpu.memref_slice %arg11[%add3A_26, %dma_start3A_33] : memref<10000x128xf32, #tpu.memory_space<vmem_shared>> -> memref<104x128xf32, #tpu.memory_space<vmem_shared>>
        %dma_start3A_35 = arith.constant 0 : i32
        %dma_start3A_36 = arith.constant 0 : i32
        %dma_start3A_37 = tpu.memref_slice %arg10[%run_scoped3A, %dma_start3A_35, %dma_start3A_36] : memref<2x128x128xf32, #tpu.memory_space<vmem>> -> memref<1x104x128xf32, #tpu.memory_space<vmem>>
        %dma_start3A_38 = tpu.memref_squeeze %dma_start3A_37 : memref<1x104x128xf32, #tpu.memory_space<vmem>> -> memref<104x128xf32, #tpu.memory_space<vmem>>
        tpu.enqueue_dma source(%dma_start3A_38 : memref<104x128xf32, #tpu.memory_space<vmem>>) target(%dma_start3A_34 : memref<104x128xf32, #tpu.memory_space<vmem_shared>>) target_semaphore(%run_scoped3A_27 : memref<!tpu.dma_semaphore, #tpu.memory_space<semaphore_mem>>)
        %dma_wait3A = arith.constant 0 : i32
        %dma_wait3A_39 = arith.constant 0 : i32
        %dma_wait3A_40 = tpu.memref_slice %arg10[%run_scoped3A, %dma_wait3A, %dma_wait3A_39] : memref<2x128x128xf32, #tpu.memory_space<vmem>> -> memref<1x104x128xf32, #tpu.memory_space<vmem>>
        %dma_wait3A_41 = tpu.memref_squeeze %dma_wait3A_40 : memref<1x104x128xf32, #tpu.memory_space<vmem>> -> memref<104x128xf32, #tpu.memory_space<vmem>>
        %dma_wait3A_42 = arith.constant 0 : i32
        %dma_wait3A_43 = tpu.memref_slice %arg11[%add3A_26, %dma_wait3A_42] : memref<10000x128xf32, #tpu.memory_space<vmem_shared>> -> memref<104x128xf32, #tpu.memory_space<vmem_shared>>
        %dma_wait3A_44 = arith.constant 0 : i32
        %dma_wait3A_45 = tpu.memref_slice %arg11[%add3A_26, %dma_wait3A_44] : memref<10000x128xf32, #tpu.memory_space<vmem_shared>> -> memref<104x128xf32, #tpu.memory_space<vmem_shared>>
        %dma_wait3A_46 = arith.constant 0 : i32
        %dma_wait3A_47 = arith.constant 0 : i32
        %dma_wait3A_48 = tpu.memref_slice %arg10[%run_scoped3A, %dma_wait3A_46, %dma_wait3A_47] : memref<2x128x128xf32, #tpu.memory_space<vmem>> -> memref<1x104x128xf32, #tpu.memory_space<vmem>>
        %dma_wait3A_49 = tpu.memref_squeeze %dma_wait3A_48 : memref<1x104x128xf32, #tpu.memory_space<vmem>> -> memref<104x128xf32, #tpu.memory_space<vmem>>
        tpu.wait_dma2 semaphore(%run_scoped3A_27 : memref<!tpu.dma_semaphore, #tpu.memory_space<semaphore_mem>>) src(%dma_wait3A_49 : memref<104x128xf32, #tpu.memory_space<vmem>>) dst(%dma_wait3A_45 : memref<104x128xf32, #tpu.memory_space<vmem_shared>>)
        tpu.yield
      }) : () -> ()
    } else {
    }
    %barrier3A = arith.constant 0 : index
    tpu.barrier barrier_id(%barrier3A)
    %scan3A_7 = arith.constant 0 : i32
    %scan3A_8 = arith.constant 5 : i32
    %scan3A_9 = arith.addi %scan3A_7, %scan3A_8 : i32
    %scan3A_10 = arith.constant 1 : i32
    scf.for %scan3A_18 = %scan3A_7 to %scan3A_9 step %scan3A_10  : i32 {
      %mul3A_19 = arith.constant 1 : i32
      %mul3A_20 = arith.muli %scan3A_18, %mul3A_19 : i32
      %add3A_21 = arith.constant 0 : i32
      %add3A_22 = arith.addi %add3A_21, %mul3A_20 : i32
      %mul3A_23 = arith.constant 16 : i32
      %mul3A_24 = arith.muli %add3A_22, %mul3A_23 : i32
      %dma_start3A = arith.constant 0 : i32
      %dma_start3A_25 = tpu.memref_slice %arg3[%add3A, %mul3A_24, %dma_start3A] : memref<32x80x128xi32, #tpu.memory_space<hbm>> -> memref<1x16x128xi32, #tpu.memory_space<hbm>>
      %dma_start3A_26 = tpu.memref_squeeze %dma_start3A_25 : memref<1x16x128xi32, #tpu.memory_space<hbm>> -> memref<16x128xi32, #tpu.memory_space<hbm>>
      %dma_start3A_27 = arith.constant 0 : i32
      %dma_start3A_28 = tpu.memref_slice %arg3[%add3A, %mul3A_24, %dma_start3A_27] : memref<32x80x128xi32, #tpu.memory_space<hbm>> -> memref<1x16x128xi32, #tpu.memory_space<hbm>>
      %dma_start3A_29 = tpu.memref_squeeze %dma_start3A_28 : memref<1x16x128xi32, #tpu.memory_space<hbm>> -> memref<16x128xi32, #tpu.memory_space<hbm>>
      tpu.enqueue_dma source(%dma_start3A_29 : memref<16x128xi32, #tpu.memory_space<hbm>>) target(%arg7 : memref<16x128xi32, #tpu.memory_space<vmem>>) target_semaphore(%arg16 : memref<!tpu.dma_semaphore, #tpu.memory_space<semaphore_mem>>)
      %mul3A_30 = arith.constant 16 : i32
      %mul3A_31 = arith.muli %add3A_22, %mul3A_30 : i32
      %dma_start3A_32 = arith.constant 0 : i32
      %dma_start3A_33 = tpu.memref_slice %arg4[%add3A, %mul3A_31, %dma_start3A_32] : memref<32x80x128xi32, #tpu.memory_space<hbm>> -> memref<1x16x128xi32, #tpu.memory_space<hbm>>
      %dma_start3A_34 = tpu.memref_squeeze %dma_start3A_33 : memref<1x16x128xi32, #tpu.memory_space<hbm>> -> memref<16x128xi32, #tpu.memory_space<hbm>>
      %dma_start3A_35 = arith.constant 0 : i32
      %dma_start3A_36 = tpu.memref_slice %arg4[%add3A, %mul3A_31, %dma_start3A_35] : memref<32x80x128xi32, #tpu.memory_space<hbm>> -> memref<1x16x128xi32, #tpu.memory_space<hbm>>
      %dma_start3A_37 = tpu.memref_squeeze %dma_start3A_36 : memref<1x16x128xi32, #tpu.memory_space<hbm>> -> memref<16x128xi32, #tpu.memory_space<hbm>>
      tpu.enqueue_dma source(%dma_start3A_37 : memref<16x128xi32, #tpu.memory_space<hbm>>) target(%arg8 : memref<16x128xi32, #tpu.memory_space<vmem>>) target_semaphore(%arg16 : memref<!tpu.dma_semaphore, #tpu.memory_space<semaphore_mem>>)
      %mul3A_38 = arith.constant 16 : i32
      %mul3A_39 = arith.muli %add3A_22, %mul3A_38 : i32
      %dma_start3A_40 = arith.constant 0 : i32
      %dma_start3A_41 = tpu.memref_slice %arg5[%add3A, %mul3A_39, %dma_start3A_40] : memref<32x80x128xf32, #tpu.memory_space<hbm>> -> memref<1x16x128xf32, #tpu.memory_space<hbm>>
      %dma_start3A_42 = tpu.memref_squeeze %dma_start3A_41 : memref<1x16x128xf32, #tpu.memory_space<hbm>> -> memref<16x128xf32, #tpu.memory_space<hbm>>
      %dma_start3A_43 = arith.constant 0 : i32
      %dma_start3A_44 = tpu.memref_slice %arg5[%add3A, %mul3A_39, %dma_start3A_43] : memref<32x80x128xf32, #tpu.memory_space<hbm>> -> memref<1x16x128xf32, #tpu.memory_space<hbm>>
      %dma_start3A_45 = tpu.memref_squeeze %dma_start3A_44 : memref<1x16x128xf32, #tpu.memory_space<hbm>> -> memref<16x128xf32, #tpu.memory_space<hbm>>
      tpu.enqueue_dma source(%dma_start3A_45 : memref<16x128xf32, #tpu.memory_space<hbm>>) target(%arg9 : memref<16x128xf32, #tpu.memory_space<vmem>>) target_semaphore(%arg16 : memref<!tpu.dma_semaphore, #tpu.memory_space<semaphore_mem>>)
      %mul3A_46 = arith.constant 16 : i32
      %mul3A_47 = arith.muli %add3A_22, %mul3A_46 : i32
      %dma_wait3A = arith.constant 0 : i32
      %dma_wait3A_48 = tpu.memref_slice %arg3[%add3A, %mul3A_47, %dma_wait3A] : memref<32x80x128xi32, #tpu.memory_space<hbm>> -> memref<1x16x128xi32, #tpu.memory_space<hbm>>
      %dma_wait3A_49 = tpu.memref_squeeze %dma_wait3A_48 : memref<1x16x128xi32, #tpu.memory_space<hbm>> -> memref<16x128xi32, #tpu.memory_space<hbm>>
      %dma_wait3A_50 = arith.constant 0 : i32
      %dma_wait3A_51 = tpu.memref_slice %arg3[%add3A, %mul3A_47, %dma_wait3A_50] : memref<32x80x128xi32, #tpu.memory_space<hbm>> -> memref<1x16x128xi32, #tpu.memory_space<hbm>>
      %dma_wait3A_52 = tpu.memref_squeeze %dma_wait3A_51 : memref<1x16x128xi32, #tpu.memory_space<hbm>> -> memref<16x128xi32, #tpu.memory_space<hbm>>
      tpu.wait_dma2 semaphore(%arg16 : memref<!tpu.dma_semaphore, #tpu.memory_space<semaphore_mem>>) src(%dma_wait3A_52 : memref<16x128xi32, #tpu.memory_space<hbm>>) dst(%arg7 : memref<16x128xi32, #tpu.memory_space<vmem>>)
      %mul3A_53 = arith.constant 16 : i32
      %mul3A_54 = arith.muli %add3A_22, %mul3A_53 : i32
      %dma_wait3A_55 = arith.constant 0 : i32
      %dma_wait3A_56 = tpu.memref_slice %arg4[%add3A, %mul3A_54, %dma_wait3A_55] : memref<32x80x128xi32, #tpu.memory_space<hbm>> -> memref<1x16x128xi32, #tpu.memory_space<hbm>>
      %dma_wait3A_57 = tpu.memref_squeeze %dma_wait3A_56 : memref<1x16x128xi32, #tpu.memory_space<hbm>> -> memref<16x128xi32, #tpu.memory_space<hbm>>
      %dma_wait3A_58 = arith.constant 0 : i32
      %dma_wait3A_59 = tpu.memref_slice %arg4[%add3A, %mul3A_54, %dma_wait3A_58] : memref<32x80x128xi32, #tpu.memory_space<hbm>> -> memref<1x16x128xi32, #tpu.memory_space<hbm>>
      %dma_wait3A_60 = tpu.memref_squeeze %dma_wait3A_59 : memref<1x16x128xi32, #tpu.memory_space<hbm>> -> memref<16x128xi32, #tpu.memory_space<hbm>>
      tpu.wait_dma2 semaphore(%arg16 : memref<!tpu.dma_semaphore, #tpu.memory_space<semaphore_mem>>) src(%dma_wait3A_60 : memref<16x128xi32, #tpu.memory_space<hbm>>) dst(%arg8 : memref<16x128xi32, #tpu.memory_space<vmem>>)
      %mul3A_61 = arith.constant 16 : i32
      %mul3A_62 = arith.muli %add3A_22, %mul3A_61 : i32
      %dma_wait3A_63 = arith.constant 0 : i32
      %dma_wait3A_64 = tpu.memref_slice %arg5[%add3A, %mul3A_62, %dma_wait3A_63] : memref<32x80x128xf32, #tpu.memory_space<hbm>> -> memref<1x16x128xf32, #tpu.memory_space<hbm>>
      %dma_wait3A_65 = tpu.memref_squeeze %dma_wait3A_64 : memref<1x16x128xf32, #tpu.memory_space<hbm>> -> memref<16x128xf32, #tpu.memory_space<hbm>>
      %dma_wait3A_66 = arith.constant 0 : i32
      %dma_wait3A_67 = tpu.memref_slice %arg5[%add3A, %mul3A_62, %dma_wait3A_66] : memref<32x80x128xf32, #tpu.memory_space<hbm>> -> memref<1x16x128xf32, #tpu.memory_space<hbm>>
      %dma_wait3A_68 = tpu.memref_squeeze %dma_wait3A_67 : memref<1x16x128xf32, #tpu.memory_space<hbm>> -> memref<16x128xf32, #tpu.memory_space<hbm>>
      tpu.wait_dma2 semaphore(%arg16 : memref<!tpu.dma_semaphore, #tpu.memory_space<semaphore_mem>>) src(%dma_wait3A_68 : memref<16x128xf32, #tpu.memory_space<hbm>>) dst(%arg9 : memref<16x128xf32, #tpu.memory_space<vmem>>)
      %dma_start3A_69 = arith.constant 0 : i32
      %dma_start3A_70 = arith.constant 0 : i32
      %dma_start3A_71 = arith.constant 0 : i32
      %dma_start3A_72 = arith.constant 0 : i32
      %dma_start3A_73 = tpu.memref_slice %arg10[%dma_start3A_70, %dma_start3A_71, %dma_start3A_72] : memref<2x128x128xf32, #tpu.memory_space<vmem>> -> memref<1x128x128xf32, #tpu.memory_space<vmem>>
      %dma_start3A_74 = tpu.memref_squeeze %dma_start3A_73 : memref<1x128x128xf32, #tpu.memory_space<vmem>> -> memref<128x128xf32, #tpu.memory_space<vmem>>
      %dma_start3A_75 = arith.constant 0 : i32
      %dma_start3A_76 = tpu.memref_slice %arg7[%dma_start3A_69, %dma_start3A_75] : memref<16x128xi32, #tpu.memory_space<vmem>> -> memref<1x128xi32, #tpu.memory_space<vmem>>
      %dma_start3A_77 = tpu.memref_squeeze %dma_start3A_76 : memref<1x128xi32, #tpu.memory_space<vmem>> -> memref<128xi32, #tpu.memory_space<vmem>>
      %dma_start3A_78 = arith.constant 0 : i32
      %dma_start3A_79 = arith.constant 0 : i32
      %dma_start3A_80 = tpu.memref_slice %arg2[%dma_start3A_78, %dma_start3A_79] : memref<10000x128xf32, #tpu.memory_space<hbm>> -> memref<10000x128xf32, #tpu.memory_space<hbm>>
      tpu.enqueue_indirect_dma source(%dma_start3A_80 : memref<10000x128xf32, #tpu.memory_space<hbm>>) target(%dma_start3A_74 : memref<128x128xf32, #tpu.memory_space<vmem>>) offsets(%dma_start3A_77 : memref<128xi32, #tpu.memory_space<vmem>>) semaphore(%arg12 : memref<!tpu.dma_semaphore, #tpu.memory_space<semaphore_mem>>)
      %scan3A_81 = arith.constant 0 : i32
      %scan3A_82 = arith.constant 8 : i32
      %scan3A_83 = arith.addi %scan3A_81, %scan3A_82 : i32
      %scan3A_84 = arith.constant 1 : i32
      scf.for %scan3A_98 = %scan3A_81 to %scan3A_83 step %scan3A_84  : i32 {
        %mul3A_99 = arith.constant 1 : i32
        %mul3A_100 = arith.muli %scan3A_98, %mul3A_99 : i32
        %add3A_101 = arith.constant 0 : i32
        %add3A_102 = arith.addi %add3A_101, %mul3A_100 : i32
        %mul3A_103 = arith.constant 2 : i32
        %mul3A_104 = arith.muli %add3A_102, %mul3A_103 : i32
        %add3A_105 = arith.constant 0 : i32
        %add3A_106 = arith.addi %mul3A_104, %add3A_105 : i32
        %dma_wait3A_107 = arith.constant 0 : i32
        %dma_wait3A_108 = arith.constant 0 : i32
        %dma_wait3A_109 = arith.constant 0 : i32
        %dma_wait3A_110 = tpu.memref_slice %arg10[%dma_wait3A_107, %dma_wait3A_108, %dma_wait3A_109] : memref<2x128x128xf32, #tpu.memory_space<vmem>> -> memref<1x128x128xf32, #tpu.memory_space<vmem>>
        %dma_wait3A_111 = tpu.memref_squeeze %dma_wait3A_110 : memref<1x128x128xf32, #tpu.memory_space<vmem>> -> memref<128x128xf32, #tpu.memory_space<vmem>>
        %dma_wait3A_112 = arith.constant 0 : i32
        %dma_wait3A_113 = tpu.memref_slice %arg7[%add3A_106, %dma_wait3A_112] : memref<16x128xi32, #tpu.memory_space<vmem>> -> memref<1x128xi32, #tpu.memory_space<vmem>>
        %dma_wait3A_114 = tpu.memref_squeeze %dma_wait3A_113 : memref<1x128xi32, #tpu.memory_space<vmem>> -> memref<128xi32, #tpu.memory_space<vmem>>
        %dma_wait3A_115 = arith.constant 0 : i32
        %dma_wait3A_116 = arith.constant 0 : i32
        %dma_wait3A_117 = tpu.memref_slice %arg2[%dma_wait3A_115, %dma_wait3A_116] : memref<10000x128xf32, #tpu.memory_space<hbm>> -> memref<10000x128xf32, #tpu.memory_space<hbm>>
        tpu.wait_indirect_dma semaphore(%arg12 : memref<!tpu.dma_semaphore, #tpu.memory_space<semaphore_mem>>) src(%dma_wait3A_117 : memref<10000x128xf32, #tpu.memory_space<hbm>>) dst(%dma_wait3A_111 : memref<128x128xf32, #tpu.memory_space<vmem>>)
        %gt3A = arith.constant 0 : i32
        %gt3A_118 = arith.cmpi sgt, %add3A_102, %gt3A : i32
        %convert_element_type3A_119 = arith.extui %gt3A_118 : i1 to i32
        %cond3A_120 = arith.constant 0 : i32
        %cond3A_121 = arith.cmpi ne, %convert_element_type3A_119, %cond3A_120 : i32
        scf.if %cond3A_121 {
          %dma_wait3A_198 = arith.constant 1 : i32
          %dma_wait3A_199 = arith.constant 0 : i32
          %dma_wait3A_200 = arith.constant 0 : i32
          %dma_wait3A_201 = tpu.memref_slice %arg10[%dma_wait3A_198, %dma_wait3A_199, %dma_wait3A_200] : memref<2x128x128xf32, #tpu.memory_space<vmem>> -> memref<1x128x128xf32, #tpu.memory_space<vmem>>
          %dma_wait3A_202 = tpu.memref_squeeze %dma_wait3A_201 : memref<1x128x128xf32, #tpu.memory_space<vmem>> -> memref<128x128xf32, #tpu.memory_space<vmem>>
          %dma_wait3A_203 = arith.constant 0 : i32
          %dma_wait3A_204 = tpu.memref_slice %arg8[%add3A_106, %dma_wait3A_203] : memref<16x128xi32, #tpu.memory_space<vmem>> -> memref<1x128xi32, #tpu.memory_space<vmem>>
          %dma_wait3A_205 = tpu.memref_squeeze %dma_wait3A_204 : memref<1x128xi32, #tpu.memory_space<vmem>> -> memref<128xi32, #tpu.memory_space<vmem>>
          %dma_wait3A_206 = arith.constant 0 : i32
          %dma_wait3A_207 = arith.constant 0 : i32
          %dma_wait3A_208 = tpu.memref_slice %arg11[%dma_wait3A_206, %dma_wait3A_207] : memref<10000x128xf32, #tpu.memory_space<vmem_shared>> -> memref<10000x128xf32, #tpu.memory_space<vmem_shared>>
          tpu.wait_indirect_dma semaphore(%arg15 : memref<!tpu.dma_semaphore, #tpu.memory_space<semaphore_mem>>) src(%dma_wait3A_202 : memref<128x128xf32, #tpu.memory_space<vmem>>) dst(%dma_wait3A_208 : memref<10000x128xf32, #tpu.memory_space<vmem_shared>>)
        } else {
        }
        %add3A_122 = arith.constant 1 : i32
        %add3A_123 = arith.addi %add3A_106, %add3A_122 : i32
        %dma_start3A_124 = arith.constant 1 : i32
        %dma_start3A_125 = arith.constant 0 : i32
        %dma_start3A_126 = arith.constant 0 : i32
        %dma_start3A_127 = tpu.memref_slice %arg10[%dma_start3A_124, %dma_start3A_125, %dma_start3A_126] : memref<2x128x128xf32, #tpu.memory_space<vmem>> -> memref<1x128x128xf32, #tpu.memory_space<vmem>>
        %dma_start3A_128 = tpu.memref_squeeze %dma_start3A_127 : memref<1x128x128xf32, #tpu.memory_space<vmem>> -> memref<128x128xf32, #tpu.memory_space<vmem>>
        %dma_start3A_129 = arith.constant 0 : i32
        %dma_start3A_130 = tpu.memref_slice %arg7[%add3A_123, %dma_start3A_129] : memref<16x128xi32, #tpu.memory_space<vmem>> -> memref<1x128xi32, #tpu.memory_space<vmem>>
        %dma_start3A_131 = tpu.memref_squeeze %dma_start3A_130 : memref<1x128xi32, #tpu.memory_space<vmem>> -> memref<128xi32, #tpu.memory_space<vmem>>
        %dma_start3A_132 = arith.constant 0 : i32
        %dma_start3A_133 = arith.constant 0 : i32
        %dma_start3A_134 = tpu.memref_slice %arg2[%dma_start3A_132, %dma_start3A_133] : memref<10000x128xf32, #tpu.memory_space<hbm>> -> memref<10000x128xf32, #tpu.memory_space<hbm>>
        tpu.enqueue_indirect_dma source(%dma_start3A_134 : memref<10000x128xf32, #tpu.memory_space<hbm>>) target(%dma_start3A_128 : memref<128x128xf32, #tpu.memory_space<vmem>>) offsets(%dma_start3A_131 : memref<128xi32, #tpu.memory_space<vmem>>) semaphore(%arg13 : memref<!tpu.dma_semaphore, #tpu.memory_space<semaphore_mem>>)
        %scan3A_135 = arith.constant 0 : i32
        %scan3A_136 = arith.constant 8 : i32
        %scan3A_137 = arith.addi %scan3A_135, %scan3A_136 : i32
        %scan3A_138 = arith.constant 1 : i32
        scf.for %scan3A_198 = %scan3A_135 to %scan3A_137 step %scan3A_138  : i32 {
          %mul3A_199 = arith.constant 1 : i32
          %mul3A_200 = arith.muli %scan3A_198, %mul3A_199 : i32
          %add3A_201 = arith.constant 0 : i32
          %add3A_202 = arith.addi %add3A_201, %mul3A_200 : i32
          %mul3A_203 = arith.constant 16 : i32
          %mul3A_204 = arith.muli %add3A_202, %mul3A_203 : i32
          %get3A = arith.index_cast %add3A_106 : i32 to index
          %get3A_205 = arith.index_cast %mul3A_204 : i32 to index
          %get3A_206 = tpu.vector_load %arg9[%get3A, %get3A_205] {strides = array<i32>} : memref<16x128xf32, #tpu.memory_space<vmem>>, vector<1x16xf32>,
          %get3A_207 = vector.shape_cast %get3A_206 : vector<1x16xf32> to vector<16xf32>
          %broadcast_in_dim3A = arith.constant 0 : i32
          %broadcast_in_dim3A_208 = vector.broadcast %broadcast_in_dim3A : i32 to vector<16x1xi32>
          %gather3A = vector.shape_cast %broadcast_in_dim3A_208 : vector<16x1xi32> to vector<16xi32>
          %gather3A_209 = tpu.dynamic_gather %get3A_207[%gather3A] in [0] : vector<16xf32>, vector<16xi32> -> vector<16xf32>
          %mul3A_210 = arith.constant 16 : i32
          %mul3A_211 = arith.muli %add3A_202, %mul3A_210 : i32
          %add3A_212 = arith.constant 0 : i32
          %add3A_213 = arith.addi %mul3A_211, %add3A_212 : i32
          %get3A_214 = arith.constant 0 : i32
          %get3A_215 = arith.index_cast %get3A_214 : i32 to index
          %get3A_216 = arith.index_cast %add3A_213 : i32 to index
          %get3A_217 = arith.constant 0 : index
          %get3A_218 = tpu.vector_load %arg10[%get3A_215, %get3A_216, %get3A_217] {strides = array<i32>} : memref<2x128x128xf32, #tpu.memory_space<vmem>>, vector<1x1x16xf32>,
          %get3A_219 = vector.shape_cast %get3A_218 : vector<1x1x16xf32> to vector<16xf32>
          %mul3A_220 = arith.mulf %get3A_219, %gather3A_209 : vector<16xf32>
          %swap3A = arith.constant 0 : i32
          %swap3A_221 = arith.index_cast %swap3A : i32 to index
          %swap3A_222 = arith.index_cast %add3A_213 : i32 to index
          %swap3A_223 = arith.constant 0 : index
          %swap3A_224 = tpu.vector_load %arg10[%swap3A_221, %swap3A_222, %swap3A_223] {strides = array<i32>} : memref<2x128x128xf32, #tpu.memory_space<vmem>>, vector<1x1x16xf32>,
          %swap3A_225 = vector.shape_cast %swap3A_224 : vector<1x1x16xf32> to vector<16xf32>
          %swap3A_226 = vector.shape_cast %mul3A_220 : vector<16xf32> to vector<1x1x16xf32>
          tpu.vector_store %arg10[%swap3A_221, %swap3A_222, %swap3A_223], %swap3A_226 {strides = array<i32>} : memref<2x128x128xf32, #tpu.memory_space<vmem>>, vector<1x1x16xf32>,
          %get3A_227 = arith.constant 0 : i32
          %get3A_228 = arith.index_cast %get3A_227 : i32 to index
          %get3A_229 = arith.index_cast %add3A_213 : i32 to index
          %get3A_230 = arith.constant 16 : index
          %get3A_231 = tpu.vector_load %arg10[%get3A_228, %get3A_229, %get3A_230] {strides = array<i32>} : memref<2x128x128xf32, #tpu.memory_space<vmem>>, vector<1x1x16xf32>,
          %get3A_232 = vector.shape_cast %get3A_231 : vector<1x1x16xf32> to vector<16xf32>
          %mul3A_233 = arith.mulf %get3A_232, %gather3A_209 : vector<16xf32>
          %swap3A_234 = arith.constant 0 : i32
          %swap3A_235 = arith.index_cast %swap3A_234 : i32 to index
          %swap3A_236 = arith.index_cast %add3A_213 : i32 to index
          %swap3A_237 = arith.constant 16 : index
          %swap3A_238 = tpu.vector_load %arg10[%swap3A_235, %swap3A_236, %swap3A_237] {strides = array<i32>} : memref<2x128x128xf32, #tpu.memory_space<vmem>>, vector<1x1x16xf32>,
          %swap3A_239 = vector.shape_cast %swap3A_238 : vector<1x1x16xf32> to vector<16xf32>
          %swap3A_240 = vector.shape_cast %mul3A_233 : vector<16xf32> to vector<1x1x16xf32>
          tpu.vector_store %arg10[%swap3A_235, %swap3A_236, %swap3A_237], %swap3A_240 {strides = array<i32>} : memref<2x128x128xf32, #tpu.memory_space<vmem>>, vector<1x1x16xf32>,
          %get3A_241 = arith.constant 0 : i32
          %get3A_242 = arith.index_cast %get3A_241 : i32 to index
          %get3A_243 = arith.index_cast %add3A_213 : i32 to index
          %get3A_244 = arith.constant 32 : index
          %get3A_245 = tpu.vector_load %arg10[%get3A_242, %get3A_243, %get3A_244] {strides = array<i32>} : memref<2x128x128xf32, #tpu.memory_space<vmem>>, vector<1x1x16xf32>,
          %get3A_246 = vector.shape_cast %get3A_245 : vector<1x1x16xf32> to vector<16xf32>
          %mul3A_247 = arith.mulf %get3A_246, %gather3A_209 : vector<16xf32>
          %swap3A_248 = arith.constant 0 : i32
          %swap3A_249 = arith.index_cast %swap3A_248 : i32 to index
          %swap3A_250 = arith.index_cast %add3A_213 : i32 to index
          %swap3A_251 = arith.constant 32 : index
          %swap3A_252 = tpu.vector_load %arg10[%swap3A_249, %swap3A_250, %swap3A_251] {strides = array<i32>} : memref<2x128x128xf32, #tpu.memory_space<vmem>>, vector<1x1x16xf32>,
          %swap3A_253 = vector.shape_cast %swap3A_252 : vector<1x1x16xf32> to vector<16xf32>
          %swap3A_254 = vector.shape_cast %mul3A_247 : vector<16xf32> to vector<1x1x16xf32>
          tpu.vector_store %arg10[%swap3A_249, %swap3A_250, %swap3A_251], %swap3A_254 {strides = array<i32>} : memref<2x128x128xf32, #tpu.memory_space<vmem>>, vector<1x1x16xf32>,
          %get3A_255 = arith.constant 0 : i32
          %get3A_256 = arith.index_cast %get3A_255 : i32 to index
          %get3A_257 = arith.index_cast %add3A_213 : i32 to index
          %get3A_258 = arith.constant 48 : index
          %get3A_259 = tpu.vector_load %arg10[%get3A_256, %get3A_257, %get3A_258] {strides = array<i32>} : memref<2x128x128xf32, #tpu.memory_space<vmem>>, vector<1x1x16xf32>,
          %get3A_260 = vector.shape_cast %get3A_259 : vector<1x1x16xf32> to vector<16xf32>
          %mul3A_261 = arith.mulf %get3A_260, %gather3A_209 : vector<16xf32>
          %swap3A_262 = arith.constant 0 : i32
          %swap3A_263 = arith.index_cast %swap3A_262 : i32 to index
          %swap3A_264 = arith.index_cast %add3A_213 : i32 to index
          %swap3A_265 = arith.constant 48 : index
          %swap3A_266 = tpu.vector_load %arg10[%swap3A_263, %swap3A_264, %swap3A_265] {strides = array<i32>} : memref<2x128x128xf32, #tpu.memory_space<vmem>>, vector<1x1x16xf32>,
          %swap3A_267 = vector.shape_cast %swap3A_266 : vector<1x1x16xf32> to vector<16xf32>
          %swap3A_268 = vector.shape_cast %mul3A_261 : vector<16xf32> to vector<1x1x16xf32>
          tpu.vector_store %arg10[%swap3A_263, %swap3A_264, %swap3A_265], %swap3A_268 {strides = array<i32>} : memref<2x128x128xf32, #tpu.memory_space<vmem>>, vector<1x1x16xf32>,
          %get3A_269 = arith.constant 0 : i32
          %get3A_270 = arith.index_cast %get3A_269 : i32 to index
          %get3A_271 = arith.index_cast %add3A_213 : i32 to index
          %get3A_272 = arith.constant 64 : index
          %get3A_273 = tpu.vector_load %arg10[%get3A_270, %get3A_271, %get3A_272] {strides = array<i32>} : memref<2x128x128xf32, #tpu.memory_space<vmem>>, vector<1x1x16xf32>,
          %get3A_274 = vector.shape_cast %get3A_273 : vector<1x1x16xf32> to vector<16xf32>
          %mul3A_275 = arith.mulf %get3A_274, %gather3A_209 : vector<16xf32>
          %swap3A_276 = arith.constant 0 : i32
          %swap3A_277 = arith.index_cast %swap3A_276 : i32 to index
          %swap3A_278 = arith.index_cast %add3A_213 : i32 to index
          %swap3A_279 = arith.constant 64 : index
          %swap3A_280 = tpu.vector_load %arg10[%swap3A_277, %swap3A_278, %swap3A_279] {strides = array<i32>} : memref<2x128x128xf32, #tpu.memory_space<vmem>>, vector<1x1x16xf32>,
          %swap3A_281 = vector.shape_cast %swap3A_280 : vector<1x1x16xf32> to vector<16xf32>
          %swap3A_282 = vector.shape_cast %mul3A_275 : vector<16xf32> to vector<1x1x16xf32>
          tpu.vector_store %arg10[%swap3A_277, %swap3A_278, %swap3A_279], %swap3A_282 {strides = array<i32>} : memref<2x128x128xf32, #tpu.memory_space<vmem>>, vector<1x1x16xf32>,
          %get3A_283 = arith.constant 0 : i32
          %get3A_284 = arith.index_cast %get3A_283 : i32 to index
          %get3A_285 = arith.index_cast %add3A_213 : i32 to index
          %get3A_286 = arith.constant 80 : index
          %get3A_287 = tpu.vector_load %arg10[%get3A_284, %get3A_285, %get3A_286] {strides = array<i32>} : memref<2x128x128xf32, #tpu.memory_space<vmem>>, vector<1x1x16xf32>,
          %get3A_288 = vector.shape_cast %get3A_287 : vector<1x1x16xf32> to vector<16xf32>
          %mul3A_289 = arith.mulf %get3A_288, %gather3A_209 : vector<16xf32>
          %swap3A_290 = arith.constant 0 : i32
          %swap3A_291 = arith.index_cast %swap3A_290 : i32 to index
          %swap3A_292 = arith.index_cast %add3A_213 : i32 to index
          %swap3A_293 = arith.constant 80 : index
          %swap3A_294 = tpu.vector_load %arg10[%swap3A_291, %swap3A_292, %swap3A_293] {strides = array<i32>} : memref<2x128x128xf32, #tpu.memory_space<vmem>>, vector<1x1x16xf32>,
          %swap3A_295 = vector.shape_cast %swap3A_294 : vector<1x1x16xf32> to vector<16xf32>
          %swap3A_296 = vector.shape_cast %mul3A_289 : vector<16xf32> to vector<1x1x16xf32>
          tpu.vector_store %arg10[%swap3A_291, %swap3A_292, %swap3A_293], %swap3A_296 {strides = array<i32>} : memref<2x128x128xf32, #tpu.memory_space<vmem>>, vector<1x1x16xf32>,
          %get3A_297 = arith.constant 0 : i32
          %get3A_298 = arith.index_cast %get3A_297 : i32 to index
          %get3A_299 = arith.index_cast %add3A_213 : i32 to index
          %get3A_300 = arith.constant 96 : index
          %get3A_301 = tpu.vector_load %arg10[%get3A_298, %get3A_299, %get3A_300] {strides = array<i32>} : memref<2x128x128xf32, #tpu.memory_space<vmem>>, vector<1x1x16xf32>,
          %get3A_302 = vector.shape_cast %get3A_301 : vector<1x1x16xf32> to vector<16xf32>
          %mul3A_303 = arith.mulf %get3A_302, %gather3A_209 : vector<16xf32>
          %swap3A_304 = arith.constant 0 : i32
          %swap3A_305 = arith.index_cast %swap3A_304 : i32 to index
          %swap3A_306 = arith.index_cast %add3A_213 : i32 to index
          %swap3A_307 = arith.constant 96 : index
          %swap3A_308 = tpu.vector_load %arg10[%swap3A_305, %swap3A_306, %swap3A_307] {strides = array<i32>} : memref<2x128x128xf32, #tpu.memory_space<vmem>>, vector<1x1x16xf32>,
          %swap3A_309 = vector.shape_cast %swap3A_308 : vector<1x1x16xf32> to vector<16xf32>
          %swap3A_310 = vector.shape_cast %mul3A_303 : vector<16xf32> to vector<1x1x16xf32>
          tpu.vector_store %arg10[%swap3A_305, %swap3A_306, %swap3A_307], %swap3A_310 {strides = array<i32>} : memref<2x128x128xf32, #tpu.memory_space<vmem>>, vector<1x1x16xf32>,
          %get3A_311 = arith.constant 0 : i32
          %get3A_312 = arith.index_cast %get3A_311 : i32 to index
          %get3A_313 = arith.index_cast %add3A_213 : i32 to index
          %get3A_314 = arith.constant 112 : index
          %get3A_315 = tpu.vector_load %arg10[%get3A_312, %get3A_313, %get3A_314] {strides = array<i32>} : memref<2x128x128xf32, #tpu.memory_space<vmem>>, vector<1x1x16xf32>,
          %get3A_316 = vector.shape_cast %get3A_315 : vector<1x1x16xf32> to vector<16xf32>
          %mul3A_317 = arith.mulf %get3A_316, %gather3A_209 : vector<16xf32>
          %swap3A_318 = arith.constant 0 : i32
          %swap3A_319 = arith.index_cast %swap3A_318 : i32 to index
          %swap3A_320 = arith.index_cast %add3A_213 : i32 to index
          %swap3A_321 = arith.constant 112 : index
          %swap3A_322 = tpu.vector_load %arg10[%swap3A_319, %swap3A_320, %swap3A_321] {strides = array<i32>} : memref<2x128x128xf32, #tpu.memory_space<vmem>>, vector<1x1x16xf32>,
          %swap3A_323 = vector.shape_cast %swap3A_322 : vector<1x1x16xf32> to vector<16xf32>
          %swap3A_324 = vector.shape_cast %mul3A_317 : vector<16xf32> to vector<1x1x16xf32>
          tpu.vector_store %arg10[%swap3A_319, %swap3A_320, %swap3A_321], %swap3A_324 {strides = array<i32>} : memref<2x128x128xf32, #tpu.memory_space<vmem>>, vector<1x1x16xf32>,
          %broadcast_in_dim3A_325 = arith.constant 1 : i32
          %broadcast_in_dim3A_326 = vector.broadcast %broadcast_in_dim3A_325 : i32 to vector<16x1xi32>
          %gather3A_327 = vector.shape_cast %broadcast_in_dim3A_326 : vector<16x1xi32> to vector<16xi32>
          %gather3A_328 = tpu.dynamic_gather %get3A_207[%gather3A_327] in [0] : vector<16xf32>, vector<16xi32> -> vector<16xf32>
          %mul3A_329 = arith.constant 16 : i32
          %mul3A_330 = arith.muli %add3A_202, %mul3A_329 : i32
          %add3A_331 = arith.constant 1 : i32
          %add3A_332 = arith.addi %mul3A_330, %add3A_331 : i32
          %get3A_333 = arith.constant 0 : i32
          %get3A_334 = arith.index_cast %get3A_333 : i32 to index
          %get3A_335 = arith.index_cast %add3A_332 : i32 to index
          %get3A_336 = arith.constant 0 : index
          %get3A_337 = tpu.vector_load %arg10[%get3A_334, %get3A_335, %get3A_336] {strides = array<i32>} : memref<2x128x128xf32, #tpu.memory_space<vmem>>, vector<1x1x16xf32>,
          %get3A_338 = vector.shape_cast %get3A_337 : vector<1x1x16xf32> to vector<16xf32>
          %mul3A_339 = arith.mulf %get3A_338, %gather3A_328 : vector<16xf32>
          %swap3A_340 = arith.constant 0 : i32
          %swap3A_341 = arith.index_cast %swap3A_340 : i32 to index
          %swap3A_342 = arith.index_cast %add3A_332 : i32 to index
          %swap3A_343 = arith.constant 0 : index
          %swap3A_344 = tpu.vector_load %arg10[%swap3A_341, %swap3A_342, %swap3A_343] {strides = array<i32>} : memref<2x128x128xf32, #tpu.memory_space<vmem>>, vector<1x1x16xf32>,
          %swap3A_345 = vector.shape_cast %swap3A_344 : vector<1x1x16xf32> to vector<16xf32>
          %swap3A_346 = vector.shape_cast %mul3A_339 : vector<16xf32> to vector<1x1x16xf32>
          tpu.vector_store %arg10[%swap3A_341, %swap3A_342, %swap3A_343], %swap3A_346 {strides = array<i32>} : memref<2x128x128xf32, #tpu.memory_space<vmem>>, vector<1x1x16xf32>,
          %get3A_347 = arith.constant 0 : i32
          %get3A_348 = arith.index_cast %get3A_347 : i32 to index
          %get3A_349 = arith.index_cast %add3A_332 : i32 to index
          %get3A_350 = arith.constant 16 : index
          %get3A_351 = tpu.vector_load %arg10[%get3A_348, %get3A_349, %get3A_350] {strides = array<i32>} : memref<2x128x128xf32, #tpu.memory_space<vmem>>, vector<1x1x16xf32>,
          %get3A_352 = vector.shape_cast %get3A_351 : vector<1x1x16xf32> to vector<16xf32>
          %mul3A_353 = arith.mulf %get3A_352, %gather3A_328 : vector<16xf32>
          %swap3A_354 = arith.constant 0 : i32
          %swap3A_355 = arith.index_cast %swap3A_354 : i32 to index
          %swap3A_356 = arith.index_cast %add3A_332 : i32 to index
          %swap3A_357 = arith.constant 16 : index
          %swap3A_358 = tpu.vector_load %arg10[%swap3A_355, %swap3A_356, %swap3A_357] {strides = array<i32>} : memref<2x128x128xf32, #tpu.memory_space<vmem>>, vector<1x1x16xf32>,
          %swap3A_359 = vector.shape_cast %swap3A_358 : vector<1x1x16xf32> to vector<16xf32>
          %swap3A_360 = vector.shape_cast %mul3A_353 : vector<16xf32> to vector<1x1x16xf32>
          tpu.vector_store %arg10[%swap3A_355, %swap3A_356, %swap3A_357], %swap3A_360 {strides = array<i32>} : memref<2x128x128xf32, #tpu.memory_space<vmem>>, vector<1x1x16xf32>,
          %get3A_361 = arith.constant 0 : i32
          %get3A_362 = arith.index_cast %get3A_361 : i32 to index
          %get3A_363 = arith.index_cast %add3A_332 : i32 to index
          %get3A_364 = arith.constant 32 : index
          %get3A_365 = tpu.vector_load %arg10[%get3A_362, %get3A_363, %get3A_364] {strides = array<i32>} : memref<2x128x128xf32, #tpu.memory_space<vmem>>, vector<1x1x16xf32>,
          %get3A_366 = vector.shape_cast %get3A_365 : vector<1x1x16xf32> to vector<16xf32>
          %mul3A_367 = arith.mulf %get3A_366, %gather3A_328 : vector<16xf32>
          %swap3A_368 = arith.constant 0 : i32
          %swap3A_369 = arith.index_cast %swap3A_368 : i32 to index
          %swap3A_370 = arith.index_cast %add3A_332 : i32 to index
          %swap3A_371 = arith.constant 32 : index
          %swap3A_372 = tpu.vector_load %arg10[%swap3A_369, %swap3A_370, %swap3A_371] {strides = array<i32>} : memref<2x128x128xf32, #tpu.memory_space<vmem>>, vector<1x1x16xf32>,
          %swap3A_373 = vector.shape_cast %swap3A_372 : vector<1x1x16xf32> to vector<16xf32>
          %swap3A_374 = vector.shape_cast %mul3A_367 : vector<16xf32> to vector<1x1x16xf32>
          tpu.vector_store %arg10[%swap3A_369, %swap3A_370, %swap3A_371], %swap3A_374 {strides = array<i32>} : memref<2x128x128xf32, #tpu.memory_space<vmem>>, vector<1x1x16xf32>,
          %get3A_375 = arith.constant 0 : i32
          %get3A_376 = arith.index_cast %get3A_375 : i32 to index
          %get3A_377 = arith.index_cast %add3A_332 : i32 to index
          %get3A_378 = arith.constant 48 : index
          %get3A_379 = tpu.vector_load %arg10[%get3A_376, %get3A_377, %get3A_378] {strides = array<i32>} : memref<2x128x128xf32, #tpu.memory_space<vmem>>, vector<1x1x16xf32>,
          %get3A_380 = vector.shape_cast %get3A_379 : vector<1x1x16xf32> to vector<16xf32>
          %mul3A_381 = arith.mulf %get3A_380, %gather3A_328 : vector<16xf32>
          %swap3A_382 = arith.constant 0 : i32
          %swap3A_383 = arith.index_cast %swap3A_382 : i32 to index
          %swap3A_384 = arith.index_cast %add3A_332 : i32 to index
          %swap3A_385 = arith.constant 48 : index
          %swap3A_386 = tpu.vector_load %arg10[%swap3A_383, %swap3A_384, %swap3A_385] {strides = array<i32>} : memref<2x128x128xf32, #tpu.memory_space<vmem>>, vector<1x1x16xf32>,
          %swap3A_387 = vector.shape_cast %swap3A_386 : vector<1x1x16xf32> to vector<16xf32>
          %swap3A_388 = vector.shape_cast %mul3A_381 : vector<16xf32> to vector<1x1x16xf32>
          tpu.vector_store %arg10[%swap3A_383, %swap3A_384, %swap3A_385], %swap3A_388 {strides = array<i32>} : memref<2x128x128xf32, #tpu.memory_space<vmem>>, vector<1x1x16xf32>,
          %get3A_389 = arith.constant 0 : i32
          %get3A_390 = arith.index_cast %get3A_389 : i32 to index
          %get3A_391 = arith.index_cast %add3A_332 : i32 to index
          %get3A_392 = arith.constant 64 : index
          %get3A_393 = tpu.vector_load %arg10[%get3A_390, %get3A_391, %get3A_392] {strides = array<i32>} : memref<2x128x128xf32, #tpu.memory_space<vmem>>, vector<1x1x16xf32>,
          %get3A_394 = vector.shape_cast %get3A_393 : vector<1x1x16xf32> to vector<16xf32>
          %mul3A_395 = arith.mulf %get3A_394, %gather3A_328 : vector<16xf32>
          %swap3A_396 = arith.constant 0 : i32
          %swap3A_397 = arith.index_cast %swap3A_396 : i32 to index
          %swap3A_398 = arith.index_cast %add3A_332 : i32 to index
          %swap3A_399 = arith.constant 64 : index
          %swap3A_400 = tpu.vector_load %arg10[%swap3A_397, %swap3A_398, %swap3A_399] {strides = array<i32>} : memref<2x128x128xf32, #tpu.memory_space<vmem>>, vector<1x1x16xf32>,
          %swap3A_401 = vector.shape_cast %swap3A_400 : vector<1x1x16xf32> to vector<16xf32>
          %swap3A_402 = vector.shape_cast %mul3A_395 : vector<16xf32> to vector<1x1x16xf32>
          tpu.vector_store %arg10[%swap3A_397, %swap3A_398, %swap3A_399], %swap3A_402 {strides = array<i32>} : memref<2x128x128xf32, #tpu.memory_space<vmem>>, vector<1x1x16xf32>,
          %get3A_403 = arith.constant 0 : i32
          %get3A_404 = arith.index_cast %get3A_403 : i32 to index
          %get3A_405 = arith.index_cast %add3A_332 : i32 to index
          %get3A_406 = arith.constant 80 : index
          %get3A_407 = tpu.vector_load %arg10[%get3A_404, %get3A_405, %get3A_406] {strides = array<i32>} : memref<2x128x128xf32, #tpu.memory_space<vmem>>, vector<1x1x16xf32>,
          %get3A_408 = vector.shape_cast %get3A_407 : vector<1x1x16xf32> to vector<16xf32>
          %mul3A_409 = arith.mulf %get3A_408, %gather3A_328 : vector<16xf32>
          %swap3A_410 = arith.constant 0 : i32
          %swap3A_411 = arith.index_cast %swap3A_410 : i32 to index
          %swap3A_412 = arith.index_cast %add3A_332 : i32 to index
          %swap3A_413 = arith.constant 80 : index
          %swap3A_414 = tpu.vector_load %arg10[%swap3A_411, %swap3A_412, %swap3A_413] {strides = array<i32>} : memref<2x128x128xf32, #tpu.memory_space<vmem>>, vector<1x1x16xf32>,
          %swap3A_415 = vector.shape_cast %swap3A_414 : vector<1x1x16xf32> to vector<16xf32>
          %swap3A_416 = vector.shape_cast %mul3A_409 : vector<16xf32> to vector<1x1x16xf32>
          tpu.vector_store %arg10[%swap3A_411, %swap3A_412, %swap3A_413], %swap3A_416 {strides = array<i32>} : memref<2x128x128xf32, #tpu.memory_space<vmem>>, vector<1x1x16xf32>,
          %get3A_417 = arith.constant 0 : i32
          %get3A_418 = arith.index_cast %get3A_417 : i32 to index
          %get3A_419 = arith.index_cast %add3A_332 : i32 to index
          %get3A_420 = arith.constant 96 : index
          %get3A_421 = tpu.vector_load %arg10[%get3A_418, %get3A_419, %get3A_420] {strides = array<i32>} : memref<2x128x128xf32, #tpu.memory_space<vmem>>, vector<1x1x16xf32>,
          %get3A_422 = vector.shape_cast %get3A_421 : vector<1x1x16xf32> to vector<16xf32>
          %mul3A_423 = arith.mulf %get3A_422, %gather3A_328 : vector<16xf32>
          %swap3A_424 = arith.constant 0 : i32
          %swap3A_425 = arith.index_cast %swap3A_424 : i32 to index
          %swap3A_426 = arith.index_cast %add3A_332 : i32 to index
          %swap3A_427 = arith.constant 96 : index
          %swap3A_428 = tpu.vector_load %arg10[%swap3A_425, %swap3A_426, %swap3A_427] {strides = array<i32>} : memref<2x128x128xf32, #tpu.memory_space<vmem>>, vector<1x1x16xf32>,
          %swap3A_429 = vector.shape_cast %swap3A_428 : vector<1x1x16xf32> to vector<16xf32>
          %swap3A_430 = vector.shape_cast %mul3A_423 : vector<16xf32> to vector<1x1x16xf32>
          tpu.vector_store %arg10[%swap3A_425, %swap3A_426, %swap3A_427], %swap3A_430 {strides = array<i32>} : memref<2x128x128xf32, #tpu.memory_space<vmem>>, vector<1x1x16xf32>,
          %get3A_431 = arith.constant 0 : i32
          %get3A_432 = arith.index_cast %get3A_431 : i32 to index
          %get3A_433 = arith.index_cast %add3A_332 : i32 to index
          %get3A_434 = arith.constant 112 : index
          %get3A_435 = tpu.vector_load %arg10[%get3A_432, %get3A_433, %get3A_434] {strides = array<i32>} : memref<2x128x128xf32, #tpu.memory_space<vmem>>, vector<1x1x16xf32>,
          %get3A_436 = vector.shape_cast %get3A_435 : vector<1x1x16xf32> to vector<16xf32>
          %mul3A_437 = arith.mulf %get3A_436, %gather3A_328 : vector<16xf32>
          %swap3A_438 = arith.constant 0 : i32
          %swap3A_439 = arith.index_cast %swap3A_438 : i32 to index
          %swap3A_440 = arith.index_cast %add3A_332 : i32 to index
          %swap3A_441 = arith.constant 112 : index
          %swap3A_442 = tpu.vector_load %arg10[%swap3A_439, %swap3A_440, %swap3A_441] {strides = array<i32>} : memref<2x128x128xf32, #tpu.memory_space<vmem>>, vector<1x1x16xf32>,
          %swap3A_443 = vector.shape_cast %swap3A_442 : vector<1x1x16xf32> to vector<16xf32>
          %swap3A_444 = vector.shape_cast %mul3A_437 : vector<16xf32> to vector<1x1x16xf32>
          tpu.vector_store %arg10[%swap3A_439, %swap3A_440, %swap3A_441], %swap3A_444 {strides = array<i32>} : memref<2x128x128xf32, #tpu.memory_space<vmem>>, vector<1x1x16xf32>,
          %broadcast_in_dim3A_445 = arith.constant 2 : i32
          %broadcast_in_dim3A_446 = vector.broadcast %broadcast_in_dim3A_445 : i32 to vector<16x1xi32>
          %gather3A_447 = vector.shape_cast %broadcast_in_dim3A_446 : vector<16x1xi32> to vector<16xi32>
          %gather3A_448 = tpu.dynamic_gather %get3A_207[%gather3A_447] in [0] : vector<16xf32>, vector<16xi32> -> vector<16xf32>
          %mul3A_449 = arith.constant 16 : i32
          %mul3A_450 = arith.muli %add3A_202, %mul3A_449 : i32
          %add3A_451 = arith.constant 2 : i32
          %add3A_452 = arith.addi %mul3A_450, %add3A_451 : i32
          %get3A_453 = arith.constant 0 : i32
          %get3A_454 = arith.index_cast %get3A_453 : i32 to index
          %get3A_455 = arith.index_cast %add3A_452 : i32 to index
          %get3A_456 = arith.constant 0 : index
          %get3A_457 = tpu.vector_load %arg10[%get3A_454, %get3A_455, %get3A_456] {strides = array<i32>} : memref<2x128x128xf32, #tpu.memory_space<vmem>>, vector<1x1x16xf32>,
          %get3A_458 = vector.shape_cast %get3A_457 : vector<1x1x16xf32> to vector<16xf32>
          %mul3A_459 = arith.mulf %get3A_458, %gather3A_448 : vector<16xf32>
          %swap3A_460 = arith.constant 0 : i32
          %swap3A_461 = arith.index_cast %swap3A_460 : i32 to index
          %swap3A_462 = arith.index_cast %add3A_452 : i32 to index
          %swap3A_463 = arith.constant 0 : index
          %swap3A_464 = tpu.vector_load %arg10[%swap3A_461, %swap3A_462, %swap3A_463] {strides = array<i32>} : memref<2x128x128xf32, #tpu.memory_space<vmem>>, vector<1x1x16xf32>,
          %swap3A_465 = vector.shape_cast %swap3A_464 : vector<1x1x16xf32> to vector<16xf32>
          %swap3A_466 = vector.shape_cast %mul3A_459 : vector<16xf32> to vector<1x1x16xf32>
          tpu.vector_store %arg10[%swap3A_461, %swap3A_462, %swap3A_463], %swap3A_466 {strides = array<i32>} : memref<2x128x128xf32, #tpu.memory_space<vmem>>, vector<1x1x16xf32>,
          %get3A_467 = arith.constant 0 : i32
          %get3A_468 = arith.index_cast %get3A_467 : i32 to index
          %get3A_469 = arith.index_cast %add3A_452 : i32 to index
          %get3A_470 = arith.constant 16 : index
          %get3A_471 = tpu.vector_load %arg10[%get3A_468, %get3A_469, %get3A_470] {strides = array<i32>} : memref<2x128x128xf32, #tpu.memory_space<vmem>>, vector<1x1x16xf32>,
          %get3A_472 = vector.shape_cast %get3A_471 : vector<1x1x16xf32> to vector<16xf32>
          %mul3A_473 = arith.mulf %get3A_472, %gather3A_448 : vector<16xf32>
          %swap3A_474 = arith.constant 0 : i32
          %swap3A_475 = arith.index_cast %swap3A_474 : i32 to index
          %swap3A_476 = arith.index_cast %add3A_452 : i32 to index
          %swap3A_477 = arith.constant 16 : index
          %swap3A_478 = tpu.vector_load %arg10[%swap3A_475, %swap3A_476, %swap3A_477] {strides = array<i32>} : memref<2x128x128xf32, #tpu.memory_space<vmem>>, vector<1x1x16xf32>,
          %swap3A_479 = vector.shape_cast %swap3A_478 : vector<1x1x16xf32> to vector<16xf32>
          %swap3A_480 = vector.shape_cast %mul3A_473 : vector<16xf32> to vector<1x1x16xf32>
          tpu.vector_store %arg10[%swap3A_475, %swap3A_476, %swap3A_477], %swap3A_480 {strides = array<i32>} : memref<2x128x128xf32, #tpu.memory_space<vmem>>, vector<1x1x16xf32>,
          %get3A_481 = arith.constant 0 : i32
          %get3A_482 = arith.index_cast %get3A_481 : i32 to index
          %get3A_483 = arith.index_cast %add3A_452 : i32 to index
          %get3A_484 = arith.constant 32 : index
          %get3A_485 = tpu.vector_load %arg10[%get3A_482, %get3A_483, %get3A_484] {strides = array<i32>} : memref<2x128x128xf32, #tpu.memory_space<vmem>>, vector<1x1x16xf32>,
          %get3A_486 = vector.shape_cast %get3A_485 : vector<1x1x16xf32> to vector<16xf32>
          %mul3A_487 = arith.mulf %get3A_486, %gather3A_448 : vector<16xf32>
          %swap3A_488 = arith.constant 0 : i32
          %swap3A_489 = arith.index_cast %swap3A_488 : i32 to index
          %swap3A_490 = arith.index_cast %add3A_452 : i32 to index
          %swap3A_491 = arith.constant 32 : index
          %swap3A_492 = tpu.vector_load %arg10[%swap3A_489, %swap3A_490, %swap3A_491] {strides = array<i32>} : memref<2x128x128xf32, #tpu.memory_space<vmem>>, vector<1x1x16xf32>,
          %swap3A_493 = vector.shape_cast %swap3A_492 : vector<1x1x16xf32> to vector<16xf32>
          %swap3A_494 = vector.shape_cast %mul3A_487 : vector<16xf32> to vector<1x1x16xf32>
          tpu.vector_store %arg10[%swap3A_489, %swap3A_490, %swap3A_491], %swap3A_494 {strides = array<i32>} : memref<2x128x128xf32, #tpu.memory_space<vmem>>, vector<1x1x16xf32>,
          %get3A_495 = arith.constant 0 : i32
          %get3A_496 = arith.index_cast %get3A_495 : i32 to index
          %get3A_497 = arith.index_cast %add3A_452 : i32 to index
          %get3A_498 = arith.constant 48 : index
          %get3A_499 = tpu.vector_load %arg10[%get3A_496, %get3A_497, %get3A_498] {strides = array<i32>} : memref<2x128x128xf32, #tpu.memory_space<vmem>>, vector<1x1x16xf32>,
          %get3A_500 = vector.shape_cast %get3A_499 : vector<1x1x16xf32> to vector<16xf32>
          %mul3A_501 = arith.mulf %get3A_500, %gather3A_448 : vector<16xf32>
          %swap3A_502 = arith.constant 0 : i32
          %swap3A_503 = arith.index_cast %swap3A_502 : i32 to index
          %swap3A_504 = arith.index_cast %add3A_452 : i32 to index
          %swap3A_505 = arith.constant 48 : index
          %swap3A_506 = tpu.vector_load %arg10[%swap3A_503, %swap3A_504, %swap3A_505] {strides = array<i32>} : memref<2x128x128xf32, #tpu.memory_space<vmem>>, vector<1x1x16xf32>,
          %swap3A_507 = vector.shape_cast %swap3A_506 : vector<1x1x16xf32> to vector<16xf32>
          %swap3A_508 = vector.shape_cast %mul3A_501 : vector<16xf32> to vector<1x1x16xf32>
          tpu.vector_store %arg10[%swap3A_503, %swap3A_504, %swap3A_505], %swap3A_508 {strides = array<i32>} : memref<2x128x128xf32, #tpu.memory_space<vmem>>, vector<1x1x16xf32>,
          %get3A_509 = arith.constant 0 : i32
          %get3A_510 = arith.index_cast %get3A_509 : i32 to index
          %get3A_511 = arith.index_cast %add3A_452 : i32 to index
          %get3A_512 = arith.constant 64 : index
          %get3A_513 = tpu.vector_load %arg10[%get3A_510, %get3A_511, %get3A_512] {strides = array<i32>} : memref<2x128x128xf32, #tpu.memory_space<vmem>>, vector<1x1x16xf32>,
          %get3A_514 = vector.shape_cast %get3A_513 : vector<1x1x16xf32> to vector<16xf32>
          %mul3A_515 = arith.mulf %get3A_514, %gather3A_448 : vector<16xf32>
          %swap3A_516 = arith.constant 0 : i32
          %swap3A_517 = arith.index_cast %swap3A_516 : i32 to index
          %swap3A_518 = arith.index_cast %add3A_452 : i32 to index
          %swap3A_519 = arith.constant 64 : index
          %swap3A_520 = tpu.vector_load %arg10[%swap3A_517, %swap3A_518, %swap3A_519] {strides = array<i32>} : memref<2x128x128xf32, #tpu.memory_space<vmem>>, vector<1x1x16xf32>,
          %swap3A_521 = vector.shape_cast %swap3A_520 : vector<1x1x16xf32> to vector<16xf32>
          %swap3A_522 = vector.shape_cast %mul3A_515 : vector<16xf32> to vector<1x1x16xf32>
          tpu.vector_store %arg10[%swap3A_517, %swap3A_518, %swap3A_519], %swap3A_522 {strides = array<i32>} : memref<2x128x128xf32, #tpu.memory_space<vmem>>, vector<1x1x16xf32>,
          %get3A_523 = arith.constant 0 : i32
          %get3A_524 = arith.index_cast %get3A_523 : i32 to index
          %get3A_525 = arith.index_cast %add3A_452 : i32 to index
          %get3A_526 = arith.constant 80 : index
          %get3A_527 = tpu.vector_load %arg10[%get3A_524, %get3A_525, %get3A_526] {strides = array<i32>} : memref<2x128x128xf32, #tpu.memory_space<vmem>>, vector<1x1x16xf32>,
          %get3A_528 = vector.shape_cast %get3A_527 : vector<1x1x16xf32> to vector<16xf32>
          %mul3A_529 = arith.mulf %get3A_528, %gather3A_448 : vector<16xf32>
          %swap3A_530 = arith.constant 0 : i32
          %swap3A_531 = arith.index_cast %swap3A_530 : i32 to index
          %swap3A_532 = arith.index_cast %add3A_452 : i32 to index
          %swap3A_533 = arith.constant 80 : index
          %swap3A_534 = tpu.vector_load %arg10[%swap3A_531, %swap3A_532, %swap3A_533] {strides = array<i32>} : memref<2x128x128xf32, #tpu.memory_space<vmem>>, vector<1x1x16xf32>,
          %swap3A_535 = vector.shape_cast %swap3A_534 : vector<1x1x16xf32> to vector<16xf32>
          %swap3A_536 = vector.shape_cast %mul3A_529 : vector<16xf32> to vector<1x1x16xf32>
          tpu.vector_store %arg10[%swap3A_531, %swap3A_532, %swap3A_533], %swap3A_536 {strides = array<i32>} : memref<2x128x128xf32, #tpu.memory_space<vmem>>, vector<1x1x16xf32>,
          %get3A_537 = arith.constant 0 : i32
          %get3A_538 = arith.index_cast %get3A_537 : i32 to index
          %get3A_539 = arith.index_cast %add3A_452 : i32 to index
          %get3A_540 = arith.constant 96 : index
          %get3A_541 = tpu.vector_load %arg10[%get3A_538, %get3A_539, %get3A_540] {strides = array<i32>} : memref<2x128x128xf32, #tpu.memory_space<vmem>>, vector<1x1x16xf32>,
          %get3A_542 = vector.shape_cast %get3A_541 : vector<1x1x16xf32> to vector<16xf32>
          %mul3A_543 = arith.mulf %get3A_542, %gather3A_448 : vector<16xf32>
          %swap3A_544 = arith.constant 0 : i32
          %swap3A_545 = arith.index_cast %swap3A_544 : i32 to index
          %swap3A_546 = arith.index_cast %add3A_452 : i32 to index
          %swap3A_547 = arith.constant 96 : index
          %swap3A_548 = tpu.vector_load %arg10[%swap3A_545, %swap3A_546, %swap3A_547] {strides = array<i32>} : memref<2x128x128xf32, #tpu.memory_space<vmem>>, vector<1x1x16xf32>,
          %swap3A_549 = vector.shape_cast %swap3A_548 : vector<1x1x16xf32> to vector<16xf32>
          %swap3A_550 = vector.shape_cast %mul3A_543 : vector<16xf32> to vector<1x1x16xf32>
          tpu.vector_store %arg10[%swap3A_545, %swap3A_546, %swap3A_547], %swap3A_550 {strides = array<i32>} : memref<2x128x128xf32, #tpu.memory_space<vmem>>, vector<1x1x16xf32>,
          %get3A_551 = arith.constant 0 : i32
          %get3A_552 = arith.index_cast %get3A_551 : i32 to index
          %get3A_553 = arith.index_cast %add3A_452 : i32 to index
          %get3A_554 = arith.constant 112 : index
          %get3A_555 = tpu.vector_load %arg10[%get3A_552, %get3A_553, %get3A_554] {strides = array<i32>} : memref<2x128x128xf32, #tpu.memory_space<vmem>>, vector<1x1x16xf32>,
          %get3A_556 = vector.shape_cast %get3A_555 : vector<1x1x16xf32> to vector<16xf32>
          %mul3A_557 = arith.mulf %get3A_556, %gather3A_448 : vector<16xf32>
          %swap3A_558 = arith.constant 0 : i32
          %swap3A_559 = arith.index_cast %swap3A_558 : i32 to index
          %swap3A_560 = arith.index_cast %add3A_452 : i32 to index
          %swap3A_561 = arith.constant 112 : index
          %swap3A_562 = tpu.vector_load %arg10[%swap3A_559, %swap3A_560, %swap3A_561] {strides = array<i32>} : memref<2x128x128xf32, #tpu.memory_space<vmem>>, vector<1x1x16xf32>,
          %swap3A_563 = vector.shape_cast %swap3A_562 : vector<1x1x16xf32> to vector<16xf32>
          %swap3A_564 = vector.shape_cast %mul3A_557 : vector<16xf32> to vector<1x1x16xf32>
          tpu.vector_store %arg10[%swap3A_559, %swap3A_560, %swap3A_561], %swap3A_564 {strides = array<i32>} : memref<2x128x128xf32, #tpu.memory_space<vmem>>, vector<1x1x16xf32>,
          %broadcast_in_dim3A_565 = arith.constant 3 : i32
          %broadcast_in_dim3A_566 = vector.broadcast %broadcast_in_dim3A_565 : i32 to vector<16x1xi32>
          %gather3A_567 = vector.shape_cast %broadcast_in_dim3A_566 : vector<16x1xi32> to vector<16xi32>
          %gather3A_568 = tpu.dynamic_gather %get3A_207[%gather3A_567] in [0] : vector<16xf32>, vector<16xi32> -> vector<16xf32>
          %mul3A_569 = arith.constant 16 : i32
          %mul3A_570 = arith.muli %add3A_202, %mul3A_569 : i32
          %add3A_571 = arith.constant 3 : i32
          %add3A_572 = arith.addi %mul3A_570, %add3A_571 : i32
          %get3A_573 = arith.constant 0 : i32
          %get3A_574 = arith.index_cast %get3A_573 : i32 to index
          %get3A_575 = arith.index_cast %add3A_572 : i32 to index
          %get3A_576 = arith.constant 0 : index
          %get3A_577 = tpu.vector_load %arg10[%get3A_574, %get3A_575, %get3A_576] {strides = array<i32>} : memref<2x128x128xf32, #tpu.memory_space<vmem>>, vector<1x1x16xf32>,
          %get3A_578 = vector.shape_cast %get3A_577 : vector<1x1x16xf32> to vector<16xf32>
          %mul3A_579 = arith.mulf %get3A_578, %gather3A_568 : vector<16xf32>
          %swap3A_580 = arith.constant 0 : i32
          %swap3A_581 = arith.index_cast %swap3A_580 : i32 to index
          %swap3A_582 = arith.index_cast %add3A_572 : i32 to index
          %swap3A_583 = arith.constant 0 : index
          %swap3A_584 = tpu.vector_load %arg10[%swap3A_581, %swap3A_582, %swap3A_583] {strides = array<i32>} : memref<2x128x128xf32, #tpu.memory_space<vmem>>, vector<1x1x16xf32>,
          %swap3A_585 = vector.shape_cast %swap3A_584 : vector<1x1x16xf32> to vector<16xf32>
          %swap3A_586 = vector.shape_cast %mul3A_579 : vector<16xf32> to vector<1x1x16xf32>
          tpu.vector_store %arg10[%swap3A_581, %swap3A_582, %swap3A_583], %swap3A_586 {strides = array<i32>} : memref<2x128x128xf32, #tpu.memory_space<vmem>>, vector<1x1x16xf32>,
          %get3A_587 = arith.constant 0 : i32
          %get3A_588 = arith.index_cast %get3A_587 : i32 to index
          %get3A_589 = arith.index_cast %add3A_572 : i32 to index
          %get3A_590 = arith.constant 16 : index
          %get3A_591 = tpu.vector_load %arg10[%get3A_588, %get3A_589, %get3A_590] {strides = array<i32>} : memref<2x128x128xf32, #tpu.memory_space<vmem>>, vector<1x1x16xf32>,
          %get3A_592 = vector.shape_cast %get3A_591 : vector<1x1x16xf32> to vector<16xf32>
          %mul3A_593 = arith.mulf %get3A_592, %gather3A_568 : vector<16xf32>
          %swap3A_594 = arith.constant 0 : i32
          %swap3A_595 = arith.index_cast %swap3A_594 : i32 to index
          %swap3A_596 = arith.index_cast %add3A_572 : i32 to index
          %swap3A_597 = arith.constant 16 : index
          %swap3A_598 = tpu.vector_load %arg10[%swap3A_595, %swap3A_596, %swap3A_597] {strides = array<i32>} : memref<2x128x128xf32, #tpu.memory_space<vmem>>, vector<1x1x16xf32>,
          %swap3A_599 = vector.shape_cast %swap3A_598 : vector<1x1x16xf32> to vector<16xf32>
          %swap3A_600 = vector.shape_cast %mul3A_593 : vector<16xf32> to vector<1x1x16xf32>
          tpu.vector_store %arg10[%swap3A_595, %swap3A_596, %swap3A_597], %swap3A_600 {strides = array<i32>} : memref<2x128x128xf32, #tpu.memory_space<vmem>>, vector<1x1x16xf32>,
          %get3A_601 = arith.constant 0 : i32
          %get3A_602 = arith.index_cast %get3A_601 : i32 to index
          %get3A_603 = arith.index_cast %add3A_572 : i32 to index
          %get3A_604 = arith.constant 32 : index
          %get3A_605 = tpu.vector_load %arg10[%get3A_602, %get3A_603, %get3A_604] {strides = array<i32>} : memref<2x128x128xf32, #tpu.memory_space<vmem>>, vector<1x1x16xf32>,
          %get3A_606 = vector.shape_cast %get3A_605 : vector<1x1x16xf32> to vector<16xf32>
          %mul3A_607 = arith.mulf %get3A_606, %gather3A_568 : vector<16xf32>
          %swap3A_608 = arith.constant 0 : i32
          %swap3A_609 = arith.index_cast %swap3A_608 : i32 to index
          %swap3A_610 = arith.index_cast %add3A_572 : i32 to index
          %swap3A_611 = arith.constant 32 : index
          %swap3A_612 = tpu.vector_load %arg10[%swap3A_609, %swap3A_610, %swap3A_611] {strides = array<i32>} : memref<2x128x128xf32, #tpu.memory_space<vmem>>, vector<1x1x16xf32>,
          %swap3A_613 = vector.shape_cast %swap3A_612 : vector<1x1x16xf32> to vector<16xf32>
          %swap3A_614 = vector.shape_cast %mul3A_607 : vector<16xf32> to vector<1x1x16xf32>
          tpu.vector_store %arg10[%swap3A_609, %swap3A_610, %swap3A_611], %swap3A_614 {strides = array<i32>} : memref<2x128x128xf32, #tpu.memory_space<vmem>>, vector<1x1x16xf32>,
          %get3A_615 = arith.constant 0 : i32
          %get3A_616 = arith.index_cast %get3A_615 : i32 to index
          %get3A_617 = arith.index_cast %add3A_572 : i32 to index
          %get3A_618 = arith.constant 48 : index
          %get3A_619 = tpu.vector_load %arg10[%get3A_616, %get3A_617, %get3A_618] {strides = array<i32>} : memref<2x128x128xf32, #tpu.memory_space<vmem>>, vector<1x1x16xf32>,
          %get3A_620 = vector.shape_cast %get3A_619 : vector<1x1x16xf32> to vector<16xf32>
          %mul3A_621 = arith.mulf %get3A_620, %gather3A_568 : vector<16xf32>
          %swap3A_622 = arith.constant 0 : i32
          %swap3A_623 = arith.index_cast %swap3A_622 : i32 to index
          %swap3A_624 = arith.index_cast %add3A_572 : i32 to index
          %swap3A_625 = arith.constant 48 : index
          %swap3A_626 = tpu.vector_load %arg10[%swap3A_623, %swap3A_624, %swap3A_625] {strides = array<i32>} : memref<2x128x128xf32, #tpu.memory_space<vmem>>, vector<1x1x16xf32>,
          %swap3A_627 = vector.shape_cast %swap3A_626 : vector<1x1x16xf32> to vector<16xf32>
          %swap3A_628 = vector.shape_cast %mul3A_621 : vector<16xf32> to vector<1x1x16xf32>
          tpu.vector_store %arg10[%swap3A_623, %swap3A_624, %swap3A_625], %swap3A_628 {strides = array<i32>} : memref<2x128x128xf32, #tpu.memory_space<vmem>>, vector<1x1x16xf32>,
          %get3A_629 = arith.constant 0 : i32
          %get3A_630 = arith.index_cast %get3A_629 : i32 to index
          %get3A_631 = arith.index_cast %add3A_572 : i32 to index
          %get3A_632 = arith.constant 64 : index
          %get3A_633 = tpu.vector_load %arg10[%get3A_630, %get3A_631, %get3A_632] {strides = array<i32>} : memref<2x128x128xf32, #tpu.memory_space<vmem>>, vector<1x1x16xf32>,
          %get3A_634 = vector.shape_cast %get3A_633 : vector<1x1x16xf32> to vector<16xf32>
          %mul3A_635 = arith.mulf %get3A_634, %gather3A_568 : vector<16xf32>
          %swap3A_636 = arith.constant 0 : i32
          %swap3A_637 = arith.index_cast %swap3A_636 : i32 to index
          %swap3A_638 = arith.index_cast %add3A_572 : i32 to index
          %swap3A_639 = arith.constant 64 : index
          %swap3A_640 = tpu.vector_load %arg10[%swap3A_637, %swap3A_638, %swap3A_639] {strides = array<i32>} : memref<2x128x128xf32, #tpu.memory_space<vmem>>, vector<1x1x16xf32>,
          %swap3A_641 = vector.shape_cast %swap3A_640 : vector<1x1x16xf32> to vector<16xf32>
          %swap3A_642 = vector.shape_cast %mul3A_635 : vector<16xf32> to vector<1x1x16xf32>
          tpu.vector_store %arg10[%swap3A_637, %swap3A_638, %swap3A_639], %swap3A_642 {strides = array<i32>} : memref<2x128x128xf32, #tpu.memory_space<vmem>>, vector<1x1x16xf32>,
          %get3A_643 = arith.constant 0 : i32
          %get3A_644 = arith.index_cast %get3A_643 : i32 to index
          %get3A_645 = arith.index_cast %add3A_572 : i32 to index
          %get3A_646 = arith.constant 80 : index
          %get3A_647 = tpu.vector_load %arg10[%get3A_644, %get3A_645, %get3A_646] {strides = array<i32>} : memref<2x128x128xf32, #tpu.memory_space<vmem>>, vector<1x1x16xf32>,
          %get3A_648 = vector.shape_cast %get3A_647 : vector<1x1x16xf32> to vector<16xf32>
          %mul3A_649 = arith.mulf %get3A_648, %gather3A_568 : vector<16xf32>
          %swap3A_650 = arith.constant 0 : i32
          %swap3A_651 = arith.index_cast %swap3A_650 : i32 to index
          %swap3A_652 = arith.index_cast %add3A_572 : i32 to index
          %swap3A_653 = arith.constant 80 : index
          %swap3A_654 = tpu.vector_load %arg10[%swap3A_651, %swap3A_652, %swap3A_653] {strides = array<i32>} : memref<2x128x128xf32, #tpu.memory_space<vmem>>, vector<1x1x16xf32>,
          %swap3A_655 = vector.shape_cast %swap3A_654 : vector<1x1x16xf32> to vector<16xf32>
          %swap3A_656 = vector.shape_cast %mul3A_649 : vector<16xf32> to vector<1x1x16xf32>
          tpu.vector_store %arg10[%swap3A_651, %swap3A_652, %swap3A_653], %swap3A_656 {strides = array<i32>} : memref<2x128x128xf32, #tpu.memory_space<vmem>>, vector<1x1x16xf32>,
          %get3A_657 = arith.constant 0 : i32
          %get3A_658 = arith.index_cast %get3A_657 : i32 to index
          %get3A_659 = arith.index_cast %add3A_572 : i32 to index
          %get3A_660 = arith.constant 96 : index
          %get3A_661 = tpu.vector_load %arg10[%get3A_658, %get3A_659, %get3A_660] {strides = array<i32>} : memref<2x128x128xf32, #tpu.memory_space<vmem>>, vector<1x1x16xf32>,
          %get3A_662 = vector.shape_cast %get3A_661 : vector<1x1x16xf32> to vector<16xf32>
          %mul3A_663 = arith.mulf %get3A_662, %gather3A_568 : vector<16xf32>
          %swap3A_664 = arith.constant 0 : i32
          %swap3A_665 = arith.index_cast %swap3A_664 : i32 to index
          %swap3A_666 = arith.index_cast %add3A_572 : i32 to index
          %swap3A_667 = arith.constant 96 : index
          %swap3A_668 = tpu.vector_load %arg10[%swap3A_665, %swap3A_666, %swap3A_667] {strides = array<i32>} : memref<2x128x128xf32, #tpu.memory_space<vmem>>, vector<1x1x16xf32>,
          %swap3A_669 = vector.shape_cast %swap3A_668 : vector<1x1x16xf32> to vector<16xf32>
          %swap3A_670 = vector.shape_cast %mul3A_663 : vector<16xf32> to vector<1x1x16xf32>
          tpu.vector_store %arg10[%swap3A_665, %swap3A_666, %swap3A_667], %swap3A_670 {strides = array<i32>} : memref<2x128x128xf32, #tpu.memory_space<vmem>>, vector<1x1x16xf32>,
          %get3A_671 = arith.constant 0 : i32
          %get3A_672 = arith.index_cast %get3A_671 : i32 to index
          %get3A_673 = arith.index_cast %add3A_572 : i32 to index
          %get3A_674 = arith.constant 112 : index
          %get3A_675 = tpu.vector_load %arg10[%get3A_672, %get3A_673, %get3A_674] {strides = array<i32>} : memref<2x128x128xf32, #tpu.memory_space<vmem>>, vector<1x1x16xf32>,
          %get3A_676 = vector.shape_cast %get3A_675 : vector<1x1x16xf32> to vector<16xf32>
          %mul3A_677 = arith.mulf %get3A_676, %gather3A_568 : vector<16xf32>
          %swap3A_678 = arith.constant 0 : i32
          %swap3A_679 = arith.index_cast %swap3A_678 : i32 to index
          %swap3A_680 = arith.index_cast %add3A_572 : i32 to index
          %swap3A_681 = arith.constant 112 : index
          %swap3A_682 = tpu.vector_load %arg10[%swap3A_679, %swap3A_680, %swap3A_681] {strides = array<i32>} : memref<2x128x128xf32, #tpu.memory_space<vmem>>, vector<1x1x16xf32>,
          %swap3A_683 = vector.shape_cast %swap3A_682 : vector<1x1x16xf32> to vector<16xf32>
          %swap3A_684 = vector.shape_cast %mul3A_677 : vector<16xf32> to vector<1x1x16xf32>
          tpu.vector_store %arg10[%swap3A_679, %swap3A_680, %swap3A_681], %swap3A_684 {strides = array<i32>} : memref<2x128x128xf32, #tpu.memory_space<vmem>>, vector<1x1x16xf32>,
          %broadcast_in_dim3A_685 = arith.constant 4 : i32
          %broadcast_in_dim3A_686 = vector.broadcast %broadcast_in_dim3A_685 : i32 to vector<16x1xi32>
          %gather3A_687 = vector.shape_cast %broadcast_in_dim3A_686 : vector<16x1xi32> to vector<16xi32>
          %gather3A_688 = tpu.dynamic_gather %get3A_207[%gather3A_687] in [0] : vector<16xf32>, vector<16xi32> -> vector<16xf32>
          %mul3A_689 = arith.constant 16 : i32
          %mul3A_690 = arith.muli %add3A_202, %mul3A_689 : i32
          %add3A_691 = arith.constant 4 : i32
          %add3A_692 = arith.addi %mul3A_690, %add3A_691 : i32
          %get3A_693 = arith.constant 0 : i32
          %get3A_694 = arith.index_cast %get3A_693 : i32 to index
          %get3A_695 = arith.index_cast %add3A_692 : i32 to index
          %get3A_696 = arith.constant 0 : index
          %get3A_697 = tpu.vector_load %arg10[%get3A_694, %get3A_695, %get3A_696] {strides = array<i32>} : memref<2x128x128xf32, #tpu.memory_space<vmem>>, vector<1x1x16xf32>,
          %get3A_698 = vector.shape_cast %get3A_697 : vector<1x1x16xf32> to vector<16xf32>
          %mul3A_699 = arith.mulf %get3A_698, %gather3A_688 : vector<16xf32>
          %swap3A_700 = arith.constant 0 : i32
          %swap3A_701 = arith.index_cast %swap3A_700 : i32 to index
          %swap3A_702 = arith.index_cast %add3A_692 : i32 to index
          %swap3A_703 = arith.constant 0 : index
          %swap3A_704 = tpu.vector_load %arg10[%swap3A_701, %swap3A_702, %swap3A_703] {strides = array<i32>} : memref<2x128x128xf32, #tpu.memory_space<vmem>>, vector<1x1x16xf32>,
          %swap3A_705 = vector.shape_cast %swap3A_704 : vector<1x1x16xf32> to vector<16xf32>
          %swap3A_706 = vector.shape_cast %mul3A_699 : vector<16xf32> to vector<1x1x16xf32>
          tpu.vector_store %arg10[%swap3A_701, %swap3A_702, %swap3A_703], %swap3A_706 {strides = array<i32>} : memref<2x128x128xf32, #tpu.memory_space<vmem>>, vector<1x1x16xf32>,
          %get3A_707 = arith.constant 0 : i32
          %get3A_708 = arith.index_cast %get3A_707 : i32 to index
          %get3A_709 = arith.index_cast %add3A_692 : i32 to index
          %get3A_710 = arith.constant 16 : index
          %get3A_711 = tpu.vector_load %arg10[%get3A_708, %get3A_709, %get3A_710] {strides = array<i32>} : memref<2x128x128xf32, #tpu.memory_space<vmem>>, vector<1x1x16xf32>,
          %get3A_712 = vector.shape_cast %get3A_711 : vector<1x1x16xf32> to vector<16xf32>
          %mul3A_713 = arith.mulf %get3A_712, %gather3A_688 : vector<16xf32>
          %swap3A_714 = arith.constant 0 : i32
          %swap3A_715 = arith.index_cast %swap3A_714 : i32 to index
          %swap3A_716 = arith.index_cast %add3A_692 : i32 to index
          %swap3A_717 = arith.constant 16 : index
          %swap3A_718 = tpu.vector_load %arg10[%swap3A_715, %swap3A_716, %swap3A_717] {strides = array<i32>} : memref<2x128x128xf32, #tpu.memory_space<vmem>>, vector<1x1x16xf32>,
          %swap3A_719 = vector.shape_cast %swap3A_718 : vector<1x1x16xf32> to vector<16xf32>
          %swap3A_720 = vector.shape_cast %mul3A_713 : vector<16xf32> to vector<1x1x16xf32>
          tpu.vector_store %arg10[%swap3A_715, %swap3A_716, %swap3A_717], %swap3A_720 {strides = array<i32>} : memref<2x128x128xf32, #tpu.memory_space<vmem>>, vector<1x1x16xf32>,
          %get3A_721 = arith.constant 0 : i32
          %get3A_722 = arith.index_cast %get3A_721 : i32 to index
          %get3A_723 = arith.index_cast %add3A_692 : i32 to index
          %get3A_724 = arith.constant 32 : index
          %get3A_725 = tpu.vector_load %arg10[%get3A_722, %get3A_723, %get3A_724] {strides = array<i32>} : memref<2x128x128xf32, #tpu.memory_space<vmem>>, vector<1x1x16xf32>,
          %get3A_726 = vector.shape_cast %get3A_725 : vector<1x1x16xf32> to vector<16xf32>
          %mul3A_727 = arith.mulf %get3A_726, %gather3A_688 : vector<16xf32>
          %swap3A_728 = arith.constant 0 : i32
          %swap3A_729 = arith.index_cast %swap3A_728 : i32 to index
          %swap3A_730 = arith.index_cast %add3A_692 : i32 to index
          %swap3A_731 = arith.constant 32 : index
          %swap3A_732 = tpu.vector_load %arg10[%swap3A_729, %swap3A_730, %swap3A_731] {strides = array<i32>} : memref<2x128x128xf32, #tpu.memory_space<vmem>>, vector<1x1x16xf32>,
          %swap3A_733 = vector.shape_cast %swap3A_732 : vector<1x1x16xf32> to vector<16xf32>
          %swap3A_734 = vector.shape_cast %mul3A_727 : vector<16xf32> to vector<1x1x16xf32>
          tpu.vector_store %arg10[%swap3A_729, %swap3A_730, %swap3A_731], %swap3A_734 {strides = array<i32>} : memref<2x128x128xf32, #tpu.memory_space<vmem>>, vector<1x1x16xf32>,
          %get3A_735 = arith.constant 0 : i32
          %get3A_736 = arith.index_cast %get3A_735 : i32 to index
          %get3A_737 = arith.index_cast %add3A_692 : i32 to index
          %get3A_738 = arith.constant 48 : index
          %get3A_739 = tpu.vector_load %arg10[%get3A_736, %get3A_737, %get3A_738] {strides = array<i32>} : memref<2x128x128xf32, #tpu.memory_space<vmem>>, vector<1x1x16xf32>,
          %get3A_740 = vector.shape_cast %get3A_739 : vector<1x1x16xf32> to vector<16xf32>
          %mul3A_741 = arith.mulf %get3A_740, %gather3A_688 : vector<16xf32>
          %swap3A_742 = arith.constant 0 : i32
          %swap3A_743 = arith.index_cast %swap3A_742 : i32 to index
          %swap3A_744 = arith.index_cast %add3A_692 : i32 to index
          %swap3A_745 = arith.constant 48 : index
          %swap3A_746 = tpu.vector_load %arg10[%swap3A_743, %swap3A_744, %swap3A_745] {strides = array<i32>} : memref<2x128x128xf32, #tpu.memory_space<vmem>>, vector<1x1x16xf32>,
          %swap3A_747 = vector.shape_cast %swap3A_746 : vector<1x1x16xf32> to vector<16xf32>
          %swap3A_748 = vector.shape_cast %mul3A_741 : vector<16xf32> to vector<1x1x16xf32>
          tpu.vector_store %arg10[%swap3A_743, %swap3A_744, %swap3A_745], %swap3A_748 {strides = array<i32>} : memref<2x128x128xf32, #tpu.memory_space<vmem>>, vector<1x1x16xf32>,
          %get3A_749 = arith.constant 0 : i32
          %get3A_750 = arith.index_cast %get3A_749 : i32 to index
          %get3A_751 = arith.index_cast %add3A_692 : i32 to index
          %get3A_752 = arith.constant 64 : index
          %get3A_753 = tpu.vector_load %arg10[%get3A_750, %get3A_751, %get3A_752] {strides = array<i32>} : memref<2x128x128xf32, #tpu.memory_space<vmem>>, vector<1x1x16xf32>,
          %get3A_754 = vector.shape_cast %get3A_753 : vector<1x1x16xf32> to vector<16xf32>
          %mul3A_755 = arith.mulf %get3A_754, %gather3A_688 : vector<16xf32>
          %swap3A_756 = arith.constant 0 : i32
          %swap3A_757 = arith.index_cast %swap3A_756 : i32 to index
          %swap3A_758 = arith.index_cast %add3A_692 : i32 to index
          %swap3A_759 = arith.constant 64 : index
          %swap3A_760 = tpu.vector_load %arg10[%swap3A_757, %swap3A_758, %swap3A_759] {strides = array<i32>} : memref<2x128x128xf32, #tpu.memory_space<vmem>>, vector<1x1x16xf32>,
          %swap3A_761 = vector.shape_cast %swap3A_760 : vector<1x1x16xf32> to vector<16xf32>
          %swap3A_762 = vector.shape_cast %mul3A_755 : vector<16xf32> to vector<1x1x16xf32>
          tpu.vector_store %arg10[%swap3A_757, %swap3A_758, %swap3A_759], %swap3A_762 {strides = array<i32>} : memref<2x128x128xf32, #tpu.memory_space<vmem>>, vector<1x1x16xf32>,
          %get3A_763 = arith.constant 0 : i32
          %get3A_764 = arith.index_cast %get3A_763 : i32 to index
          %get3A_765 = arith.index_cast %add3A_692 : i32 to index
          %get3A_766 = arith.constant 80 : index
          %get3A_767 = tpu.vector_load %arg10[%get3A_764, %get3A_765, %get3A_766] {strides = array<i32>} : memref<2x128x128xf32, #tpu.memory_space<vmem>>, vector<1x1x16xf32>,
          %get3A_768 = vector.shape_cast %get3A_767 : vector<1x1x16xf32> to vector<16xf32>
          %mul3A_769 = arith.mulf %get3A_768, %gather3A_688 : vector<16xf32>
          %swap3A_770 = arith.constant 0 : i32
          %swap3A_771 = arith.index_cast %swap3A_770 : i32 to index
          %swap3A_772 = arith.index_cast %add3A_692 : i32 to index
          %swap3A_773 = arith.constant 80 : index
          %swap3A_774 = tpu.vector_load %arg10[%swap3A_771, %swap3A_772, %swap3A_773] {strides = array<i32>} : memref<2x128x128xf32, #tpu.memory_space<vmem>>, vector<1x1x16xf32>,
          %swap3A_775 = vector.shape_cast %swap3A_774 : vector<1x1x16xf32> to vector<16xf32>
          %swap3A_776 = vector.shape_cast %mul3A_769 : vector<16xf32> to vector<1x1x16xf32>
          tpu.vector_store %arg10[%swap3A_771, %swap3A_772, %swap3A_773], %swap3A_776 {strides = array<i32>} : memref<2x128x128xf32, #tpu.memory_space<vmem>>, vector<1x1x16xf32>,
          %get3A_777 = arith.constant 0 : i32
          %get3A_778 = arith.index_cast %get3A_777 : i32 to index
          %get3A_779 = arith.index_cast %add3A_692 : i32 to index
          %get3A_780 = arith.constant 96 : index
          %get3A_781 = tpu.vector_load %arg10[%get3A_778, %get3A_779, %get3A_780] {strides = array<i32>} : memref<2x128x128xf32, #tpu.memory_space<vmem>>, vector<1x1x16xf32>,
          %get3A_782 = vector.shape_cast %get3A_781 : vector<1x1x16xf32> to vector<16xf32>
          %mul3A_783 = arith.mulf %get3A_782, %gather3A_688 : vector<16xf32>
          %swap3A_784 = arith.constant 0 : i32
          %swap3A_785 = arith.index_cast %swap3A_784 : i32 to index
          %swap3A_786 = arith.index_cast %add3A_692 : i32 to index
          %swap3A_787 = arith.constant 96 : index
          %swap3A_788 = tpu.vector_load %arg10[%swap3A_785, %swap3A_786, %swap3A_787] {strides = array<i32>} : memref<2x128x128xf32, #tpu.memory_space<vmem>>, vector<1x1x16xf32>,
          %swap3A_789 = vector.shape_cast %swap3A_788 : vector<1x1x16xf32> to vector<16xf32>
          %swap3A_790 = vector.shape_cast %mul3A_783 : vector<16xf32> to vector<1x1x16xf32>
          tpu.vector_store %arg10[%swap3A_785, %swap3A_786, %swap3A_787], %swap3A_790 {strides = array<i32>} : memref<2x128x128xf32, #tpu.memory_space<vmem>>, vector<1x1x16xf32>,
          %get3A_791 = arith.constant 0 : i32
          %get3A_792 = arith.index_cast %get3A_791 : i32 to index
          %get3A_793 = arith.index_cast %add3A_692 : i32 to index
          %get3A_794 = arith.constant 112 : index
          %get3A_795 = tpu.vector_load %arg10[%get3A_792, %get3A_793, %get3A_794] {strides = array<i32>} : memref<2x128x128xf32, #tpu.memory_space<vmem>>, vector<1x1x16xf32>,
          %get3A_796 = vector.shape_cast %get3A_795 : vector<1x1x16xf32> to vector<16xf32>
          %mul3A_797 = arith.mulf %get3A_796, %gather3A_688 : vector<16xf32>
          %swap3A_798 = arith.constant 0 : i32
          %swap3A_799 = arith.index_cast %swap3A_798 : i32 to index
          %swap3A_800 = arith.index_cast %add3A_692 : i32 to index
          %swap3A_801 = arith.constant 112 : index
          %swap3A_802 = tpu.vector_load %arg10[%swap3A_799, %swap3A_800, %swap3A_801] {strides = array<i32>} : memref<2x128x128xf32, #tpu.memory_space<vmem>>, vector<1x1x16xf32>,
          %swap3A_803 = vector.shape_cast %swap3A_802 : vector<1x1x16xf32> to vector<16xf32>
          %swap3A_804 = vector.shape_cast %mul3A_797 : vector<16xf32> to vector<1x1x16xf32>
          tpu.vector_store %arg10[%swap3A_799, %swap3A_800, %swap3A_801], %swap3A_804 {strides = array<i32>} : memref<2x128x128xf32, #tpu.memory_space<vmem>>, vector<1x1x16xf32>,
          %broadcast_in_dim3A_805 = arith.constant 5 : i32
          %broadcast_in_dim3A_806 = vector.broadcast %broadcast_in_dim3A_805 : i32 to vector<16x1xi32>
          %gather3A_807 = vector.shape_cast %broadcast_in_dim3A_806 : vector<16x1xi32> to vector<16xi32>
          %gather3A_808 = tpu.dynamic_gather %get3A_207[%gather3A_807] in [0] : vector<16xf32>, vector<16xi32> -> vector<16xf32>
          %mul3A_809 = arith.constant 16 : i32
          %mul3A_810 = arith.muli %add3A_202, %mul3A_809 : i32
          %add3A_811 = arith.constant 5 : i32
          %add3A_812 = arith.addi %mul3A_810, %add3A_811 : i32
          %get3A_813 = arith.constant 0 : i32
          %get3A_814 = arith.index_cast %get3A_813 : i32 to index
          %get3A_815 = arith.index_cast %add3A_812 : i32 to index
          %get3A_816 = arith.constant 0 : index
          %get3A_817 = tpu.vector_load %arg10[%get3A_814, %get3A_815, %get3A_816] {strides = array<i32>} : memref<2x128x128xf32, #tpu.memory_space<vmem>>, vector<1x1x16xf32>,
          %get3A_818 = vector.shape_cast %get3A_817 : vector<1x1x16xf32> to vector<16xf32>
          %mul3A_819 = arith.mulf %get3A_818, %gather3A_808 : vector<16xf32>
          %swap3A_820 = arith.constant 0 : i32
          %swap3A_821 = arith.index_cast %swap3A_820 : i32 to index
          %swap3A_822 = arith.index_cast %add3A_812 : i32 to index
          %swap3A_823 = arith.constant 0 : index
          %swap3A_824 = tpu.vector_load %arg10[%swap3A_821, %swap3A_822, %swap3A_823] {strides = array<i32>} : memref<2x128x128xf32, #tpu.memory_space<vmem>>, vector<1x1x16xf32>,
          %swap3A_825 = vector.shape_cast %swap3A_824 : vector<1x1x16xf32> to vector<16xf32>
          %swap3A_826 = vector.shape_cast %mul3A_819 : vector<16xf32> to vector<1x1x16xf32>
          tpu.vector_store %arg10[%swap3A_821, %swap3A_822, %swap3A_823], %swap3A_826 {strides = array<i32>} : memref<2x128x128xf32, #tpu.memory_space<vmem>>, vector<1x1x16xf32>,
          %get3A_827 = arith.constant 0 : i32
          %get3A_828 = arith.index_cast %get3A_827 : i32 to index
          %get3A_829 = arith.index_cast %add3A_812 : i32 to index
          %get3A_830 = arith.constant 16 : index
          %get3A_831 = tpu.vector_load %arg10[%get3A_828, %get3A_829, %get3A_830] {strides = array<i32>} : memref<2x128x128xf32, #tpu.memory_space<vmem>>, vector<1x1x16xf32>,
          %get3A_832 = vector.shape_cast %get3A_831 : vector<1x1x16xf32> to vector<16xf32>
          %mul3A_833 = arith.mulf %get3A_832, %gather3A_808 : vector<16xf32>
          %swap3A_834 = arith.constant 0 : i32
          %swap3A_835 = arith.index_cast %swap3A_834 : i32 to index
          %swap3A_836 = arith.index_cast %add3A_812 : i32 to index
          %swap3A_837 = arith.constant 16 : index
          %swap3A_838 = tpu.vector_load %arg10[%swap3A_835, %swap3A_836, %swap3A_837] {strides = array<i32>} : memref<2x128x128xf32, #tpu.memory_space<vmem>>, vector<1x1x16xf32>,
          %swap3A_839 = vector.shape_cast %swap3A_838 : vector<1x1x16xf32> to vector<16xf32>
          %swap3A_840 = vector.shape_cast %mul3A_833 : vector<16xf32> to vector<1x1x16xf32>
          tpu.vector_store %arg10[%swap3A_835, %swap3A_836, %swap3A_837], %swap3A_840 {strides = array<i32>} : memref<2x128x128xf32, #tpu.memory_space<vmem>>, vector<1x1x16xf32>,
          %get3A_841 = arith.constant 0 : i32
          %get3A_842 = arith.index_cast %get3A_841 : i32 to index
          %get3A_843 = arith.index_cast %add3A_812 : i32 to index
          %get3A_844 = arith.constant 32 : index
          %get3A_845 = tpu.vector_load %arg10[%get3A_842, %get3A_843, %get3A_844] {strides = array<i32>} : memref<2x128x128xf32, #tpu.memory_space<vmem>>, vector<1x1x16xf32>,
          %get3A_846 = vector.shape_cast %get3A_845 : vector<1x1x16xf32> to vector<16xf32>
          %mul3A_847 = arith.mulf %get3A_846, %gather3A_808 : vector<16xf32>
          %swap3A_848 = arith.constant 0 : i32
          %swap3A_849 = arith.index_cast %swap3A_848 : i32 to index
          %swap3A_850 = arith.index_cast %add3A_812 : i32 to index
          %swap3A_851 = arith.constant 32 : index
          %swap3A_852 = tpu.vector_load %arg10[%swap3A_849, %swap3A_850, %swap3A_851] {strides = array<i32>} : memref<2x128x128xf32, #tpu.memory_space<vmem>>, vector<1x1x16xf32>,
          %swap3A_853 = vector.shape_cast %swap3A_852 : vector<1x1x16xf32> to vector<16xf32>
          %swap3A_854 = vector.shape_cast %mul3A_847 : vector<16xf32> to vector<1x1x16xf32>
          tpu.vector_store %arg10[%swap3A_849, %swap3A_850, %swap3A_851], %swap3A_854 {strides = array<i32>} : memref<2x128x128xf32, #tpu.memory_space<vmem>>, vector<1x1x16xf32>,
          %get3A_855 = arith.constant 0 : i32
          %get3A_856 = arith.index_cast %get3A_855 : i32 to index
          %get3A_857 = arith.index_cast %add3A_812 : i32 to index
          %get3A_858 = arith.constant 48 : index
          %get3A_859 = tpu.vector_load %arg10[%get3A_856, %get3A_857, %get3A_858] {strides = array<i32>} : memref<2x128x128xf32, #tpu.memory_space<vmem>>, vector<1x1x16xf32>,
          %get3A_860 = vector.shape_cast %get3A_859 : vector<1x1x16xf32> to vector<16xf32>
          %mul3A_861 = arith.mulf %get3A_860, %gather3A_808 : vector<16xf32>
          %swap3A_862 = arith.constant 0 : i32
          %swap3A_863 = arith.index_cast %swap3A_862 : i32 to index
          %swap3A_864 = arith.index_cast %add3A_812 : i32 to index
          %swap3A_865 = arith.constant 48 : index
          %swap3A_866 = tpu.vector_load %arg10[%swap3A_863, %swap3A_864, %swap3A_865] {strides = array<i32>} : memref<2x128x128xf32, #tpu.memory_space<vmem>>, vector<1x1x16xf32>,
          %swap3A_867 = vector.shape_cast %swap3A_866 : vector<1x1x16xf32> to vector<16xf32>
          %swap3A_868 = vector.shape_cast %mul3A_861 : vector<16xf32> to vector<1x1x16xf32>
          tpu.vector_store %arg10[%swap3A_863, %swap3A_864, %swap3A_865], %swap3A_868 {strides = array<i32>} : memref<2x128x128xf32, #tpu.memory_space<vmem>>, vector<1x1x16xf32>,
          %get3A_869 = arith.constant 0 : i32
          %get3A_870 = arith.index_cast %get3A_869 : i32 to index
          %get3A_871 = arith.index_cast %add3A_812 : i32 to index
          %get3A_872 = arith.constant 64 : index
          %get3A_873 = tpu.vector_load %arg10[%get3A_870, %get3A_871, %get3A_872] {strides = array<i32>} : memref<2x128x128xf32, #tpu.memory_space<vmem>>, vector<1x1x16xf32>,
          %get3A_874 = vector.shape_cast %get3A_873 : vector<1x1x16xf32> to vector<16xf32>
          %mul3A_875 = arith.mulf %get3A_874, %gather3A_808 : vector<16xf32>
          %swap3A_876 = arith.constant 0 : i32
          %swap3A_877 = arith.index_cast %swap3A_876 : i32 to index
          %swap3A_878 = arith.index_cast %add3A_812 : i32 to index
          %swap3A_879 = arith.constant 64 : index
          %swap3A_880 = tpu.vector_load %arg10[%swap3A_877, %swap3A_878, %swap3A_879] {strides = array<i32>} : memref<2x128x128xf32, #tpu.memory_space<vmem>>, vector<1x1x16xf32>,
          %swap3A_881 = vector.shape_cast %swap3A_880 : vector<1x1x16xf32> to vector<16xf32>
          %swap3A_882 = vector.shape_cast %mul3A_875 : vector<16xf32> to vector<1x1x16xf32>
          tpu.vector_store %arg10[%swap3A_877, %swap3A_878, %swap3A_879], %swap3A_882 {strides = array<i32>} : memref<2x128x128xf32, #tpu.memory_space<vmem>>, vector<1x1x16xf32>,
          %get3A_883 = arith.constant 0 : i32
          %get3A_884 = arith.index_cast %get3A_883 : i32 to index
          %get3A_885 = arith.index_cast %add3A_812 : i32 to index
          %get3A_886 = arith.constant 80 : index
          %get3A_887 = tpu.vector_load %arg10[%get3A_884, %get3A_885, %get3A_886] {strides = array<i32>} : memref<2x128x128xf32, #tpu.memory_space<vmem>>, vector<1x1x16xf32>,
          %get3A_888 = vector.shape_cast %get3A_887 : vector<1x1x16xf32> to vector<16xf32>
          %mul3A_889 = arith.mulf %get3A_888, %gather3A_808 : vector<16xf32>
          %swap3A_890 = arith.constant 0 : i32
          %swap3A_891 = arith.index_cast %swap3A_890 : i32 to index
          %swap3A_892 = arith.index_cast %add3A_812 : i32 to index
          %swap3A_893 = arith.constant 80 : index
          %swap3A_894 = tpu.vector_load %arg10[%swap3A_891, %swap3A_892, %swap3A_893] {strides = array<i32>} : memref<2x128x128xf32, #tpu.memory_space<vmem>>, vector<1x1x16xf32>,
          %swap3A_895 = vector.shape_cast %swap3A_894 : vector<1x1x16xf32> to vector<16xf32>
          %swap3A_896 = vector.shape_cast %mul3A_889 : vector<16xf32> to vector<1x1x16xf32>
          tpu.vector_store %arg10[%swap3A_891, %swap3A_892, %swap3A_893], %swap3A_896 {strides = array<i32>} : memref<2x128x128xf32, #tpu.memory_space<vmem>>, vector<1x1x16xf32>,
          %get3A_897 = arith.constant 0 : i32
          %get3A_898 = arith.index_cast %get3A_897 : i32 to index
          %get3A_899 = arith.index_cast %add3A_812 : i32 to index
          %get3A_900 = arith.constant 96 : index
          %get3A_901 = tpu.vector_load %arg10[%get3A_898, %get3A_899, %get3A_900] {strides = array<i32>} : memref<2x128x128xf32, #tpu.memory_space<vmem>>, vector<1x1x16xf32>,
          %get3A_902 = vector.shape_cast %get3A_901 : vector<1x1x16xf32> to vector<16xf32>
          %mul3A_903 = arith.mulf %get3A_902, %gather3A_808 : vector<16xf32>
          %swap3A_904 = arith.constant 0 : i32
          %swap3A_905 = arith.index_cast %swap3A_904 : i32 to index
          %swap3A_906 = arith.index_cast %add3A_812 : i32 to index
          %swap3A_907 = arith.constant 96 : index
          %swap3A_908 = tpu.vector_load %arg10[%swap3A_905, %swap3A_906, %swap3A_907] {strides = array<i32>} : memref<2x128x128xf32, #tpu.memory_space<vmem>>, vector<1x1x16xf32>,
          %swap3A_909 = vector.shape_cast %swap3A_908 : vector<1x1x16xf32> to vector<16xf32>
          %swap3A_910 = vector.shape_cast %mul3A_903 : vector<16xf32> to vector<1x1x16xf32>
          tpu.vector_store %arg10[%swap3A_905, %swap3A_906, %swap3A_907], %swap3A_910 {strides = array<i32>} : memref<2x128x128xf32, #tpu.memory_space<vmem>>, vector<1x1x16xf32>,
          %get3A_911 = arith.constant 0 : i32
          %get3A_912 = arith.index_cast %get3A_911 : i32 to index
          %get3A_913 = arith.index_cast %add3A_812 : i32 to index
          %get3A_914 = arith.constant 112 : index
          %get3A_915 = tpu.vector_load %arg10[%get3A_912, %get3A_913, %get3A_914] {strides = array<i32>} : memref<2x128x128xf32, #tpu.memory_space<vmem>>, vector<1x1x16xf32>,
          %get3A_916 = vector.shape_cast %get3A_915 : vector<1x1x16xf32> to vector<16xf32>
          %mul3A_917 = arith.mulf %get3A_916, %gather3A_808 : vector<16xf32>
          %swap3A_918 = arith.constant 0 : i32
          %swap3A_919 = arith.index_cast %swap3A_918 : i32 to index
          %swap3A_920 = arith.index_cast %add3A_812 : i32 to index
          %swap3A_921 = arith.constant 112 : index
          %swap3A_922 = tpu.vector_load %arg10[%swap3A_919, %swap3A_920, %swap3A_921] {strides = array<i32>} : memref<2x128x128xf32, #tpu.memory_space<vmem>>, vector<1x1x16xf32>,
          %swap3A_923 = vector.shape_cast %swap3A_922 : vector<1x1x16xf32> to vector<16xf32>
          %swap3A_924 = vector.shape_cast %mul3A_917 : vector<16xf32> to vector<1x1x16xf32>
          tpu.vector_store %arg10[%swap3A_919, %swap3A_920, %swap3A_921], %swap3A_924 {strides = array<i32>} : memref<2x128x128xf32, #tpu.memory_space<vmem>>, vector<1x1x16xf32>,
          %broadcast_in_dim3A_925 = arith.constant 6 : i32
          %broadcast_in_dim3A_926 = vector.broadcast %broadcast_in_dim3A_925 : i32 to vector<16x1xi32>
          %gather3A_927 = vector.shape_cast %broadcast_in_dim3A_926 : vector<16x1xi32> to vector<16xi32>
          %gather3A_928 = tpu.dynamic_gather %get3A_207[%gather3A_927] in [0] : vector<16xf32>, vector<16xi32> -> vector<16xf32>
          %mul3A_929 = arith.constant 16 : i32
          %mul3A_930 = arith.muli %add3A_202, %mul3A_929 : i32
          %add3A_931 = arith.constant 6 : i32
          %add3A_932 = arith.addi %mul3A_930, %add3A_931 : i32
          %get3A_933 = arith.constant 0 : i32
          %get3A_934 = arith.index_cast %get3A_933 : i32 to index
          %get3A_935 = arith.index_cast %add3A_932 : i32 to index
          %get3A_936 = arith.constant 0 : index
          %get3A_937 = tpu.vector_load %arg10[%get3A_934, %get3A_935, %get3A_936] {strides = array<i32>} : memref<2x128x128xf32, #tpu.memory_space<vmem>>, vector<1x1x16xf32>,
          %get3A_938 = vector.shape_cast %get3A_937 : vector<1x1x16xf32> to vector<16xf32>
          %mul3A_939 = arith.mulf %get3A_938, %gather3A_928 : vector<16xf32>
          %swap3A_940 = arith.constant 0 : i32
          %swap3A_941 = arith.index_cast %swap3A_940 : i32 to index
          %swap3A_942 = arith.index_cast %add3A_932 : i32 to index
          %swap3A_943 = arith.constant 0 : index
          %swap3A_944 = tpu.vector_load %arg10[%swap3A_941, %swap3A_942, %swap3A_943] {strides = array<i32>} : memref<2x128x128xf32, #tpu.memory_space<vmem>>, vector<1x1x16xf32>,
          %swap3A_945 = vector.shape_cast %swap3A_944 : vector<1x1x16xf32> to vector<16xf32>
          %swap3A_946 = vector.shape_cast %mul3A_939 : vector<16xf32> to vector<1x1x16xf32>
          tpu.vector_store %arg10[%swap3A_941, %swap3A_942, %swap3A_943], %swap3A_946 {strides = array<i32>} : memref<2x128x128xf32, #tpu.memory_space<vmem>>, vector<1x1x16xf32>,
          %get3A_947 = arith.constant 0 : i32
          %get3A_948 = arith.index_cast %get3A_947 : i32 to index
          %get3A_949 = arith.index_cast %add3A_932 : i32 to index
          %get3A_950 = arith.constant 16 : index
          %get3A_951 = tpu.vector_load %arg10[%get3A_948, %get3A_949, %get3A_950] {strides = array<i32>} : memref<2x128x128xf32, #tpu.memory_space<vmem>>, vector<1x1x16xf32>,
          %get3A_952 = vector.shape_cast %get3A_951 : vector<1x1x16xf32> to vector<16xf32>
          %mul3A_953 = arith.mulf %get3A_952, %gather3A_928 : vector<16xf32>
          %swap3A_954 = arith.constant 0 : i32
          %swap3A_955 = arith.index_cast %swap3A_954 : i32 to index
          %swap3A_956 = arith.index_cast %add3A_932 : i32 to index
          %swap3A_957 = arith.constant 16 : index
          %swap3A_958 = tpu.vector_load %arg10[%swap3A_955, %swap3A_956, %swap3A_957] {strides = array<i32>} : memref<2x128x128xf32, #tpu.memory_space<vmem>>, vector<1x1x16xf32>,
          %swap3A_959 = vector.shape_cast %swap3A_958 : vector<1x1x16xf32> to vector<16xf32>
          %swap3A_960 = vector.shape_cast %mul3A_953 : vector<16xf32> to vector<1x1x16xf32>
          tpu.vector_store %arg10[%swap3A_955, %swap3A_956, %swap3A_957], %swap3A_960 {strides = array<i32>} : memref<2x128x128xf32, #tpu.memory_space<vmem>>, vector<1x1x16xf32>,
          %get3A_961 = arith.constant 0 : i32
          %get3A_962 = arith.index_cast %get3A_961 : i32 to index
          %get3A_963 = arith.index_cast %add3A_932 : i32 to index
          %get3A_964 = arith.constant 32 : index
          %get3A_965 = tpu.vector_load %arg10[%get3A_962, %get3A_963, %get3A_964] {strides = array<i32>} : memref<2x128x128xf32, #tpu.memory_space<vmem>>, vector<1x1x16xf32>,
          %get3A_966 = vector.shape_cast %get3A_965 : vector<1x1x16xf32> to vector<16xf32>
          %mul3A_967 = arith.mulf %get3A_966, %gather3A_928 : vector<16xf32>
          %swap3A_968 = arith.constant 0 : i32
          %swap3A_969 = arith.index_cast %swap3A_968 : i32 to index
          %swap3A_970 = arith.index_cast %add3A_932 : i32 to index
          %swap3A_971 = arith.constant 32 : index
          %swap3A_972 = tpu.vector_load %arg10[%swap3A_969, %swap3A_970, %swap3A_971] {strides = array<i32>} : memref<2x128x128xf32, #tpu.memory_space<vmem>>, vector<1x1x16xf32>,
          %swap3A_973 = vector.shape_cast %swap3A_972 : vector<1x1x16xf32> to vector<16xf32>
          %swap3A_974 = vector.shape_cast %mul3A_967 : vector<16xf32> to vector<1x1x16xf32>
          tpu.vector_store %arg10[%swap3A_969, %swap3A_970, %swap3A_971], %swap3A_974 {strides = array<i32>} : memref<2x128x128xf32, #tpu.memory_space<vmem>>, vector<1x1x16xf32>,
          %get3A_975 = arith.constant 0 : i32
          %get3A_976 = arith.index_cast %get3A_975 : i32 to index
          %get3A_977 = arith.index_cast %add3A_932 : i32 to index
          %get3A_978 = arith.constant 48 : index
          %get3A_979 = tpu.vector_load %arg10[%get3A_976, %get3A_977, %get3A_978] {strides = array<i32>} : memref<2x128x128xf32, #tpu.memory_space<vmem>>, vector<1x1x16xf32>,
          %get3A_980 = vector.shape_cast %get3A_979 : vector<1x1x16xf32> to vector<16xf32>
          %mul3A_981 = arith.mulf %get3A_980, %gather3A_928 : vector<16xf32>
          %swap3A_982 = arith.constant 0 : i32
          %swap3A_983 = arith.index_cast %swap3A_982 : i32 to index
          %swap3A_984 = arith.index_cast %add3A_932 : i32 to index
          %swap3A_985 = arith.constant 48 : index
          %swap3A_986 = tpu.vector_load %arg10[%swap3A_983, %swap3A_984, %swap3A_985] {strides = array<i32>} : memref<2x128x128xf32, #tpu.memory_space<vmem>>, vector<1x1x16xf32>,
          %swap3A_987 = vector.shape_cast %swap3A_986 : vector<1x1x16xf32> to vector<16xf32>
          %swap3A_988 = vector.shape_cast %mul3A_981 : vector<16xf32> to vector<1x1x16xf32>
          tpu.vector_store %arg10[%swap3A_983, %swap3A_984, %swap3A_985], %swap3A_988 {strides = array<i32>} : memref<2x128x128xf32, #tpu.memory_space<vmem>>, vector<1x1x16xf32>,
          %get3A_989 = arith.constant 0 : i32
          %get3A_990 = arith.index_cast %get3A_989 : i32 to index
          %get3A_991 = arith.index_cast %add3A_932 : i32 to index
          %get3A_992 = arith.constant 64 : index
          %get3A_993 = tpu.vector_load %arg10[%get3A_990, %get3A_991, %get3A_992] {strides = array<i32>} : memref<2x128x128xf32, #tpu.memory_space<vmem>>, vector<1x1x16xf32>,
          %get3A_994 = vector.shape_cast %get3A_993 : vector<1x1x16xf32> to vector<16xf32>
          %mul3A_995 = arith.mulf %get3A_994, %gather3A_928 : vector<16xf32>
          %swap3A_996 = arith.constant 0 : i32
          %swap3A_997 = arith.index_cast %swap3A_996 : i32 to index
          %swap3A_998 = arith.index_cast %add3A_932 : i32 to index
          %swap3A_999 = arith.constant 64 : index
          %swap3A_1000 = tpu.vector_load %arg10[%swap3A_997, %swap3A_998, %swap3A_999] {strides = array<i32>} : memref<2x128x128xf32, #tpu.memory_space<vmem>>, vector<1x1x16xf32>,
          %swap3A_1001 = vector.shape_cast %swap3A_1000 : vector<1x1x16xf32> to vector<16xf32>
          %swap3A_1002 = vector.shape_cast %mul3A_995 : vector<16xf32> to vector<1x1x16xf32>
          tpu.vector_store %arg10[%swap3A_997, %swap3A_998, %swap3A_999], %swap3A_1002 {strides = array<i32>} : memref<2x128x128xf32, #tpu.memory_space<vmem>>, vector<1x1x16xf32>,
          %get3A_1003 = arith.constant 0 : i32
          %get3A_1004 = arith.index_cast %get3A_1003 : i32 to index
          %get3A_1005 = arith.index_cast %add3A_932 : i32 to index
          %get3A_1006 = arith.constant 80 : index
          %get3A_1007 = tpu.vector_load %arg10[%get3A_1004, %get3A_1005, %get3A_1006] {strides = array<i32>} : memref<2x128x128xf32, #tpu.memory_space<vmem>>, vector<1x1x16xf32>,
          %get3A_1008 = vector.shape_cast %get3A_1007 : vector<1x1x16xf32> to vector<16xf32>
          %mul3A_1009 = arith.mulf %get3A_1008, %gather3A_928 : vector<16xf32>
          %swap3A_1010 = arith.constant 0 : i32
          %swap3A_1011 = arith.index_cast %swap3A_1010 : i32 to index
          %swap3A_1012 = arith.index_cast %add3A_932 : i32 to index
          %swap3A_1013 = arith.constant 80 : index
          %swap3A_1014 = tpu.vector_load %arg10[%swap3A_1011, %swap3A_1012, %swap3A_1013] {strides = array<i32>} : memref<2x128x128xf32, #tpu.memory_space<vmem>>, vector<1x1x16xf32>,
          %swap3A_1015 = vector.shape_cast %swap3A_1014 : vector<1x1x16xf32> to vector<16xf32>
          %swap3A_1016 = vector.shape_cast %mul3A_1009 : vector<16xf32> to vector<1x1x16xf32>
          tpu.vector_store %arg10[%swap3A_1011, %swap3A_1012, %swap3A_1013], %swap3A_1016 {strides = array<i32>} : memref<2x128x128xf32, #tpu.memory_space<vmem>>, vector<1x1x16xf32>,
          %get3A_1017 = arith.constant 0 : i32
          %get3A_1018 = arith.index_cast %get3A_1017 : i32 to index
          %get3A_1019 = arith.index_cast %add3A_932 : i32 to index
          %get3A_1020 = arith.constant 96 : index
          %get3A_1021 = tpu.vector_load %arg10[%get3A_1018, %get3A_1019, %get3A_1020] {strides = array<i32>} : memref<2x128x128xf32, #tpu.memory_space<vmem>>, vector<1x1x16xf32>,
          %get3A_1022 = vector.shape_cast %get3A_1021 : vector<1x1x16xf32> to vector<16xf32>
          %mul3A_1023 = arith.mulf %get3A_1022, %gather3A_928 : vector<16xf32>
          %swap3A_1024 = arith.constant 0 : i32
          %swap3A_1025 = arith.index_cast %swap3A_1024 : i32 to index
          %swap3A_1026 = arith.index_cast %add3A_932 : i32 to index
          %swap3A_1027 = arith.constant 96 : index
          %swap3A_1028 = tpu.vector_load %arg10[%swap3A_1025, %swap3A_1026, %swap3A_1027] {strides = array<i32>} : memref<2x128x128xf32, #tpu.memory_space<vmem>>, vector<1x1x16xf32>,
          %swap3A_1029 = vector.shape_cast %swap3A_1028 : vector<1x1x16xf32> to vector<16xf32>
          %swap3A_1030 = vector.shape_cast %mul3A_1023 : vector<16xf32> to vector<1x1x16xf32>
          tpu.vector_store %arg10[%swap3A_1025, %swap3A_1026, %swap3A_1027], %swap3A_1030 {strides = array<i32>} : memref<2x128x128xf32, #tpu.memory_space<vmem>>, vector<1x1x16xf32>,
          %get3A_1031 = arith.constant 0 : i32
          %get3A_1032 = arith.index_cast %get3A_1031 : i32 to index
          %get3A_1033 = arith.index_cast %add3A_932 : i32 to index
          %get3A_1034 = arith.constant 112 : index
          %get3A_1035 = tpu.vector_load %arg10[%get3A_1032, %get3A_1033, %get3A_1034] {strides = array<i32>} : memref<2x128x128xf32, #tpu.memory_space<vmem>>, vector<1x1x16xf32>,
          %get3A_1036 = vector.shape_cast %get3A_1035 : vector<1x1x16xf32> to vector<16xf32>
          %mul3A_1037 = arith.mulf %get3A_1036, %gather3A_928 : vector<16xf32>
          %swap3A_1038 = arith.constant 0 : i32
          %swap3A_1039 = arith.index_cast %swap3A_1038 : i32 to index
          %swap3A_1040 = arith.index_cast %add3A_932 : i32 to index
          %swap3A_1041 = arith.constant 112 : index
          %swap3A_1042 = tpu.vector_load %arg10[%swap3A_1039, %swap3A_1040, %swap3A_1041] {strides = array<i32>} : memref<2x128x128xf32, #tpu.memory_space<vmem>>, vector<1x1x16xf32>,
          %swap3A_1043 = vector.shape_cast %swap3A_1042 : vector<1x1x16xf32> to vector<16xf32>
          %swap3A_1044 = vector.shape_cast %mul3A_1037 : vector<16xf32> to vector<1x1x16xf32>
          tpu.vector_store %arg10[%swap3A_1039, %swap3A_1040, %swap3A_1041], %swap3A_1044 {strides = array<i32>} : memref<2x128x128xf32, #tpu.memory_space<vmem>>, vector<1x1x16xf32>,
          %broadcast_in_dim3A_1045 = arith.constant 7 : i32
          %broadcast_in_dim3A_1046 = vector.broadcast %broadcast_in_dim3A_1045 : i32 to vector<16x1xi32>
          %gather3A_1047 = vector.shape_cast %broadcast_in_dim3A_1046 : vector<16x1xi32> to vector<16xi32>
          %gather3A_1048 = tpu.dynamic_gather %get3A_207[%gather3A_1047] in [0] : vector<16xf32>, vector<16xi32> -> vector<16xf32>
          %mul3A_1049 = arith.constant 16 : i32
          %mul3A_1050 = arith.muli %add3A_202, %mul3A_1049 : i32
          %add3A_1051 = arith.constant 7 : i32
          %add3A_1052 = arith.addi %mul3A_1050, %add3A_1051 : i32
          %get3A_1053 = arith.constant 0 : i32
          %get3A_1054 = arith.index_cast %get3A_1053 : i32 to index
          %get3A_1055 = arith.index_cast %add3A_1052 : i32 to index
          %get3A_1056 = arith.constant 0 : index
          %get3A_1057 = tpu.vector_load %arg10[%get3A_1054, %get3A_1055, %get3A_1056] {strides = array<i32>} : memref<2x128x128xf32, #tpu.memory_space<vmem>>, vector<1x1x16xf32>,
          %get3A_1058 = vector.shape_cast %get3A_1057 : vector<1x1x16xf32> to vector<16xf32>
          %mul3A_1059 = arith.mulf %get3A_1058, %gather3A_1048 : vector<16xf32>
          %swap3A_1060 = arith.constant 0 : i32
          %swap3A_1061 = arith.index_cast %swap3A_1060 : i32 to index
          %swap3A_1062 = arith.index_cast %add3A_1052 : i32 to index
          %swap3A_1063 = arith.constant 0 : index
          %swap3A_1064 = tpu.vector_load %arg10[%swap3A_1061, %swap3A_1062, %swap3A_1063] {strides = array<i32>} : memref<2x128x128xf32, #tpu.memory_space<vmem>>, vector<1x1x16xf32>,
          %swap3A_1065 = vector.shape_cast %swap3A_1064 : vector<1x1x16xf32> to vector<16xf32>
          %swap3A_1066 = vector.shape_cast %mul3A_1059 : vector<16xf32> to vector<1x1x16xf32>
          tpu.vector_store %arg10[%swap3A_1061, %swap3A_1062, %swap3A_1063], %swap3A_1066 {strides = array<i32>} : memref<2x128x128xf32, #tpu.memory_space<vmem>>, vector<1x1x16xf32>,
          %get3A_1067 = arith.constant 0 : i32
          %get3A_1068 = arith.index_cast %get3A_1067 : i32 to index
          %get3A_1069 = arith.index_cast %add3A_1052 : i32 to index
          %get3A_1070 = arith.constant 16 : index
          %get3A_1071 = tpu.vector_load %arg10[%get3A_1068, %get3A_1069, %get3A_1070] {strides = array<i32>} : memref<2x128x128xf32, #tpu.memory_space<vmem>>, vector<1x1x16xf32>,
          %get3A_1072 = vector.shape_cast %get3A_1071 : vector<1x1x16xf32> to vector<16xf32>
          %mul3A_1073 = arith.mulf %get3A_1072, %gather3A_1048 : vector<16xf32>
          %swap3A_1074 = arith.constant 0 : i32
          %swap3A_1075 = arith.index_cast %swap3A_1074 : i32 to index
          %swap3A_1076 = arith.index_cast %add3A_1052 : i32 to index
          %swap3A_1077 = arith.constant 16 : index
          %swap3A_1078 = tpu.vector_load %arg10[%swap3A_1075, %swap3A_1076, %swap3A_1077] {strides = array<i32>} : memref<2x128x128xf32, #tpu.memory_space<vmem>>, vector<1x1x16xf32>,
          %swap3A_1079 = vector.shape_cast %swap3A_1078 : vector<1x1x16xf32> to vector<16xf32>
          %swap3A_1080 = vector.shape_cast %mul3A_1073 : vector<16xf32> to vector<1x1x16xf32>
          tpu.vector_store %arg10[%swap3A_1075, %swap3A_1076, %swap3A_1077], %swap3A_1080 {strides = array<i32>} : memref<2x128x128xf32, #tpu.memory_space<vmem>>, vector<1x1x16xf32>,
          %get3A_1081 = arith.constant 0 : i32
          %get3A_1082 = arith.index_cast %get3A_1081 : i32 to index
          %get3A_1083 = arith.index_cast %add3A_1052 : i32 to index
          %get3A_1084 = arith.constant 32 : index
          %get3A_1085 = tpu.vector_load %arg10[%get3A_1082, %get3A_1083, %get3A_1084] {strides = array<i32>} : memref<2x128x128xf32, #tpu.memory_space<vmem>>, vector<1x1x16xf32>,
          %get3A_1086 = vector.shape_cast %get3A_1085 : vector<1x1x16xf32> to vector<16xf32>
          %mul3A_1087 = arith.mulf %get3A_1086, %gather3A_1048 : vector<16xf32>
          %swap3A_1088 = arith.constant 0 : i32
          %swap3A_1089 = arith.index_cast %swap3A_1088 : i32 to index
          %swap3A_1090 = arith.index_cast %add3A_1052 : i32 to index
          %swap3A_1091 = arith.constant 32 : index
          %swap3A_1092 = tpu.vector_load %arg10[%swap3A_1089, %swap3A_1090, %swap3A_1091] {strides = array<i32>} : memref<2x128x128xf32, #tpu.memory_space<vmem>>, vector<1x1x16xf32>,
          %swap3A_1093 = vector.shape_cast %swap3A_1092 : vector<1x1x16xf32> to vector<16xf32>
          %swap3A_1094 = vector.shape_cast %mul3A_1087 : vector<16xf32> to vector<1x1x16xf32>
          tpu.vector_store %arg10[%swap3A_1089, %swap3A_1090, %swap3A_1091], %swap3A_1094 {strides = array<i32>} : memref<2x128x128xf32, #tpu.memory_space<vmem>>, vector<1x1x16xf32>,
          %get3A_1095 = arith.constant 0 : i32
          %get3A_1096 = arith.index_cast %get3A_1095 : i32 to index
          %get3A_1097 = arith.index_cast %add3A_1052 : i32 to index
          %get3A_1098 = arith.constant 48 : index
          %get3A_1099 = tpu.vector_load %arg10[%get3A_1096, %get3A_1097, %get3A_1098] {strides = array<i32>} : memref<2x128x128xf32, #tpu.memory_space<vmem>>, vector<1x1x16xf32>,
          %get3A_1100 = vector.shape_cast %get3A_1099 : vector<1x1x16xf32> to vector<16xf32>
          %mul3A_1101 = arith.mulf %get3A_1100, %gather3A_1048 : vector<16xf32>
          %swap3A_1102 = arith.constant 0 : i32
          %swap3A_1103 = arith.index_cast %swap3A_1102 : i32 to index
          %swap3A_1104 = arith.index_cast %add3A_1052 : i32 to index
          %swap3A_1105 = arith.constant 48 : index
          %swap3A_1106 = tpu.vector_load %arg10[%swap3A_1103, %swap3A_1104, %swap3A_1105] {strides = array<i32>} : memref<2x128x128xf32, #tpu.memory_space<vmem>>, vector<1x1x16xf32>,
          %swap3A_1107 = vector.shape_cast %swap3A_1106 : vector<1x1x16xf32> to vector<16xf32>
          %swap3A_1108 = vector.shape_cast %mul3A_1101 : vector<16xf32> to vector<1x1x16xf32>
          tpu.vector_store %arg10[%swap3A_1103, %swap3A_1104, %swap3A_1105], %swap3A_1108 {strides = array<i32>} : memref<2x128x128xf32, #tpu.memory_space<vmem>>, vector<1x1x16xf32>,
          %get3A_1109 = arith.constant 0 : i32
          %get3A_1110 = arith.index_cast %get3A_1109 : i32 to index
          %get3A_1111 = arith.index_cast %add3A_1052 : i32 to index
          %get3A_1112 = arith.constant 64 : index
          %get3A_1113 = tpu.vector_load %arg10[%get3A_1110, %get3A_1111, %get3A_1112] {strides = array<i32>} : memref<2x128x128xf32, #tpu.memory_space<vmem>>, vector<1x1x16xf32>,
          %get3A_1114 = vector.shape_cast %get3A_1113 : vector<1x1x16xf32> to vector<16xf32>
          %mul3A_1115 = arith.mulf %get3A_1114, %gather3A_1048 : vector<16xf32>
          %swap3A_1116 = arith.constant 0 : i32
          %swap3A_1117 = arith.index_cast %swap3A_1116 : i32 to index
          %swap3A_1118 = arith.index_cast %add3A_1052 : i32 to index
          %swap3A_1119 = arith.constant 64 : index
          %swap3A_1120 = tpu.vector_load %arg10[%swap3A_1117, %swap3A_1118, %swap3A_1119] {strides = array<i32>} : memref<2x128x128xf32, #tpu.memory_space<vmem>>, vector<1x1x16xf32>,
          %swap3A_1121 = vector.shape_cast %swap3A_1120 : vector<1x1x16xf32> to vector<16xf32>
          %swap3A_1122 = vector.shape_cast %mul3A_1115 : vector<16xf32> to vector<1x1x16xf32>
          tpu.vector_store %arg10[%swap3A_1117, %swap3A_1118, %swap3A_1119], %swap3A_1122 {strides = array<i32>} : memref<2x128x128xf32, #tpu.memory_space<vmem>>, vector<1x1x16xf32>,
          %get3A_1123 = arith.constant 0 : i32
          %get3A_1124 = arith.index_cast %get3A_1123 : i32 to index
          %get3A_1125 = arith.index_cast %add3A_1052 : i32 to index
          %get3A_1126 = arith.constant 80 : index
          %get3A_1127 = tpu.vector_load %arg10[%get3A_1124, %get3A_1125, %get3A_1126] {strides = array<i32>} : memref<2x128x128xf32, #tpu.memory_space<vmem>>, vector<1x1x16xf32>,
          %get3A_1128 = vector.shape_cast %get3A_1127 : vector<1x1x16xf32> to vector<16xf32>
          %mul3A_1129 = arith.mulf %get3A_1128, %gather3A_1048 : vector<16xf32>
          %swap3A_1130 = arith.constant 0 : i32
          %swap3A_1131 = arith.index_cast %swap3A_1130 : i32 to index
          %swap3A_1132 = arith.index_cast %add3A_1052 : i32 to index
          %swap3A_1133 = arith.constant 80 : index
          %swap3A_1134 = tpu.vector_load %arg10[%swap3A_1131, %swap3A_1132, %swap3A_1133] {strides = array<i32>} : memref<2x128x128xf32, #tpu.memory_space<vmem>>, vector<1x1x16xf32>,
          %swap3A_1135 = vector.shape_cast %swap3A_1134 : vector<1x1x16xf32> to vector<16xf32>
          %swap3A_1136 = vector.shape_cast %mul3A_1129 : vector<16xf32> to vector<1x1x16xf32>
          tpu.vector_store %arg10[%swap3A_1131, %swap3A_1132, %swap3A_1133], %swap3A_1136 {strides = array<i32>} : memref<2x128x128xf32, #tpu.memory_space<vmem>>, vector<1x1x16xf32>,
          %get3A_1137 = arith.constant 0 : i32
          %get3A_1138 = arith.index_cast %get3A_1137 : i32 to index
          %get3A_1139 = arith.index_cast %add3A_1052 : i32 to index
          %get3A_1140 = arith.constant 96 : index
          %get3A_1141 = tpu.vector_load %arg10[%get3A_1138, %get3A_1139, %get3A_1140] {strides = array<i32>} : memref<2x128x128xf32, #tpu.memory_space<vmem>>, vector<1x1x16xf32>,
          %get3A_1142 = vector.shape_cast %get3A_1141 : vector<1x1x16xf32> to vector<16xf32>
          %mul3A_1143 = arith.mulf %get3A_1142, %gather3A_1048 : vector<16xf32>
          %swap3A_1144 = arith.constant 0 : i32
          %swap3A_1145 = arith.index_cast %swap3A_1144 : i32 to index
          %swap3A_1146 = arith.index_cast %add3A_1052 : i32 to index
          %swap3A_1147 = arith.constant 96 : index
          %swap3A_1148 = tpu.vector_load %arg10[%swap3A_1145, %swap3A_1146, %swap3A_1147] {strides = array<i32>} : memref<2x128x128xf32, #tpu.memory_space<vmem>>, vector<1x1x16xf32>,
          %swap3A_1149 = vector.shape_cast %swap3A_1148 : vector<1x1x16xf32> to vector<16xf32>
          %swap3A_1150 = vector.shape_cast %mul3A_1143 : vector<16xf32> to vector<1x1x16xf32>
          tpu.vector_store %arg10[%swap3A_1145, %swap3A_1146, %swap3A_1147], %swap3A_1150 {strides = array<i32>} : memref<2x128x128xf32, #tpu.memory_space<vmem>>, vector<1x1x16xf32>,
          %get3A_1151 = arith.constant 0 : i32
          %get3A_1152 = arith.index_cast %get3A_1151 : i32 to index
          %get3A_1153 = arith.index_cast %add3A_1052 : i32 to index
          %get3A_1154 = arith.constant 112 : index
          %get3A_1155 = tpu.vector_load %arg10[%get3A_1152, %get3A_1153, %get3A_1154] {strides = array<i32>} : memref<2x128x128xf32, #tpu.memory_space<vmem>>, vector<1x1x16xf32>,
          %get3A_1156 = vector.shape_cast %get3A_1155 : vector<1x1x16xf32> to vector<16xf32>
          %mul3A_1157 = arith.mulf %get3A_1156, %gather3A_1048 : vector<16xf32>
          %swap3A_1158 = arith.constant 0 : i32
          %swap3A_1159 = arith.index_cast %swap3A_1158 : i32 to index
          %swap3A_1160 = arith.index_cast %add3A_1052 : i32 to index
          %swap3A_1161 = arith.constant 112 : index
          %swap3A_1162 = tpu.vector_load %arg10[%swap3A_1159, %swap3A_1160, %swap3A_1161] {strides = array<i32>} : memref<2x128x128xf32, #tpu.memory_space<vmem>>, vector<1x1x16xf32>,
          %swap3A_1163 = vector.shape_cast %swap3A_1162 : vector<1x1x16xf32> to vector<16xf32>
          %swap3A_1164 = vector.shape_cast %mul3A_1157 : vector<16xf32> to vector<1x1x16xf32>
          tpu.vector_store %arg10[%swap3A_1159, %swap3A_1160, %swap3A_1161], %swap3A_1164 {strides = array<i32>} : memref<2x128x128xf32, #tpu.memory_space<vmem>>, vector<1x1x16xf32>,
          %broadcast_in_dim3A_1165 = arith.constant 8 : i32
          %broadcast_in_dim3A_1166 = vector.broadcast %broadcast_in_dim3A_1165 : i32 to vector<16x1xi32>
          %gather3A_1167 = vector.shape_cast %broadcast_in_dim3A_1166 : vector<16x1xi32> to vector<16xi32>
          %gather3A_1168 = tpu.dynamic_gather %get3A_207[%gather3A_1167] in [0] : vector<16xf32>, vector<16xi32> -> vector<16xf32>
          %mul3A_1169 = arith.constant 16 : i32
          %mul3A_1170 = arith.muli %add3A_202, %mul3A_1169 : i32
          %add3A_1171 = arith.constant 8 : i32
          %add3A_1172 = arith.addi %mul3A_1170, %add3A_1171 : i32
          %get3A_1173 = arith.constant 0 : i32
          %get3A_1174 = arith.index_cast %get3A_1173 : i32 to index
          %get3A_1175 = arith.index_cast %add3A_1172 : i32 to index
          %get3A_1176 = arith.constant 0 : index
          %get3A_1177 = tpu.vector_load %arg10[%get3A_1174, %get3A_1175, %get3A_1176] {strides = array<i32>} : memref<2x128x128xf32, #tpu.memory_space<vmem>>, vector<1x1x16xf32>,
          %get3A_1178 = vector.shape_cast %get3A_1177 : vector<1x1x16xf32> to vector<16xf32>
          %mul3A_1179 = arith.mulf %get3A_1178, %gather3A_1168 : vector<16xf32>
          %swap3A_1180 = arith.constant 0 : i32
          %swap3A_1181 = arith.index_cast %swap3A_1180 : i32 to index
          %swap3A_1182 = arith.index_cast %add3A_1172 : i32 to index
          %swap3A_1183 = arith.constant 0 : index
          %swap3A_1184 = tpu.vector_load %arg10[%swap3A_1181, %swap3A_1182, %swap3A_1183] {strides = array<i32>} : memref<2x128x128xf32, #tpu.memory_space<vmem>>, vector<1x1x16xf32>,
          %swap3A_1185 = vector.shape_cast %swap3A_1184 : vector<1x1x16xf32> to vector<16xf32>
          %swap3A_1186 = vector.shape_cast %mul3A_1179 : vector<16xf32> to vector<1x1x16xf32>
          tpu.vector_store %arg10[%swap3A_1181, %swap3A_1182, %swap3A_1183], %swap3A_1186 {strides = array<i32>} : memref<2x128x128xf32, #tpu.memory_space<vmem>>, vector<1x1x16xf32>,
          %get3A_1187 = arith.constant 0 : i32
          %get3A_1188 = arith.index_cast %get3A_1187 : i32 to index
          %get3A_1189 = arith.index_cast %add3A_1172 : i32 to index
          %get3A_1190 = arith.constant 16 : index
          %get3A_1191 = tpu.vector_load %arg10[%get3A_1188, %get3A_1189, %get3A_1190] {strides = array<i32>} : memref<2x128x128xf32, #tpu.memory_space<vmem>>, vector<1x1x16xf32>,
          %get3A_1192 = vector.shape_cast %get3A_1191 : vector<1x1x16xf32> to vector<16xf32>
          %mul3A_1193 = arith.mulf %get3A_1192, %gather3A_1168 : vector<16xf32>
          %swap3A_1194 = arith.constant 0 : i32
          %swap3A_1195 = arith.index_cast %swap3A_1194 : i32 to index
          %swap3A_1196 = arith.index_cast %add3A_1172 : i32 to index
          %swap3A_1197 = arith.constant 16 : index
          %swap3A_1198 = tpu.vector_load %arg10[%swap3A_1195, %swap3A_1196, %swap3A_1197] {strides = array<i32>} : memref<2x128x128xf32, #tpu.memory_space<vmem>>, vector<1x1x16xf32>,
          %swap3A_1199 = vector.shape_cast %swap3A_1198 : vector<1x1x16xf32> to vector<16xf32>
          %swap3A_1200 = vector.shape_cast %mul3A_1193 : vector<16xf32> to vector<1x1x16xf32>
          tpu.vector_store %arg10[%swap3A_1195, %swap3A_1196, %swap3A_1197], %swap3A_1200 {strides = array<i32>} : memref<2x128x128xf32, #tpu.memory_space<vmem>>, vector<1x1x16xf32>,
          %get3A_1201 = arith.constant 0 : i32
          %get3A_1202 = arith.index_cast %get3A_1201 : i32 to index
          %get3A_1203 = arith.index_cast %add3A_1172 : i32 to index
          %get3A_1204 = arith.constant 32 : index
          %get3A_1205 = tpu.vector_load %arg10[%get3A_1202, %get3A_1203, %get3A_1204] {strides = array<i32>} : memref<2x128x128xf32, #tpu.memory_space<vmem>>, vector<1x1x16xf32>,
          %get3A_1206 = vector.shape_cast %get3A_1205 : vector<1x1x16xf32> to vector<16xf32>
          %mul3A_1207 = arith.mulf %get3A_1206, %gather3A_1168 : vector<16xf32>
          %swap3A_1208 = arith.constant 0 : i32
          %swap3A_1209 = arith.index_cast %swap3A_1208 : i32 to index
          %swap3A_1210 = arith.index_cast %add3A_1172 : i32 to index
          %swap3A_1211 = arith.constant 32 : index
          %swap3A_1212 = tpu.vector_load %arg10[%swap3A_1209, %swap3A_1210, %swap3A_1211] {strides = array<i32>} : memref<2x128x128xf32, #tpu.memory_space<vmem>>, vector<1x1x16xf32>,
          %swap3A_1213 = vector.shape_cast %swap3A_1212 : vector<1x1x16xf32> to vector<16xf32>
          %swap3A_1214 = vector.shape_cast %mul3A_1207 : vector<16xf32> to vector<1x1x16xf32>
          tpu.vector_store %arg10[%swap3A_1209, %swap3A_1210, %swap3A_1211], %swap3A_1214 {strides = array<i32>} : memref<2x128x128xf32, #tpu.memory_space<vmem>>, vector<1x1x16xf32>,
          %get3A_1215 = arith.constant 0 : i32
          %get3A_1216 = arith.index_cast %get3A_1215 : i32 to index
          %get3A_1217 = arith.index_cast %add3A_1172 : i32 to index
          %get3A_1218 = arith.constant 48 : index
          %get3A_1219 = tpu.vector_load %arg10[%get3A_1216, %get3A_1217, %get3A_1218] {strides = array<i32>} : memref<2x128x128xf32, #tpu.memory_space<vmem>>, vector<1x1x16xf32>,
          %get3A_1220 = vector.shape_cast %get3A_1219 : vector<1x1x16xf32> to vector<16xf32>
          %mul3A_1221 = arith.mulf %get3A_1220, %gather3A_1168 : vector<16xf32>
          %swap3A_1222 = arith.constant 0 : i32
          %swap3A_1223 = arith.index_cast %swap3A_1222 : i32 to index
          %swap3A_1224 = arith.index_cast %add3A_1172 : i32 to index
          %swap3A_1225 = arith.constant 48 : index
          %swap3A_1226 = tpu.vector_load %arg10[%swap3A_1223, %swap3A_1224, %swap3A_1225] {strides = array<i32>} : memref<2x128x128xf32, #tpu.memory_space<vmem>>, vector<1x1x16xf32>,
          %swap3A_1227 = vector.shape_cast %swap3A_1226 : vector<1x1x16xf32> to vector<16xf32>
          %swap3A_1228 = vector.shape_cast %mul3A_1221 : vector<16xf32> to vector<1x1x16xf32>
          tpu.vector_store %arg10[%swap3A_1223, %swap3A_1224, %swap3A_1225], %swap3A_1228 {strides = array<i32>} : memref<2x128x128xf32, #tpu.memory_space<vmem>>, vector<1x1x16xf32>,
          %get3A_1229 = arith.constant 0 : i32
          %get3A_1230 = arith.index_cast %get3A_1229 : i32 to index
          %get3A_1231 = arith.index_cast %add3A_1172 : i32 to index
          %get3A_1232 = arith.constant 64 : index
          %get3A_1233 = tpu.vector_load %arg10[%get3A_1230, %get3A_1231, %get3A_1232] {strides = array<i32>} : memref<2x128x128xf32, #tpu.memory_space<vmem>>, vector<1x1x16xf32>,
          %get3A_1234 = vector.shape_cast %get3A_1233 : vector<1x1x16xf32> to vector<16xf32>
          %mul3A_1235 = arith.mulf %get3A_1234, %gather3A_1168 : vector<16xf32>
          %swap3A_1236 = arith.constant 0 : i32
          %swap3A_1237 = arith.index_cast %swap3A_1236 : i32 to index
          %swap3A_1238 = arith.index_cast %add3A_1172 : i32 to index
          %swap3A_1239 = arith.constant 64 : index
          %swap3A_1240 = tpu.vector_load %arg10[%swap3A_1237, %swap3A_1238, %swap3A_1239] {strides = array<i32>} : memref<2x128x128xf32, #tpu.memory_space<vmem>>, vector<1x1x16xf32>,
          %swap3A_1241 = vector.shape_cast %swap3A_1240 : vector<1x1x16xf32> to vector<16xf32>
          %swap3A_1242 = vector.shape_cast %mul3A_1235 : vector<16xf32> to vector<1x1x16xf32>
          tpu.vector_store %arg10[%swap3A_1237, %swap3A_1238, %swap3A_1239], %swap3A_1242 {strides = array<i32>} : memref<2x128x128xf32, #tpu.memory_space<vmem>>, vector<1x1x16xf32>,
          %get3A_1243 = arith.constant 0 : i32
          %get3A_1244 = arith.index_cast %get3A_1243 : i32 to index
          %get3A_1245 = arith.index_cast %add3A_1172 : i32 to index
          %get3A_1246 = arith.constant 80 : index
          %get3A_1247 = tpu.vector_load %arg10[%get3A_1244, %get3A_1245, %get3A_1246] {strides = array<i32>} : memref<2x128x128xf32, #tpu.memory_space<vmem>>, vector<1x1x16xf32>,
          %get3A_1248 = vector.shape_cast %get3A_1247 : vector<1x1x16xf32> to vector<16xf32>
          %mul3A_1249 = arith.mulf %get3A_1248, %gather3A_1168 : vector<16xf32>
          %swap3A_1250 = arith.constant 0 : i32
          %swap3A_1251 = arith.index_cast %swap3A_1250 : i32 to index
          %swap3A_1252 = arith.index_cast %add3A_1172 : i32 to index
          %swap3A_1253 = arith.constant 80 : index
          %swap3A_1254 = tpu.vector_load %arg10[%swap3A_1251, %swap3A_1252, %swap3A_1253] {strides = array<i32>} : memref<2x128x128xf32, #tpu.memory_space<vmem>>, vector<1x1x16xf32>,
          %swap3A_1255 = vector.shape_cast %swap3A_1254 : vector<1x1x16xf32> to vector<16xf32>
          %swap3A_1256 = vector.shape_cast %mul3A_1249 : vector<16xf32> to vector<1x1x16xf32>
          tpu.vector_store %arg10[%swap3A_1251, %swap3A_1252, %swap3A_1253], %swap3A_1256 {strides = array<i32>} : memref<2x128x128xf32, #tpu.memory_space<vmem>>, vector<1x1x16xf32>,
          %get3A_1257 = arith.constant 0 : i32
          %get3A_1258 = arith.index_cast %get3A_1257 : i32 to index
          %get3A_1259 = arith.index_cast %add3A_1172 : i32 to index
          %get3A_1260 = arith.constant 96 : index
          %get3A_1261 = tpu.vector_load %arg10[%get3A_1258, %get3A_1259, %get3A_1260] {strides = array<i32>} : memref<2x128x128xf32, #tpu.memory_space<vmem>>, vector<1x1x16xf32>,
          %get3A_1262 = vector.shape_cast %get3A_1261 : vector<1x1x16xf32> to vector<16xf32>
          %mul3A_1263 = arith.mulf %get3A_1262, %gather3A_1168 : vector<16xf32>
          %swap3A_1264 = arith.constant 0 : i32
          %swap3A_1265 = arith.index_cast %swap3A_1264 : i32 to index
          %swap3A_1266 = arith.index_cast %add3A_1172 : i32 to index
          %swap3A_1267 = arith.constant 96 : index
          %swap3A_1268 = tpu.vector_load %arg10[%swap3A_1265, %swap3A_1266, %swap3A_1267] {strides = array<i32>} : memref<2x128x128xf32, #tpu.memory_space<vmem>>, vector<1x1x16xf32>,
          %swap3A_1269 = vector.shape_cast %swap3A_1268 : vector<1x1x16xf32> to vector<16xf32>
          %swap3A_1270 = vector.shape_cast %mul3A_1263 : vector<16xf32> to vector<1x1x16xf32>
          tpu.vector_store %arg10[%swap3A_1265, %swap3A_1266, %swap3A_1267], %swap3A_1270 {strides = array<i32>} : memref<2x128x128xf32, #tpu.memory_space<vmem>>, vector<1x1x16xf32>,
          %get3A_1271 = arith.constant 0 : i32
          %get3A_1272 = arith.index_cast %get3A_1271 : i32 to index
          %get3A_1273 = arith.index_cast %add3A_1172 : i32 to index
          %get3A_1274 = arith.constant 112 : index
          %get3A_1275 = tpu.vector_load %arg10[%get3A_1272, %get3A_1273, %get3A_1274] {strides = array<i32>} : memref<2x128x128xf32, #tpu.memory_space<vmem>>, vector<1x1x16xf32>,
          %get3A_1276 = vector.shape_cast %get3A_1275 : vector<1x1x16xf32> to vector<16xf32>
          %mul3A_1277 = arith.mulf %get3A_1276, %gather3A_1168 : vector<16xf32>
          %swap3A_1278 = arith.constant 0 : i32
          %swap3A_1279 = arith.index_cast %swap3A_1278 : i32 to index
          %swap3A_1280 = arith.index_cast %add3A_1172 : i32 to index
          %swap3A_1281 = arith.constant 112 : index
          %swap3A_1282 = tpu.vector_load %arg10[%swap3A_1279, %swap3A_1280, %swap3A_1281] {strides = array<i32>} : memref<2x128x128xf32, #tpu.memory_space<vmem>>, vector<1x1x16xf32>,
          %swap3A_1283 = vector.shape_cast %swap3A_1282 : vector<1x1x16xf32> to vector<16xf32>
          %swap3A_1284 = vector.shape_cast %mul3A_1277 : vector<16xf32> to vector<1x1x16xf32>
          tpu.vector_store %arg10[%swap3A_1279, %swap3A_1280, %swap3A_1281], %swap3A_1284 {strides = array<i32>} : memref<2x128x128xf32, #tpu.memory_space<vmem>>, vector<1x1x16xf32>,
          %broadcast_in_dim3A_1285 = arith.constant 9 : i32
          %broadcast_in_dim3A_1286 = vector.broadcast %broadcast_in_dim3A_1285 : i32 to vector<16x1xi32>
          %gather3A_1287 = vector.shape_cast %broadcast_in_dim3A_1286 : vector<16x1xi32> to vector<16xi32>
          %gather3A_1288 = tpu.dynamic_gather %get3A_207[%gather3A_1287] in [0] : vector<16xf32>, vector<16xi32> -> vector<16xf32>
          %mul3A_1289 = arith.constant 16 : i32
          %mul3A_1290 = arith.muli %add3A_202, %mul3A_1289 : i32
          %add3A_1291 = arith.constant 9 : i32
          %add3A_1292 = arith.addi %mul3A_1290, %add3A_1291 : i32
          %get3A_1293 = arith.constant 0 : i32
          %get3A_1294 = arith.index_cast %get3A_1293 : i32 to index
          %get3A_1295 = arith.index_cast %add3A_1292 : i32 to index
          %get3A_1296 = arith.constant 0 : index
          %get3A_1297 = tpu.vector_load %arg10[%get3A_1294, %get3A_1295, %get3A_1296] {strides = array<i32>} : memref<2x128x128xf32, #tpu.memory_space<vmem>>, vector<1x1x16xf32>,
          %get3A_1298 = vector.shape_cast %get3A_1297 : vector<1x1x16xf32> to vector<16xf32>
          %mul3A_1299 = arith.mulf %get3A_1298, %gather3A_1288 : vector<16xf32>
          %swap3A_1300 = arith.constant 0 : i32
          %swap3A_1301 = arith.index_cast %swap3A_1300 : i32 to index
          %swap3A_1302 = arith.index_cast %add3A_1292 : i32 to index
          %swap3A_1303 = arith.constant 0 : index
          %swap3A_1304 = tpu.vector_load %arg10[%swap3A_1301, %swap3A_1302, %swap3A_1303] {strides = array<i32>} : memref<2x128x128xf32, #tpu.memory_space<vmem>>, vector<1x1x16xf32>,
          %swap3A_1305 = vector.shape_cast %swap3A_1304 : vector<1x1x16xf32> to vector<16xf32>
          %swap3A_1306 = vector.shape_cast %mul3A_1299 : vector<16xf32> to vector<1x1x16xf32>
          tpu.vector_store %arg10[%swap3A_1301, %swap3A_1302, %swap3A_1303], %swap3A_1306 {strides = array<i32>} : memref<2x128x128xf32, #tpu.memory_space<vmem>>, vector<1x1x16xf32>,
          %get3A_1307 = arith.constant 0 : i32
          %get3A_1308 = arith.index_cast %get3A_1307 : i32 to index
          %get3A_1309 = arith.index_cast %add3A_1292 : i32 to index
          %get3A_1310 = arith.constant 16 : index
          %get3A_1311 = tpu.vector_load %arg10[%get3A_1308, %get3A_1309, %get3A_1310] {strides = array<i32>} : memref<2x128x128xf32, #tpu.memory_space<vmem>>, vector<1x1x16xf32>,
          %get3A_1312 = vector.shape_cast %get3A_1311 : vector<1x1x16xf32> to vector<16xf32>
          %mul3A_1313 = arith.mulf %get3A_1312, %gather3A_1288 : vector<16xf32>
          %swap3A_1314 = arith.constant 0 : i32
          %swap3A_1315 = arith.index_cast %swap3A_1314 : i32 to index
          %swap3A_1316 = arith.index_cast %add3A_1292 : i32 to index
          %swap3A_1317 = arith.constant 16 : index
          %swap3A_1318 = tpu.vector_load %arg10[%swap3A_1315, %swap3A_1316, %swap3A_1317] {strides = array<i32>} : memref<2x128x128xf32, #tpu.memory_space<vmem>>, vector<1x1x16xf32>,
          %swap3A_1319 = vector.shape_cast %swap3A_1318 : vector<1x1x16xf32> to vector<16xf32>
          %swap3A_1320 = vector.shape_cast %mul3A_1313 : vector<16xf32> to vector<1x1x16xf32>
          tpu.vector_store %arg10[%swap3A_1315, %swap3A_1316, %swap3A_1317], %swap3A_1320 {strides = array<i32>} : memref<2x128x128xf32, #tpu.memory_space<vmem>>, vector<1x1x16xf32>,
          %get3A_1321 = arith.constant 0 : i32
          %get3A_1322 = arith.index_cast %get3A_1321 : i32 to index
          %get3A_1323 = arith.index_cast %add3A_1292 : i32 to index
          %get3A_1324 = arith.constant 32 : index
          %get3A_1325 = tpu.vector_load %arg10[%get3A_1322, %get3A_1323, %get3A_1324] {strides = array<i32>} : memref<2x128x128xf32, #tpu.memory_space<vmem>>, vector<1x1x16xf32>,
          %get3A_1326 = vector.shape_cast %get3A_1325 : vector<1x1x16xf32> to vector<16xf32>
          %mul3A_1327 = arith.mulf %get3A_1326, %gather3A_1288 : vector<16xf32>
          %swap3A_1328 = arith.constant 0 : i32
          %swap3A_1329 = arith.index_cast %swap3A_1328 : i32 to index
          %swap3A_1330 = arith.index_cast %add3A_1292 : i32 to index
          %swap3A_1331 = arith.constant 32 : index
          %swap3A_1332 = tpu.vector_load %arg10[%swap3A_1329, %swap3A_1330, %swap3A_1331] {strides = array<i32>} : memref<2x128x128xf32, #tpu.memory_space<vmem>>, vector<1x1x16xf32>,
          %swap3A_1333 = vector.shape_cast %swap3A_1332 : vector<1x1x16xf32> to vector<16xf32>
          %swap3A_1334 = vector.shape_cast %mul3A_1327 : vector<16xf32> to vector<1x1x16xf32>
          tpu.vector_store %arg10[%swap3A_1329, %swap3A_1330, %swap3A_1331], %swap3A_1334 {strides = array<i32>} : memref<2x128x128xf32, #tpu.memory_space<vmem>>, vector<1x1x16xf32>,
          %get3A_1335 = arith.constant 0 : i32
          %get3A_1336 = arith.index_cast %get3A_1335 : i32 to index
          %get3A_1337 = arith.index_cast %add3A_1292 : i32 to index
          %get3A_1338 = arith.constant 48 : index
          %get3A_1339 = tpu.vector_load %arg10[%get3A_1336, %get3A_1337, %get3A_1338] {strides = array<i32>} : memref<2x128x128xf32, #tpu.memory_space<vmem>>, vector<1x1x16xf32>,
          %get3A_1340 = vector.shape_cast %get3A_1339 : vector<1x1x16xf32> to vector<16xf32>
          %mul3A_1341 = arith.mulf %get3A_1340, %gather3A_1288 : vector<16xf32>
          %swap3A_1342 = arith.constant 0 : i32
          %swap3A_1343 = arith.index_cast %swap3A_1342 : i32 to index
          %swap3A_1344 = arith.index_cast %add3A_1292 : i32 to index
          %swap3A_1345 = arith.constant 48 : index
          %swap3A_1346 = tpu.vector_load %arg10[%swap3A_1343, %swap3A_1344, %swap3A_1345] {strides = array<i32>} : memref<2x128x128xf32, #tpu.memory_space<vmem>>, vector<1x1x16xf32>,
          %swap3A_1347 = vector.shape_cast %swap3A_1346 : vector<1x1x16xf32> to vector<16xf32>
          %swap3A_1348 = vector.shape_cast %mul3A_1341 : vector<16xf32> to vector<1x1x16xf32>
          tpu.vector_store %arg10[%swap3A_1343, %swap3A_1344, %swap3A_1345], %swap3A_1348 {strides = array<i32>} : memref<2x128x128xf32, #tpu.memory_space<vmem>>, vector<1x1x16xf32>,
          %get3A_1349 = arith.constant 0 : i32
          %get3A_1350 = arith.index_cast %get3A_1349 : i32 to index
          %get3A_1351 = arith.index_cast %add3A_1292 : i32 to index
          %get3A_1352 = arith.constant 64 : index
          %get3A_1353 = tpu.vector_load %arg10[%get3A_1350, %get3A_1351, %get3A_1352] {strides = array<i32>} : memref<2x128x128xf32, #tpu.memory_space<vmem>>, vector<1x1x16xf32>,
          %get3A_1354 = vector.shape_cast %get3A_1353 : vector<1x1x16xf32> to vector<16xf32>
          %mul3A_1355 = arith.mulf %get3A_1354, %gather3A_1288 : vector<16xf32>
          %swap3A_1356 = arith.constant 0 : i32
          %swap3A_1357 = arith.index_cast %swap3A_1356 : i32 to index
          %swap3A_1358 = arith.index_cast %add3A_1292 : i32 to index
          %swap3A_1359 = arith.constant 64 : index
          %swap3A_1360 = tpu.vector_load %arg10[%swap3A_1357, %swap3A_1358, %swap3A_1359] {strides = array<i32>} : memref<2x128x128xf32, #tpu.memory_space<vmem>>, vector<1x1x16xf32>,
          %swap3A_1361 = vector.shape_cast %swap3A_1360 : vector<1x1x16xf32> to vector<16xf32>
          %swap3A_1362 = vector.shape_cast %mul3A_1355 : vector<16xf32> to vector<1x1x16xf32>
          tpu.vector_store %arg10[%swap3A_1357, %swap3A_1358, %swap3A_1359], %swap3A_1362 {strides = array<i32>} : memref<2x128x128xf32, #tpu.memory_space<vmem>>, vector<1x1x16xf32>,
          %get3A_1363 = arith.constant 0 : i32
          %get3A_1364 = arith.index_cast %get3A_1363 : i32 to index
          %get3A_1365 = arith.index_cast %add3A_1292 : i32 to index
          %get3A_1366 = arith.constant 80 : index
          %get3A_1367 = tpu.vector_load %arg10[%get3A_1364, %get3A_1365, %get3A_1366] {strides = array<i32>} : memref<2x128x128xf32, #tpu.memory_space<vmem>>, vector<1x1x16xf32>,
          %get3A_1368 = vector.shape_cast %get3A_1367 : vector<1x1x16xf32> to vector<16xf32>
          %mul3A_1369 = arith.mulf %get3A_1368, %gather3A_1288 : vector<16xf32>
          %swap3A_1370 = arith.constant 0 : i32
          %swap3A_1371 = arith.index_cast %swap3A_1370 : i32 to index
          %swap3A_1372 = arith.index_cast %add3A_1292 : i32 to index
          %swap3A_1373 = arith.constant 80 : index
          %swap3A_1374 = tpu.vector_load %arg10[%swap3A_1371, %swap3A_1372, %swap3A_1373] {strides = array<i32>} : memref<2x128x128xf32, #tpu.memory_space<vmem>>, vector<1x1x16xf32>,
          %swap3A_1375 = vector.shape_cast %swap3A_1374 : vector<1x1x16xf32> to vector<16xf32>
          %swap3A_1376 = vector.shape_cast %mul3A_1369 : vector<16xf32> to vector<1x1x16xf32>
          tpu.vector_store %arg10[%swap3A_1371, %swap3A_1372, %swap3A_1373], %swap3A_1376 {strides = array<i32>} : memref<2x128x128xf32, #tpu.memory_space<vmem>>, vector<1x1x16xf32>,
          %get3A_1377 = arith.constant 0 : i32
          %get3A_1378 = arith.index_cast %get3A_1377 : i32 to index
          %get3A_1379 = arith.index_cast %add3A_1292 : i32 to index
          %get3A_1380 = arith.constant 96 : index
          %get3A_1381 = tpu.vector_load %arg10[%get3A_1378, %get3A_1379, %get3A_1380] {strides = array<i32>} : memref<2x128x128xf32, #tpu.memory_space<vmem>>, vector<1x1x16xf32>,
          %get3A_1382 = vector.shape_cast %get3A_1381 : vector<1x1x16xf32> to vector<16xf32>
          %mul3A_1383 = arith.mulf %get3A_1382, %gather3A_1288 : vector<16xf32>
          %swap3A_1384 = arith.constant 0 : i32
          %swap3A_1385 = arith.index_cast %swap3A_1384 : i32 to index
          %swap3A_1386 = arith.index_cast %add3A_1292 : i32 to index
          %swap3A_1387 = arith.constant 96 : index
          %swap3A_1388 = tpu.vector_load %arg10[%swap3A_1385, %swap3A_1386, %swap3A_1387] {strides = array<i32>} : memref<2x128x128xf32, #tpu.memory_space<vmem>>, vector<1x1x16xf32>,
          %swap3A_1389 = vector.shape_cast %swap3A_1388 : vector<1x1x16xf32> to vector<16xf32>
          %swap3A_1390 = vector.shape_cast %mul3A_1383 : vector<16xf32> to vector<1x1x16xf32>
          tpu.vector_store %arg10[%swap3A_1385, %swap3A_1386, %swap3A_1387], %swap3A_1390 {strides = array<i32>} : memref<2x128x128xf32, #tpu.memory_space<vmem>>, vector<1x1x16xf32>,
          %get3A_1391 = arith.constant 0 : i32
          %get3A_1392 = arith.index_cast %get3A_1391 : i32 to index
          %get3A_1393 = arith.index_cast %add3A_1292 : i32 to index
          %get3A_1394 = arith.constant 112 : index
          %get3A_1395 = tpu.vector_load %arg10[%get3A_1392, %get3A_1393, %get3A_1394] {strides = array<i32>} : memref<2x128x128xf32, #tpu.memory_space<vmem>>, vector<1x1x16xf32>,
          %get3A_1396 = vector.shape_cast %get3A_1395 : vector<1x1x16xf32> to vector<16xf32>
          %mul3A_1397 = arith.mulf %get3A_1396, %gather3A_1288 : vector<16xf32>
          %swap3A_1398 = arith.constant 0 : i32
          %swap3A_1399 = arith.index_cast %swap3A_1398 : i32 to index
          %swap3A_1400 = arith.index_cast %add3A_1292 : i32 to index
          %swap3A_1401 = arith.constant 112 : index
          %swap3A_1402 = tpu.vector_load %arg10[%swap3A_1399, %swap3A_1400, %swap3A_1401] {strides = array<i32>} : memref<2x128x128xf32, #tpu.memory_space<vmem>>, vector<1x1x16xf32>,
          %swap3A_1403 = vector.shape_cast %swap3A_1402 : vector<1x1x16xf32> to vector<16xf32>
          %swap3A_1404 = vector.shape_cast %mul3A_1397 : vector<16xf32> to vector<1x1x16xf32>
          tpu.vector_store %arg10[%swap3A_1399, %swap3A_1400, %swap3A_1401], %swap3A_1404 {strides = array<i32>} : memref<2x128x128xf32, #tpu.memory_space<vmem>>, vector<1x1x16xf32>,
          %broadcast_in_dim3A_1405 = arith.constant 10 : i32
          %broadcast_in_dim3A_1406 = vector.broadcast %broadcast_in_dim3A_1405 : i32 to vector<16x1xi32>
          %gather3A_1407 = vector.shape_cast %broadcast_in_dim3A_1406 : vector<16x1xi32> to vector<16xi32>
          %gather3A_1408 = tpu.dynamic_gather %get3A_207[%gather3A_1407] in [0] : vector<16xf32>, vector<16xi32> -> vector<16xf32>
          %mul3A_1409 = arith.constant 16 : i32
          %mul3A_1410 = arith.muli %add3A_202, %mul3A_1409 : i32
          %add3A_1411 = arith.constant 10 : i32
          %add3A_1412 = arith.addi %mul3A_1410, %add3A_1411 : i32
          %get3A_1413 = arith.constant 0 : i32
          %get3A_1414 = arith.index_cast %get3A_1413 : i32 to index
          %get3A_1415 = arith.index_cast %add3A_1412 : i32 to index
          %get3A_1416 = arith.constant 0 : index
          %get3A_1417 = tpu.vector_load %arg10[%get3A_1414, %get3A_1415, %get3A_1416] {strides = array<i32>} : memref<2x128x128xf32, #tpu.memory_space<vmem>>, vector<1x1x16xf32>,
          %get3A_1418 = vector.shape_cast %get3A_1417 : vector<1x1x16xf32> to vector<16xf32>
          %mul3A_1419 = arith.mulf %get3A_1418, %gather3A_1408 : vector<16xf32>
          %swap3A_1420 = arith.constant 0 : i32
          %swap3A_1421 = arith.index_cast %swap3A_1420 : i32 to index
          %swap3A_1422 = arith.index_cast %add3A_1412 : i32 to index
          %swap3A_1423 = arith.constant 0 : index
          %swap3A_1424 = tpu.vector_load %arg10[%swap3A_1421, %swap3A_1422, %swap3A_1423] {strides = array<i32>} : memref<2x128x128xf32, #tpu.memory_space<vmem>>, vector<1x1x16xf32>,
          %swap3A_1425 = vector.shape_cast %swap3A_1424 : vector<1x1x16xf32> to vector<16xf32>
          %swap3A_1426 = vector.shape_cast %mul3A_1419 : vector<16xf32> to vector<1x1x16xf32>
          tpu.vector_store %arg10[%swap3A_1421, %swap3A_1422, %swap3A_1423], %swap3A_1426 {strides = array<i32>} : memref<2x128x128xf32, #tpu.memory_space<vmem>>, vector<1x1x16xf32>,
          %get3A_1427 = arith.constant 0 : i32
          %get3A_1428 = arith.index_cast %get3A_1427 : i32 to index
          %get3A_1429 = arith.index_cast %add3A_1412 : i32 to index
          %get3A_1430 = arith.constant 16 : index
          %get3A_1431 = tpu.vector_load %arg10[%get3A_1428, %get3A_1429, %get3A_1430] {strides = array<i32>} : memref<2x128x128xf32, #tpu.memory_space<vmem>>, vector<1x1x16xf32>,
          %get3A_1432 = vector.shape_cast %get3A_1431 : vector<1x1x16xf32> to vector<16xf32>
          %mul3A_1433 = arith.mulf %get3A_1432, %gather3A_1408 : vector<16xf32>
          %swap3A_1434 = arith.constant 0 : i32
          %swap3A_1435 = arith.index_cast %swap3A_1434 : i32 to index
          %swap3A_1436 = arith.index_cast %add3A_1412 : i32 to index
          %swap3A_1437 = arith.constant 16 : index
          %swap3A_1438 = tpu.vector_load %arg10[%swap3A_1435, %swap3A_1436, %swap3A_1437] {strides = array<i32>} : memref<2x128x128xf32, #tpu.memory_space<vmem>>, vector<1x1x16xf32>,
          %swap3A_1439 = vector.shape_cast %swap3A_1438 : vector<1x1x16xf32> to vector<16xf32>
          %swap3A_1440 = vector.shape_cast %mul3A_1433 : vector<16xf32> to vector<1x1x16xf32>
          tpu.vector_store %arg10[%swap3A_1435, %swap3A_1436, %swap3A_1437], %swap3A_1440 {strides = array<i32>} : memref<2x128x128xf32, #tpu.memory_space<vmem>>, vector<1x1x16xf32>,
          %get3A_1441 = arith.constant 0 : i32
          %get3A_1442 = arith.index_cast %get3A_1441 : i32 to index
          %get3A_1443 = arith.index_cast %add3A_1412 : i32 to index
          %get3A_1444 = arith.constant 32 : index
          %get3A_1445 = tpu.vector_load %arg10[%get3A_1442, %get3A_1443, %get3A_1444] {strides = array<i32>} : memref<2x128x128xf32, #tpu.memory_space<vmem>>, vector<1x1x16xf32>,
          %get3A_1446 = vector.shape_cast %get3A_1445 : vector<1x1x16xf32> to vector<16xf32>
          %mul3A_1447 = arith.mulf %get3A_1446, %gather3A_1408 : vector<16xf32>
          %swap3A_1448 = arith.constant 0 : i32
          %swap3A_1449 = arith.index_cast %swap3A_1448 : i32 to index
          %swap3A_1450 = arith.index_cast %add3A_1412 : i32 to index
          %swap3A_1451 = arith.constant 32 : index
          %swap3A_1452 = tpu.vector_load %arg10[%swap3A_1449, %swap3A_1450, %swap3A_1451] {strides = array<i32>} : memref<2x128x128xf32, #tpu.memory_space<vmem>>, vector<1x1x16xf32>,
          %swap3A_1453 = vector.shape_cast %swap3A_1452 : vector<1x1x16xf32> to vector<16xf32>
          %swap3A_1454 = vector.shape_cast %mul3A_1447 : vector<16xf32> to vector<1x1x16xf32>
          tpu.vector_store %arg10[%swap3A_1449, %swap3A_1450, %swap3A_1451], %swap3A_1454 {strides = array<i32>} : memref<2x128x128xf32, #tpu.memory_space<vmem>>, vector<1x1x16xf32>,
          %get3A_1455 = arith.constant 0 : i32
          %get3A_1456 = arith.index_cast %get3A_1455 : i32 to index
          %get3A_1457 = arith.index_cast %add3A_1412 : i32 to index
          %get3A_1458 = arith.constant 48 : index
          %get3A_1459 = tpu.vector_load %arg10[%get3A_1456, %get3A_1457, %get3A_1458] {strides = array<i32>} : memref<2x128x128xf32, #tpu.memory_space<vmem>>, vector<1x1x16xf32>,
          %get3A_1460 = vector.shape_cast %get3A_1459 : vector<1x1x16xf32> to vector<16xf32>
          %mul3A_1461 = arith.mulf %get3A_1460, %gather3A_1408 : vector<16xf32>
          %swap3A_1462 = arith.constant 0 : i32
          %swap3A_1463 = arith.index_cast %swap3A_1462 : i32 to index
          %swap3A_1464 = arith.index_cast %add3A_1412 : i32 to index
          %swap3A_1465 = arith.constant 48 : index
          %swap3A_1466 = tpu.vector_load %arg10[%swap3A_1463, %swap3A_1464, %swap3A_1465] {strides = array<i32>} : memref<2x128x128xf32, #tpu.memory_space<vmem>>, vector<1x1x16xf32>,
          %swap3A_1467 = vector.shape_cast %swap3A_1466 : vector<1x1x16xf32> to vector<16xf32>
          %swap3A_1468 = vector.shape_cast %mul3A_1461 : vector<16xf32> to vector<1x1x16xf32>
          tpu.vector_store %arg10[%swap3A_1463, %swap3A_1464, %swap3A_1465], %swap3A_1468 {strides = array<i32>} : memref<2x128x128xf32, #tpu.memory_space<vmem>>, vector<1x1x16xf32>,
          %get3A_1469 = arith.constant 0 : i32
          %get3A_1470 = arith.index_cast %get3A_1469 : i32 to index
          %get3A_1471 = arith.index_cast %add3A_1412 : i32 to index
          %get3A_1472 = arith.constant 64 : index
          %get3A_1473 = tpu.vector_load %arg10[%get3A_1470, %get3A_1471, %get3A_1472] {strides = array<i32>} : memref<2x128x128xf32, #tpu.memory_space<vmem>>, vector<1x1x16xf32>,
          %get3A_1474 = vector.shape_cast %get3A_1473 : vector<1x1x16xf32> to vector<16xf32>
          %mul3A_1475 = arith.mulf %get3A_1474, %gather3A_1408 : vector<16xf32>
          %swap3A_1476 = arith.constant 0 : i32
          %swap3A_1477 = arith.index_cast %swap3A_1476 : i32 to index
          %swap3A_1478 = arith.index_cast %add3A_1412 : i32 to index
          %swap3A_1479 = arith.constant 64 : index
          %swap3A_1480 = tpu.vector_load %arg10[%swap3A_1477, %swap3A_1478, %swap3A_1479] {strides = array<i32>} : memref<2x128x128xf32, #tpu.memory_space<vmem>>, vector<1x1x16xf32>,
          %swap3A_1481 = vector.shape_cast %swap3A_1480 : vector<1x1x16xf32> to vector<16xf32>
          %swap3A_1482 = vector.shape_cast %mul3A_1475 : vector<16xf32> to vector<1x1x16xf32>
          tpu.vector_store %arg10[%swap3A_1477, %swap3A_1478, %swap3A_1479], %swap3A_1482 {strides = array<i32>} : memref<2x128x128xf32, #tpu.memory_space<vmem>>, vector<1x1x16xf32>,
          %get3A_1483 = arith.constant 0 : i32
          %get3A_1484 = arith.index_cast %get3A_1483 : i32 to index
          %get3A_1485 = arith.index_cast %add3A_1412 : i32 to index
          %get3A_1486 = arith.constant 80 : index
          %get3A_1487 = tpu.vector_load %arg10[%get3A_1484, %get3A_1485, %get3A_1486] {strides = array<i32>} : memref<2x128x128xf32, #tpu.memory_space<vmem>>, vector<1x1x16xf32>,
          %get3A_1488 = vector.shape_cast %get3A_1487 : vector<1x1x16xf32> to vector<16xf32>
          %mul3A_1489 = arith.mulf %get3A_1488, %gather3A_1408 : vector<16xf32>
          %swap3A_1490 = arith.constant 0 : i32
          %swap3A_1491 = arith.index_cast %swap3A_1490 : i32 to index
          %swap3A_1492 = arith.index_cast %add3A_1412 : i32 to index
          %swap3A_1493 = arith.constant 80 : index
          %swap3A_1494 = tpu.vector_load %arg10[%swap3A_1491, %swap3A_1492, %swap3A_1493] {strides = array<i32>} : memref<2x128x128xf32, #tpu.memory_space<vmem>>, vector<1x1x16xf32>,
          %swap3A_1495 = vector.shape_cast %swap3A_1494 : vector<1x1x16xf32> to vector<16xf32>
          %swap3A_1496 = vector.shape_cast %mul3A_1489 : vector<16xf32> to vector<1x1x16xf32>
          tpu.vector_store %arg10[%swap3A_1491, %swap3A_1492, %swap3A_1493], %swap3A_1496 {strides = array<i32>} : memref<2x128x128xf32, #tpu.memory_space<vmem>>, vector<1x1x16xf32>,
          %get3A_1497 = arith.constant 0 : i32
          %get3A_1498 = arith.index_cast %get3A_1497 : i32 to index
          %get3A_1499 = arith.index_cast %add3A_1412 : i32 to index
          %get3A_1500 = arith.constant 96 : index
          %get3A_1501 = tpu.vector_load %arg10[%get3A_1498, %get3A_1499, %get3A_1500] {strides = array<i32>} : memref<2x128x128xf32, #tpu.memory_space<vmem>>, vector<1x1x16xf32>,
          %get3A_1502 = vector.shape_cast %get3A_1501 : vector<1x1x16xf32> to vector<16xf32>
          %mul3A_1503 = arith.mulf %get3A_1502, %gather3A_1408 : vector<16xf32>
          %swap3A_1504 = arith.constant 0 : i32
          %swap3A_1505 = arith.index_cast %swap3A_1504 : i32 to index
          %swap3A_1506 = arith.index_cast %add3A_1412 : i32 to index
          %swap3A_1507 = arith.constant 96 : index
          %swap3A_1508 = tpu.vector_load %arg10[%swap3A_1505, %swap3A_1506, %swap3A_1507] {strides = array<i32>} : memref<2x128x128xf32, #tpu.memory_space<vmem>>, vector<1x1x16xf32>,
          %swap3A_1509 = vector.shape_cast %swap3A_1508 : vector<1x1x16xf32> to vector<16xf32>
          %swap3A_1510 = vector.shape_cast %mul3A_1503 : vector<16xf32> to vector<1x1x16xf32>
          tpu.vector_store %arg10[%swap3A_1505, %swap3A_1506, %swap3A_1507], %swap3A_1510 {strides = array<i32>} : memref<2x128x128xf32, #tpu.memory_space<vmem>>, vector<1x1x16xf32>,
          %get3A_1511 = arith.constant 0 : i32
          %get3A_1512 = arith.index_cast %get3A_1511 : i32 to index
          %get3A_1513 = arith.index_cast %add3A_1412 : i32 to index
          %get3A_1514 = arith.constant 112 : index
          %get3A_1515 = tpu.vector_load %arg10[%get3A_1512, %get3A_1513, %get3A_1514] {strides = array<i32>} : memref<2x128x128xf32, #tpu.memory_space<vmem>>, vector<1x1x16xf32>,
          %get3A_1516 = vector.shape_cast %get3A_1515 : vector<1x1x16xf32> to vector<16xf32>
          %mul3A_1517 = arith.mulf %get3A_1516, %gather3A_1408 : vector<16xf32>
          %swap3A_1518 = arith.constant 0 : i32
          %swap3A_1519 = arith.index_cast %swap3A_1518 : i32 to index
          %swap3A_1520 = arith.index_cast %add3A_1412 : i32 to index
          %swap3A_1521 = arith.constant 112 : index
          %swap3A_1522 = tpu.vector_load %arg10[%swap3A_1519, %swap3A_1520, %swap3A_1521] {strides = array<i32>} : memref<2x128x128xf32, #tpu.memory_space<vmem>>, vector<1x1x16xf32>,
          %swap3A_1523 = vector.shape_cast %swap3A_1522 : vector<1x1x16xf32> to vector<16xf32>
          %swap3A_1524 = vector.shape_cast %mul3A_1517 : vector<16xf32> to vector<1x1x16xf32>
          tpu.vector_store %arg10[%swap3A_1519, %swap3A_1520, %swap3A_1521], %swap3A_1524 {strides = array<i32>} : memref<2x128x128xf32, #tpu.memory_space<vmem>>, vector<1x1x16xf32>,
          %broadcast_in_dim3A_1525 = arith.constant 11 : i32
          %broadcast_in_dim3A_1526 = vector.broadcast %broadcast_in_dim3A_1525 : i32 to vector<16x1xi32>
          %gather3A_1527 = vector.shape_cast %broadcast_in_dim3A_1526 : vector<16x1xi32> to vector<16xi32>
          %gather3A_1528 = tpu.dynamic_gather %get3A_207[%gather3A_1527] in [0] : vector<16xf32>, vector<16xi32> -> vector<16xf32>
          %mul3A_1529 = arith.constant 16 : i32
          %mul3A_1530 = arith.muli %add3A_202, %mul3A_1529 : i32
          %add3A_1531 = arith.constant 11 : i32
          %add3A_1532 = arith.addi %mul3A_1530, %add3A_1531 : i32
          %get3A_1533 = arith.constant 0 : i32
          %get3A_1534 = arith.index_cast %get3A_1533 : i32 to index
          %get3A_1535 = arith.index_cast %add3A_1532 : i32 to index
          %get3A_1536 = arith.constant 0 : index
          %get3A_1537 = tpu.vector_load %arg10[%get3A_1534, %get3A_1535, %get3A_1536] {strides = array<i32>} : memref<2x128x128xf32, #tpu.memory_space<vmem>>, vector<1x1x16xf32>,
          %get3A_1538 = vector.shape_cast %get3A_1537 : vector<1x1x16xf32> to vector<16xf32>
          %mul3A_1539 = arith.mulf %get3A_1538, %gather3A_1528 : vector<16xf32>
          %swap3A_1540 = arith.constant 0 : i32
          %swap3A_1541 = arith.index_cast %swap3A_1540 : i32 to index
          %swap3A_1542 = arith.index_cast %add3A_1532 : i32 to index
          %swap3A_1543 = arith.constant 0 : index
          %swap3A_1544 = tpu.vector_load %arg10[%swap3A_1541, %swap3A_1542, %swap3A_1543] {strides = array<i32>} : memref<2x128x128xf32, #tpu.memory_space<vmem>>, vector<1x1x16xf32>,
          %swap3A_1545 = vector.shape_cast %swap3A_1544 : vector<1x1x16xf32> to vector<16xf32>
          %swap3A_1546 = vector.shape_cast %mul3A_1539 : vector<16xf32> to vector<1x1x16xf32>
          tpu.vector_store %arg10[%swap3A_1541, %swap3A_1542, %swap3A_1543], %swap3A_1546 {strides = array<i32>} : memref<2x128x128xf32, #tpu.memory_space<vmem>>, vector<1x1x16xf32>,
          %get3A_1547 = arith.constant 0 : i32
          %get3A_1548 = arith.index_cast %get3A_1547 : i32 to index
          %get3A_1549 = arith.index_cast %add3A_1532 : i32 to index
          %get3A_1550 = arith.constant 16 : index
          %get3A_1551 = tpu.vector_load %arg10[%get3A_1548, %get3A_1549, %get3A_1550] {strides = array<i32>} : memref<2x128x128xf32, #tpu.memory_space<vmem>>, vector<1x1x16xf32>,
          %get3A_1552 = vector.shape_cast %get3A_1551 : vector<1x1x16xf32> to vector<16xf32>
          %mul3A_1553 = arith.mulf %get3A_1552, %gather3A_1528 : vector<16xf32>
          %swap3A_1554 = arith.constant 0 : i32
          %swap3A_1555 = arith.index_cast %swap3A_1554 : i32 to index
          %swap3A_1556 = arith.index_cast %add3A_1532 : i32 to index
          %swap3A_1557 = arith.constant 16 : index
          %swap3A_1558 = tpu.vector_load %arg10[%swap3A_1555, %swap3A_1556, %swap3A_1557] {strides = array<i32>} : memref<2x128x128xf32, #tpu.memory_space<vmem>>, vector<1x1x16xf32>,
          %swap3A_1559 = vector.shape_cast %swap3A_1558 : vector<1x1x16xf32> to vector<16xf32>
          %swap3A_1560 = vector.shape_cast %mul3A_1553 : vector<16xf32> to vector<1x1x16xf32>
          tpu.vector_store %arg10[%swap3A_1555, %swap3A_1556, %swap3A_1557], %swap3A_1560 {strides = array<i32>} : memref<2x128x128xf32, #tpu.memory_space<vmem>>, vector<1x1x16xf32>,
          %get3A_1561 = arith.constant 0 : i32
          %get3A_1562 = arith.index_cast %get3A_1561 : i32 to index
          %get3A_1563 = arith.index_cast %add3A_1532 : i32 to index
          %get3A_1564 = arith.constant 32 : index
          %get3A_1565 = tpu.vector_load %arg10[%get3A_1562, %get3A_1563, %get3A_1564] {strides = array<i32>} : memref<2x128x128xf32, #tpu.memory_space<vmem>>, vector<1x1x16xf32>,
          %get3A_1566 = vector.shape_cast %get3A_1565 : vector<1x1x16xf32> to vector<16xf32>
          %mul3A_1567 = arith.mulf %get3A_1566, %gather3A_1528 : vector<16xf32>
          %swap3A_1568 = arith.constant 0 : i32
          %swap3A_1569 = arith.index_cast %swap3A_1568 : i32 to index
          %swap3A_1570 = arith.index_cast %add3A_1532 : i32 to index
          %swap3A_1571 = arith.constant 32 : index
          %swap3A_1572 = tpu.vector_load %arg10[%swap3A_1569, %swap3A_1570, %swap3A_1571] {strides = array<i32>} : memref<2x128x128xf32, #tpu.memory_space<vmem>>, vector<1x1x16xf32>,
          %swap3A_1573 = vector.shape_cast %swap3A_1572 : vector<1x1x16xf32> to vector<16xf32>
          %swap3A_1574 = vector.shape_cast %mul3A_1567 : vector<16xf32> to vector<1x1x16xf32>
          tpu.vector_store %arg10[%swap3A_1569, %swap3A_1570, %swap3A_1571], %swap3A_1574 {strides = array<i32>} : memref<2x128x128xf32, #tpu.memory_space<vmem>>, vector<1x1x16xf32>,
          %get3A_1575 = arith.constant 0 : i32
          %get3A_1576 = arith.index_cast %get3A_1575 : i32 to index
          %get3A_1577 = arith.index_cast %add3A_1532 : i32 to index
          %get3A_1578 = arith.constant 48 : index
          %get3A_1579 = tpu.vector_load %arg10[%get3A_1576, %get3A_1577, %get3A_1578] {strides = array<i32>} : memref<2x128x128xf32, #tpu.memory_space<vmem>>, vector<1x1x16xf32>,
          %get3A_1580 = vector.shape_cast %get3A_1579 : vector<1x1x16xf32> to vector<16xf32>
          %mul3A_1581 = arith.mulf %get3A_1580, %gather3A_1528 : vector<16xf32>
          %swap3A_1582 = arith.constant 0 : i32
          %swap3A_1583 = arith.index_cast %swap3A_1582 : i32 to index
          %swap3A_1584 = arith.index_cast %add3A_1532 : i32 to index
          %swap3A_1585 = arith.constant 48 : index
          %swap3A_1586 = tpu.vector_load %arg10[%swap3A_1583, %swap3A_1584, %swap3A_1585] {strides = array<i32>} : memref<2x128x128xf32, #tpu.memory_space<vmem>>, vector<1x1x16xf32>,
          %swap3A_1587 = vector.shape_cast %swap3A_1586 : vector<1x1x16xf32> to vector<16xf32>
          %swap3A_1588 = vector.shape_cast %mul3A_1581 : vector<16xf32> to vector<1x1x16xf32>
          tpu.vector_store %arg10[%swap3A_1583, %swap3A_1584, %swap3A_1585], %swap3A_1588 {strides = array<i32>} : memref<2x128x128xf32, #tpu.memory_space<vmem>>, vector<1x1x16xf32>,
          %get3A_1589 = arith.constant 0 : i32
          %get3A_1590 = arith.index_cast %get3A_1589 : i32 to index
          %get3A_1591 = arith.index_cast %add3A_1532 : i32 to index
          %get3A_1592 = arith.constant 64 : index
          %get3A_1593 = tpu.vector_load %arg10[%get3A_1590, %get3A_1591, %get3A_1592] {strides = array<i32>} : memref<2x128x128xf32, #tpu.memory_space<vmem>>, vector<1x1x16xf32>,
          %get3A_1594 = vector.shape_cast %get3A_1593 : vector<1x1x16xf32> to vector<16xf32>
          %mul3A_1595 = arith.mulf %get3A_1594, %gather3A_1528 : vector<16xf32>
          %swap3A_1596 = arith.constant 0 : i32
          %swap3A_1597 = arith.index_cast %swap3A_1596 : i32 to index
          %swap3A_1598 = arith.index_cast %add3A_1532 : i32 to index
          %swap3A_1599 = arith.constant 64 : index
          %swap3A_1600 = tpu.vector_load %arg10[%swap3A_1597, %swap3A_1598, %swap3A_1599] {strides = array<i32>} : memref<2x128x128xf32, #tpu.memory_space<vmem>>, vector<1x1x16xf32>,
          %swap3A_1601 = vector.shape_cast %swap3A_1600 : vector<1x1x16xf32> to vector<16xf32>
          %swap3A_1602 = vector.shape_cast %mul3A_1595 : vector<16xf32> to vector<1x1x16xf32>
          tpu.vector_store %arg10[%swap3A_1597, %swap3A_1598, %swap3A_1599], %swap3A_1602 {strides = array<i32>} : memref<2x128x128xf32, #tpu.memory_space<vmem>>, vector<1x1x16xf32>,
          %get3A_1603 = arith.constant 0 : i32
          %get3A_1604 = arith.index_cast %get3A_1603 : i32 to index
          %get3A_1605 = arith.index_cast %add3A_1532 : i32 to index
          %get3A_1606 = arith.constant 80 : index
          %get3A_1607 = tpu.vector_load %arg10[%get3A_1604, %get3A_1605, %get3A_1606] {strides = array<i32>} : memref<2x128x128xf32, #tpu.memory_space<vmem>>, vector<1x1x16xf32>,
          %get3A_1608 = vector.shape_cast %get3A_1607 : vector<1x1x16xf32> to vector<16xf32>
          %mul3A_1609 = arith.mulf %get3A_1608, %gather3A_1528 : vector<16xf32>
          %swap3A_1610 = arith.constant 0 : i32
          %swap3A_1611 = arith.index_cast %swap3A_1610 : i32 to index
          %swap3A_1612 = arith.index_cast %add3A_1532 : i32 to index
          %swap3A_1613 = arith.constant 80 : index
          %swap3A_1614 = tpu.vector_load %arg10[%swap3A_1611, %swap3A_1612, %swap3A_1613] {strides = array<i32>} : memref<2x128x128xf32, #tpu.memory_space<vmem>>, vector<1x1x16xf32>,
          %swap3A_1615 = vector.shape_cast %swap3A_1614 : vector<1x1x16xf32> to vector<16xf32>
          %swap3A_1616 = vector.shape_cast %mul3A_1609 : vector<16xf32> to vector<1x1x16xf32>
          tpu.vector_store %arg10[%swap3A_1611, %swap3A_1612, %swap3A_1613], %swap3A_1616 {strides = array<i32>} : memref<2x128x128xf32, #tpu.memory_space<vmem>>, vector<1x1x16xf32>,
          %get3A_1617 = arith.constant 0 : i32
          %get3A_1618 = arith.index_cast %get3A_1617 : i32 to index
          %get3A_1619 = arith.index_cast %add3A_1532 : i32 to index
          %get3A_1620 = arith.constant 96 : index
          %get3A_1621 = tpu.vector_load %arg10[%get3A_1618, %get3A_1619, %get3A_1620] {strides = array<i32>} : memref<2x128x128xf32, #tpu.memory_space<vmem>>, vector<1x1x16xf32>,
          %get3A_1622 = vector.shape_cast %get3A_1621 : vector<1x1x16xf32> to vector<16xf32>
          %mul3A_1623 = arith.mulf %get3A_1622, %gather3A_1528 : vector<16xf32>
          %swap3A_1624 = arith.constant 0 : i32
          %swap3A_1625 = arith.index_cast %swap3A_1624 : i32 to index
          %swap3A_1626 = arith.index_cast %add3A_1532 : i32 to index
          %swap3A_1627 = arith.constant 96 : index
          %swap3A_1628 = tpu.vector_load %arg10[%swap3A_1625, %swap3A_1626, %swap3A_1627] {strides = array<i32>} : memref<2x128x128xf32, #tpu.memory_space<vmem>>, vector<1x1x16xf32>,
          %swap3A_1629 = vector.shape_cast %swap3A_1628 : vector<1x1x16xf32> to vector<16xf32>
          %swap3A_1630 = vector.shape_cast %mul3A_1623 : vector<16xf32> to vector<1x1x16xf32>
          tpu.vector_store %arg10[%swap3A_1625, %swap3A_1626, %swap3A_1627], %swap3A_1630 {strides = array<i32>} : memref<2x128x128xf32, #tpu.memory_space<vmem>>, vector<1x1x16xf32>,
          %get3A_1631 = arith.constant 0 : i32
          %get3A_1632 = arith.index_cast %get3A_1631 : i32 to index
          %get3A_1633 = arith.index_cast %add3A_1532 : i32 to index
          %get3A_1634 = arith.constant 112 : index
          %get3A_1635 = tpu.vector_load %arg10[%get3A_1632, %get3A_1633, %get3A_1634] {strides = array<i32>} : memref<2x128x128xf32, #tpu.memory_space<vmem>>, vector<1x1x16xf32>,
          %get3A_1636 = vector.shape_cast %get3A_1635 : vector<1x1x16xf32> to vector<16xf32>
          %mul3A_1637 = arith.mulf %get3A_1636, %gather3A_1528 : vector<16xf32>
          %swap3A_1638 = arith.constant 0 : i32
          %swap3A_1639 = arith.index_cast %swap3A_1638 : i32 to index
          %swap3A_1640 = arith.index_cast %add3A_1532 : i32 to index
          %swap3A_1641 = arith.constant 112 : index
          %swap3A_1642 = tpu.vector_load %arg10[%swap3A_1639, %swap3A_1640, %swap3A_1641] {strides = array<i32>} : memref<2x128x128xf32, #tpu.memory_space<vmem>>, vector<1x1x16xf32>,
          %swap3A_1643 = vector.shape_cast %swap3A_1642 : vector<1x1x16xf32> to vector<16xf32>
          %swap3A_1644 = vector.shape_cast %mul3A_1637 : vector<16xf32> to vector<1x1x16xf32>
          tpu.vector_store %arg10[%swap3A_1639, %swap3A_1640, %swap3A_1641], %swap3A_1644 {strides = array<i32>} : memref<2x128x128xf32, #tpu.memory_space<vmem>>, vector<1x1x16xf32>,
          %broadcast_in_dim3A_1645 = arith.constant 12 : i32
          %broadcast_in_dim3A_1646 = vector.broadcast %broadcast_in_dim3A_1645 : i32 to vector<16x1xi32>
          %gather3A_1647 = vector.shape_cast %broadcast_in_dim3A_1646 : vector<16x1xi32> to vector<16xi32>
          %gather3A_1648 = tpu.dynamic_gather %get3A_207[%gather3A_1647] in [0] : vector<16xf32>, vector<16xi32> -> vector<16xf32>
          %mul3A_1649 = arith.constant 16 : i32
          %mul3A_1650 = arith.muli %add3A_202, %mul3A_1649 : i32
          %add3A_1651 = arith.constant 12 : i32
          %add3A_1652 = arith.addi %mul3A_1650, %add3A_1651 : i32
          %get3A_1653 = arith.constant 0 : i32
          %get3A_1654 = arith.index_cast %get3A_1653 : i32 to index
          %get3A_1655 = arith.index_cast %add3A_1652 : i32 to index
          %get3A_1656 = arith.constant 0 : index
          %get3A_1657 = tpu.vector_load %arg10[%get3A_1654, %get3A_1655, %get3A_1656] {strides = array<i32>} : memref<2x128x128xf32, #tpu.memory_space<vmem>>, vector<1x1x16xf32>,
          %get3A_1658 = vector.shape_cast %get3A_1657 : vector<1x1x16xf32> to vector<16xf32>
          %mul3A_1659 = arith.mulf %get3A_1658, %gather3A_1648 : vector<16xf32>
          %swap3A_1660 = arith.constant 0 : i32
          %swap3A_1661 = arith.index_cast %swap3A_1660 : i32 to index
          %swap3A_1662 = arith.index_cast %add3A_1652 : i32 to index
          %swap3A_1663 = arith.constant 0 : index
          %swap3A_1664 = tpu.vector_load %arg10[%swap3A_1661, %swap3A_1662, %swap3A_1663] {strides = array<i32>} : memref<2x128x128xf32, #tpu.memory_space<vmem>>, vector<1x1x16xf32>,
          %swap3A_1665 = vector.shape_cast %swap3A_1664 : vector<1x1x16xf32> to vector<16xf32>
          %swap3A_1666 = vector.shape_cast %mul3A_1659 : vector<16xf32> to vector<1x1x16xf32>
          tpu.vector_store %arg10[%swap3A_1661, %swap3A_1662, %swap3A_1663], %swap3A_1666 {strides = array<i32>} : memref<2x128x128xf32, #tpu.memory_space<vmem>>, vector<1x1x16xf32>,
          %get3A_1667 = arith.constant 0 : i32
          %get3A_1668 = arith.index_cast %get3A_1667 : i32 to index
          %get3A_1669 = arith.index_cast %add3A_1652 : i32 to index
          %get3A_1670 = arith.constant 16 : index
          %get3A_1671 = tpu.vector_load %arg10[%get3A_1668, %get3A_1669, %get3A_1670] {strides = array<i32>} : memref<2x128x128xf32, #tpu.memory_space<vmem>>, vector<1x1x16xf32>,
          %get3A_1672 = vector.shape_cast %get3A_1671 : vector<1x1x16xf32> to vector<16xf32>
          %mul3A_1673 = arith.mulf %get3A_1672, %gather3A_1648 : vector<16xf32>
          %swap3A_1674 = arith.constant 0 : i32
          %swap3A_1675 = arith.index_cast %swap3A_1674 : i32 to index
          %swap3A_1676 = arith.index_cast %add3A_1652 : i32 to index
          %swap3A_1677 = arith.constant 16 : index
          %swap3A_1678 = tpu.vector_load %arg10[%swap3A_1675, %swap3A_1676, %swap3A_1677] {strides = array<i32>} : memref<2x128x128xf32, #tpu.memory_space<vmem>>, vector<1x1x16xf32>,
          %swap3A_1679 = vector.shape_cast %swap3A_1678 : vector<1x1x16xf32> to vector<16xf32>
          %swap3A_1680 = vector.shape_cast %mul3A_1673 : vector<16xf32> to vector<1x1x16xf32>
          tpu.vector_store %arg10[%swap3A_1675, %swap3A_1676, %swap3A_1677], %swap3A_1680 {strides = array<i32>} : memref<2x128x128xf32, #tpu.memory_space<vmem>>, vector<1x1x16xf32>,
          %get3A_1681 = arith.constant 0 : i32
          %get3A_1682 = arith.index_cast %get3A_1681 : i32 to index
          %get3A_1683 = arith.index_cast %add3A_1652 : i32 to index
          %get3A_1684 = arith.constant 32 : index
          %get3A_1685 = tpu.vector_load %arg10[%get3A_1682, %get3A_1683, %get3A_1684] {strides = array<i32>} : memref<2x128x128xf32, #tpu.memory_space<vmem>>, vector<1x1x16xf32>,
          %get3A_1686 = vector.shape_cast %get3A_1685 : vector<1x1x16xf32> to vector<16xf32>
          %mul3A_1687 = arith.mulf %get3A_1686, %gather3A_1648 : vector<16xf32>
          %swap3A_1688 = arith.constant 0 : i32
          %swap3A_1689 = arith.index_cast %swap3A_1688 : i32 to index
          %swap3A_1690 = arith.index_cast %add3A_1652 : i32 to index
          %swap3A_1691 = arith.constant 32 : index
          %swap3A_1692 = tpu.vector_load %arg10[%swap3A_1689, %swap3A_1690, %swap3A_1691] {strides = array<i32>} : memref<2x128x128xf32, #tpu.memory_space<vmem>>, vector<1x1x16xf32>,
          %swap3A_1693 = vector.shape_cast %swap3A_1692 : vector<1x1x16xf32> to vector<16xf32>
          %swap3A_1694 = vector.shape_cast %mul3A_1687 : vector<16xf32> to vector<1x1x16xf32>
          tpu.vector_store %arg10[%swap3A_1689, %swap3A_1690, %swap3A_1691], %swap3A_1694 {strides = array<i32>} : memref<2x128x128xf32, #tpu.memory_space<vmem>>, vector<1x1x16xf32>,
          %get3A_1695 = arith.constant 0 : i32
          %get3A_1696 = arith.index_cast %get3A_1695 : i32 to index
          %get3A_1697 = arith.index_cast %add3A_1652 : i32 to index
          %get3A_1698 = arith.constant 48 : index
          %get3A_1699 = tpu.vector_load %arg10[%get3A_1696, %get3A_1697, %get3A_1698] {strides = array<i32>} : memref<2x128x128xf32, #tpu.memory_space<vmem>>, vector<1x1x16xf32>,
          %get3A_1700 = vector.shape_cast %get3A_1699 : vector<1x1x16xf32> to vector<16xf32>
          %mul3A_1701 = arith.mulf %get3A_1700, %gather3A_1648 : vector<16xf32>
          %swap3A_1702 = arith.constant 0 : i32
          %swap3A_1703 = arith.index_cast %swap3A_1702 : i32 to index
          %swap3A_1704 = arith.index_cast %add3A_1652 : i32 to index
          %swap3A_1705 = arith.constant 48 : index
          %swap3A_1706 = tpu.vector_load %arg10[%swap3A_1703, %swap3A_1704, %swap3A_1705] {strides = array<i32>} : memref<2x128x128xf32, #tpu.memory_space<vmem>>, vector<1x1x16xf32>,
          %swap3A_1707 = vector.shape_cast %swap3A_1706 : vector<1x1x16xf32> to vector<16xf32>
          %swap3A_1708 = vector.shape_cast %mul3A_1701 : vector<16xf32> to vector<1x1x16xf32>
          tpu.vector_store %arg10[%swap3A_1703, %swap3A_1704, %swap3A_1705], %swap3A_1708 {strides = array<i32>} : memref<2x128x128xf32, #tpu.memory_space<vmem>>, vector<1x1x16xf32>,
          %get3A_1709 = arith.constant 0 : i32
          %get3A_1710 = arith.index_cast %get3A_1709 : i32 to index
          %get3A_1711 = arith.index_cast %add3A_1652 : i32 to index
          %get3A_1712 = arith.constant 64 : index
          %get3A_1713 = tpu.vector_load %arg10[%get3A_1710, %get3A_1711, %get3A_1712] {strides = array<i32>} : memref<2x128x128xf32, #tpu.memory_space<vmem>>, vector<1x1x16xf32>,
          %get3A_1714 = vector.shape_cast %get3A_1713 : vector<1x1x16xf32> to vector<16xf32>
          %mul3A_1715 = arith.mulf %get3A_1714, %gather3A_1648 : vector<16xf32>
          %swap3A_1716 = arith.constant 0 : i32
          %swap3A_1717 = arith.index_cast %swap3A_1716 : i32 to index
          %swap3A_1718 = arith.index_cast %add3A_1652 : i32 to index
          %swap3A_1719 = arith.constant 64 : index
          %swap3A_1720 = tpu.vector_load %arg10[%swap3A_1717, %swap3A_1718, %swap3A_1719] {strides = array<i32>} : memref<2x128x128xf32, #tpu.memory_space<vmem>>, vector<1x1x16xf32>,
          %swap3A_1721 = vector.shape_cast %swap3A_1720 : vector<1x1x16xf32> to vector<16xf32>
          %swap3A_1722 = vector.shape_cast %mul3A_1715 : vector<16xf32> to vector<1x1x16xf32>
          tpu.vector_store %arg10[%swap3A_1717, %swap3A_1718, %swap3A_1719], %swap3A_1722 {strides = array<i32>} : memref<2x128x128xf32, #tpu.memory_space<vmem>>, vector<1x1x16xf32>,
          %get3A_1723 = arith.constant 0 : i32
          %get3A_1724 = arith.index_cast %get3A_1723 : i32 to index
          %get3A_1725 = arith.index_cast %add3A_1652 : i32 to index
          %get3A_1726 = arith.constant 80 : index
          %get3A_1727 = tpu.vector_load %arg10[%get3A_1724, %get3A_1725, %get3A_1726] {strides = array<i32>} : memref<2x128x128xf32, #tpu.memory_space<vmem>>, vector<1x1x16xf32>,
          %get3A_1728 = vector.shape_cast %get3A_1727 : vector<1x1x16xf32> to vector<16xf32>
          %mul3A_1729 = arith.mulf %get3A_1728, %gather3A_1648 : vector<16xf32>
          %swap3A_1730 = arith.constant 0 : i32
          %swap3A_1731 = arith.index_cast %swap3A_1730 : i32 to index
          %swap3A_1732 = arith.index_cast %add3A_1652 : i32 to index
          %swap3A_1733 = arith.constant 80 : index
          %swap3A_1734 = tpu.vector_load %arg10[%swap3A_1731, %swap3A_1732, %swap3A_1733] {strides = array<i32>} : memref<2x128x128xf32, #tpu.memory_space<vmem>>, vector<1x1x16xf32>,
          %swap3A_1735 = vector.shape_cast %swap3A_1734 : vector<1x1x16xf32> to vector<16xf32>
          %swap3A_1736 = vector.shape_cast %mul3A_1729 : vector<16xf32> to vector<1x1x16xf32>
          tpu.vector_store %arg10[%swap3A_1731, %swap3A_1732, %swap3A_1733], %swap3A_1736 {strides = array<i32>} : memref<2x128x128xf32, #tpu.memory_space<vmem>>, vector<1x1x16xf32>,
          %get3A_1737 = arith.constant 0 : i32
          %get3A_1738 = arith.index_cast %get3A_1737 : i32 to index
          %get3A_1739 = arith.index_cast %add3A_1652 : i32 to index
          %get3A_1740 = arith.constant 96 : index
          %get3A_1741 = tpu.vector_load %arg10[%get3A_1738, %get3A_1739, %get3A_1740] {strides = array<i32>} : memref<2x128x128xf32, #tpu.memory_space<vmem>>, vector<1x1x16xf32>,
          %get3A_1742 = vector.shape_cast %get3A_1741 : vector<1x1x16xf32> to vector<16xf32>
          %mul3A_1743 = arith.mulf %get3A_1742, %gather3A_1648 : vector<16xf32>
          %swap3A_1744 = arith.constant 0 : i32
          %swap3A_1745 = arith.index_cast %swap3A_1744 : i32 to index
          %swap3A_1746 = arith.index_cast %add3A_1652 : i32 to index
          %swap3A_1747 = arith.constant 96 : index
          %swap3A_1748 = tpu.vector_load %arg10[%swap3A_1745, %swap3A_1746, %swap3A_1747] {strides = array<i32>} : memref<2x128x128xf32, #tpu.memory_space<vmem>>, vector<1x1x16xf32>,
          %swap3A_1749 = vector.shape_cast %swap3A_1748 : vector<1x1x16xf32> to vector<16xf32>
          %swap3A_1750 = vector.shape_cast %mul3A_1743 : vector<16xf32> to vector<1x1x16xf32>
          tpu.vector_store %arg10[%swap3A_1745, %swap3A_1746, %swap3A_1747], %swap3A_1750 {strides = array<i32>} : memref<2x128x128xf32, #tpu.memory_space<vmem>>, vector<1x1x16xf32>,
          %get3A_1751 = arith.constant 0 : i32
          %get3A_1752 = arith.index_cast %get3A_1751 : i32 to index
          %get3A_1753 = arith.index_cast %add3A_1652 : i32 to index
          %get3A_1754 = arith.constant 112 : index
          %get3A_1755 = tpu.vector_load %arg10[%get3A_1752, %get3A_1753, %get3A_1754] {strides = array<i32>} : memref<2x128x128xf32, #tpu.memory_space<vmem>>, vector<1x1x16xf32>,
          %get3A_1756 = vector.shape_cast %get3A_1755 : vector<1x1x16xf32> to vector<16xf32>
          %mul3A_1757 = arith.mulf %get3A_1756, %gather3A_1648 : vector<16xf32>
          %swap3A_1758 = arith.constant 0 : i32
          %swap3A_1759 = arith.index_cast %swap3A_1758 : i32 to index
          %swap3A_1760 = arith.index_cast %add3A_1652 : i32 to index
          %swap3A_1761 = arith.constant 112 : index
          %swap3A_1762 = tpu.vector_load %arg10[%swap3A_1759, %swap3A_1760, %swap3A_1761] {strides = array<i32>} : memref<2x128x128xf32, #tpu.memory_space<vmem>>, vector<1x1x16xf32>,
          %swap3A_1763 = vector.shape_cast %swap3A_1762 : vector<1x1x16xf32> to vector<16xf32>
          %swap3A_1764 = vector.shape_cast %mul3A_1757 : vector<16xf32> to vector<1x1x16xf32>
          tpu.vector_store %arg10[%swap3A_1759, %swap3A_1760, %swap3A_1761], %swap3A_1764 {strides = array<i32>} : memref<2x128x128xf32, #tpu.memory_space<vmem>>, vector<1x1x16xf32>,
          %broadcast_in_dim3A_1765 = arith.constant 13 : i32
          %broadcast_in_dim3A_1766 = vector.broadcast %broadcast_in_dim3A_1765 : i32 to vector<16x1xi32>
          %gather3A_1767 = vector.shape_cast %broadcast_in_dim3A_1766 : vector<16x1xi32> to vector<16xi32>
          %gather3A_1768 = tpu.dynamic_gather %get3A_207[%gather3A_1767] in [0] : vector<16xf32>, vector<16xi32> -> vector<16xf32>
          %mul3A_1769 = arith.constant 16 : i32
          %mul3A_1770 = arith.muli %add3A_202, %mul3A_1769 : i32
          %add3A_1771 = arith.constant 13 : i32
          %add3A_1772 = arith.addi %mul3A_1770, %add3A_1771 : i32
          %get3A_1773 = arith.constant 0 : i32
          %get3A_1774 = arith.index_cast %get3A_1773 : i32 to index
          %get3A_1775 = arith.index_cast %add3A_1772 : i32 to index
          %get3A_1776 = arith.constant 0 : index
          %get3A_1777 = tpu.vector_load %arg10[%get3A_1774, %get3A_1775, %get3A_1776] {strides = array<i32>} : memref<2x128x128xf32, #tpu.memory_space<vmem>>, vector<1x1x16xf32>,
          %get3A_1778 = vector.shape_cast %get3A_1777 : vector<1x1x16xf32> to vector<16xf32>
          %mul3A_1779 = arith.mulf %get3A_1778, %gather3A_1768 : vector<16xf32>
          %swap3A_1780 = arith.constant 0 : i32
          %swap3A_1781 = arith.index_cast %swap3A_1780 : i32 to index
          %swap3A_1782 = arith.index_cast %add3A_1772 : i32 to index
          %swap3A_1783 = arith.constant 0 : index
          %swap3A_1784 = tpu.vector_load %arg10[%swap3A_1781, %swap3A_1782, %swap3A_1783] {strides = array<i32>} : memref<2x128x128xf32, #tpu.memory_space<vmem>>, vector<1x1x16xf32>,
          %swap3A_1785 = vector.shape_cast %swap3A_1784 : vector<1x1x16xf32> to vector<16xf32>
          %swap3A_1786 = vector.shape_cast %mul3A_1779 : vector<16xf32> to vector<1x1x16xf32>
          tpu.vector_store %arg10[%swap3A_1781, %swap3A_1782, %swap3A_1783], %swap3A_1786 {strides = array<i32>} : memref<2x128x128xf32, #tpu.memory_space<vmem>>, vector<1x1x16xf32>,
          %get3A_1787 = arith.constant 0 : i32
          %get3A_1788 = arith.index_cast %get3A_1787 : i32 to index
          %get3A_1789 = arith.index_cast %add3A_1772 : i32 to index
          %get3A_1790 = arith.constant 16 : index
          %get3A_1791 = tpu.vector_load %arg10[%get3A_1788, %get3A_1789, %get3A_1790] {strides = array<i32>} : memref<2x128x128xf32, #tpu.memory_space<vmem>>, vector<1x1x16xf32>,
          %get3A_1792 = vector.shape_cast %get3A_1791 : vector<1x1x16xf32> to vector<16xf32>
          %mul3A_1793 = arith.mulf %get3A_1792, %gather3A_1768 : vector<16xf32>
          %swap3A_1794 = arith.constant 0 : i32
          %swap3A_1795 = arith.index_cast %swap3A_1794 : i32 to index
          %swap3A_1796 = arith.index_cast %add3A_1772 : i32 to index
          %swap3A_1797 = arith.constant 16 : index
          %swap3A_1798 = tpu.vector_load %arg10[%swap3A_1795, %swap3A_1796, %swap3A_1797] {strides = array<i32>} : memref<2x128x128xf32, #tpu.memory_space<vmem>>, vector<1x1x16xf32>,
          %swap3A_1799 = vector.shape_cast %swap3A_1798 : vector<1x1x16xf32> to vector<16xf32>
          %swap3A_1800 = vector.shape_cast %mul3A_1793 : vector<16xf32> to vector<1x1x16xf32>
          tpu.vector_store %arg10[%swap3A_1795, %swap3A_1796, %swap3A_1797], %swap3A_1800 {strides = array<i32>} : memref<2x128x128xf32, #tpu.memory_space<vmem>>, vector<1x1x16xf32>,
          %get3A_1801 = arith.constant 0 : i32
          %get3A_1802 = arith.index_cast %get3A_1801 : i32 to index
          %get3A_1803 = arith.index_cast %add3A_1772 : i32 to index
          %get3A_1804 = arith.constant 32 : index
          %get3A_1805 = tpu.vector_load %arg10[%get3A_1802, %get3A_1803, %get3A_1804] {strides = array<i32>} : memref<2x128x128xf32, #tpu.memory_space<vmem>>, vector<1x1x16xf32>,
          %get3A_1806 = vector.shape_cast %get3A_1805 : vector<1x1x16xf32> to vector<16xf32>
          %mul3A_1807 = arith.mulf %get3A_1806, %gather3A_1768 : vector<16xf32>
          %swap3A_1808 = arith.constant 0 : i32
          %swap3A_1809 = arith.index_cast %swap3A_1808 : i32 to index
          %swap3A_1810 = arith.index_cast %add3A_1772 : i32 to index
          %swap3A_1811 = arith.constant 32 : index
          %swap3A_1812 = tpu.vector_load %arg10[%swap3A_1809, %swap3A_1810, %swap3A_1811] {strides = array<i32>} : memref<2x128x128xf32, #tpu.memory_space<vmem>>, vector<1x1x16xf32>,
          %swap3A_1813 = vector.shape_cast %swap3A_1812 : vector<1x1x16xf32> to vector<16xf32>
          %swap3A_1814 = vector.shape_cast %mul3A_1807 : vector<16xf32> to vector<1x1x16xf32>
          tpu.vector_store %arg10[%swap3A_1809, %swap3A_1810, %swap3A_1811], %swap3A_1814 {strides = array<i32>} : memref<2x128x128xf32, #tpu.memory_space<vmem>>, vector<1x1x16xf32>,
          %get3A_1815 = arith.constant 0 : i32
          %get3A_1816 = arith.index_cast %get3A_1815 : i32 to index
          %get3A_1817 = arith.index_cast %add3A_1772 : i32 to index
          %get3A_1818 = arith.constant 48 : index
          %get3A_1819 = tpu.vector_load %arg10[%get3A_1816, %get3A_1817, %get3A_1818] {strides = array<i32>} : memref<2x128x128xf32, #tpu.memory_space<vmem>>, vector<1x1x16xf32>,
          %get3A_1820 = vector.shape_cast %get3A_1819 : vector<1x1x16xf32> to vector<16xf32>
          %mul3A_1821 = arith.mulf %get3A_1820, %gather3A_1768 : vector<16xf32>
          %swap3A_1822 = arith.constant 0 : i32
          %swap3A_1823 = arith.index_cast %swap3A_1822 : i32 to index
          %swap3A_1824 = arith.index_cast %add3A_1772 : i32 to index
          %swap3A_1825 = arith.constant 48 : index
          %swap3A_1826 = tpu.vector_load %arg10[%swap3A_1823, %swap3A_1824, %swap3A_1825] {strides = array<i32>} : memref<2x128x128xf32, #tpu.memory_space<vmem>>, vector<1x1x16xf32>,
          %swap3A_1827 = vector.shape_cast %swap3A_1826 : vector<1x1x16xf32> to vector<16xf32>
          %swap3A_1828 = vector.shape_cast %mul3A_1821 : vector<16xf32> to vector<1x1x16xf32>
          tpu.vector_store %arg10[%swap3A_1823, %swap3A_1824, %swap3A_1825], %swap3A_1828 {strides = array<i32>} : memref<2x128x128xf32, #tpu.memory_space<vmem>>, vector<1x1x16xf32>,
          %get3A_1829 = arith.constant 0 : i32
          %get3A_1830 = arith.index_cast %get3A_1829 : i32 to index
          %get3A_1831 = arith.index_cast %add3A_1772 : i32 to index
          %get3A_1832 = arith.constant 64 : index
          %get3A_1833 = tpu.vector_load %arg10[%get3A_1830, %get3A_1831, %get3A_1832] {strides = array<i32>} : memref<2x128x128xf32, #tpu.memory_space<vmem>>, vector<1x1x16xf32>,
          %get3A_1834 = vector.shape_cast %get3A_1833 : vector<1x1x16xf32> to vector<16xf32>
          %mul3A_1835 = arith.mulf %get3A_1834, %gather3A_1768 : vector<16xf32>
          %swap3A_1836 = arith.constant 0 : i32
          %swap3A_1837 = arith.index_cast %swap3A_1836 : i32 to index
          %swap3A_1838 = arith.index_cast %add3A_1772 : i32 to index
          %swap3A_1839 = arith.constant 64 : index
          %swap3A_1840 = tpu.vector_load %arg10[%swap3A_1837, %swap3A_1838, %swap3A_1839] {strides = array<i32>} : memref<2x128x128xf32, #tpu.memory_space<vmem>>, vector<1x1x16xf32>,
          %swap3A_1841 = vector.shape_cast %swap3A_1840 : vector<1x1x16xf32> to vector<16xf32>
          %swap3A_1842 = vector.shape_cast %mul3A_1835 : vector<16xf32> to vector<1x1x16xf32>
          tpu.vector_store %arg10[%swap3A_1837, %swap3A_1838, %swap3A_1839], %swap3A_1842 {strides = array<i32>} : memref<2x128x128xf32, #tpu.memory_space<vmem>>, vector<1x1x16xf32>,
          %get3A_1843 = arith.constant 0 : i32
          %get3A_1844 = arith.index_cast %get3A_1843 : i32 to index
          %get3A_1845 = arith.index_cast %add3A_1772 : i32 to index
          %get3A_1846 = arith.constant 80 : index
          %get3A_1847 = tpu.vector_load %arg10[%get3A_1844, %get3A_1845, %get3A_1846] {strides = array<i32>} : memref<2x128x128xf32, #tpu.memory_space<vmem>>, vector<1x1x16xf32>,
          %get3A_1848 = vector.shape_cast %get3A_1847 : vector<1x1x16xf32> to vector<16xf32>
          %mul3A_1849 = arith.mulf %get3A_1848, %gather3A_1768 : vector<16xf32>
          %swap3A_1850 = arith.constant 0 : i32
          %swap3A_1851 = arith.index_cast %swap3A_1850 : i32 to index
          %swap3A_1852 = arith.index_cast %add3A_1772 : i32 to index
          %swap3A_1853 = arith.constant 80 : index
          %swap3A_1854 = tpu.vector_load %arg10[%swap3A_1851, %swap3A_1852, %swap3A_1853] {strides = array<i32>} : memref<2x128x128xf32, #tpu.memory_space<vmem>>, vector<1x1x16xf32>,
          %swap3A_1855 = vector.shape_cast %swap3A_1854 : vector<1x1x16xf32> to vector<16xf32>
          %swap3A_1856 = vector.shape_cast %mul3A_1849 : vector<16xf32> to vector<1x1x16xf32>
          tpu.vector_store %arg10[%swap3A_1851, %swap3A_1852, %swap3A_1853], %swap3A_1856 {strides = array<i32>} : memref<2x128x128xf32, #tpu.memory_space<vmem>>, vector<1x1x16xf32>,
          %get3A_1857 = arith.constant 0 : i32
          %get3A_1858 = arith.index_cast %get3A_1857 : i32 to index
          %get3A_1859 = arith.index_cast %add3A_1772 : i32 to index
          %get3A_1860 = arith.constant 96 : index
          %get3A_1861 = tpu.vector_load %arg10[%get3A_1858, %get3A_1859, %get3A_1860] {strides = array<i32>} : memref<2x128x128xf32, #tpu.memory_space<vmem>>, vector<1x1x16xf32>,
          %get3A_1862 = vector.shape_cast %get3A_1861 : vector<1x1x16xf32> to vector<16xf32>
          %mul3A_1863 = arith.mulf %get3A_1862, %gather3A_1768 : vector<16xf32>
          %swap3A_1864 = arith.constant 0 : i32
          %swap3A_1865 = arith.index_cast %swap3A_1864 : i32 to index
          %swap3A_1866 = arith.index_cast %add3A_1772 : i32 to index
          %swap3A_1867 = arith.constant 96 : index
          %swap3A_1868 = tpu.vector_load %arg10[%swap3A_1865, %swap3A_1866, %swap3A_1867] {strides = array<i32>} : memref<2x128x128xf32, #tpu.memory_space<vmem>>, vector<1x1x16xf32>,
          %swap3A_1869 = vector.shape_cast %swap3A_1868 : vector<1x1x16xf32> to vector<16xf32>
          %swap3A_1870 = vector.shape_cast %mul3A_1863 : vector<16xf32> to vector<1x1x16xf32>
          tpu.vector_store %arg10[%swap3A_1865, %swap3A_1866, %swap3A_1867], %swap3A_1870 {strides = array<i32>} : memref<2x128x128xf32, #tpu.memory_space<vmem>>, vector<1x1x16xf32>,
          %get3A_1871 = arith.constant 0 : i32
          %get3A_1872 = arith.index_cast %get3A_1871 : i32 to index
          %get3A_1873 = arith.index_cast %add3A_1772 : i32 to index
          %get3A_1874 = arith.constant 112 : index
          %get3A_1875 = tpu.vector_load %arg10[%get3A_1872, %get3A_1873, %get3A_1874] {strides = array<i32>} : memref<2x128x128xf32, #tpu.memory_space<vmem>>, vector<1x1x16xf32>,
          %get3A_1876 = vector.shape_cast %get3A_1875 : vector<1x1x16xf32> to vector<16xf32>
          %mul3A_1877 = arith.mulf %get3A_1876, %gather3A_1768 : vector<16xf32>
          %swap3A_1878 = arith.constant 0 : i32
          %swap3A_1879 = arith.index_cast %swap3A_1878 : i32 to index
          %swap3A_1880 = arith.index_cast %add3A_1772 : i32 to index
          %swap3A_1881 = arith.constant 112 : index
          %swap3A_1882 = tpu.vector_load %arg10[%swap3A_1879, %swap3A_1880, %swap3A_1881] {strides = array<i32>} : memref<2x128x128xf32, #tpu.memory_space<vmem>>, vector<1x1x16xf32>,
          %swap3A_1883 = vector.shape_cast %swap3A_1882 : vector<1x1x16xf32> to vector<16xf32>
          %swap3A_1884 = vector.shape_cast %mul3A_1877 : vector<16xf32> to vector<1x1x16xf32>
          tpu.vector_store %arg10[%swap3A_1879, %swap3A_1880, %swap3A_1881], %swap3A_1884 {strides = array<i32>} : memref<2x128x128xf32, #tpu.memory_space<vmem>>, vector<1x1x16xf32>,
          %broadcast_in_dim3A_1885 = arith.constant 14 : i32
          %broadcast_in_dim3A_1886 = vector.broadcast %broadcast_in_dim3A_1885 : i32 to vector<16x1xi32>
          %gather3A_1887 = vector.shape_cast %broadcast_in_dim3A_1886 : vector<16x1xi32> to vector<16xi32>
          %gather3A_1888 = tpu.dynamic_gather %get3A_207[%gather3A_1887] in [0] : vector<16xf32>, vector<16xi32> -> vector<16xf32>
          %mul3A_1889 = arith.constant 16 : i32
          %mul3A_1890 = arith.muli %add3A_202, %mul3A_1889 : i32
          %add3A_1891 = arith.constant 14 : i32
          %add3A_1892 = arith.addi %mul3A_1890, %add3A_1891 : i32
          %get3A_1893 = arith.constant 0 : i32
          %get3A_1894 = arith.index_cast %get3A_1893 : i32 to index
          %get3A_1895 = arith.index_cast %add3A_1892 : i32 to index
          %get3A_1896 = arith.constant 0 : index
          %get3A_1897 = tpu.vector_load %arg10[%get3A_1894, %get3A_1895, %get3A_1896] {strides = array<i32>} : memref<2x128x128xf32, #tpu.memory_space<vmem>>, vector<1x1x16xf32>,
          %get3A_1898 = vector.shape_cast %get3A_1897 : vector<1x1x16xf32> to vector<16xf32>
          %mul3A_1899 = arith.mulf %get3A_1898, %gather3A_1888 : vector<16xf32>
          %swap3A_1900 = arith.constant 0 : i32
          %swap3A_1901 = arith.index_cast %swap3A_1900 : i32 to index
          %swap3A_1902 = arith.index_cast %add3A_1892 : i32 to index
          %swap3A_1903 = arith.constant 0 : index
          %swap3A_1904 = tpu.vector_load %arg10[%swap3A_1901, %swap3A_1902, %swap3A_1903] {strides = array<i32>} : memref<2x128x128xf32, #tpu.memory_space<vmem>>, vector<1x1x16xf32>,
          %swap3A_1905 = vector.shape_cast %swap3A_1904 : vector<1x1x16xf32> to vector<16xf32>
          %swap3A_1906 = vector.shape_cast %mul3A_1899 : vector<16xf32> to vector<1x1x16xf32>
          tpu.vector_store %arg10[%swap3A_1901, %swap3A_1902, %swap3A_1903], %swap3A_1906 {strides = array<i32>} : memref<2x128x128xf32, #tpu.memory_space<vmem>>, vector<1x1x16xf32>,
          %get3A_1907 = arith.constant 0 : i32
          %get3A_1908 = arith.index_cast %get3A_1907 : i32 to index
          %get3A_1909 = arith.index_cast %add3A_1892 : i32 to index
          %get3A_1910 = arith.constant 16 : index
          %get3A_1911 = tpu.vector_load %arg10[%get3A_1908, %get3A_1909, %get3A_1910] {strides = array<i32>} : memref<2x128x128xf32, #tpu.memory_space<vmem>>, vector<1x1x16xf32>,
          %get3A_1912 = vector.shape_cast %get3A_1911 : vector<1x1x16xf32> to vector<16xf32>
          %mul3A_1913 = arith.mulf %get3A_1912, %gather3A_1888 : vector<16xf32>
          %swap3A_1914 = arith.constant 0 : i32
          %swap3A_1915 = arith.index_cast %swap3A_1914 : i32 to index
          %swap3A_1916 = arith.index_cast %add3A_1892 : i32 to index
          %swap3A_1917 = arith.constant 16 : index
          %swap3A_1918 = tpu.vector_load %arg10[%swap3A_1915, %swap3A_1916, %swap3A_1917] {strides = array<i32>} : memref<2x128x128xf32, #tpu.memory_space<vmem>>, vector<1x1x16xf32>,
          %swap3A_1919 = vector.shape_cast %swap3A_1918 : vector<1x1x16xf32> to vector<16xf32>
          %swap3A_1920 = vector.shape_cast %mul3A_1913 : vector<16xf32> to vector<1x1x16xf32>
          tpu.vector_store %arg10[%swap3A_1915, %swap3A_1916, %swap3A_1917], %swap3A_1920 {strides = array<i32>} : memref<2x128x128xf32, #tpu.memory_space<vmem>>, vector<1x1x16xf32>,
          %get3A_1921 = arith.constant 0 : i32
          %get3A_1922 = arith.index_cast %get3A_1921 : i32 to index
          %get3A_1923 = arith.index_cast %add3A_1892 : i32 to index
          %get3A_1924 = arith.constant 32 : index
          %get3A_1925 = tpu.vector_load %arg10[%get3A_1922, %get3A_1923, %get3A_1924] {strides = array<i32>} : memref<2x128x128xf32, #tpu.memory_space<vmem>>, vector<1x1x16xf32>,
          %get3A_1926 = vector.shape_cast %get3A_1925 : vector<1x1x16xf32> to vector<16xf32>
          %mul3A_1927 = arith.mulf %get3A_1926, %gather3A_1888 : vector<16xf32>
          %swap3A_1928 = arith.constant 0 : i32
          %swap3A_1929 = arith.index_cast %swap3A_1928 : i32 to index
          %swap3A_1930 = arith.index_cast %add3A_1892 : i32 to index
          %swap3A_1931 = arith.constant 32 : index
          %swap3A_1932 = tpu.vector_load %arg10[%swap3A_1929, %swap3A_1930, %swap3A_1931] {strides = array<i32>} : memref<2x128x128xf32, #tpu.memory_space<vmem>>, vector<1x1x16xf32>,
          %swap3A_1933 = vector.shape_cast %swap3A_1932 : vector<1x1x16xf32> to vector<16xf32>
          %swap3A_1934 = vector.shape_cast %mul3A_1927 : vector<16xf32> to vector<1x1x16xf32>
          tpu.vector_store %arg10[%swap3A_1929, %swap3A_1930, %swap3A_1931], %swap3A_1934 {strides = array<i32>} : memref<2x128x128xf32, #tpu.memory_space<vmem>>, vector<1x1x16xf32>,
          %get3A_1935 = arith.constant 0 : i32
          %get3A_1936 = arith.index_cast %get3A_1935 : i32 to index
          %get3A_1937 = arith.index_cast %add3A_1892 : i32 to index
          %get3A_1938 = arith.constant 48 : index
          %get3A_1939 = tpu.vector_load %arg10[%get3A_1936, %get3A_1937, %get3A_1938] {strides = array<i32>} : memref<2x128x128xf32, #tpu.memory_space<vmem>>, vector<1x1x16xf32>,
          %get3A_1940 = vector.shape_cast %get3A_1939 : vector<1x1x16xf32> to vector<16xf32>
          %mul3A_1941 = arith.mulf %get3A_1940, %gather3A_1888 : vector<16xf32>
          %swap3A_1942 = arith.constant 0 : i32
          %swap3A_1943 = arith.index_cast %swap3A_1942 : i32 to index
          %swap3A_1944 = arith.index_cast %add3A_1892 : i32 to index
          %swap3A_1945 = arith.constant 48 : index
          %swap3A_1946 = tpu.vector_load %arg10[%swap3A_1943, %swap3A_1944, %swap3A_1945] {strides = array<i32>} : memref<2x128x128xf32, #tpu.memory_space<vmem>>, vector<1x1x16xf32>,
          %swap3A_1947 = vector.shape_cast %swap3A_1946 : vector<1x1x16xf32> to vector<16xf32>
          %swap3A_1948 = vector.shape_cast %mul3A_1941 : vector<16xf32> to vector<1x1x16xf32>
          tpu.vector_store %arg10[%swap3A_1943, %swap3A_1944, %swap3A_1945], %swap3A_1948 {strides = array<i32>} : memref<2x128x128xf32, #tpu.memory_space<vmem>>, vector<1x1x16xf32>,
          %get3A_1949 = arith.constant 0 : i32
          %get3A_1950 = arith.index_cast %get3A_1949 : i32 to index
          %get3A_1951 = arith.index_cast %add3A_1892 : i32 to index
          %get3A_1952 = arith.constant 64 : index
          %get3A_1953 = tpu.vector_load %arg10[%get3A_1950, %get3A_1951, %get3A_1952] {strides = array<i32>} : memref<2x128x128xf32, #tpu.memory_space<vmem>>, vector<1x1x16xf32>,
          %get3A_1954 = vector.shape_cast %get3A_1953 : vector<1x1x16xf32> to vector<16xf32>
          %mul3A_1955 = arith.mulf %get3A_1954, %gather3A_1888 : vector<16xf32>
          %swap3A_1956 = arith.constant 0 : i32
          %swap3A_1957 = arith.index_cast %swap3A_1956 : i32 to index
          %swap3A_1958 = arith.index_cast %add3A_1892 : i32 to index
          %swap3A_1959 = arith.constant 64 : index
          %swap3A_1960 = tpu.vector_load %arg10[%swap3A_1957, %swap3A_1958, %swap3A_1959] {strides = array<i32>} : memref<2x128x128xf32, #tpu.memory_space<vmem>>, vector<1x1x16xf32>,
          %swap3A_1961 = vector.shape_cast %swap3A_1960 : vector<1x1x16xf32> to vector<16xf32>
          %swap3A_1962 = vector.shape_cast %mul3A_1955 : vector<16xf32> to vector<1x1x16xf32>
          tpu.vector_store %arg10[%swap3A_1957, %swap3A_1958, %swap3A_1959], %swap3A_1962 {strides = array<i32>} : memref<2x128x128xf32, #tpu.memory_space<vmem>>, vector<1x1x16xf32>,
          %get3A_1963 = arith.constant 0 : i32
          %get3A_1964 = arith.index_cast %get3A_1963 : i32 to index
          %get3A_1965 = arith.index_cast %add3A_1892 : i32 to index
          %get3A_1966 = arith.constant 80 : index
          %get3A_1967 = tpu.vector_load %arg10[%get3A_1964, %get3A_1965, %get3A_1966] {strides = array<i32>} : memref<2x128x128xf32, #tpu.memory_space<vmem>>, vector<1x1x16xf32>,
          %get3A_1968 = vector.shape_cast %get3A_1967 : vector<1x1x16xf32> to vector<16xf32>
          %mul3A_1969 = arith.mulf %get3A_1968, %gather3A_1888 : vector<16xf32>
          %swap3A_1970 = arith.constant 0 : i32
          %swap3A_1971 = arith.index_cast %swap3A_1970 : i32 to index
          %swap3A_1972 = arith.index_cast %add3A_1892 : i32 to index
          %swap3A_1973 = arith.constant 80 : index
          %swap3A_1974 = tpu.vector_load %arg10[%swap3A_1971, %swap3A_1972, %swap3A_1973] {strides = array<i32>} : memref<2x128x128xf32, #tpu.memory_space<vmem>>, vector<1x1x16xf32>,
          %swap3A_1975 = vector.shape_cast %swap3A_1974 : vector<1x1x16xf32> to vector<16xf32>
          %swap3A_1976 = vector.shape_cast %mul3A_1969 : vector<16xf32> to vector<1x1x16xf32>
          tpu.vector_store %arg10[%swap3A_1971, %swap3A_1972, %swap3A_1973], %swap3A_1976 {strides = array<i32>} : memref<2x128x128xf32, #tpu.memory_space<vmem>>, vector<1x1x16xf32>,
          %get3A_1977 = arith.constant 0 : i32
          %get3A_1978 = arith.index_cast %get3A_1977 : i32 to index
          %get3A_1979 = arith.index_cast %add3A_1892 : i32 to index
          %get3A_1980 = arith.constant 96 : index
          %get3A_1981 = tpu.vector_load %arg10[%get3A_1978, %get3A_1979, %get3A_1980] {strides = array<i32>} : memref<2x128x128xf32, #tpu.memory_space<vmem>>, vector<1x1x16xf32>,
          %get3A_1982 = vector.shape_cast %get3A_1981 : vector<1x1x16xf32> to vector<16xf32>
          %mul3A_1983 = arith.mulf %get3A_1982, %gather3A_1888 : vector<16xf32>
          %swap3A_1984 = arith.constant 0 : i32
          %swap3A_1985 = arith.index_cast %swap3A_1984 : i32 to index
          %swap3A_1986 = arith.index_cast %add3A_1892 : i32 to index
          %swap3A_1987 = arith.constant 96 : index
          %swap3A_1988 = tpu.vector_load %arg10[%swap3A_1985, %swap3A_1986, %swap3A_1987] {strides = array<i32>} : memref<2x128x128xf32, #tpu.memory_space<vmem>>, vector<1x1x16xf32>,
          %swap3A_1989 = vector.shape_cast %swap3A_1988 : vector<1x1x16xf32> to vector<16xf32>
          %swap3A_1990 = vector.shape_cast %mul3A_1983 : vector<16xf32> to vector<1x1x16xf32>
          tpu.vector_store %arg10[%swap3A_1985, %swap3A_1986, %swap3A_1987], %swap3A_1990 {strides = array<i32>} : memref<2x128x128xf32, #tpu.memory_space<vmem>>, vector<1x1x16xf32>,
          %get3A_1991 = arith.constant 0 : i32
          %get3A_1992 = arith.index_cast %get3A_1991 : i32 to index
          %get3A_1993 = arith.index_cast %add3A_1892 : i32 to index
          %get3A_1994 = arith.constant 112 : index
          %get3A_1995 = tpu.vector_load %arg10[%get3A_1992, %get3A_1993, %get3A_1994] {strides = array<i32>} : memref<2x128x128xf32, #tpu.memory_space<vmem>>, vector<1x1x16xf32>,
          %get3A_1996 = vector.shape_cast %get3A_1995 : vector<1x1x16xf32> to vector<16xf32>
          %mul3A_1997 = arith.mulf %get3A_1996, %gather3A_1888 : vector<16xf32>
          %swap3A_1998 = arith.constant 0 : i32
          %swap3A_1999 = arith.index_cast %swap3A_1998 : i32 to index
          %swap3A_2000 = arith.index_cast %add3A_1892 : i32 to index
          %swap3A_2001 = arith.constant 112 : index
          %swap3A_2002 = tpu.vector_load %arg10[%swap3A_1999, %swap3A_2000, %swap3A_2001] {strides = array<i32>} : memref<2x128x128xf32, #tpu.memory_space<vmem>>, vector<1x1x16xf32>,
          %swap3A_2003 = vector.shape_cast %swap3A_2002 : vector<1x1x16xf32> to vector<16xf32>
          %swap3A_2004 = vector.shape_cast %mul3A_1997 : vector<16xf32> to vector<1x1x16xf32>
          tpu.vector_store %arg10[%swap3A_1999, %swap3A_2000, %swap3A_2001], %swap3A_2004 {strides = array<i32>} : memref<2x128x128xf32, #tpu.memory_space<vmem>>, vector<1x1x16xf32>,
          %broadcast_in_dim3A_2005 = arith.constant 15 : i32
          %broadcast_in_dim3A_2006 = vector.broadcast %broadcast_in_dim3A_2005 : i32 to vector<16x1xi32>
          %gather3A_2007 = vector.shape_cast %broadcast_in_dim3A_2006 : vector<16x1xi32> to vector<16xi32>
          %gather3A_2008 = tpu.dynamic_gather %get3A_207[%gather3A_2007] in [0] : vector<16xf32>, vector<16xi32> -> vector<16xf32>
          %mul3A_2009 = arith.constant 16 : i32
          %mul3A_2010 = arith.muli %add3A_202, %mul3A_2009 : i32
          %add3A_2011 = arith.constant 15 : i32
          %add3A_2012 = arith.addi %mul3A_2010, %add3A_2011 : i32
          %get3A_2013 = arith.constant 0 : i32
          %get3A_2014 = arith.index_cast %get3A_2013 : i32 to index
          %get3A_2015 = arith.index_cast %add3A_2012 : i32 to index
          %get3A_2016 = arith.constant 0 : index
          %get3A_2017 = tpu.vector_load %arg10[%get3A_2014, %get3A_2015, %get3A_2016] {strides = array<i32>} : memref<2x128x128xf32, #tpu.memory_space<vmem>>, vector<1x1x16xf32>,
          %get3A_2018 = vector.shape_cast %get3A_2017 : vector<1x1x16xf32> to vector<16xf32>
          %mul3A_2019 = arith.mulf %get3A_2018, %gather3A_2008 : vector<16xf32>
          %swap3A_2020 = arith.constant 0 : i32
          %swap3A_2021 = arith.index_cast %swap3A_2020 : i32 to index
          %swap3A_2022 = arith.index_cast %add3A_2012 : i32 to index
          %swap3A_2023 = arith.constant 0 : index
          %swap3A_2024 = tpu.vector_load %arg10[%swap3A_2021, %swap3A_2022, %swap3A_2023] {strides = array<i32>} : memref<2x128x128xf32, #tpu.memory_space<vmem>>, vector<1x1x16xf32>,
          %swap3A_2025 = vector.shape_cast %swap3A_2024 : vector<1x1x16xf32> to vector<16xf32>
          %swap3A_2026 = vector.shape_cast %mul3A_2019 : vector<16xf32> to vector<1x1x16xf32>
          tpu.vector_store %arg10[%swap3A_2021, %swap3A_2022, %swap3A_2023], %swap3A_2026 {strides = array<i32>} : memref<2x128x128xf32, #tpu.memory_space<vmem>>, vector<1x1x16xf32>,
          %get3A_2027 = arith.constant 0 : i32
          %get3A_2028 = arith.index_cast %get3A_2027 : i32 to index
          %get3A_2029 = arith.index_cast %add3A_2012 : i32 to index
          %get3A_2030 = arith.constant 16 : index
          %get3A_2031 = tpu.vector_load %arg10[%get3A_2028, %get3A_2029, %get3A_2030] {strides = array<i32>} : memref<2x128x128xf32, #tpu.memory_space<vmem>>, vector<1x1x16xf32>,
          %get3A_2032 = vector.shape_cast %get3A_2031 : vector<1x1x16xf32> to vector<16xf32>
          %mul3A_2033 = arith.mulf %get3A_2032, %gather3A_2008 : vector<16xf32>
          %swap3A_2034 = arith.constant 0 : i32
          %swap3A_2035 = arith.index_cast %swap3A_2034 : i32 to index
          %swap3A_2036 = arith.index_cast %add3A_2012 : i32 to index
          %swap3A_2037 = arith.constant 16 : index
          %swap3A_2038 = tpu.vector_load %arg10[%swap3A_2035, %swap3A_2036, %swap3A_2037] {strides = array<i32>} : memref<2x128x128xf32, #tpu.memory_space<vmem>>, vector<1x1x16xf32>,
          %swap3A_2039 = vector.shape_cast %swap3A_2038 : vector<1x1x16xf32> to vector<16xf32>
          %swap3A_2040 = vector.shape_cast %mul3A_2033 : vector<16xf32> to vector<1x1x16xf32>
          tpu.vector_store %arg10[%swap3A_2035, %swap3A_2036, %swap3A_2037], %swap3A_2040 {strides = array<i32>} : memref<2x128x128xf32, #tpu.memory_space<vmem>>, vector<1x1x16xf32>,
          %get3A_2041 = arith.constant 0 : i32
          %get3A_2042 = arith.index_cast %get3A_2041 : i32 to index
          %get3A_2043 = arith.index_cast %add3A_2012 : i32 to index
          %get3A_2044 = arith.constant 32 : index
          %get3A_2045 = tpu.vector_load %arg10[%get3A_2042, %get3A_2043, %get3A_2044] {strides = array<i32>} : memref<2x128x128xf32, #tpu.memory_space<vmem>>, vector<1x1x16xf32>,
          %get3A_2046 = vector.shape_cast %get3A_2045 : vector<1x1x16xf32> to vector<16xf32>
          %mul3A_2047 = arith.mulf %get3A_2046, %gather3A_2008 : vector<16xf32>
          %swap3A_2048 = arith.constant 0 : i32
          %swap3A_2049 = arith.index_cast %swap3A_2048 : i32 to index
          %swap3A_2050 = arith.index_cast %add3A_2012 : i32 to index
          %swap3A_2051 = arith.constant 32 : index
          %swap3A_2052 = tpu.vector_load %arg10[%swap3A_2049, %swap3A_2050, %swap3A_2051] {strides = array<i32>} : memref<2x128x128xf32, #tpu.memory_space<vmem>>, vector<1x1x16xf32>,
          %swap3A_2053 = vector.shape_cast %swap3A_2052 : vector<1x1x16xf32> to vector<16xf32>
          %swap3A_2054 = vector.shape_cast %mul3A_2047 : vector<16xf32> to vector<1x1x16xf32>
          tpu.vector_store %arg10[%swap3A_2049, %swap3A_2050, %swap3A_2051], %swap3A_2054 {strides = array<i32>} : memref<2x128x128xf32, #tpu.memory_space<vmem>>, vector<1x1x16xf32>,
          %get3A_2055 = arith.constant 0 : i32
          %get3A_2056 = arith.index_cast %get3A_2055 : i32 to index
          %get3A_2057 = arith.index_cast %add3A_2012 : i32 to index
          %get3A_2058 = arith.constant 48 : index
          %get3A_2059 = tpu.vector_load %arg10[%get3A_2056, %get3A_2057, %get3A_2058] {strides = array<i32>} : memref<2x128x128xf32, #tpu.memory_space<vmem>>, vector<1x1x16xf32>,
          %get3A_2060 = vector.shape_cast %get3A_2059 : vector<1x1x16xf32> to vector<16xf32>
          %mul3A_2061 = arith.mulf %get3A_2060, %gather3A_2008 : vector<16xf32>
          %swap3A_2062 = arith.constant 0 : i32
          %swap3A_2063 = arith.index_cast %swap3A_2062 : i32 to index
          %swap3A_2064 = arith.index_cast %add3A_2012 : i32 to index
          %swap3A_2065 = arith.constant 48 : index
          %swap3A_2066 = tpu.vector_load %arg10[%swap3A_2063, %swap3A_2064, %swap3A_2065] {strides = array<i32>} : memref<2x128x128xf32, #tpu.memory_space<vmem>>, vector<1x1x16xf32>,
          %swap3A_2067 = vector.shape_cast %swap3A_2066 : vector<1x1x16xf32> to vector<16xf32>
          %swap3A_2068 = vector.shape_cast %mul3A_2061 : vector<16xf32> to vector<1x1x16xf32>
          tpu.vector_store %arg10[%swap3A_2063, %swap3A_2064, %swap3A_2065], %swap3A_2068 {strides = array<i32>} : memref<2x128x128xf32, #tpu.memory_space<vmem>>, vector<1x1x16xf32>,
          %get3A_2069 = arith.constant 0 : i32
          %get3A_2070 = arith.index_cast %get3A_2069 : i32 to index
          %get3A_2071 = arith.index_cast %add3A_2012 : i32 to index
          %get3A_2072 = arith.constant 64 : index
          %get3A_2073 = tpu.vector_load %arg10[%get3A_2070, %get3A_2071, %get3A_2072] {strides = array<i32>} : memref<2x128x128xf32, #tpu.memory_space<vmem>>, vector<1x1x16xf32>,
          %get3A_2074 = vector.shape_cast %get3A_2073 : vector<1x1x16xf32> to vector<16xf32>
          %mul3A_2075 = arith.mulf %get3A_2074, %gather3A_2008 : vector<16xf32>
          %swap3A_2076 = arith.constant 0 : i32
          %swap3A_2077 = arith.index_cast %swap3A_2076 : i32 to index
          %swap3A_2078 = arith.index_cast %add3A_2012 : i32 to index
          %swap3A_2079 = arith.constant 64 : index
          %swap3A_2080 = tpu.vector_load %arg10[%swap3A_2077, %swap3A_2078, %swap3A_2079] {strides = array<i32>} : memref<2x128x128xf32, #tpu.memory_space<vmem>>, vector<1x1x16xf32>,
          %swap3A_2081 = vector.shape_cast %swap3A_2080 : vector<1x1x16xf32> to vector<16xf32>
          %swap3A_2082 = vector.shape_cast %mul3A_2075 : vector<16xf32> to vector<1x1x16xf32>
          tpu.vector_store %arg10[%swap3A_2077, %swap3A_2078, %swap3A_2079], %swap3A_2082 {strides = array<i32>} : memref<2x128x128xf32, #tpu.memory_space<vmem>>, vector<1x1x16xf32>,
          %get3A_2083 = arith.constant 0 : i32
          %get3A_2084 = arith.index_cast %get3A_2083 : i32 to index
          %get3A_2085 = arith.index_cast %add3A_2012 : i32 to index
          %get3A_2086 = arith.constant 80 : index
          %get3A_2087 = tpu.vector_load %arg10[%get3A_2084, %get3A_2085, %get3A_2086] {strides = array<i32>} : memref<2x128x128xf32, #tpu.memory_space<vmem>>, vector<1x1x16xf32>,
          %get3A_2088 = vector.shape_cast %get3A_2087 : vector<1x1x16xf32> to vector<16xf32>
          %mul3A_2089 = arith.mulf %get3A_2088, %gather3A_2008 : vector<16xf32>
          %swap3A_2090 = arith.constant 0 : i32
          %swap3A_2091 = arith.index_cast %swap3A_2090 : i32 to index
          %swap3A_2092 = arith.index_cast %add3A_2012 : i32 to index
          %swap3A_2093 = arith.constant 80 : index
          %swap3A_2094 = tpu.vector_load %arg10[%swap3A_2091, %swap3A_2092, %swap3A_2093] {strides = array<i32>} : memref<2x128x128xf32, #tpu.memory_space<vmem>>, vector<1x1x16xf32>,
          %swap3A_2095 = vector.shape_cast %swap3A_2094 : vector<1x1x16xf32> to vector<16xf32>
          %swap3A_2096 = vector.shape_cast %mul3A_2089 : vector<16xf32> to vector<1x1x16xf32>
          tpu.vector_store %arg10[%swap3A_2091, %swap3A_2092, %swap3A_2093], %swap3A_2096 {strides = array<i32>} : memref<2x128x128xf32, #tpu.memory_space<vmem>>, vector<1x1x16xf32>,
          %get3A_2097 = arith.constant 0 : i32
          %get3A_2098 = arith.index_cast %get3A_2097 : i32 to index
          %get3A_2099 = arith.index_cast %add3A_2012 : i32 to index
          %get3A_2100 = arith.constant 96 : index
          %get3A_2101 = tpu.vector_load %arg10[%get3A_2098, %get3A_2099, %get3A_2100] {strides = array<i32>} : memref<2x128x128xf32, #tpu.memory_space<vmem>>, vector<1x1x16xf32>,
          %get3A_2102 = vector.shape_cast %get3A_2101 : vector<1x1x16xf32> to vector<16xf32>
          %mul3A_2103 = arith.mulf %get3A_2102, %gather3A_2008 : vector<16xf32>
          %swap3A_2104 = arith.constant 0 : i32
          %swap3A_2105 = arith.index_cast %swap3A_2104 : i32 to index
          %swap3A_2106 = arith.index_cast %add3A_2012 : i32 to index
          %swap3A_2107 = arith.constant 96 : index
          %swap3A_2108 = tpu.vector_load %arg10[%swap3A_2105, %swap3A_2106, %swap3A_2107] {strides = array<i32>} : memref<2x128x128xf32, #tpu.memory_space<vmem>>, vector<1x1x16xf32>,
          %swap3A_2109 = vector.shape_cast %swap3A_2108 : vector<1x1x16xf32> to vector<16xf32>
          %swap3A_2110 = vector.shape_cast %mul3A_2103 : vector<16xf32> to vector<1x1x16xf32>
          tpu.vector_store %arg10[%swap3A_2105, %swap3A_2106, %swap3A_2107], %swap3A_2110 {strides = array<i32>} : memref<2x128x128xf32, #tpu.memory_space<vmem>>, vector<1x1x16xf32>,
          %get3A_2111 = arith.constant 0 : i32
          %get3A_2112 = arith.index_cast %get3A_2111 : i32 to index
          %get3A_2113 = arith.index_cast %add3A_2012 : i32 to index
          %get3A_2114 = arith.constant 112 : index
          %get3A_2115 = tpu.vector_load %arg10[%get3A_2112, %get3A_2113, %get3A_2114] {strides = array<i32>} : memref<2x128x128xf32, #tpu.memory_space<vmem>>, vector<1x1x16xf32>,
          %get3A_2116 = vector.shape_cast %get3A_2115 : vector<1x1x16xf32> to vector<16xf32>
          %mul3A_2117 = arith.mulf %get3A_2116, %gather3A_2008 : vector<16xf32>
          %swap3A_2118 = arith.constant 0 : i32
          %swap3A_2119 = arith.index_cast %swap3A_2118 : i32 to index
          %swap3A_2120 = arith.index_cast %add3A_2012 : i32 to index
          %swap3A_2121 = arith.constant 112 : index
          %swap3A_2122 = tpu.vector_load %arg10[%swap3A_2119, %swap3A_2120, %swap3A_2121] {strides = array<i32>} : memref<2x128x128xf32, #tpu.memory_space<vmem>>, vector<1x1x16xf32>,
          %swap3A_2123 = vector.shape_cast %swap3A_2122 : vector<1x1x16xf32> to vector<16xf32>
          %swap3A_2124 = vector.shape_cast %mul3A_2117 : vector<16xf32> to vector<1x1x16xf32>
          tpu.vector_store %arg10[%swap3A_2119, %swap3A_2120, %swap3A_2121], %swap3A_2124 {strides = array<i32>} : memref<2x128x128xf32, #tpu.memory_space<vmem>>, vector<1x1x16xf32>,
        }
        %scan3A_139 = arith.constant 8 : i32
        %dma_start3A_140 = arith.constant 0 : i32
        %dma_start3A_141 = arith.constant 0 : i32
        %dma_start3A_142 = arith.constant 0 : i32
        %dma_start3A_143 = tpu.memref_slice %arg10[%dma_start3A_140, %dma_start3A_141, %dma_start3A_142] : memref<2x128x128xf32, #tpu.memory_space<vmem>> -> memref<1x128x128xf32, #tpu.memory_space<vmem>>
        %dma_start3A_144 = tpu.memref_squeeze %dma_start3A_143 : memref<1x128x128xf32, #tpu.memory_space<vmem>> -> memref<128x128xf32, #tpu.memory_space<vmem>>
        %dma_start3A_145 = arith.constant 0 : i32
        %dma_start3A_146 = tpu.memref_slice %arg8[%add3A_106, %dma_start3A_145] : memref<16x128xi32, #tpu.memory_space<vmem>> -> memref<1x128xi32, #tpu.memory_space<vmem>>
        %dma_start3A_147 = tpu.memref_squeeze %dma_start3A_146 : memref<1x128xi32, #tpu.memory_space<vmem>> -> memref<128xi32, #tpu.memory_space<vmem>>
        %dma_start3A_148 = arith.constant 0 : i32
        %dma_start3A_149 = arith.constant 0 : i32
        %dma_start3A_150 = tpu.memref_slice %arg11[%dma_start3A_148, %dma_start3A_149] : memref<10000x128xf32, #tpu.memory_space<vmem_shared>> -> memref<10000x128xf32, #tpu.memory_space<vmem_shared>>
        tpu.enqueue_indirect_dma source(%dma_start3A_144 : memref<128x128xf32, #tpu.memory_space<vmem>>) target(%dma_start3A_150 : memref<10000x128xf32, #tpu.memory_space<vmem_shared>>) offsets(%dma_start3A_147 : memref<128xi32, #tpu.memory_space<vmem>>) semaphore(%arg14 : memref<!tpu.dma_semaphore, #tpu.memory_space<semaphore_mem>>) {add = true}
        %mul3A_151 = arith.constant 2 : i32
        %mul3A_152 = arith.muli %add3A_102, %mul3A_151 : i32
        %add3A_153 = arith.constant 1 : i32
        %add3A_154 = arith.addi %mul3A_152, %add3A_153 : i32
        %dma_wait3A_155 = arith.constant 1 : i32
        %dma_wait3A_156 = arith.constant 0 : i32
        %dma_wait3A_157 = arith.constant 0 : i32
        %dma_wait3A_158 = tpu.memref_slice %arg10[%dma_wait3A_155, %dma_wait3A_156, %dma_wait3A_157] : memref<2x128x128xf32, #tpu.memory_space<vmem>> -> memref<1x128x128xf32, #tpu.memory_space<vmem>>
        %dma_wait3A_159 = tpu.memref_squeeze %dma_wait3A_158 : memref<1x128x128xf32, #tpu.memory_space<vmem>> -> memref<128x128xf32, #tpu.memory_space<vmem>>
        %dma_wait3A_160 = arith.constant 0 : i32
        %dma_wait3A_161 = tpu.memref_slice %arg7[%add3A_154, %dma_wait3A_160] : memref<16x128xi32, #tpu.memory_space<vmem>> -> memref<1x128xi32, #tpu.memory_space<vmem>>
        %dma_wait3A_162 = tpu.memref_squeeze %dma_wait3A_161 : memref<1x128xi32, #tpu.memory_space<vmem>> -> memref<128xi32, #tpu.memory_space<vmem>>
        %dma_wait3A_163 = arith.constant 0 : i32
        %dma_wait3A_164 = arith.constant 0 : i32
        %dma_wait3A_165 = tpu.memref_slice %arg2[%dma_wait3A_163, %dma_wait3A_164] : memref<10000x128xf32, #tpu.memory_space<hbm>> -> memref<10000x128xf32, #tpu.memory_space<hbm>>
        tpu.wait_indirect_dma semaphore(%arg13 : memref<!tpu.dma_semaphore, #tpu.memory_space<semaphore_mem>>) src(%dma_wait3A_165 : memref<10000x128xf32, #tpu.memory_space<hbm>>) dst(%dma_wait3A_159 : memref<128x128xf32, #tpu.memory_space<vmem>>)
        %dma_wait3A_166 = arith.constant 0 : i32
        %dma_wait3A_167 = arith.constant 0 : i32
        %dma_wait3A_168 = arith.constant 0 : i32
        %dma_wait3A_169 = tpu.memref_slice %arg10[%dma_wait3A_166, %dma_wait3A_167, %dma_wait3A_168] : memref<2x128x128xf32, #tpu.memory_space<vmem>> -> memref<1x128x128xf32, #tpu.memory_space<vmem>>
        %dma_wait3A_170 = tpu.memref_squeeze %dma_wait3A_169 : memref<1x128x128xf32, #tpu.memory_space<vmem>> -> memref<128x128xf32, #tpu.memory_space<vmem>>
        %dma_wait3A_171 = arith.constant 0 : i32
        %dma_wait3A_172 = tpu.memref_slice %arg8[%add3A_154, %dma_wait3A_171] : memref<16x128xi32, #tpu.memory_space<vmem>> -> memref<1x128xi32, #tpu.memory_space<vmem>>
        %dma_wait3A_173 = tpu.memref_squeeze %dma_wait3A_172 : memref<1x128xi32, #tpu.memory_space<vmem>> -> memref<128xi32, #tpu.memory_space<vmem>>
        %dma_wait3A_174 = arith.constant 0 : i32
        %dma_wait3A_175 = arith.constant 0 : i32
        %dma_wait3A_176 = tpu.memref_slice %arg11[%dma_wait3A_174, %dma_wait3A_175] : memref<10000x128xf32, #tpu.memory_space<vmem_shared>> -> memref<10000x128xf32, #tpu.memory_space<vmem_shared>>
        tpu.wait_indirect_dma semaphore(%arg14 : memref<!tpu.dma_semaphore, #tpu.memory_space<semaphore_mem>>) src(%dma_wait3A_170 : memref<128x128xf32, #tpu.memory_space<vmem>>) dst(%dma_wait3A_176 : memref<10000x128xf32, #tpu.memory_space<vmem_shared>>)
        %lt3A_177 = arith.constant 7 : i32
        %lt3A_178 = arith.cmpi slt, %add3A_102, %lt3A_177 : i32
        %convert_element_type3A_179 = arith.extui %lt3A_178 : i1 to i32
        %cond3A_180 = arith.constant 0 : i32
        %cond3A_181 = arith.cmpi ne, %convert_element_type3A_179, %cond3A_180 : i32
        scf.if %cond3A_181 {
          %add3A_198 = arith.constant 1 : i32
          %add3A_199 = arith.addi %add3A_154, %add3A_198 : i32
          %dma_start3A_200 = arith.constant 0 : i32
          %dma_start3A_201 = arith.constant 0 : i32
          %dma_start3A_202 = arith.constant 0 : i32
          %dma_start3A_203 = tpu.memref_slice %arg10[%dma_start3A_200, %dma_start3A_201, %dma_start3A_202] : memref<2x128x128xf32, #tpu.memory_space<vmem>> -> memref<1x128x128xf32, #tpu.memory_space<vmem>>
          %dma_start3A_204 = tpu.memref_squeeze %dma_start3A_203 : memref<1x128x128xf32, #tpu.memory_space<vmem>> -> memref<128x128xf32, #tpu.memory_space<vmem>>
          %dma_start3A_205 = arith.constant 0 : i32
          %dma_start3A_206 = tpu.memref_slice %arg7[%add3A_199, %dma_start3A_205] : memref<16x128xi32, #tpu.memory_space<vmem>> -> memref<1x128xi32, #tpu.memory_space<vmem>>
          %dma_start3A_207 = tpu.memref_squeeze %dma_start3A_206 : memref<1x128xi32, #tpu.memory_space<vmem>> -> memref<128xi32, #tpu.memory_space<vmem>>
          %dma_start3A_208 = arith.constant 0 : i32
          %dma_start3A_209 = arith.constant 0 : i32
          %dma_start3A_210 = tpu.memref_slice %arg2[%dma_start3A_208, %dma_start3A_209] : memref<10000x128xf32, #tpu.memory_space<hbm>> -> memref<10000x128xf32, #tpu.memory_space<hbm>>
          tpu.enqueue_indirect_dma source(%dma_start3A_210 : memref<10000x128xf32, #tpu.memory_space<hbm>>) target(%dma_start3A_204 : memref<128x128xf32, #tpu.memory_space<vmem>>) offsets(%dma_start3A_207 : memref<128xi32, #tpu.memory_space<vmem>>) semaphore(%arg12 : memref<!tpu.dma_semaphore, #tpu.memory_space<semaphore_mem>>)
        } else {
        }
        %scan3A_182 = arith.constant 0 : i32
        %scan3A_183 = arith.constant 8 : i32
        %scan3A_184 = arith.addi %scan3A_182, %scan3A_183 : i32
        %scan3A_185 = arith.constant 1 : i32
        scf.for %scan3A_198 = %scan3A_182 to %scan3A_184 step %scan3A_185  : i32 {
          %mul3A_199 = arith.constant 1 : i32
          %mul3A_200 = arith.muli %scan3A_198, %mul3A_199 : i32
          %add3A_201 = arith.constant 0 : i32
          %add3A_202 = arith.addi %add3A_201, %mul3A_200 : i32
          %mul3A_203 = arith.constant 16 : i32
          %mul3A_204 = arith.muli %add3A_202, %mul3A_203 : i32
          %get3A = arith.index_cast %add3A_154 : i32 to index
          %get3A_205 = arith.index_cast %mul3A_204 : i32 to index
          %get3A_206 = tpu.vector_load %arg9[%get3A, %get3A_205] {strides = array<i32>} : memref<16x128xf32, #tpu.memory_space<vmem>>, vector<1x16xf32>,
          %get3A_207 = vector.shape_cast %get3A_206 : vector<1x16xf32> to vector<16xf32>
          %broadcast_in_dim3A = arith.constant 0 : i32
          %broadcast_in_dim3A_208 = vector.broadcast %broadcast_in_dim3A : i32 to vector<16x1xi32>
          %gather3A = vector.shape_cast %broadcast_in_dim3A_208 : vector<16x1xi32> to vector<16xi32>
          %gather3A_209 = tpu.dynamic_gather %get3A_207[%gather3A] in [0] : vector<16xf32>, vector<16xi32> -> vector<16xf32>
          %mul3A_210 = arith.constant 16 : i32
          %mul3A_211 = arith.muli %add3A_202, %mul3A_210 : i32
          %add3A_212 = arith.constant 0 : i32
          %add3A_213 = arith.addi %mul3A_211, %add3A_212 : i32
          %get3A_214 = arith.constant 1 : i32
          %get3A_215 = arith.index_cast %get3A_214 : i32 to index
          %get3A_216 = arith.index_cast %add3A_213 : i32 to index
          %get3A_217 = arith.constant 0 : index
          %get3A_218 = tpu.vector_load %arg10[%get3A_215, %get3A_216, %get3A_217] {strides = array<i32>} : memref<2x128x128xf32, #tpu.memory_space<vmem>>, vector<1x1x16xf32>,
          %get3A_219 = vector.shape_cast %get3A_218 : vector<1x1x16xf32> to vector<16xf32>
          %mul3A_220 = arith.mulf %get3A_219, %gather3A_209 : vector<16xf32>
          %swap3A = arith.constant 1 : i32
          %swap3A_221 = arith.index_cast %swap3A : i32 to index
          %swap3A_222 = arith.index_cast %add3A_213 : i32 to index
          %swap3A_223 = arith.constant 0 : index
          %swap3A_224 = tpu.vector_load %arg10[%swap3A_221, %swap3A_222, %swap3A_223] {strides = array<i32>} : memref<2x128x128xf32, #tpu.memory_space<vmem>>, vector<1x1x16xf32>,
          %swap3A_225 = vector.shape_cast %swap3A_224 : vector<1x1x16xf32> to vector<16xf32>
          %swap3A_226 = vector.shape_cast %mul3A_220 : vector<16xf32> to vector<1x1x16xf32>
          tpu.vector_store %arg10[%swap3A_221, %swap3A_222, %swap3A_223], %swap3A_226 {strides = array<i32>} : memref<2x128x128xf32, #tpu.memory_space<vmem>>, vector<1x1x16xf32>,
          %get3A_227 = arith.constant 1 : i32
          %get3A_228 = arith.index_cast %get3A_227 : i32 to index
          %get3A_229 = arith.index_cast %add3A_213 : i32 to index
          %get3A_230 = arith.constant 16 : index
          %get3A_231 = tpu.vector_load %arg10[%get3A_228, %get3A_229, %get3A_230] {strides = array<i32>} : memref<2x128x128xf32, #tpu.memory_space<vmem>>, vector<1x1x16xf32>,
          %get3A_232 = vector.shape_cast %get3A_231 : vector<1x1x16xf32> to vector<16xf32>
          %mul3A_233 = arith.mulf %get3A_232, %gather3A_209 : vector<16xf32>
          %swap3A_234 = arith.constant 1 : i32
          %swap3A_235 = arith.index_cast %swap3A_234 : i32 to index
          %swap3A_236 = arith.index_cast %add3A_213 : i32 to index
          %swap3A_237 = arith.constant 16 : index
          %swap3A_238 = tpu.vector_load %arg10[%swap3A_235, %swap3A_236, %swap3A_237] {strides = array<i32>} : memref<2x128x128xf32, #tpu.memory_space<vmem>>, vector<1x1x16xf32>,
          %swap3A_239 = vector.shape_cast %swap3A_238 : vector<1x1x16xf32> to vector<16xf32>
          %swap3A_240 = vector.shape_cast %mul3A_233 : vector<16xf32> to vector<1x1x16xf32>
          tpu.vector_store %arg10[%swap3A_235, %swap3A_236, %swap3A_237], %swap3A_240 {strides = array<i32>} : memref<2x128x128xf32, #tpu.memory_space<vmem>>, vector<1x1x16xf32>,
          %get3A_241 = arith.constant 1 : i32
          %get3A_242 = arith.index_cast %get3A_241 : i32 to index
          %get3A_243 = arith.index_cast %add3A_213 : i32 to index
          %get3A_244 = arith.constant 32 : index
          %get3A_245 = tpu.vector_load %arg10[%get3A_242, %get3A_243, %get3A_244] {strides = array<i32>} : memref<2x128x128xf32, #tpu.memory_space<vmem>>, vector<1x1x16xf32>,
          %get3A_246 = vector.shape_cast %get3A_245 : vector<1x1x16xf32> to vector<16xf32>
          %mul3A_247 = arith.mulf %get3A_246, %gather3A_209 : vector<16xf32>
          %swap3A_248 = arith.constant 1 : i32
          %swap3A_249 = arith.index_cast %swap3A_248 : i32 to index
          %swap3A_250 = arith.index_cast %add3A_213 : i32 to index
          %swap3A_251 = arith.constant 32 : index
          %swap3A_252 = tpu.vector_load %arg10[%swap3A_249, %swap3A_250, %swap3A_251] {strides = array<i32>} : memref<2x128x128xf32, #tpu.memory_space<vmem>>, vector<1x1x16xf32>,
          %swap3A_253 = vector.shape_cast %swap3A_252 : vector<1x1x16xf32> to vector<16xf32>
          %swap3A_254 = vector.shape_cast %mul3A_247 : vector<16xf32> to vector<1x1x16xf32>
          tpu.vector_store %arg10[%swap3A_249, %swap3A_250, %swap3A_251], %swap3A_254 {strides = array<i32>} : memref<2x128x128xf32, #tpu.memory_space<vmem>>, vector<1x1x16xf32>,
          %get3A_255 = arith.constant 1 : i32
          %get3A_256 = arith.index_cast %get3A_255 : i32 to index
          %get3A_257 = arith.index_cast %add3A_213 : i32 to index
          %get3A_258 = arith.constant 48 : index
          %get3A_259 = tpu.vector_load %arg10[%get3A_256, %get3A_257, %get3A_258] {strides = array<i32>} : memref<2x128x128xf32, #tpu.memory_space<vmem>>, vector<1x1x16xf32>,
          %get3A_260 = vector.shape_cast %get3A_259 : vector<1x1x16xf32> to vector<16xf32>
          %mul3A_261 = arith.mulf %get3A_260, %gather3A_209 : vector<16xf32>
          %swap3A_262 = arith.constant 1 : i32
          %swap3A_263 = arith.index_cast %swap3A_262 : i32 to index
          %swap3A_264 = arith.index_cast %add3A_213 : i32 to index
          %swap3A_265 = arith.constant 48 : index
          %swap3A_266 = tpu.vector_load %arg10[%swap3A_263, %swap3A_264, %swap3A_265] {strides = array<i32>} : memref<2x128x128xf32, #tpu.memory_space<vmem>>, vector<1x1x16xf32>,
          %swap3A_267 = vector.shape_cast %swap3A_266 : vector<1x1x16xf32> to vector<16xf32>
          %swap3A_268 = vector.shape_cast %mul3A_261 : vector<16xf32> to vector<1x1x16xf32>
          tpu.vector_store %arg10[%swap3A_263, %swap3A_264, %swap3A_265], %swap3A_268 {strides = array<i32>} : memref<2x128x128xf32, #tpu.memory_space<vmem>>, vector<1x1x16xf32>,
          %get3A_269 = arith.constant 1 : i32
          %get3A_270 = arith.index_cast %get3A_269 : i32 to index
          %get3A_271 = arith.index_cast %add3A_213 : i32 to index
          %get3A_272 = arith.constant 64 : index
          %get3A_273 = tpu.vector_load %arg10[%get3A_270, %get3A_271, %get3A_272] {strides = array<i32>} : memref<2x128x128xf32, #tpu.memory_space<vmem>>, vector<1x1x16xf32>,
          %get3A_274 = vector.shape_cast %get3A_273 : vector<1x1x16xf32> to vector<16xf32>
          %mul3A_275 = arith.mulf %get3A_274, %gather3A_209 : vector<16xf32>
          %swap3A_276 = arith.constant 1 : i32
          %swap3A_277 = arith.index_cast %swap3A_276 : i32 to index
          %swap3A_278 = arith.index_cast %add3A_213 : i32 to index
          %swap3A_279 = arith.constant 64 : index
          %swap3A_280 = tpu.vector_load %arg10[%swap3A_277, %swap3A_278, %swap3A_279] {strides = array<i32>} : memref<2x128x128xf32, #tpu.memory_space<vmem>>, vector<1x1x16xf32>,
          %swap3A_281 = vector.shape_cast %swap3A_280 : vector<1x1x16xf32> to vector<16xf32>
          %swap3A_282 = vector.shape_cast %mul3A_275 : vector<16xf32> to vector<1x1x16xf32>
          tpu.vector_store %arg10[%swap3A_277, %swap3A_278, %swap3A_279], %swap3A_282 {strides = array<i32>} : memref<2x128x128xf32, #tpu.memory_space<vmem>>, vector<1x1x16xf32>,
          %get3A_283 = arith.constant 1 : i32
          %get3A_284 = arith.index_cast %get3A_283 : i32 to index
          %get3A_285 = arith.index_cast %add3A_213 : i32 to index
          %get3A_286 = arith.constant 80 : index
          %get3A_287 = tpu.vector_load %arg10[%get3A_284, %get3A_285, %get3A_286] {strides = array<i32>} : memref<2x128x128xf32, #tpu.memory_space<vmem>>, vector<1x1x16xf32>,
          %get3A_288 = vector.shape_cast %get3A_287 : vector<1x1x16xf32> to vector<16xf32>
          %mul3A_289 = arith.mulf %get3A_288, %gather3A_209 : vector<16xf32>
          %swap3A_290 = arith.constant 1 : i32
          %swap3A_291 = arith.index_cast %swap3A_290 : i32 to index
          %swap3A_292 = arith.index_cast %add3A_213 : i32 to index
          %swap3A_293 = arith.constant 80 : index
          %swap3A_294 = tpu.vector_load %arg10[%swap3A_291, %swap3A_292, %swap3A_293] {strides = array<i32>} : memref<2x128x128xf32, #tpu.memory_space<vmem>>, vector<1x1x16xf32>,
          %swap3A_295 = vector.shape_cast %swap3A_294 : vector<1x1x16xf32> to vector<16xf32>
          %swap3A_296 = vector.shape_cast %mul3A_289 : vector<16xf32> to vector<1x1x16xf32>
          tpu.vector_store %arg10[%swap3A_291, %swap3A_292, %swap3A_293], %swap3A_296 {strides = array<i32>} : memref<2x128x128xf32, #tpu.memory_space<vmem>>, vector<1x1x16xf32>,
          %get3A_297 = arith.constant 1 : i32
          %get3A_298 = arith.index_cast %get3A_297 : i32 to index
          %get3A_299 = arith.index_cast %add3A_213 : i32 to index
          %get3A_300 = arith.constant 96 : index
          %get3A_301 = tpu.vector_load %arg10[%get3A_298, %get3A_299, %get3A_300] {strides = array<i32>} : memref<2x128x128xf32, #tpu.memory_space<vmem>>, vector<1x1x16xf32>,
          %get3A_302 = vector.shape_cast %get3A_301 : vector<1x1x16xf32> to vector<16xf32>
          %mul3A_303 = arith.mulf %get3A_302, %gather3A_209 : vector<16xf32>
          %swap3A_304 = arith.constant 1 : i32
          %swap3A_305 = arith.index_cast %swap3A_304 : i32 to index
          %swap3A_306 = arith.index_cast %add3A_213 : i32 to index
          %swap3A_307 = arith.constant 96 : index
          %swap3A_308 = tpu.vector_load %arg10[%swap3A_305, %swap3A_306, %swap3A_307] {strides = array<i32>} : memref<2x128x128xf32, #tpu.memory_space<vmem>>, vector<1x1x16xf32>,
          %swap3A_309 = vector.shape_cast %swap3A_308 : vector<1x1x16xf32> to vector<16xf32>
          %swap3A_310 = vector.shape_cast %mul3A_303 : vector<16xf32> to vector<1x1x16xf32>
          tpu.vector_store %arg10[%swap3A_305, %swap3A_306, %swap3A_307], %swap3A_310 {strides = array<i32>} : memref<2x128x128xf32, #tpu.memory_space<vmem>>, vector<1x1x16xf32>,
          %get3A_311 = arith.constant 1 : i32
          %get3A_312 = arith.index_cast %get3A_311 : i32 to index
          %get3A_313 = arith.index_cast %add3A_213 : i32 to index
          %get3A_314 = arith.constant 112 : index
          %get3A_315 = tpu.vector_load %arg10[%get3A_312, %get3A_313, %get3A_314] {strides = array<i32>} : memref<2x128x128xf32, #tpu.memory_space<vmem>>, vector<1x1x16xf32>,
          %get3A_316 = vector.shape_cast %get3A_315 : vector<1x1x16xf32> to vector<16xf32>
          %mul3A_317 = arith.mulf %get3A_316, %gather3A_209 : vector<16xf32>
          %swap3A_318 = arith.constant 1 : i32
          %swap3A_319 = arith.index_cast %swap3A_318 : i32 to index
          %swap3A_320 = arith.index_cast %add3A_213 : i32 to index
          %swap3A_321 = arith.constant 112 : index
          %swap3A_322 = tpu.vector_load %arg10[%swap3A_319, %swap3A_320, %swap3A_321] {strides = array<i32>} : memref<2x128x128xf32, #tpu.memory_space<vmem>>, vector<1x1x16xf32>,
          %swap3A_323 = vector.shape_cast %swap3A_322 : vector<1x1x16xf32> to vector<16xf32>
          %swap3A_324 = vector.shape_cast %mul3A_317 : vector<16xf32> to vector<1x1x16xf32>
          tpu.vector_store %arg10[%swap3A_319, %swap3A_320, %swap3A_321], %swap3A_324 {strides = array<i32>} : memref<2x128x128xf32, #tpu.memory_space<vmem>>, vector<1x1x16xf32>,
          %broadcast_in_dim3A_325 = arith.constant 1 : i32
          %broadcast_in_dim3A_326 = vector.broadcast %broadcast_in_dim3A_325 : i32 to vector<16x1xi32>
          %gather3A_327 = vector.shape_cast %broadcast_in_dim3A_326 : vector<16x1xi32> to vector<16xi32>
          %gather3A_328 = tpu.dynamic_gather %get3A_207[%gather3A_327] in [0] : vector<16xf32>, vector<16xi32> -> vector<16xf32>
          %mul3A_329 = arith.constant 16 : i32
          %mul3A_330 = arith.muli %add3A_202, %mul3A_329 : i32
          %add3A_331 = arith.constant 1 : i32
          %add3A_332 = arith.addi %mul3A_330, %add3A_331 : i32
          %get3A_333 = arith.constant 1 : i32
          %get3A_334 = arith.index_cast %get3A_333 : i32 to index
          %get3A_335 = arith.index_cast %add3A_332 : i32 to index
          %get3A_336 = arith.constant 0 : index
          %get3A_337 = tpu.vector_load %arg10[%get3A_334, %get3A_335, %get3A_336] {strides = array<i32>} : memref<2x128x128xf32, #tpu.memory_space<vmem>>, vector<1x1x16xf32>,
          %get3A_338 = vector.shape_cast %get3A_337 : vector<1x1x16xf32> to vector<16xf32>
          %mul3A_339 = arith.mulf %get3A_338, %gather3A_328 : vector<16xf32>
          %swap3A_340 = arith.constant 1 : i32
          %swap3A_341 = arith.index_cast %swap3A_340 : i32 to index
          %swap3A_342 = arith.index_cast %add3A_332 : i32 to index
          %swap3A_343 = arith.constant 0 : index
          %swap3A_344 = tpu.vector_load %arg10[%swap3A_341, %swap3A_342, %swap3A_343] {strides = array<i32>} : memref<2x128x128xf32, #tpu.memory_space<vmem>>, vector<1x1x16xf32>,
          %swap3A_345 = vector.shape_cast %swap3A_344 : vector<1x1x16xf32> to vector<16xf32>
          %swap3A_346 = vector.shape_cast %mul3A_339 : vector<16xf32> to vector<1x1x16xf32>
          tpu.vector_store %arg10[%swap3A_341, %swap3A_342, %swap3A_343], %swap3A_346 {strides = array<i32>} : memref<2x128x128xf32, #tpu.memory_space<vmem>>, vector<1x1x16xf32>,
          %get3A_347 = arith.constant 1 : i32
          %get3A_348 = arith.index_cast %get3A_347 : i32 to index
          %get3A_349 = arith.index_cast %add3A_332 : i32 to index
          %get3A_350 = arith.constant 16 : index
          %get3A_351 = tpu.vector_load %arg10[%get3A_348, %get3A_349, %get3A_350] {strides = array<i32>} : memref<2x128x128xf32, #tpu.memory_space<vmem>>, vector<1x1x16xf32>,
          %get3A_352 = vector.shape_cast %get3A_351 : vector<1x1x16xf32> to vector<16xf32>
          %mul3A_353 = arith.mulf %get3A_352, %gather3A_328 : vector<16xf32>
          %swap3A_354 = arith.constant 1 : i32
          %swap3A_355 = arith.index_cast %swap3A_354 : i32 to index
          %swap3A_356 = arith.index_cast %add3A_332 : i32 to index
          %swap3A_357 = arith.constant 16 : index
          %swap3A_358 = tpu.vector_load %arg10[%swap3A_355, %swap3A_356, %swap3A_357] {strides = array<i32>} : memref<2x128x128xf32, #tpu.memory_space<vmem>>, vector<1x1x16xf32>,
          %swap3A_359 = vector.shape_cast %swap3A_358 : vector<1x1x16xf32> to vector<16xf32>
          %swap3A_360 = vector.shape_cast %mul3A_353 : vector<16xf32> to vector<1x1x16xf32>
          tpu.vector_store %arg10[%swap3A_355, %swap3A_356, %swap3A_357], %swap3A_360 {strides = array<i32>} : memref<2x128x128xf32, #tpu.memory_space<vmem>>, vector<1x1x16xf32>,
          %get3A_361 = arith.constant 1 : i32
          %get3A_362 = arith.index_cast %get3A_361 : i32 to index
          %get3A_363 = arith.index_cast %add3A_332 : i32 to index
          %get3A_364 = arith.constant 32 : index
          %get3A_365 = tpu.vector_load %arg10[%get3A_362, %get3A_363, %get3A_364] {strides = array<i32>} : memref<2x128x128xf32, #tpu.memory_space<vmem>>, vector<1x1x16xf32>,
          %get3A_366 = vector.shape_cast %get3A_365 : vector<1x1x16xf32> to vector<16xf32>
          %mul3A_367 = arith.mulf %get3A_366, %gather3A_328 : vector<16xf32>
          %swap3A_368 = arith.constant 1 : i32
          %swap3A_369 = arith.index_cast %swap3A_368 : i32 to index
          %swap3A_370 = arith.index_cast %add3A_332 : i32 to index
          %swap3A_371 = arith.constant 32 : index
          %swap3A_372 = tpu.vector_load %arg10[%swap3A_369, %swap3A_370, %swap3A_371] {strides = array<i32>} : memref<2x128x128xf32, #tpu.memory_space<vmem>>, vector<1x1x16xf32>,
          %swap3A_373 = vector.shape_cast %swap3A_372 : vector<1x1x16xf32> to vector<16xf32>
          %swap3A_374 = vector.shape_cast %mul3A_367 : vector<16xf32> to vector<1x1x16xf32>
          tpu.vector_store %arg10[%swap3A_369, %swap3A_370, %swap3A_371], %swap3A_374 {strides = array<i32>} : memref<2x128x128xf32, #tpu.memory_space<vmem>>, vector<1x1x16xf32>,
          %get3A_375 = arith.constant 1 : i32
          %get3A_376 = arith.index_cast %get3A_375 : i32 to index
          %get3A_377 = arith.index_cast %add3A_332 : i32 to index
          %get3A_378 = arith.constant 48 : index
          %get3A_379 = tpu.vector_load %arg10[%get3A_376, %get3A_377, %get3A_378] {strides = array<i32>} : memref<2x128x128xf32, #tpu.memory_space<vmem>>, vector<1x1x16xf32>,
          %get3A_380 = vector.shape_cast %get3A_379 : vector<1x1x16xf32> to vector<16xf32>
          %mul3A_381 = arith.mulf %get3A_380, %gather3A_328 : vector<16xf32>
          %swap3A_382 = arith.constant 1 : i32
          %swap3A_383 = arith.index_cast %swap3A_382 : i32 to index
          %swap3A_384 = arith.index_cast %add3A_332 : i32 to index
          %swap3A_385 = arith.constant 48 : index
          %swap3A_386 = tpu.vector_load %arg10[%swap3A_383, %swap3A_384, %swap3A_385] {strides = array<i32>} : memref<2x128x128xf32, #tpu.memory_space<vmem>>, vector<1x1x16xf32>,
          %swap3A_387 = vector.shape_cast %swap3A_386 : vector<1x1x16xf32> to vector<16xf32>
          %swap3A_388 = vector.shape_cast %mul3A_381 : vector<16xf32> to vector<1x1x16xf32>
          tpu.vector_store %arg10[%swap3A_383, %swap3A_384, %swap3A_385], %swap3A_388 {strides = array<i32>} : memref<2x128x128xf32, #tpu.memory_space<vmem>>, vector<1x1x16xf32>,
          %get3A_389 = arith.constant 1 : i32
          %get3A_390 = arith.index_cast %get3A_389 : i32 to index
          %get3A_391 = arith.index_cast %add3A_332 : i32 to index
          %get3A_392 = arith.constant 64 : index
          %get3A_393 = tpu.vector_load %arg10[%get3A_390, %get3A_391, %get3A_392] {strides = array<i32>} : memref<2x128x128xf32, #tpu.memory_space<vmem>>, vector<1x1x16xf32>,
          %get3A_394 = vector.shape_cast %get3A_393 : vector<1x1x16xf32> to vector<16xf32>
          %mul3A_395 = arith.mulf %get3A_394, %gather3A_328 : vector<16xf32>
          %swap3A_396 = arith.constant 1 : i32
          %swap3A_397 = arith.index_cast %swap3A_396 : i32 to index
          %swap3A_398 = arith.index_cast %add3A_332 : i32 to index
          %swap3A_399 = arith.constant 64 : index
          %swap3A_400 = tpu.vector_load %arg10[%swap3A_397, %swap3A_398, %swap3A_399] {strides = array<i32>} : memref<2x128x128xf32, #tpu.memory_space<vmem>>, vector<1x1x16xf32>,
          %swap3A_401 = vector.shape_cast %swap3A_400 : vector<1x1x16xf32> to vector<16xf32>
          %swap3A_402 = vector.shape_cast %mul3A_395 : vector<16xf32> to vector<1x1x16xf32>
          tpu.vector_store %arg10[%swap3A_397, %swap3A_398, %swap3A_399], %swap3A_402 {strides = array<i32>} : memref<2x128x128xf32, #tpu.memory_space<vmem>>, vector<1x1x16xf32>,
          %get3A_403 = arith.constant 1 : i32
          %get3A_404 = arith.index_cast %get3A_403 : i32 to index
          %get3A_405 = arith.index_cast %add3A_332 : i32 to index
          %get3A_406 = arith.constant 80 : index
          %get3A_407 = tpu.vector_load %arg10[%get3A_404, %get3A_405, %get3A_406] {strides = array<i32>} : memref<2x128x128xf32, #tpu.memory_space<vmem>>, vector<1x1x16xf32>,
          %get3A_408 = vector.shape_cast %get3A_407 : vector<1x1x16xf32> to vector<16xf32>
          %mul3A_409 = arith.mulf %get3A_408, %gather3A_328 : vector<16xf32>
          %swap3A_410 = arith.constant 1 : i32
          %swap3A_411 = arith.index_cast %swap3A_410 : i32 to index
          %swap3A_412 = arith.index_cast %add3A_332 : i32 to index
          %swap3A_413 = arith.constant 80 : index
          %swap3A_414 = tpu.vector_load %arg10[%swap3A_411, %swap3A_412, %swap3A_413] {strides = array<i32>} : memref<2x128x128xf32, #tpu.memory_space<vmem>>, vector<1x1x16xf32>,
          %swap3A_415 = vector.shape_cast %swap3A_414 : vector<1x1x16xf32> to vector<16xf32>
          %swap3A_416 = vector.shape_cast %mul3A_409 : vector<16xf32> to vector<1x1x16xf32>
          tpu.vector_store %arg10[%swap3A_411, %swap3A_412, %swap3A_413], %swap3A_416 {strides = array<i32>} : memref<2x128x128xf32, #tpu.memory_space<vmem>>, vector<1x1x16xf32>,
          %get3A_417 = arith.constant 1 : i32
          %get3A_418 = arith.index_cast %get3A_417 : i32 to index
          %get3A_419 = arith.index_cast %add3A_332 : i32 to index
          %get3A_420 = arith.constant 96 : index
          %get3A_421 = tpu.vector_load %arg10[%get3A_418, %get3A_419, %get3A_420] {strides = array<i32>} : memref<2x128x128xf32, #tpu.memory_space<vmem>>, vector<1x1x16xf32>,
          %get3A_422 = vector.shape_cast %get3A_421 : vector<1x1x16xf32> to vector<16xf32>
          %mul3A_423 = arith.mulf %get3A_422, %gather3A_328 : vector<16xf32>
          %swap3A_424 = arith.constant 1 : i32
          %swap3A_425 = arith.index_cast %swap3A_424 : i32 to index
          %swap3A_426 = arith.index_cast %add3A_332 : i32 to index
          %swap3A_427 = arith.constant 96 : index
          %swap3A_428 = tpu.vector_load %arg10[%swap3A_425, %swap3A_426, %swap3A_427] {strides = array<i32>} : memref<2x128x128xf32, #tpu.memory_space<vmem>>, vector<1x1x16xf32>,
          %swap3A_429 = vector.shape_cast %swap3A_428 : vector<1x1x16xf32> to vector<16xf32>
          %swap3A_430 = vector.shape_cast %mul3A_423 : vector<16xf32> to vector<1x1x16xf32>
          tpu.vector_store %arg10[%swap3A_425, %swap3A_426, %swap3A_427], %swap3A_430 {strides = array<i32>} : memref<2x128x128xf32, #tpu.memory_space<vmem>>, vector<1x1x16xf32>,
          %get3A_431 = arith.constant 1 : i32
          %get3A_432 = arith.index_cast %get3A_431 : i32 to index
          %get3A_433 = arith.index_cast %add3A_332 : i32 to index
          %get3A_434 = arith.constant 112 : index
          %get3A_435 = tpu.vector_load %arg10[%get3A_432, %get3A_433, %get3A_434] {strides = array<i32>} : memref<2x128x128xf32, #tpu.memory_space<vmem>>, vector<1x1x16xf32>,
          %get3A_436 = vector.shape_cast %get3A_435 : vector<1x1x16xf32> to vector<16xf32>
          %mul3A_437 = arith.mulf %get3A_436, %gather3A_328 : vector<16xf32>
          %swap3A_438 = arith.constant 1 : i32
          %swap3A_439 = arith.index_cast %swap3A_438 : i32 to index
          %swap3A_440 = arith.index_cast %add3A_332 : i32 to index
          %swap3A_441 = arith.constant 112 : index
          %swap3A_442 = tpu.vector_load %arg10[%swap3A_439, %swap3A_440, %swap3A_441] {strides = array<i32>} : memref<2x128x128xf32, #tpu.memory_space<vmem>>, vector<1x1x16xf32>,
          %swap3A_443 = vector.shape_cast %swap3A_442 : vector<1x1x16xf32> to vector<16xf32>
          %swap3A_444 = vector.shape_cast %mul3A_437 : vector<16xf32> to vector<1x1x16xf32>
          tpu.vector_store %arg10[%swap3A_439, %swap3A_440, %swap3A_441], %swap3A_444 {strides = array<i32>} : memref<2x128x128xf32, #tpu.memory_space<vmem>>, vector<1x1x16xf32>,
          %broadcast_in_dim3A_445 = arith.constant 2 : i32
          %broadcast_in_dim3A_446 = vector.broadcast %broadcast_in_dim3A_445 : i32 to vector<16x1xi32>
          %gather3A_447 = vector.shape_cast %broadcast_in_dim3A_446 : vector<16x1xi32> to vector<16xi32>
          %gather3A_448 = tpu.dynamic_gather %get3A_207[%gather3A_447] in [0] : vector<16xf32>, vector<16xi32> -> vector<16xf32>
          %mul3A_449 = arith.constant 16 : i32
          %mul3A_450 = arith.muli %add3A_202, %mul3A_449 : i32
          %add3A_451 = arith.constant 2 : i32
          %add3A_452 = arith.addi %mul3A_450, %add3A_451 : i32
          %get3A_453 = arith.constant 1 : i32
          %get3A_454 = arith.index_cast %get3A_453 : i32 to index
          %get3A_455 = arith.index_cast %add3A_452 : i32 to index
          %get3A_456 = arith.constant 0 : index
          %get3A_457 = tpu.vector_load %arg10[%get3A_454, %get3A_455, %get3A_456] {strides = array<i32>} : memref<2x128x128xf32, #tpu.memory_space<vmem>>, vector<1x1x16xf32>,
          %get3A_458 = vector.shape_cast %get3A_457 : vector<1x1x16xf32> to vector<16xf32>
          %mul3A_459 = arith.mulf %get3A_458, %gather3A_448 : vector<16xf32>
          %swap3A_460 = arith.constant 1 : i32
          %swap3A_461 = arith.index_cast %swap3A_460 : i32 to index
          %swap3A_462 = arith.index_cast %add3A_452 : i32 to index
          %swap3A_463 = arith.constant 0 : index
          %swap3A_464 = tpu.vector_load %arg10[%swap3A_461, %swap3A_462, %swap3A_463] {strides = array<i32>} : memref<2x128x128xf32, #tpu.memory_space<vmem>>, vector<1x1x16xf32>,
          %swap3A_465 = vector.shape_cast %swap3A_464 : vector<1x1x16xf32> to vector<16xf32>
          %swap3A_466 = vector.shape_cast %mul3A_459 : vector<16xf32> to vector<1x1x16xf32>
          tpu.vector_store %arg10[%swap3A_461, %swap3A_462, %swap3A_463], %swap3A_466 {strides = array<i32>} : memref<2x128x128xf32, #tpu.memory_space<vmem>>, vector<1x1x16xf32>,
          %get3A_467 = arith.constant 1 : i32
          %get3A_468 = arith.index_cast %get3A_467 : i32 to index
          %get3A_469 = arith.index_cast %add3A_452 : i32 to index
          %get3A_470 = arith.constant 16 : index
          %get3A_471 = tpu.vector_load %arg10[%get3A_468, %get3A_469, %get3A_470] {strides = array<i32>} : memref<2x128x128xf32, #tpu.memory_space<vmem>>, vector<1x1x16xf32>,
          %get3A_472 = vector.shape_cast %get3A_471 : vector<1x1x16xf32> to vector<16xf32>
          %mul3A_473 = arith.mulf %get3A_472, %gather3A_448 : vector<16xf32>
          %swap3A_474 = arith.constant 1 : i32
          %swap3A_475 = arith.index_cast %swap3A_474 : i32 to index
          %swap3A_476 = arith.index_cast %add3A_452 : i32 to index
          %swap3A_477 = arith.constant 16 : index
          %swap3A_478 = tpu.vector_load %arg10[%swap3A_475, %swap3A_476, %swap3A_477] {strides = array<i32>} : memref<2x128x128xf32, #tpu.memory_space<vmem>>, vector<1x1x16xf32>,
          %swap3A_479 = vector.shape_cast %swap3A_478 : vector<1x1x16xf32> to vector<16xf32>
          %swap3A_480 = vector.shape_cast %mul3A_473 : vector<16xf32> to vector<1x1x16xf32>
          tpu.vector_store %arg10[%swap3A_475, %swap3A_476, %swap3A_477], %swap3A_480 {strides = array<i32>} : memref<2x128x128xf32, #tpu.memory_space<vmem>>, vector<1x1x16xf32>,
          %get3A_481 = arith.constant 1 : i32
          %get3A_482 = arith.index_cast %get3A_481 : i32 to index
          %get3A_483 = arith.index_cast %add3A_452 : i32 to index
          %get3A_484 = arith.constant 32 : index
          %get3A_485 = tpu.vector_load %arg10[%get3A_482, %get3A_483, %get3A_484] {strides = array<i32>} : memref<2x128x128xf32, #tpu.memory_space<vmem>>, vector<1x1x16xf32>,
          %get3A_486 = vector.shape_cast %get3A_485 : vector<1x1x16xf32> to vector<16xf32>
          %mul3A_487 = arith.mulf %get3A_486, %gather3A_448 : vector<16xf32>
          %swap3A_488 = arith.constant 1 : i32
          %swap3A_489 = arith.index_cast %swap3A_488 : i32 to index
          %swap3A_490 = arith.index_cast %add3A_452 : i32 to index
          %swap3A_491 = arith.constant 32 : index
          %swap3A_492 = tpu.vector_load %arg10[%swap3A_489, %swap3A_490, %swap3A_491] {strides = array<i32>} : memref<2x128x128xf32, #tpu.memory_space<vmem>>, vector<1x1x16xf32>,
          %swap3A_493 = vector.shape_cast %swap3A_492 : vector<1x1x16xf32> to vector<16xf32>
          %swap3A_494 = vector.shape_cast %mul3A_487 : vector<16xf32> to vector<1x1x16xf32>
          tpu.vector_store %arg10[%swap3A_489, %swap3A_490, %swap3A_491], %swap3A_494 {strides = array<i32>} : memref<2x128x128xf32, #tpu.memory_space<vmem>>, vector<1x1x16xf32>,
          %get3A_495 = arith.constant 1 : i32
          %get3A_496 = arith.index_cast %get3A_495 : i32 to index
          %get3A_497 = arith.index_cast %add3A_452 : i32 to index
          %get3A_498 = arith.constant 48 : index
          %get3A_499 = tpu.vector_load %arg10[%get3A_496, %get3A_497, %get3A_498] {strides = array<i32>} : memref<2x128x128xf32, #tpu.memory_space<vmem>>, vector<1x1x16xf32>,
          %get3A_500 = vector.shape_cast %get3A_499 : vector<1x1x16xf32> to vector<16xf32>
          %mul3A_501 = arith.mulf %get3A_500, %gather3A_448 : vector<16xf32>
          %swap3A_502 = arith.constant 1 : i32
          %swap3A_503 = arith.index_cast %swap3A_502 : i32 to index
          %swap3A_504 = arith.index_cast %add3A_452 : i32 to index
          %swap3A_505 = arith.constant 48 : index
          %swap3A_506 = tpu.vector_load %arg10[%swap3A_503, %swap3A_504, %swap3A_505] {strides = array<i32>} : memref<2x128x128xf32, #tpu.memory_space<vmem>>, vector<1x1x16xf32>,
          %swap3A_507 = vector.shape_cast %swap3A_506 : vector<1x1x16xf32> to vector<16xf32>
          %swap3A_508 = vector.shape_cast %mul3A_501 : vector<16xf32> to vector<1x1x16xf32>
          tpu.vector_store %arg10[%swap3A_503, %swap3A_504, %swap3A_505], %swap3A_508 {strides = array<i32>} : memref<2x128x128xf32, #tpu.memory_space<vmem>>, vector<1x1x16xf32>,
          %get3A_509 = arith.constant 1 : i32
          %get3A_510 = arith.index_cast %get3A_509 : i32 to index
          %get3A_511 = arith.index_cast %add3A_452 : i32 to index
          %get3A_512 = arith.constant 64 : index
          %get3A_513 = tpu.vector_load %arg10[%get3A_510, %get3A_511, %get3A_512] {strides = array<i32>} : memref<2x128x128xf32, #tpu.memory_space<vmem>>, vector<1x1x16xf32>,
          %get3A_514 = vector.shape_cast %get3A_513 : vector<1x1x16xf32> to vector<16xf32>
          %mul3A_515 = arith.mulf %get3A_514, %gather3A_448 : vector<16xf32>
          %swap3A_516 = arith.constant 1 : i32
          %swap3A_517 = arith.index_cast %swap3A_516 : i32 to index
          %swap3A_518 = arith.index_cast %add3A_452 : i32 to index
          %swap3A_519 = arith.constant 64 : index
          %swap3A_520 = tpu.vector_load %arg10[%swap3A_517, %swap3A_518, %swap3A_519] {strides = array<i32>} : memref<2x128x128xf32, #tpu.memory_space<vmem>>, vector<1x1x16xf32>,
          %swap3A_521 = vector.shape_cast %swap3A_520 : vector<1x1x16xf32> to vector<16xf32>
          %swap3A_522 = vector.shape_cast %mul3A_515 : vector<16xf32> to vector<1x1x16xf32>
          tpu.vector_store %arg10[%swap3A_517, %swap3A_518, %swap3A_519], %swap3A_522 {strides = array<i32>} : memref<2x128x128xf32, #tpu.memory_space<vmem>>, vector<1x1x16xf32>,
          %get3A_523 = arith.constant 1 : i32
          %get3A_524 = arith.index_cast %get3A_523 : i32 to index
          %get3A_525 = arith.index_cast %add3A_452 : i32 to index
          %get3A_526 = arith.constant 80 : index
          %get3A_527 = tpu.vector_load %arg10[%get3A_524, %get3A_525, %get3A_526] {strides = array<i32>} : memref<2x128x128xf32, #tpu.memory_space<vmem>>, vector<1x1x16xf32>,
          %get3A_528 = vector.shape_cast %get3A_527 : vector<1x1x16xf32> to vector<16xf32>
          %mul3A_529 = arith.mulf %get3A_528, %gather3A_448 : vector<16xf32>
          %swap3A_530 = arith.constant 1 : i32
          %swap3A_531 = arith.index_cast %swap3A_530 : i32 to index
          %swap3A_532 = arith.index_cast %add3A_452 : i32 to index
          %swap3A_533 = arith.constant 80 : index
          %swap3A_534 = tpu.vector_load %arg10[%swap3A_531, %swap3A_532, %swap3A_533] {strides = array<i32>} : memref<2x128x128xf32, #tpu.memory_space<vmem>>, vector<1x1x16xf32>,
          %swap3A_535 = vector.shape_cast %swap3A_534 : vector<1x1x16xf32> to vector<16xf32>
          %swap3A_536 = vector.shape_cast %mul3A_529 : vector<16xf32> to vector<1x1x16xf32>
          tpu.vector_store %arg10[%swap3A_531, %swap3A_532, %swap3A_533], %swap3A_536 {strides = array<i32>} : memref<2x128x128xf32, #tpu.memory_space<vmem>>, vector<1x1x16xf32>,
          %get3A_537 = arith.constant 1 : i32
          %get3A_538 = arith.index_cast %get3A_537 : i32 to index
          %get3A_539 = arith.index_cast %add3A_452 : i32 to index
          %get3A_540 = arith.constant 96 : index
          %get3A_541 = tpu.vector_load %arg10[%get3A_538, %get3A_539, %get3A_540] {strides = array<i32>} : memref<2x128x128xf32, #tpu.memory_space<vmem>>, vector<1x1x16xf32>,
          %get3A_542 = vector.shape_cast %get3A_541 : vector<1x1x16xf32> to vector<16xf32>
          %mul3A_543 = arith.mulf %get3A_542, %gather3A_448 : vector<16xf32>
          %swap3A_544 = arith.constant 1 : i32
          %swap3A_545 = arith.index_cast %swap3A_544 : i32 to index
          %swap3A_546 = arith.index_cast %add3A_452 : i32 to index
          %swap3A_547 = arith.constant 96 : index
          %swap3A_548 = tpu.vector_load %arg10[%swap3A_545, %swap3A_546, %swap3A_547] {strides = array<i32>} : memref<2x128x128xf32, #tpu.memory_space<vmem>>, vector<1x1x16xf32>,
          %swap3A_549 = vector.shape_cast %swap3A_548 : vector<1x1x16xf32> to vector<16xf32>
          %swap3A_550 = vector.shape_cast %mul3A_543 : vector<16xf32> to vector<1x1x16xf32>
          tpu.vector_store %arg10[%swap3A_545, %swap3A_546, %swap3A_547], %swap3A_550 {strides = array<i32>} : memref<2x128x128xf32, #tpu.memory_space<vmem>>, vector<1x1x16xf32>,
          %get3A_551 = arith.constant 1 : i32
          %get3A_552 = arith.index_cast %get3A_551 : i32 to index
          %get3A_553 = arith.index_cast %add3A_452 : i32 to index
          %get3A_554 = arith.constant 112 : index
          %get3A_555 = tpu.vector_load %arg10[%get3A_552, %get3A_553, %get3A_554] {strides = array<i32>} : memref<2x128x128xf32, #tpu.memory_space<vmem>>, vector<1x1x16xf32>,
          %get3A_556 = vector.shape_cast %get3A_555 : vector<1x1x16xf32> to vector<16xf32>
          %mul3A_557 = arith.mulf %get3A_556, %gather3A_448 : vector<16xf32>
          %swap3A_558 = arith.constant 1 : i32
          %swap3A_559 = arith.index_cast %swap3A_558 : i32 to index
          %swap3A_560 = arith.index_cast %add3A_452 : i32 to index
          %swap3A_561 = arith.constant 112 : index
          %swap3A_562 = tpu.vector_load %arg10[%swap3A_559, %swap3A_560, %swap3A_561] {strides = array<i32>} : memref<2x128x128xf32, #tpu.memory_space<vmem>>, vector<1x1x16xf32>,
          %swap3A_563 = vector.shape_cast %swap3A_562 : vector<1x1x16xf32> to vector<16xf32>
          %swap3A_564 = vector.shape_cast %mul3A_557 : vector<16xf32> to vector<1x1x16xf32>
          tpu.vector_store %arg10[%swap3A_559, %swap3A_560, %swap3A_561], %swap3A_564 {strides = array<i32>} : memref<2x128x128xf32, #tpu.memory_space<vmem>>, vector<1x1x16xf32>,
          %broadcast_in_dim3A_565 = arith.constant 3 : i32
          %broadcast_in_dim3A_566 = vector.broadcast %broadcast_in_dim3A_565 : i32 to vector<16x1xi32>
          %gather3A_567 = vector.shape_cast %broadcast_in_dim3A_566 : vector<16x1xi32> to vector<16xi32>
          %gather3A_568 = tpu.dynamic_gather %get3A_207[%gather3A_567] in [0] : vector<16xf32>, vector<16xi32> -> vector<16xf32>
          %mul3A_569 = arith.constant 16 : i32
          %mul3A_570 = arith.muli %add3A_202, %mul3A_569 : i32
          %add3A_571 = arith.constant 3 : i32
          %add3A_572 = arith.addi %mul3A_570, %add3A_571 : i32
          %get3A_573 = arith.constant 1 : i32
          %get3A_574 = arith.index_cast %get3A_573 : i32 to index
          %get3A_575 = arith.index_cast %add3A_572 : i32 to index
          %get3A_576 = arith.constant 0 : index
          %get3A_577 = tpu.vector_load %arg10[%get3A_574, %get3A_575, %get3A_576] {strides = array<i32>} : memref<2x128x128xf32, #tpu.memory_space<vmem>>, vector<1x1x16xf32>,
          %get3A_578 = vector.shape_cast %get3A_577 : vector<1x1x16xf32> to vector<16xf32>
          %mul3A_579 = arith.mulf %get3A_578, %gather3A_568 : vector<16xf32>
          %swap3A_580 = arith.constant 1 : i32
          %swap3A_581 = arith.index_cast %swap3A_580 : i32 to index
          %swap3A_582 = arith.index_cast %add3A_572 : i32 to index
          %swap3A_583 = arith.constant 0 : index
          %swap3A_584 = tpu.vector_load %arg10[%swap3A_581, %swap3A_582, %swap3A_583] {strides = array<i32>} : memref<2x128x128xf32, #tpu.memory_space<vmem>>, vector<1x1x16xf32>,
          %swap3A_585 = vector.shape_cast %swap3A_584 : vector<1x1x16xf32> to vector<16xf32>
          %swap3A_586 = vector.shape_cast %mul3A_579 : vector<16xf32> to vector<1x1x16xf32>
          tpu.vector_store %arg10[%swap3A_581, %swap3A_582, %swap3A_583], %swap3A_586 {strides = array<i32>} : memref<2x128x128xf32, #tpu.memory_space<vmem>>, vector<1x1x16xf32>,
          %get3A_587 = arith.constant 1 : i32
          %get3A_588 = arith.index_cast %get3A_587 : i32 to index
          %get3A_589 = arith.index_cast %add3A_572 : i32 to index
          %get3A_590 = arith.constant 16 : index
          %get3A_591 = tpu.vector_load %arg10[%get3A_588, %get3A_589, %get3A_590] {strides = array<i32>} : memref<2x128x128xf32, #tpu.memory_space<vmem>>, vector<1x1x16xf32>,
          %get3A_592 = vector.shape_cast %get3A_591 : vector<1x1x16xf32> to vector<16xf32>
          %mul3A_593 = arith.mulf %get3A_592, %gather3A_568 : vector<16xf32>
          %swap3A_594 = arith.constant 1 : i32
          %swap3A_595 = arith.index_cast %swap3A_594 : i32 to index
          %swap3A_596 = arith.index_cast %add3A_572 : i32 to index
          %swap3A_597 = arith.constant 16 : index
          %swap3A_598 = tpu.vector_load %arg10[%swap3A_595, %swap3A_596, %swap3A_597] {strides = array<i32>} : memref<2x128x128xf32, #tpu.memory_space<vmem>>, vector<1x1x16xf32>,
          %swap3A_599 = vector.shape_cast %swap3A_598 : vector<1x1x16xf32> to vector<16xf32>
          %swap3A_600 = vector.shape_cast %mul3A_593 : vector<16xf32> to vector<1x1x16xf32>
          tpu.vector_store %arg10[%swap3A_595, %swap3A_596, %swap3A_597], %swap3A_600 {strides = array<i32>} : memref<2x128x128xf32, #tpu.memory_space<vmem>>, vector<1x1x16xf32>,
          %get3A_601 = arith.constant 1 : i32
          %get3A_602 = arith.index_cast %get3A_601 : i32 to index
          %get3A_603 = arith.index_cast %add3A_572 : i32 to index
          %get3A_604 = arith.constant 32 : index
          %get3A_605 = tpu.vector_load %arg10[%get3A_602, %get3A_603, %get3A_604] {strides = array<i32>} : memref<2x128x128xf32, #tpu.memory_space<vmem>>, vector<1x1x16xf32>,
          %get3A_606 = vector.shape_cast %get3A_605 : vector<1x1x16xf32> to vector<16xf32>
          %mul3A_607 = arith.mulf %get3A_606, %gather3A_568 : vector<16xf32>
          %swap3A_608 = arith.constant 1 : i32
          %swap3A_609 = arith.index_cast %swap3A_608 : i32 to index
          %swap3A_610 = arith.index_cast %add3A_572 : i32 to index
          %swap3A_611 = arith.constant 32 : index
          %swap3A_612 = tpu.vector_load %arg10[%swap3A_609, %swap3A_610, %swap3A_611] {strides = array<i32>} : memref<2x128x128xf32, #tpu.memory_space<vmem>>, vector<1x1x16xf32>,
          %swap3A_613 = vector.shape_cast %swap3A_612 : vector<1x1x16xf32> to vector<16xf32>
          %swap3A_614 = vector.shape_cast %mul3A_607 : vector<16xf32> to vector<1x1x16xf32>
          tpu.vector_store %arg10[%swap3A_609, %swap3A_610, %swap3A_611], %swap3A_614 {strides = array<i32>} : memref<2x128x128xf32, #tpu.memory_space<vmem>>, vector<1x1x16xf32>,
          %get3A_615 = arith.constant 1 : i32
          %get3A_616 = arith.index_cast %get3A_615 : i32 to index
          %get3A_617 = arith.index_cast %add3A_572 : i32 to index
          %get3A_618 = arith.constant 48 : index
          %get3A_619 = tpu.vector_load %arg10[%get3A_616, %get3A_617, %get3A_618] {strides = array<i32>} : memref<2x128x128xf32, #tpu.memory_space<vmem>>, vector<1x1x16xf32>,
          %get3A_620 = vector.shape_cast %get3A_619 : vector<1x1x16xf32> to vector<16xf32>
          %mul3A_621 = arith.mulf %get3A_620, %gather3A_568 : vector<16xf32>
          %swap3A_622 = arith.constant 1 : i32
          %swap3A_623 = arith.index_cast %swap3A_622 : i32 to index
          %swap3A_624 = arith.index_cast %add3A_572 : i32 to index
          %swap3A_625 = arith.constant 48 : index
          %swap3A_626 = tpu.vector_load %arg10[%swap3A_623, %swap3A_624, %swap3A_625] {strides = array<i32>} : memref<2x128x128xf32, #tpu.memory_space<vmem>>, vector<1x1x16xf32>,
          %swap3A_627 = vector.shape_cast %swap3A_626 : vector<1x1x16xf32> to vector<16xf32>
          %swap3A_628 = vector.shape_cast %mul3A_621 : vector<16xf32> to vector<1x1x16xf32>
          tpu.vector_store %arg10[%swap3A_623, %swap3A_624, %swap3A_625], %swap3A_628 {strides = array<i32>} : memref<2x128x128xf32, #tpu.memory_space<vmem>>, vector<1x1x16xf32>,
          %get3A_629 = arith.constant 1 : i32
          %get3A_630 = arith.index_cast %get3A_629 : i32 to index
          %get3A_631 = arith.index_cast %add3A_572 : i32 to index
          %get3A_632 = arith.constant 64 : index
          %get3A_633 = tpu.vector_load %arg10[%get3A_630, %get3A_631, %get3A_632] {strides = array<i32>} : memref<2x128x128xf32, #tpu.memory_space<vmem>>, vector<1x1x16xf32>,
          %get3A_634 = vector.shape_cast %get3A_633 : vector<1x1x16xf32> to vector<16xf32>
          %mul3A_635 = arith.mulf %get3A_634, %gather3A_568 : vector<16xf32>
          %swap3A_636 = arith.constant 1 : i32
          %swap3A_637 = arith.index_cast %swap3A_636 : i32 to index
          %swap3A_638 = arith.index_cast %add3A_572 : i32 to index
          %swap3A_639 = arith.constant 64 : index
          %swap3A_640 = tpu.vector_load %arg10[%swap3A_637, %swap3A_638, %swap3A_639] {strides = array<i32>} : memref<2x128x128xf32, #tpu.memory_space<vmem>>, vector<1x1x16xf32>,
          %swap3A_641 = vector.shape_cast %swap3A_640 : vector<1x1x16xf32> to vector<16xf32>
          %swap3A_642 = vector.shape_cast %mul3A_635 : vector<16xf32> to vector<1x1x16xf32>
          tpu.vector_store %arg10[%swap3A_637, %swap3A_638, %swap3A_639], %swap3A_642 {strides = array<i32>} : memref<2x128x128xf32, #tpu.memory_space<vmem>>, vector<1x1x16xf32>,
          %get3A_643 = arith.constant 1 : i32
          %get3A_644 = arith.index_cast %get3A_643 : i32 to index
          %get3A_645 = arith.index_cast %add3A_572 : i32 to index
          %get3A_646 = arith.constant 80 : index
          %get3A_647 = tpu.vector_load %arg10[%get3A_644, %get3A_645, %get3A_646] {strides = array<i32>} : memref<2x128x128xf32, #tpu.memory_space<vmem>>, vector<1x1x16xf32>,
          %get3A_648 = vector.shape_cast %get3A_647 : vector<1x1x16xf32> to vector<16xf32>
          %mul3A_649 = arith.mulf %get3A_648, %gather3A_568 : vector<16xf32>
          %swap3A_650 = arith.constant 1 : i32
          %swap3A_651 = arith.index_cast %swap3A_650 : i32 to index
          %swap3A_652 = arith.index_cast %add3A_572 : i32 to index
          %swap3A_653 = arith.constant 80 : index
          %swap3A_654 = tpu.vector_load %arg10[%swap3A_651, %swap3A_652, %swap3A_653] {strides = array<i32>} : memref<2x128x128xf32, #tpu.memory_space<vmem>>, vector<1x1x16xf32>,
          %swap3A_655 = vector.shape_cast %swap3A_654 : vector<1x1x16xf32> to vector<16xf32>
          %swap3A_656 = vector.shape_cast %mul3A_649 : vector<16xf32> to vector<1x1x16xf32>
          tpu.vector_store %arg10[%swap3A_651, %swap3A_652, %swap3A_653], %swap3A_656 {strides = array<i32>} : memref<2x128x128xf32, #tpu.memory_space<vmem>>, vector<1x1x16xf32>,
          %get3A_657 = arith.constant 1 : i32
          %get3A_658 = arith.index_cast %get3A_657 : i32 to index
          %get3A_659 = arith.index_cast %add3A_572 : i32 to index
          %get3A_660 = arith.constant 96 : index
          %get3A_661 = tpu.vector_load %arg10[%get3A_658, %get3A_659, %get3A_660] {strides = array<i32>} : memref<2x128x128xf32, #tpu.memory_space<vmem>>, vector<1x1x16xf32>,
          %get3A_662 = vector.shape_cast %get3A_661 : vector<1x1x16xf32> to vector<16xf32>
          %mul3A_663 = arith.mulf %get3A_662, %gather3A_568 : vector<16xf32>
          %swap3A_664 = arith.constant 1 : i32
          %swap3A_665 = arith.index_cast %swap3A_664 : i32 to index
          %swap3A_666 = arith.index_cast %add3A_572 : i32 to index
          %swap3A_667 = arith.constant 96 : index
          %swap3A_668 = tpu.vector_load %arg10[%swap3A_665, %swap3A_666, %swap3A_667] {strides = array<i32>} : memref<2x128x128xf32, #tpu.memory_space<vmem>>, vector<1x1x16xf32>,
          %swap3A_669 = vector.shape_cast %swap3A_668 : vector<1x1x16xf32> to vector<16xf32>
          %swap3A_670 = vector.shape_cast %mul3A_663 : vector<16xf32> to vector<1x1x16xf32>
          tpu.vector_store %arg10[%swap3A_665, %swap3A_666, %swap3A_667], %swap3A_670 {strides = array<i32>} : memref<2x128x128xf32, #tpu.memory_space<vmem>>, vector<1x1x16xf32>,
          %get3A_671 = arith.constant 1 : i32
          %get3A_672 = arith.index_cast %get3A_671 : i32 to index
          %get3A_673 = arith.index_cast %add3A_572 : i32 to index
          %get3A_674 = arith.constant 112 : index
          %get3A_675 = tpu.vector_load %arg10[%get3A_672, %get3A_673, %get3A_674] {strides = array<i32>} : memref<2x128x128xf32, #tpu.memory_space<vmem>>, vector<1x1x16xf32>,
          %get3A_676 = vector.shape_cast %get3A_675 : vector<1x1x16xf32> to vector<16xf32>
          %mul3A_677 = arith.mulf %get3A_676, %gather3A_568 : vector<16xf32>
          %swap3A_678 = arith.constant 1 : i32
          %swap3A_679 = arith.index_cast %swap3A_678 : i32 to index
          %swap3A_680 = arith.index_cast %add3A_572 : i32 to index
          %swap3A_681 = arith.constant 112 : index
          %swap3A_682 = tpu.vector_load %arg10[%swap3A_679, %swap3A_680, %swap3A_681] {strides = array<i32>} : memref<2x128x128xf32, #tpu.memory_space<vmem>>, vector<1x1x16xf32>,
          %swap3A_683 = vector.shape_cast %swap3A_682 : vector<1x1x16xf32> to vector<16xf32>
          %swap3A_684 = vector.shape_cast %mul3A_677 : vector<16xf32> to vector<1x1x16xf32>
          tpu.vector_store %arg10[%swap3A_679, %swap3A_680, %swap3A_681], %swap3A_684 {strides = array<i32>} : memref<2x128x128xf32, #tpu.memory_space<vmem>>, vector<1x1x16xf32>,
          %broadcast_in_dim3A_685 = arith.constant 4 : i32
          %broadcast_in_dim3A_686 = vector.broadcast %broadcast_in_dim3A_685 : i32 to vector<16x1xi32>
          %gather3A_687 = vector.shape_cast %broadcast_in_dim3A_686 : vector<16x1xi32> to vector<16xi32>
          %gather3A_688 = tpu.dynamic_gather %get3A_207[%gather3A_687] in [0] : vector<16xf32>, vector<16xi32> -> vector<16xf32>
          %mul3A_689 = arith.constant 16 : i32
          %mul3A_690 = arith.muli %add3A_202, %mul3A_689 : i32
          %add3A_691 = arith.constant 4 : i32
          %add3A_692 = arith.addi %mul3A_690, %add3A_691 : i32
          %get3A_693 = arith.constant 1 : i32
          %get3A_694 = arith.index_cast %get3A_693 : i32 to index
          %get3A_695 = arith.index_cast %add3A_692 : i32 to index
          %get3A_696 = arith.constant 0 : index
          %get3A_697 = tpu.vector_load %arg10[%get3A_694, %get3A_695, %get3A_696] {strides = array<i32>} : memref<2x128x128xf32, #tpu.memory_space<vmem>>, vector<1x1x16xf32>,
          %get3A_698 = vector.shape_cast %get3A_697 : vector<1x1x16xf32> to vector<16xf32>
          %mul3A_699 = arith.mulf %get3A_698, %gather3A_688 : vector<16xf32>
          %swap3A_700 = arith.constant 1 : i32
          %swap3A_701 = arith.index_cast %swap3A_700 : i32 to index
          %swap3A_702 = arith.index_cast %add3A_692 : i32 to index
          %swap3A_703 = arith.constant 0 : index
          %swap3A_704 = tpu.vector_load %arg10[%swap3A_701, %swap3A_702, %swap3A_703] {strides = array<i32>} : memref<2x128x128xf32, #tpu.memory_space<vmem>>, vector<1x1x16xf32>,
          %swap3A_705 = vector.shape_cast %swap3A_704 : vector<1x1x16xf32> to vector<16xf32>
          %swap3A_706 = vector.shape_cast %mul3A_699 : vector<16xf32> to vector<1x1x16xf32>
          tpu.vector_store %arg10[%swap3A_701, %swap3A_702, %swap3A_703], %swap3A_706 {strides = array<i32>} : memref<2x128x128xf32, #tpu.memory_space<vmem>>, vector<1x1x16xf32>,
          %get3A_707 = arith.constant 1 : i32
          %get3A_708 = arith.index_cast %get3A_707 : i32 to index
          %get3A_709 = arith.index_cast %add3A_692 : i32 to index
          %get3A_710 = arith.constant 16 : index
          %get3A_711 = tpu.vector_load %arg10[%get3A_708, %get3A_709, %get3A_710] {strides = array<i32>} : memref<2x128x128xf32, #tpu.memory_space<vmem>>, vector<1x1x16xf32>,
          %get3A_712 = vector.shape_cast %get3A_711 : vector<1x1x16xf32> to vector<16xf32>
          %mul3A_713 = arith.mulf %get3A_712, %gather3A_688 : vector<16xf32>
          %swap3A_714 = arith.constant 1 : i32
          %swap3A_715 = arith.index_cast %swap3A_714 : i32 to index
          %swap3A_716 = arith.index_cast %add3A_692 : i32 to index
          %swap3A_717 = arith.constant 16 : index
          %swap3A_718 = tpu.vector_load %arg10[%swap3A_715, %swap3A_716, %swap3A_717] {strides = array<i32>} : memref<2x128x128xf32, #tpu.memory_space<vmem>>, vector<1x1x16xf32>,
          %swap3A_719 = vector.shape_cast %swap3A_718 : vector<1x1x16xf32> to vector<16xf32>
          %swap3A_720 = vector.shape_cast %mul3A_713 : vector<16xf32> to vector<1x1x16xf32>
          tpu.vector_store %arg10[%swap3A_715, %swap3A_716, %swap3A_717], %swap3A_720 {strides = array<i32>} : memref<2x128x128xf32, #tpu.memory_space<vmem>>, vector<1x1x16xf32>,
          %get3A_721 = arith.constant 1 : i32
          %get3A_722 = arith.index_cast %get3A_721 : i32 to index
          %get3A_723 = arith.index_cast %add3A_692 : i32 to index
          %get3A_724 = arith.constant 32 : index
          %get3A_725 = tpu.vector_load %arg10[%get3A_722, %get3A_723, %get3A_724] {strides = array<i32>} : memref<2x128x128xf32, #tpu.memory_space<vmem>>, vector<1x1x16xf32>,
          %get3A_726 = vector.shape_cast %get3A_725 : vector<1x1x16xf32> to vector<16xf32>
          %mul3A_727 = arith.mulf %get3A_726, %gather3A_688 : vector<16xf32>
          %swap3A_728 = arith.constant 1 : i32
          %swap3A_729 = arith.index_cast %swap3A_728 : i32 to index
          %swap3A_730 = arith.index_cast %add3A_692 : i32 to index
          %swap3A_731 = arith.constant 32 : index
          %swap3A_732 = tpu.vector_load %arg10[%swap3A_729, %swap3A_730, %swap3A_731] {strides = array<i32>} : memref<2x128x128xf32, #tpu.memory_space<vmem>>, vector<1x1x16xf32>,
          %swap3A_733 = vector.shape_cast %swap3A_732 : vector<1x1x16xf32> to vector<16xf32>
          %swap3A_734 = vector.shape_cast %mul3A_727 : vector<16xf32> to vector<1x1x16xf32>
          tpu.vector_store %arg10[%swap3A_729, %swap3A_730, %swap3A_731], %swap3A_734 {strides = array<i32>} : memref<2x128x128xf32, #tpu.memory_space<vmem>>, vector<1x1x16xf32>,
          %get3A_735 = arith.constant 1 : i32
          %get3A_736 = arith.index_cast %get3A_735 : i32 to index
          %get3A_737 = arith.index_cast %add3A_692 : i32 to index
          %get3A_738 = arith.constant 48 : index
          %get3A_739 = tpu.vector_load %arg10[%get3A_736, %get3A_737, %get3A_738] {strides = array<i32>} : memref<2x128x128xf32, #tpu.memory_space<vmem>>, vector<1x1x16xf32>,
          %get3A_740 = vector.shape_cast %get3A_739 : vector<1x1x16xf32> to vector<16xf32>
          %mul3A_741 = arith.mulf %get3A_740, %gather3A_688 : vector<16xf32>
          %swap3A_742 = arith.constant 1 : i32
          %swap3A_743 = arith.index_cast %swap3A_742 : i32 to index
          %swap3A_744 = arith.index_cast %add3A_692 : i32 to index
          %swap3A_745 = arith.constant 48 : index
          %swap3A_746 = tpu.vector_load %arg10[%swap3A_743, %swap3A_744, %swap3A_745] {strides = array<i32>} : memref<2x128x128xf32, #tpu.memory_space<vmem>>, vector<1x1x16xf32>,
          %swap3A_747 = vector.shape_cast %swap3A_746 : vector<1x1x16xf32> to vector<16xf32>
          %swap3A_748 = vector.shape_cast %mul3A_741 : vector<16xf32> to vector<1x1x16xf32>
          tpu.vector_store %arg10[%swap3A_743, %swap3A_744, %swap3A_745], %swap3A_748 {strides = array<i32>} : memref<2x128x128xf32, #tpu.memory_space<vmem>>, vector<1x1x16xf32>,
          %get3A_749 = arith.constant 1 : i32
          %get3A_750 = arith.index_cast %get3A_749 : i32 to index
          %get3A_751 = arith.index_cast %add3A_692 : i32 to index
          %get3A_752 = arith.constant 64 : index
          %get3A_753 = tpu.vector_load %arg10[%get3A_750, %get3A_751, %get3A_752] {strides = array<i32>} : memref<2x128x128xf32, #tpu.memory_space<vmem>>, vector<1x1x16xf32>,
          %get3A_754 = vector.shape_cast %get3A_753 : vector<1x1x16xf32> to vector<16xf32>
          %mul3A_755 = arith.mulf %get3A_754, %gather3A_688 : vector<16xf32>
          %swap3A_756 = arith.constant 1 : i32
          %swap3A_757 = arith.index_cast %swap3A_756 : i32 to index
          %swap3A_758 = arith.index_cast %add3A_692 : i32 to index
          %swap3A_759 = arith.constant 64 : index
          %swap3A_760 = tpu.vector_load %arg10[%swap3A_757, %swap3A_758, %swap3A_759] {strides = array<i32>} : memref<2x128x128xf32, #tpu.memory_space<vmem>>, vector<1x1x16xf32>,
          %swap3A_761 = vector.shape_cast %swap3A_760 : vector<1x1x16xf32> to vector<16xf32>
          %swap3A_762 = vector.shape_cast %mul3A_755 : vector<16xf32> to vector<1x1x16xf32>
          tpu.vector_store %arg10[%swap3A_757, %swap3A_758, %swap3A_759], %swap3A_762 {strides = array<i32>} : memref<2x128x128xf32, #tpu.memory_space<vmem>>, vector<1x1x16xf32>,
          %get3A_763 = arith.constant 1 : i32
          %get3A_764 = arith.index_cast %get3A_763 : i32 to index
          %get3A_765 = arith.index_cast %add3A_692 : i32 to index
          %get3A_766 = arith.constant 80 : index
          %get3A_767 = tpu.vector_load %arg10[%get3A_764, %get3A_765, %get3A_766] {strides = array<i32>} : memref<2x128x128xf32, #tpu.memory_space<vmem>>, vector<1x1x16xf32>,
          %get3A_768 = vector.shape_cast %get3A_767 : vector<1x1x16xf32> to vector<16xf32>
          %mul3A_769 = arith.mulf %get3A_768, %gather3A_688 : vector<16xf32>
          %swap3A_770 = arith.constant 1 : i32
          %swap3A_771 = arith.index_cast %swap3A_770 : i32 to index
          %swap3A_772 = arith.index_cast %add3A_692 : i32 to index
          %swap3A_773 = arith.constant 80 : index
          %swap3A_774 = tpu.vector_load %arg10[%swap3A_771, %swap3A_772, %swap3A_773] {strides = array<i32>} : memref<2x128x128xf32, #tpu.memory_space<vmem>>, vector<1x1x16xf32>,
          %swap3A_775 = vector.shape_cast %swap3A_774 : vector<1x1x16xf32> to vector<16xf32>
          %swap3A_776 = vector.shape_cast %mul3A_769 : vector<16xf32> to vector<1x1x16xf32>
          tpu.vector_store %arg10[%swap3A_771, %swap3A_772, %swap3A_773], %swap3A_776 {strides = array<i32>} : memref<2x128x128xf32, #tpu.memory_space<vmem>>, vector<1x1x16xf32>,
          %get3A_777 = arith.constant 1 : i32
          %get3A_778 = arith.index_cast %get3A_777 : i32 to index
          %get3A_779 = arith.index_cast %add3A_692 : i32 to index
          %get3A_780 = arith.constant 96 : index
          %get3A_781 = tpu.vector_load %arg10[%get3A_778, %get3A_779, %get3A_780] {strides = array<i32>} : memref<2x128x128xf32, #tpu.memory_space<vmem>>, vector<1x1x16xf32>,
          %get3A_782 = vector.shape_cast %get3A_781 : vector<1x1x16xf32> to vector<16xf32>
          %mul3A_783 = arith.mulf %get3A_782, %gather3A_688 : vector<16xf32>
          %swap3A_784 = arith.constant 1 : i32
          %swap3A_785 = arith.index_cast %swap3A_784 : i32 to index
          %swap3A_786 = arith.index_cast %add3A_692 : i32 to index
          %swap3A_787 = arith.constant 96 : index
          %swap3A_788 = tpu.vector_load %arg10[%swap3A_785, %swap3A_786, %swap3A_787] {strides = array<i32>} : memref<2x128x128xf32, #tpu.memory_space<vmem>>, vector<1x1x16xf32>,
          %swap3A_789 = vector.shape_cast %swap3A_788 : vector<1x1x16xf32> to vector<16xf32>
          %swap3A_790 = vector.shape_cast %mul3A_783 : vector<16xf32> to vector<1x1x16xf32>
          tpu.vector_store %arg10[%swap3A_785, %swap3A_786, %swap3A_787], %swap3A_790 {strides = array<i32>} : memref<2x128x128xf32, #tpu.memory_space<vmem>>, vector<1x1x16xf32>,
          %get3A_791 = arith.constant 1 : i32
          %get3A_792 = arith.index_cast %get3A_791 : i32 to index
          %get3A_793 = arith.index_cast %add3A_692 : i32 to index
          %get3A_794 = arith.constant 112 : index
          %get3A_795 = tpu.vector_load %arg10[%get3A_792, %get3A_793, %get3A_794] {strides = array<i32>} : memref<2x128x128xf32, #tpu.memory_space<vmem>>, vector<1x1x16xf32>,
          %get3A_796 = vector.shape_cast %get3A_795 : vector<1x1x16xf32> to vector<16xf32>
          %mul3A_797 = arith.mulf %get3A_796, %gather3A_688 : vector<16xf32>
          %swap3A_798 = arith.constant 1 : i32
          %swap3A_799 = arith.index_cast %swap3A_798 : i32 to index
          %swap3A_800 = arith.index_cast %add3A_692 : i32 to index
          %swap3A_801 = arith.constant 112 : index
          %swap3A_802 = tpu.vector_load %arg10[%swap3A_799, %swap3A_800, %swap3A_801] {strides = array<i32>} : memref<2x128x128xf32, #tpu.memory_space<vmem>>, vector<1x1x16xf32>,
          %swap3A_803 = vector.shape_cast %swap3A_802 : vector<1x1x16xf32> to vector<16xf32>
          %swap3A_804 = vector.shape_cast %mul3A_797 : vector<16xf32> to vector<1x1x16xf32>
          tpu.vector_store %arg10[%swap3A_799, %swap3A_800, %swap3A_801], %swap3A_804 {strides = array<i32>} : memref<2x128x128xf32, #tpu.memory_space<vmem>>, vector<1x1x16xf32>,
          %broadcast_in_dim3A_805 = arith.constant 5 : i32
          %broadcast_in_dim3A_806 = vector.broadcast %broadcast_in_dim3A_805 : i32 to vector<16x1xi32>
          %gather3A_807 = vector.shape_cast %broadcast_in_dim3A_806 : vector<16x1xi32> to vector<16xi32>
          %gather3A_808 = tpu.dynamic_gather %get3A_207[%gather3A_807] in [0] : vector<16xf32>, vector<16xi32> -> vector<16xf32>
          %mul3A_809 = arith.constant 16 : i32
          %mul3A_810 = arith.muli %add3A_202, %mul3A_809 : i32
          %add3A_811 = arith.constant 5 : i32
          %add3A_812 = arith.addi %mul3A_810, %add3A_811 : i32
          %get3A_813 = arith.constant 1 : i32
          %get3A_814 = arith.index_cast %get3A_813 : i32 to index
          %get3A_815 = arith.index_cast %add3A_812 : i32 to index
          %get3A_816 = arith.constant 0 : index
          %get3A_817 = tpu.vector_load %arg10[%get3A_814, %get3A_815, %get3A_816] {strides = array<i32>} : memref<2x128x128xf32, #tpu.memory_space<vmem>>, vector<1x1x16xf32>,
          %get3A_818 = vector.shape_cast %get3A_817 : vector<1x1x16xf32> to vector<16xf32>
          %mul3A_819 = arith.mulf %get3A_818, %gather3A_808 : vector<16xf32>
          %swap3A_820 = arith.constant 1 : i32
          %swap3A_821 = arith.index_cast %swap3A_820 : i32 to index
          %swap3A_822 = arith.index_cast %add3A_812 : i32 to index
          %swap3A_823 = arith.constant 0 : index
          %swap3A_824 = tpu.vector_load %arg10[%swap3A_821, %swap3A_822, %swap3A_823] {strides = array<i32>} : memref<2x128x128xf32, #tpu.memory_space<vmem>>, vector<1x1x16xf32>,
          %swap3A_825 = vector.shape_cast %swap3A_824 : vector<1x1x16xf32> to vector<16xf32>
          %swap3A_826 = vector.shape_cast %mul3A_819 : vector<16xf32> to vector<1x1x16xf32>
          tpu.vector_store %arg10[%swap3A_821, %swap3A_822, %swap3A_823], %swap3A_826 {strides = array<i32>} : memref<2x128x128xf32, #tpu.memory_space<vmem>>, vector<1x1x16xf32>,
          %get3A_827 = arith.constant 1 : i32
          %get3A_828 = arith.index_cast %get3A_827 : i32 to index
          %get3A_829 = arith.index_cast %add3A_812 : i32 to index
          %get3A_830 = arith.constant 16 : index
          %get3A_831 = tpu.vector_load %arg10[%get3A_828, %get3A_829, %get3A_830] {strides = array<i32>} : memref<2x128x128xf32, #tpu.memory_space<vmem>>, vector<1x1x16xf32>,
          %get3A_832 = vector.shape_cast %get3A_831 : vector<1x1x16xf32> to vector<16xf32>
          %mul3A_833 = arith.mulf %get3A_832, %gather3A_808 : vector<16xf32>
          %swap3A_834 = arith.constant 1 : i32
          %swap3A_835 = arith.index_cast %swap3A_834 : i32 to index
          %swap3A_836 = arith.index_cast %add3A_812 : i32 to index
          %swap3A_837 = arith.constant 16 : index
          %swap3A_838 = tpu.vector_load %arg10[%swap3A_835, %swap3A_836, %swap3A_837] {strides = array<i32>} : memref<2x128x128xf32, #tpu.memory_space<vmem>>, vector<1x1x16xf32>,
          %swap3A_839 = vector.shape_cast %swap3A_838 : vector<1x1x16xf32> to vector<16xf32>
          %swap3A_840 = vector.shape_cast %mul3A_833 : vector<16xf32> to vector<1x1x16xf32>
          tpu.vector_store %arg10[%swap3A_835, %swap3A_836, %swap3A_837], %swap3A_840 {strides = array<i32>} : memref<2x128x128xf32, #tpu.memory_space<vmem>>, vector<1x1x16xf32>,
          %get3A_841 = arith.constant 1 : i32
          %get3A_842 = arith.index_cast %get3A_841 : i32 to index
          %get3A_843 = arith.index_cast %add3A_812 : i32 to index
          %get3A_844 = arith.constant 32 : index
          %get3A_845 = tpu.vector_load %arg10[%get3A_842, %get3A_843, %get3A_844] {strides = array<i32>} : memref<2x128x128xf32, #tpu.memory_space<vmem>>, vector<1x1x16xf32>,
          %get3A_846 = vector.shape_cast %get3A_845 : vector<1x1x16xf32> to vector<16xf32>
          %mul3A_847 = arith.mulf %get3A_846, %gather3A_808 : vector<16xf32>
          %swap3A_848 = arith.constant 1 : i32
          %swap3A_849 = arith.index_cast %swap3A_848 : i32 to index
          %swap3A_850 = arith.index_cast %add3A_812 : i32 to index
          %swap3A_851 = arith.constant 32 : index
          %swap3A_852 = tpu.vector_load %arg10[%swap3A_849, %swap3A_850, %swap3A_851] {strides = array<i32>} : memref<2x128x128xf32, #tpu.memory_space<vmem>>, vector<1x1x16xf32>,
          %swap3A_853 = vector.shape_cast %swap3A_852 : vector<1x1x16xf32> to vector<16xf32>
          %swap3A_854 = vector.shape_cast %mul3A_847 : vector<16xf32> to vector<1x1x16xf32>
          tpu.vector_store %arg10[%swap3A_849, %swap3A_850, %swap3A_851], %swap3A_854 {strides = array<i32>} : memref<2x128x128xf32, #tpu.memory_space<vmem>>, vector<1x1x16xf32>,
          %get3A_855 = arith.constant 1 : i32
          %get3A_856 = arith.index_cast %get3A_855 : i32 to index
          %get3A_857 = arith.index_cast %add3A_812 : i32 to index
          %get3A_858 = arith.constant 48 : index
          %get3A_859 = tpu.vector_load %arg10[%get3A_856, %get3A_857, %get3A_858] {strides = array<i32>} : memref<2x128x128xf32, #tpu.memory_space<vmem>>, vector<1x1x16xf32>,
          %get3A_860 = vector.shape_cast %get3A_859 : vector<1x1x16xf32> to vector<16xf32>
          %mul3A_861 = arith.mulf %get3A_860, %gather3A_808 : vector<16xf32>
          %swap3A_862 = arith.constant 1 : i32
          %swap3A_863 = arith.index_cast %swap3A_862 : i32 to index
          %swap3A_864 = arith.index_cast %add3A_812 : i32 to index
          %swap3A_865 = arith.constant 48 : index
          %swap3A_866 = tpu.vector_load %arg10[%swap3A_863, %swap3A_864, %swap3A_865] {strides = array<i32>} : memref<2x128x128xf32, #tpu.memory_space<vmem>>, vector<1x1x16xf32>,
          %swap3A_867 = vector.shape_cast %swap3A_866 : vector<1x1x16xf32> to vector<16xf32>
          %swap3A_868 = vector.shape_cast %mul3A_861 : vector<16xf32> to vector<1x1x16xf32>
          tpu.vector_store %arg10[%swap3A_863, %swap3A_864, %swap3A_865], %swap3A_868 {strides = array<i32>} : memref<2x128x128xf32, #tpu.memory_space<vmem>>, vector<1x1x16xf32>,
          %get3A_869 = arith.constant 1 : i32
          %get3A_870 = arith.index_cast %get3A_869 : i32 to index
          %get3A_871 = arith.index_cast %add3A_812 : i32 to index
          %get3A_872 = arith.constant 64 : index
          %get3A_873 = tpu.vector_load %arg10[%get3A_870, %get3A_871, %get3A_872] {strides = array<i32>} : memref<2x128x128xf32, #tpu.memory_space<vmem>>, vector<1x1x16xf32>,
          %get3A_874 = vector.shape_cast %get3A_873 : vector<1x1x16xf32> to vector<16xf32>
          %mul3A_875 = arith.mulf %get3A_874, %gather3A_808 : vector<16xf32>
          %swap3A_876 = arith.constant 1 : i32
          %swap3A_877 = arith.index_cast %swap3A_876 : i32 to index
          %swap3A_878 = arith.index_cast %add3A_812 : i32 to index
          %swap3A_879 = arith.constant 64 : index
          %swap3A_880 = tpu.vector_load %arg10[%swap3A_877, %swap3A_878, %swap3A_879] {strides = array<i32>} : memref<2x128x128xf32, #tpu.memory_space<vmem>>, vector<1x1x16xf32>,
          %swap3A_881 = vector.shape_cast %swap3A_880 : vector<1x1x16xf32> to vector<16xf32>
          %swap3A_882 = vector.shape_cast %mul3A_875 : vector<16xf32> to vector<1x1x16xf32>
          tpu.vector_store %arg10[%swap3A_877, %swap3A_878, %swap3A_879], %swap3A_882 {strides = array<i32>} : memref<2x128x128xf32, #tpu.memory_space<vmem>>, vector<1x1x16xf32>,
          %get3A_883 = arith.constant 1 : i32
          %get3A_884 = arith.index_cast %get3A_883 : i32 to index
          %get3A_885 = arith.index_cast %add3A_812 : i32 to index
          %get3A_886 = arith.constant 80 : index
          %get3A_887 = tpu.vector_load %arg10[%get3A_884, %get3A_885, %get3A_886] {strides = array<i32>} : memref<2x128x128xf32, #tpu.memory_space<vmem>>, vector<1x1x16xf32>,
          %get3A_888 = vector.shape_cast %get3A_887 : vector<1x1x16xf32> to vector<16xf32>
          %mul3A_889 = arith.mulf %get3A_888, %gather3A_808 : vector<16xf32>
          %swap3A_890 = arith.constant 1 : i32
          %swap3A_891 = arith.index_cast %swap3A_890 : i32 to index
          %swap3A_892 = arith.index_cast %add3A_812 : i32 to index
          %swap3A_893 = arith.constant 80 : index
          %swap3A_894 = tpu.vector_load %arg10[%swap3A_891, %swap3A_892, %swap3A_893] {strides = array<i32>} : memref<2x128x128xf32, #tpu.memory_space<vmem>>, vector<1x1x16xf32>,
          %swap3A_895 = vector.shape_cast %swap3A_894 : vector<1x1x16xf32> to vector<16xf32>
          %swap3A_896 = vector.shape_cast %mul3A_889 : vector<16xf32> to vector<1x1x16xf32>
          tpu.vector_store %arg10[%swap3A_891, %swap3A_892, %swap3A_893], %swap3A_896 {strides = array<i32>} : memref<2x128x128xf32, #tpu.memory_space<vmem>>, vector<1x1x16xf32>,
          %get3A_897 = arith.constant 1 : i32
          %get3A_898 = arith.index_cast %get3A_897 : i32 to index
          %get3A_899 = arith.index_cast %add3A_812 : i32 to index
          %get3A_900 = arith.constant 96 : index
          %get3A_901 = tpu.vector_load %arg10[%get3A_898, %get3A_899, %get3A_900] {strides = array<i32>} : memref<2x128x128xf32, #tpu.memory_space<vmem>>, vector<1x1x16xf32>,
          %get3A_902 = vector.shape_cast %get3A_901 : vector<1x1x16xf32> to vector<16xf32>
          %mul3A_903 = arith.mulf %get3A_902, %gather3A_808 : vector<16xf32>
          %swap3A_904 = arith.constant 1 : i32
          %swap3A_905 = arith.index_cast %swap3A_904 : i32 to index
          %swap3A_906 = arith.index_cast %add3A_812 : i32 to index
          %swap3A_907 = arith.constant 96 : index
          %swap3A_908 = tpu.vector_load %arg10[%swap3A_905, %swap3A_906, %swap3A_907] {strides = array<i32>} : memref<2x128x128xf32, #tpu.memory_space<vmem>>, vector<1x1x16xf32>,
          %swap3A_909 = vector.shape_cast %swap3A_908 : vector<1x1x16xf32> to vector<16xf32>
          %swap3A_910 = vector.shape_cast %mul3A_903 : vector<16xf32> to vector<1x1x16xf32>
          tpu.vector_store %arg10[%swap3A_905, %swap3A_906, %swap3A_907], %swap3A_910 {strides = array<i32>} : memref<2x128x128xf32, #tpu.memory_space<vmem>>, vector<1x1x16xf32>,
          %get3A_911 = arith.constant 1 : i32
          %get3A_912 = arith.index_cast %get3A_911 : i32 to index
          %get3A_913 = arith.index_cast %add3A_812 : i32 to index
          %get3A_914 = arith.constant 112 : index
          %get3A_915 = tpu.vector_load %arg10[%get3A_912, %get3A_913, %get3A_914] {strides = array<i32>} : memref<2x128x128xf32, #tpu.memory_space<vmem>>, vector<1x1x16xf32>,
          %get3A_916 = vector.shape_cast %get3A_915 : vector<1x1x16xf32> to vector<16xf32>
          %mul3A_917 = arith.mulf %get3A_916, %gather3A_808 : vector<16xf32>
          %swap3A_918 = arith.constant 1 : i32
          %swap3A_919 = arith.index_cast %swap3A_918 : i32 to index
          %swap3A_920 = arith.index_cast %add3A_812 : i32 to index
          %swap3A_921 = arith.constant 112 : index
          %swap3A_922 = tpu.vector_load %arg10[%swap3A_919, %swap3A_920, %swap3A_921] {strides = array<i32>} : memref<2x128x128xf32, #tpu.memory_space<vmem>>, vector<1x1x16xf32>,
          %swap3A_923 = vector.shape_cast %swap3A_922 : vector<1x1x16xf32> to vector<16xf32>
          %swap3A_924 = vector.shape_cast %mul3A_917 : vector<16xf32> to vector<1x1x16xf32>
          tpu.vector_store %arg10[%swap3A_919, %swap3A_920, %swap3A_921], %swap3A_924 {strides = array<i32>} : memref<2x128x128xf32, #tpu.memory_space<vmem>>, vector<1x1x16xf32>,
          %broadcast_in_dim3A_925 = arith.constant 6 : i32
          %broadcast_in_dim3A_926 = vector.broadcast %broadcast_in_dim3A_925 : i32 to vector<16x1xi32>
          %gather3A_927 = vector.shape_cast %broadcast_in_dim3A_926 : vector<16x1xi32> to vector<16xi32>
          %gather3A_928 = tpu.dynamic_gather %get3A_207[%gather3A_927] in [0] : vector<16xf32>, vector<16xi32> -> vector<16xf32>
          %mul3A_929 = arith.constant 16 : i32
          %mul3A_930 = arith.muli %add3A_202, %mul3A_929 : i32
          %add3A_931 = arith.constant 6 : i32
          %add3A_932 = arith.addi %mul3A_930, %add3A_931 : i32
          %get3A_933 = arith.constant 1 : i32
          %get3A_934 = arith.index_cast %get3A_933 : i32 to index
          %get3A_935 = arith.index_cast %add3A_932 : i32 to index
          %get3A_936 = arith.constant 0 : index
          %get3A_937 = tpu.vector_load %arg10[%get3A_934, %get3A_935, %get3A_936] {strides = array<i32>} : memref<2x128x128xf32, #tpu.memory_space<vmem>>, vector<1x1x16xf32>,
          %get3A_938 = vector.shape_cast %get3A_937 : vector<1x1x16xf32> to vector<16xf32>
          %mul3A_939 = arith.mulf %get3A_938, %gather3A_928 : vector<16xf32>
          %swap3A_940 = arith.constant 1 : i32
          %swap3A_941 = arith.index_cast %swap3A_940 : i32 to index
          %swap3A_942 = arith.index_cast %add3A_932 : i32 to index
          %swap3A_943 = arith.constant 0 : index
          %swap3A_944 = tpu.vector_load %arg10[%swap3A_941, %swap3A_942, %swap3A_943] {strides = array<i32>} : memref<2x128x128xf32, #tpu.memory_space<vmem>>, vector<1x1x16xf32>,
          %swap3A_945 = vector.shape_cast %swap3A_944 : vector<1x1x16xf32> to vector<16xf32>
          %swap3A_946 = vector.shape_cast %mul3A_939 : vector<16xf32> to vector<1x1x16xf32>
          tpu.vector_store %arg10[%swap3A_941, %swap3A_942, %swap3A_943], %swap3A_946 {strides = array<i32>} : memref<2x128x128xf32, #tpu.memory_space<vmem>>, vector<1x1x16xf32>,
          %get3A_947 = arith.constant 1 : i32
          %get3A_948 = arith.index_cast %get3A_947 : i32 to index
          %get3A_949 = arith.index_cast %add3A_932 : i32 to index
          %get3A_950 = arith.constant 16 : index
          %get3A_951 = tpu.vector_load %arg10[%get3A_948, %get3A_949, %get3A_950] {strides = array<i32>} : memref<2x128x128xf32, #tpu.memory_space<vmem>>, vector<1x1x16xf32>,
          %get3A_952 = vector.shape_cast %get3A_951 : vector<1x1x16xf32> to vector<16xf32>
          %mul3A_953 = arith.mulf %get3A_952, %gather3A_928 : vector<16xf32>
          %swap3A_954 = arith.constant 1 : i32
          %swap3A_955 = arith.index_cast %swap3A_954 : i32 to index
          %swap3A_956 = arith.index_cast %add3A_932 : i32 to index
          %swap3A_957 = arith.constant 16 : index
          %swap3A_958 = tpu.vector_load %arg10[%swap3A_955, %swap3A_956, %swap3A_957] {strides = array<i32>} : memref<2x128x128xf32, #tpu.memory_space<vmem>>, vector<1x1x16xf32>,
          %swap3A_959 = vector.shape_cast %swap3A_958 : vector<1x1x16xf32> to vector<16xf32>
          %swap3A_960 = vector.shape_cast %mul3A_953 : vector<16xf32> to vector<1x1x16xf32>
          tpu.vector_store %arg10[%swap3A_955, %swap3A_956, %swap3A_957], %swap3A_960 {strides = array<i32>} : memref<2x128x128xf32, #tpu.memory_space<vmem>>, vector<1x1x16xf32>,
          %get3A_961 = arith.constant 1 : i32
          %get3A_962 = arith.index_cast %get3A_961 : i32 to index
          %get3A_963 = arith.index_cast %add3A_932 : i32 to index
          %get3A_964 = arith.constant 32 : index
          %get3A_965 = tpu.vector_load %arg10[%get3A_962, %get3A_963, %get3A_964] {strides = array<i32>} : memref<2x128x128xf32, #tpu.memory_space<vmem>>, vector<1x1x16xf32>,
          %get3A_966 = vector.shape_cast %get3A_965 : vector<1x1x16xf32> to vector<16xf32>
          %mul3A_967 = arith.mulf %get3A_966, %gather3A_928 : vector<16xf32>
          %swap3A_968 = arith.constant 1 : i32
          %swap3A_969 = arith.index_cast %swap3A_968 : i32 to index
          %swap3A_970 = arith.index_cast %add3A_932 : i32 to index
          %swap3A_971 = arith.constant 32 : index
          %swap3A_972 = tpu.vector_load %arg10[%swap3A_969, %swap3A_970, %swap3A_971] {strides = array<i32>} : memref<2x128x128xf32, #tpu.memory_space<vmem>>, vector<1x1x16xf32>,
          %swap3A_973 = vector.shape_cast %swap3A_972 : vector<1x1x16xf32> to vector<16xf32>
          %swap3A_974 = vector.shape_cast %mul3A_967 : vector<16xf32> to vector<1x1x16xf32>
          tpu.vector_store %arg10[%swap3A_969, %swap3A_970, %swap3A_971], %swap3A_974 {strides = array<i32>} : memref<2x128x128xf32, #tpu.memory_space<vmem>>, vector<1x1x16xf32>,
          %get3A_975 = arith.constant 1 : i32
          %get3A_976 = arith.index_cast %get3A_975 : i32 to index
          %get3A_977 = arith.index_cast %add3A_932 : i32 to index
          %get3A_978 = arith.constant 48 : index
          %get3A_979 = tpu.vector_load %arg10[%get3A_976, %get3A_977, %get3A_978] {strides = array<i32>} : memref<2x128x128xf32, #tpu.memory_space<vmem>>, vector<1x1x16xf32>,
          %get3A_980 = vector.shape_cast %get3A_979 : vector<1x1x16xf32> to vector<16xf32>
          %mul3A_981 = arith.mulf %get3A_980, %gather3A_928 : vector<16xf32>
          %swap3A_982 = arith.constant 1 : i32
          %swap3A_983 = arith.index_cast %swap3A_982 : i32 to index
          %swap3A_984 = arith.index_cast %add3A_932 : i32 to index
          %swap3A_985 = arith.constant 48 : index
          %swap3A_986 = tpu.vector_load %arg10[%swap3A_983, %swap3A_984, %swap3A_985] {strides = array<i32>} : memref<2x128x128xf32, #tpu.memory_space<vmem>>, vector<1x1x16xf32>,
          %swap3A_987 = vector.shape_cast %swap3A_986 : vector<1x1x16xf32> to vector<16xf32>
          %swap3A_988 = vector.shape_cast %mul3A_981 : vector<16xf32> to vector<1x1x16xf32>
          tpu.vector_store %arg10[%swap3A_983, %swap3A_984, %swap3A_985], %swap3A_988 {strides = array<i32>} : memref<2x128x128xf32, #tpu.memory_space<vmem>>, vector<1x1x16xf32>,
          %get3A_989 = arith.constant 1 : i32
          %get3A_990 = arith.index_cast %get3A_989 : i32 to index
          %get3A_991 = arith.index_cast %add3A_932 : i32 to index
          %get3A_992 = arith.constant 64 : index
          %get3A_993 = tpu.vector_load %arg10[%get3A_990, %get3A_991, %get3A_992] {strides = array<i32>} : memref<2x128x128xf32, #tpu.memory_space<vmem>>, vector<1x1x16xf32>,
          %get3A_994 = vector.shape_cast %get3A_993 : vector<1x1x16xf32> to vector<16xf32>
          %mul3A_995 = arith.mulf %get3A_994, %gather3A_928 : vector<16xf32>
          %swap3A_996 = arith.constant 1 : i32
          %swap3A_997 = arith.index_cast %swap3A_996 : i32 to index
          %swap3A_998 = arith.index_cast %add3A_932 : i32 to index
          %swap3A_999 = arith.constant 64 : index
          %swap3A_1000 = tpu.vector_load %arg10[%swap3A_997, %swap3A_998, %swap3A_999] {strides = array<i32>} : memref<2x128x128xf32, #tpu.memory_space<vmem>>, vector<1x1x16xf32>,
          %swap3A_1001 = vector.shape_cast %swap3A_1000 : vector<1x1x16xf32> to vector<16xf32>
          %swap3A_1002 = vector.shape_cast %mul3A_995 : vector<16xf32> to vector<1x1x16xf32>
          tpu.vector_store %arg10[%swap3A_997, %swap3A_998, %swap3A_999], %swap3A_1002 {strides = array<i32>} : memref<2x128x128xf32, #tpu.memory_space<vmem>>, vector<1x1x16xf32>,
          %get3A_1003 = arith.constant 1 : i32
          %get3A_1004 = arith.index_cast %get3A_1003 : i32 to index
          %get3A_1005 = arith.index_cast %add3A_932 : i32 to index
          %get3A_1006 = arith.constant 80 : index
          %get3A_1007 = tpu.vector_load %arg10[%get3A_1004, %get3A_1005, %get3A_1006] {strides = array<i32>} : memref<2x128x128xf32, #tpu.memory_space<vmem>>, vector<1x1x16xf32>,
          %get3A_1008 = vector.shape_cast %get3A_1007 : vector<1x1x16xf32> to vector<16xf32>
          %mul3A_1009 = arith.mulf %get3A_1008, %gather3A_928 : vector<16xf32>
          %swap3A_1010 = arith.constant 1 : i32
          %swap3A_1011 = arith.index_cast %swap3A_1010 : i32 to index
          %swap3A_1012 = arith.index_cast %add3A_932 : i32 to index
          %swap3A_1013 = arith.constant 80 : index
          %swap3A_1014 = tpu.vector_load %arg10[%swap3A_1011, %swap3A_1012, %swap3A_1013] {strides = array<i32>} : memref<2x128x128xf32, #tpu.memory_space<vmem>>, vector<1x1x16xf32>,
          %swap3A_1015 = vector.shape_cast %swap3A_1014 : vector<1x1x16xf32> to vector<16xf32>
          %swap3A_1016 = vector.shape_cast %mul3A_1009 : vector<16xf32> to vector<1x1x16xf32>
          tpu.vector_store %arg10[%swap3A_1011, %swap3A_1012, %swap3A_1013], %swap3A_1016 {strides = array<i32>} : memref<2x128x128xf32, #tpu.memory_space<vmem>>, vector<1x1x16xf32>,
          %get3A_1017 = arith.constant 1 : i32
          %get3A_1018 = arith.index_cast %get3A_1017 : i32 to index
          %get3A_1019 = arith.index_cast %add3A_932 : i32 to index
          %get3A_1020 = arith.constant 96 : index
          %get3A_1021 = tpu.vector_load %arg10[%get3A_1018, %get3A_1019, %get3A_1020] {strides = array<i32>} : memref<2x128x128xf32, #tpu.memory_space<vmem>>, vector<1x1x16xf32>,
          %get3A_1022 = vector.shape_cast %get3A_1021 : vector<1x1x16xf32> to vector<16xf32>
          %mul3A_1023 = arith.mulf %get3A_1022, %gather3A_928 : vector<16xf32>
          %swap3A_1024 = arith.constant 1 : i32
          %swap3A_1025 = arith.index_cast %swap3A_1024 : i32 to index
          %swap3A_1026 = arith.index_cast %add3A_932 : i32 to index
          %swap3A_1027 = arith.constant 96 : index
          %swap3A_1028 = tpu.vector_load %arg10[%swap3A_1025, %swap3A_1026, %swap3A_1027] {strides = array<i32>} : memref<2x128x128xf32, #tpu.memory_space<vmem>>, vector<1x1x16xf32>,
          %swap3A_1029 = vector.shape_cast %swap3A_1028 : vector<1x1x16xf32> to vector<16xf32>
          %swap3A_1030 = vector.shape_cast %mul3A_1023 : vector<16xf32> to vector<1x1x16xf32>
          tpu.vector_store %arg10[%swap3A_1025, %swap3A_1026, %swap3A_1027], %swap3A_1030 {strides = array<i32>} : memref<2x128x128xf32, #tpu.memory_space<vmem>>, vector<1x1x16xf32>,
          %get3A_1031 = arith.constant 1 : i32
          %get3A_1032 = arith.index_cast %get3A_1031 : i32 to index
          %get3A_1033 = arith.index_cast %add3A_932 : i32 to index
          %get3A_1034 = arith.constant 112 : index
          %get3A_1035 = tpu.vector_load %arg10[%get3A_1032, %get3A_1033, %get3A_1034] {strides = array<i32>} : memref<2x128x128xf32, #tpu.memory_space<vmem>>, vector<1x1x16xf32>,
          %get3A_1036 = vector.shape_cast %get3A_1035 : vector<1x1x16xf32> to vector<16xf32>
          %mul3A_1037 = arith.mulf %get3A_1036, %gather3A_928 : vector<16xf32>
          %swap3A_1038 = arith.constant 1 : i32
          %swap3A_1039 = arith.index_cast %swap3A_1038 : i32 to index
          %swap3A_1040 = arith.index_cast %add3A_932 : i32 to index
          %swap3A_1041 = arith.constant 112 : index
          %swap3A_1042 = tpu.vector_load %arg10[%swap3A_1039, %swap3A_1040, %swap3A_1041] {strides = array<i32>} : memref<2x128x128xf32, #tpu.memory_space<vmem>>, vector<1x1x16xf32>,
          %swap3A_1043 = vector.shape_cast %swap3A_1042 : vector<1x1x16xf32> to vector<16xf32>
          %swap3A_1044 = vector.shape_cast %mul3A_1037 : vector<16xf32> to vector<1x1x16xf32>
          tpu.vector_store %arg10[%swap3A_1039, %swap3A_1040, %swap3A_1041], %swap3A_1044 {strides = array<i32>} : memref<2x128x128xf32, #tpu.memory_space<vmem>>, vector<1x1x16xf32>,
          %broadcast_in_dim3A_1045 = arith.constant 7 : i32
          %broadcast_in_dim3A_1046 = vector.broadcast %broadcast_in_dim3A_1045 : i32 to vector<16x1xi32>
          %gather3A_1047 = vector.shape_cast %broadcast_in_dim3A_1046 : vector<16x1xi32> to vector<16xi32>
          %gather3A_1048 = tpu.dynamic_gather %get3A_207[%gather3A_1047] in [0] : vector<16xf32>, vector<16xi32> -> vector<16xf32>
          %mul3A_1049 = arith.constant 16 : i32
          %mul3A_1050 = arith.muli %add3A_202, %mul3A_1049 : i32
          %add3A_1051 = arith.constant 7 : i32
          %add3A_1052 = arith.addi %mul3A_1050, %add3A_1051 : i32
          %get3A_1053 = arith.constant 1 : i32
          %get3A_1054 = arith.index_cast %get3A_1053 : i32 to index
          %get3A_1055 = arith.index_cast %add3A_1052 : i32 to index
          %get3A_1056 = arith.constant 0 : index
          %get3A_1057 = tpu.vector_load %arg10[%get3A_1054, %get3A_1055, %get3A_1056] {strides = array<i32>} : memref<2x128x128xf32, #tpu.memory_space<vmem>>, vector<1x1x16xf32>,
          %get3A_1058 = vector.shape_cast %get3A_1057 : vector<1x1x16xf32> to vector<16xf32>
          %mul3A_1059 = arith.mulf %get3A_1058, %gather3A_1048 : vector<16xf32>
          %swap3A_1060 = arith.constant 1 : i32
          %swap3A_1061 = arith.index_cast %swap3A_1060 : i32 to index
          %swap3A_1062 = arith.index_cast %add3A_1052 : i32 to index
          %swap3A_1063 = arith.constant 0 : index
          %swap3A_1064 = tpu.vector_load %arg10[%swap3A_1061, %swap3A_1062, %swap3A_1063] {strides = array<i32>} : memref<2x128x128xf32, #tpu.memory_space<vmem>>, vector<1x1x16xf32>,
          %swap3A_1065 = vector.shape_cast %swap3A_1064 : vector<1x1x16xf32> to vector<16xf32>
          %swap3A_1066 = vector.shape_cast %mul3A_1059 : vector<16xf32> to vector<1x1x16xf32>
          tpu.vector_store %arg10[%swap3A_1061, %swap3A_1062, %swap3A_1063], %swap3A_1066 {strides = array<i32>} : memref<2x128x128xf32, #tpu.memory_space<vmem>>, vector<1x1x16xf32>,
          %get3A_1067 = arith.constant 1 : i32
          %get3A_1068 = arith.index_cast %get3A_1067 : i32 to index
          %get3A_1069 = arith.index_cast %add3A_1052 : i32 to index
          %get3A_1070 = arith.constant 16 : index
          %get3A_1071 = tpu.vector_load %arg10[%get3A_1068, %get3A_1069, %get3A_1070] {strides = array<i32>} : memref<2x128x128xf32, #tpu.memory_space<vmem>>, vector<1x1x16xf32>,
          %get3A_1072 = vector.shape_cast %get3A_1071 : vector<1x1x16xf32> to vector<16xf32>
          %mul3A_1073 = arith.mulf %get3A_1072, %gather3A_1048 : vector<16xf32>
          %swap3A_1074 = arith.constant 1 : i32
          %swap3A_1075 = arith.index_cast %swap3A_1074 : i32 to index
          %swap3A_1076 = arith.index_cast %add3A_1052 : i32 to index
          %swap3A_1077 = arith.constant 16 : index
          %swap3A_1078 = tpu.vector_load %arg10[%swap3A_1075, %swap3A_1076, %swap3A_1077] {strides = array<i32>} : memref<2x128x128xf32, #tpu.memory_space<vmem>>, vector<1x1x16xf32>,
          %swap3A_1079 = vector.shape_cast %swap3A_1078 : vector<1x1x16xf32> to vector<16xf32>
          %swap3A_1080 = vector.shape_cast %mul3A_1073 : vector<16xf32> to vector<1x1x16xf32>
          tpu.vector_store %arg10[%swap3A_1075, %swap3A_1076, %swap3A_1077], %swap3A_1080 {strides = array<i32>} : memref<2x128x128xf32, #tpu.memory_space<vmem>>, vector<1x1x16xf32>,
          %get3A_1081 = arith.constant 1 : i32
          %get3A_1082 = arith.index_cast %get3A_1081 : i32 to index
          %get3A_1083 = arith.index_cast %add3A_1052 : i32 to index
          %get3A_1084 = arith.constant 32 : index
          %get3A_1085 = tpu.vector_load %arg10[%get3A_1082, %get3A_1083, %get3A_1084] {strides = array<i32>} : memref<2x128x128xf32, #tpu.memory_space<vmem>>, vector<1x1x16xf32>,
          %get3A_1086 = vector.shape_cast %get3A_1085 : vector<1x1x16xf32> to vector<16xf32>
          %mul3A_1087 = arith.mulf %get3A_1086, %gather3A_1048 : vector<16xf32>
          %swap3A_1088 = arith.constant 1 : i32
          %swap3A_1089 = arith.index_cast %swap3A_1088 : i32 to index
          %swap3A_1090 = arith.index_cast %add3A_1052 : i32 to index
          %swap3A_1091 = arith.constant 32 : index
          %swap3A_1092 = tpu.vector_load %arg10[%swap3A_1089, %swap3A_1090, %swap3A_1091] {strides = array<i32>} : memref<2x128x128xf32, #tpu.memory_space<vmem>>, vector<1x1x16xf32>,
          %swap3A_1093 = vector.shape_cast %swap3A_1092 : vector<1x1x16xf32> to vector<16xf32>
          %swap3A_1094 = vector.shape_cast %mul3A_1087 : vector<16xf32> to vector<1x1x16xf32>
          tpu.vector_store %arg10[%swap3A_1089, %swap3A_1090, %swap3A_1091], %swap3A_1094 {strides = array<i32>} : memref<2x128x128xf32, #tpu.memory_space<vmem>>, vector<1x1x16xf32>,
          %get3A_1095 = arith.constant 1 : i32
          %get3A_1096 = arith.index_cast %get3A_1095 : i32 to index
          %get3A_1097 = arith.index_cast %add3A_1052 : i32 to index
          %get3A_1098 = arith.constant 48 : index
          %get3A_1099 = tpu.vector_load %arg10[%get3A_1096, %get3A_1097, %get3A_1098] {strides = array<i32>} : memref<2x128x128xf32, #tpu.memory_space<vmem>>, vector<1x1x16xf32>,
          %get3A_1100 = vector.shape_cast %get3A_1099 : vector<1x1x16xf32> to vector<16xf32>
          %mul3A_1101 = arith.mulf %get3A_1100, %gather3A_1048 : vector<16xf32>
          %swap3A_1102 = arith.constant 1 : i32
          %swap3A_1103 = arith.index_cast %swap3A_1102 : i32 to index
          %swap3A_1104 = arith.index_cast %add3A_1052 : i32 to index
          %swap3A_1105 = arith.constant 48 : index
          %swap3A_1106 = tpu.vector_load %arg10[%swap3A_1103, %swap3A_1104, %swap3A_1105] {strides = array<i32>} : memref<2x128x128xf32, #tpu.memory_space<vmem>>, vector<1x1x16xf32>,
          %swap3A_1107 = vector.shape_cast %swap3A_1106 : vector<1x1x16xf32> to vector<16xf32>
          %swap3A_1108 = vector.shape_cast %mul3A_1101 : vector<16xf32> to vector<1x1x16xf32>
          tpu.vector_store %arg10[%swap3A_1103, %swap3A_1104, %swap3A_1105], %swap3A_1108 {strides = array<i32>} : memref<2x128x128xf32, #tpu.memory_space<vmem>>, vector<1x1x16xf32>,
          %get3A_1109 = arith.constant 1 : i32
          %get3A_1110 = arith.index_cast %get3A_1109 : i32 to index
          %get3A_1111 = arith.index_cast %add3A_1052 : i32 to index
          %get3A_1112 = arith.constant 64 : index
          %get3A_1113 = tpu.vector_load %arg10[%get3A_1110, %get3A_1111, %get3A_1112] {strides = array<i32>} : memref<2x128x128xf32, #tpu.memory_space<vmem>>, vector<1x1x16xf32>,
          %get3A_1114 = vector.shape_cast %get3A_1113 : vector<1x1x16xf32> to vector<16xf32>
          %mul3A_1115 = arith.mulf %get3A_1114, %gather3A_1048 : vector<16xf32>
          %swap3A_1116 = arith.constant 1 : i32
          %swap3A_1117 = arith.index_cast %swap3A_1116 : i32 to index
          %swap3A_1118 = arith.index_cast %add3A_1052 : i32 to index
          %swap3A_1119 = arith.constant 64 : index
          %swap3A_1120 = tpu.vector_load %arg10[%swap3A_1117, %swap3A_1118, %swap3A_1119] {strides = array<i32>} : memref<2x128x128xf32, #tpu.memory_space<vmem>>, vector<1x1x16xf32>,
          %swap3A_1121 = vector.shape_cast %swap3A_1120 : vector<1x1x16xf32> to vector<16xf32>
          %swap3A_1122 = vector.shape_cast %mul3A_1115 : vector<16xf32> to vector<1x1x16xf32>
          tpu.vector_store %arg10[%swap3A_1117, %swap3A_1118, %swap3A_1119], %swap3A_1122 {strides = array<i32>} : memref<2x128x128xf32, #tpu.memory_space<vmem>>, vector<1x1x16xf32>,
          %get3A_1123 = arith.constant 1 : i32
          %get3A_1124 = arith.index_cast %get3A_1123 : i32 to index
          %get3A_1125 = arith.index_cast %add3A_1052 : i32 to index
          %get3A_1126 = arith.constant 80 : index
          %get3A_1127 = tpu.vector_load %arg10[%get3A_1124, %get3A_1125, %get3A_1126] {strides = array<i32>} : memref<2x128x128xf32, #tpu.memory_space<vmem>>, vector<1x1x16xf32>,
          %get3A_1128 = vector.shape_cast %get3A_1127 : vector<1x1x16xf32> to vector<16xf32>
          %mul3A_1129 = arith.mulf %get3A_1128, %gather3A_1048 : vector<16xf32>
          %swap3A_1130 = arith.constant 1 : i32
          %swap3A_1131 = arith.index_cast %swap3A_1130 : i32 to index
          %swap3A_1132 = arith.index_cast %add3A_1052 : i32 to index
          %swap3A_1133 = arith.constant 80 : index
          %swap3A_1134 = tpu.vector_load %arg10[%swap3A_1131, %swap3A_1132, %swap3A_1133] {strides = array<i32>} : memref<2x128x128xf32, #tpu.memory_space<vmem>>, vector<1x1x16xf32>,
          %swap3A_1135 = vector.shape_cast %swap3A_1134 : vector<1x1x16xf32> to vector<16xf32>
          %swap3A_1136 = vector.shape_cast %mul3A_1129 : vector<16xf32> to vector<1x1x16xf32>
          tpu.vector_store %arg10[%swap3A_1131, %swap3A_1132, %swap3A_1133], %swap3A_1136 {strides = array<i32>} : memref<2x128x128xf32, #tpu.memory_space<vmem>>, vector<1x1x16xf32>,
          %get3A_1137 = arith.constant 1 : i32
          %get3A_1138 = arith.index_cast %get3A_1137 : i32 to index
          %get3A_1139 = arith.index_cast %add3A_1052 : i32 to index
          %get3A_1140 = arith.constant 96 : index
          %get3A_1141 = tpu.vector_load %arg10[%get3A_1138, %get3A_1139, %get3A_1140] {strides = array<i32>} : memref<2x128x128xf32, #tpu.memory_space<vmem>>, vector<1x1x16xf32>,
          %get3A_1142 = vector.shape_cast %get3A_1141 : vector<1x1x16xf32> to vector<16xf32>
          %mul3A_1143 = arith.mulf %get3A_1142, %gather3A_1048 : vector<16xf32>
          %swap3A_1144 = arith.constant 1 : i32
          %swap3A_1145 = arith.index_cast %swap3A_1144 : i32 to index
          %swap3A_1146 = arith.index_cast %add3A_1052 : i32 to index
          %swap3A_1147 = arith.constant 96 : index
          %swap3A_1148 = tpu.vector_load %arg10[%swap3A_1145, %swap3A_1146, %swap3A_1147] {strides = array<i32>} : memref<2x128x128xf32, #tpu.memory_space<vmem>>, vector<1x1x16xf32>,
          %swap3A_1149 = vector.shape_cast %swap3A_1148 : vector<1x1x16xf32> to vector<16xf32>
          %swap3A_1150 = vector.shape_cast %mul3A_1143 : vector<16xf32> to vector<1x1x16xf32>
          tpu.vector_store %arg10[%swap3A_1145, %swap3A_1146, %swap3A_1147], %swap3A_1150 {strides = array<i32>} : memref<2x128x128xf32, #tpu.memory_space<vmem>>, vector<1x1x16xf32>,
          %get3A_1151 = arith.constant 1 : i32
          %get3A_1152 = arith.index_cast %get3A_1151 : i32 to index
          %get3A_1153 = arith.index_cast %add3A_1052 : i32 to index
          %get3A_1154 = arith.constant 112 : index
          %get3A_1155 = tpu.vector_load %arg10[%get3A_1152, %get3A_1153, %get3A_1154] {strides = array<i32>} : memref<2x128x128xf32, #tpu.memory_space<vmem>>, vector<1x1x16xf32>,
          %get3A_1156 = vector.shape_cast %get3A_1155 : vector<1x1x16xf32> to vector<16xf32>
          %mul3A_1157 = arith.mulf %get3A_1156, %gather3A_1048 : vector<16xf32>
          %swap3A_1158 = arith.constant 1 : i32
          %swap3A_1159 = arith.index_cast %swap3A_1158 : i32 to index
          %swap3A_1160 = arith.index_cast %add3A_1052 : i32 to index
          %swap3A_1161 = arith.constant 112 : index
          %swap3A_1162 = tpu.vector_load %arg10[%swap3A_1159, %swap3A_1160, %swap3A_1161] {strides = array<i32>} : memref<2x128x128xf32, #tpu.memory_space<vmem>>, vector<1x1x16xf32>,
          %swap3A_1163 = vector.shape_cast %swap3A_1162 : vector<1x1x16xf32> to vector<16xf32>
          %swap3A_1164 = vector.shape_cast %mul3A_1157 : vector<16xf32> to vector<1x1x16xf32>
          tpu.vector_store %arg10[%swap3A_1159, %swap3A_1160, %swap3A_1161], %swap3A_1164 {strides = array<i32>} : memref<2x128x128xf32, #tpu.memory_space<vmem>>, vector<1x1x16xf32>,
          %broadcast_in_dim3A_1165 = arith.constant 8 : i32
          %broadcast_in_dim3A_1166 = vector.broadcast %broadcast_in_dim3A_1165 : i32 to vector<16x1xi32>
          %gather3A_1167 = vector.shape_cast %broadcast_in_dim3A_1166 : vector<16x1xi32> to vector<16xi32>
          %gather3A_1168 = tpu.dynamic_gather %get3A_207[%gather3A_1167] in [0] : vector<16xf32>, vector<16xi32> -> vector<16xf32>
          %mul3A_1169 = arith.constant 16 : i32
          %mul3A_1170 = arith.muli %add3A_202, %mul3A_1169 : i32
          %add3A_1171 = arith.constant 8 : i32
          %add3A_1172 = arith.addi %mul3A_1170, %add3A_1171 : i32
          %get3A_1173 = arith.constant 1 : i32
          %get3A_1174 = arith.index_cast %get3A_1173 : i32 to index
          %get3A_1175 = arith.index_cast %add3A_1172 : i32 to index
          %get3A_1176 = arith.constant 0 : index
          %get3A_1177 = tpu.vector_load %arg10[%get3A_1174, %get3A_1175, %get3A_1176] {strides = array<i32>} : memref<2x128x128xf32, #tpu.memory_space<vmem>>, vector<1x1x16xf32>,
          %get3A_1178 = vector.shape_cast %get3A_1177 : vector<1x1x16xf32> to vector<16xf32>
          %mul3A_1179 = arith.mulf %get3A_1178, %gather3A_1168 : vector<16xf32>
          %swap3A_1180 = arith.constant 1 : i32
          %swap3A_1181 = arith.index_cast %swap3A_1180 : i32 to index
          %swap3A_1182 = arith.index_cast %add3A_1172 : i32 to index
          %swap3A_1183 = arith.constant 0 : index
          %swap3A_1184 = tpu.vector_load %arg10[%swap3A_1181, %swap3A_1182, %swap3A_1183] {strides = array<i32>} : memref<2x128x128xf32, #tpu.memory_space<vmem>>, vector<1x1x16xf32>,
          %swap3A_1185 = vector.shape_cast %swap3A_1184 : vector<1x1x16xf32> to vector<16xf32>
          %swap3A_1186 = vector.shape_cast %mul3A_1179 : vector<16xf32> to vector<1x1x16xf32>
          tpu.vector_store %arg10[%swap3A_1181, %swap3A_1182, %swap3A_1183], %swap3A_1186 {strides = array<i32>} : memref<2x128x128xf32, #tpu.memory_space<vmem>>, vector<1x1x16xf32>,
          %get3A_1187 = arith.constant 1 : i32
          %get3A_1188 = arith.index_cast %get3A_1187 : i32 to index
          %get3A_1189 = arith.index_cast %add3A_1172 : i32 to index
          %get3A_1190 = arith.constant 16 : index
          %get3A_1191 = tpu.vector_load %arg10[%get3A_1188, %get3A_1189, %get3A_1190] {strides = array<i32>} : memref<2x128x128xf32, #tpu.memory_space<vmem>>, vector<1x1x16xf32>,
          %get3A_1192 = vector.shape_cast %get3A_1191 : vector<1x1x16xf32> to vector<16xf32>
          %mul3A_1193 = arith.mulf %get3A_1192, %gather3A_1168 : vector<16xf32>
          %swap3A_1194 = arith.constant 1 : i32
          %swap3A_1195 = arith.index_cast %swap3A_1194 : i32 to index
          %swap3A_1196 = arith.index_cast %add3A_1172 : i32 to index
          %swap3A_1197 = arith.constant 16 : index
          %swap3A_1198 = tpu.vector_load %arg10[%swap3A_1195, %swap3A_1196, %swap3A_1197] {strides = array<i32>} : memref<2x128x128xf32, #tpu.memory_space<vmem>>, vector<1x1x16xf32>,
          %swap3A_1199 = vector.shape_cast %swap3A_1198 : vector<1x1x16xf32> to vector<16xf32>
          %swap3A_1200 = vector.shape_cast %mul3A_1193 : vector<16xf32> to vector<1x1x16xf32>
          tpu.vector_store %arg10[%swap3A_1195, %swap3A_1196, %swap3A_1197], %swap3A_1200 {strides = array<i32>} : memref<2x128x128xf32, #tpu.memory_space<vmem>>, vector<1x1x16xf32>,
          %get3A_1201 = arith.constant 1 : i32
          %get3A_1202 = arith.index_cast %get3A_1201 : i32 to index
          %get3A_1203 = arith.index_cast %add3A_1172 : i32 to index
          %get3A_1204 = arith.constant 32 : index
          %get3A_1205 = tpu.vector_load %arg10[%get3A_1202, %get3A_1203, %get3A_1204] {strides = array<i32>} : memref<2x128x128xf32, #tpu.memory_space<vmem>>, vector<1x1x16xf32>,
          %get3A_1206 = vector.shape_cast %get3A_1205 : vector<1x1x16xf32> to vector<16xf32>
          %mul3A_1207 = arith.mulf %get3A_1206, %gather3A_1168 : vector<16xf32>
          %swap3A_1208 = arith.constant 1 : i32
          %swap3A_1209 = arith.index_cast %swap3A_1208 : i32 to index
          %swap3A_1210 = arith.index_cast %add3A_1172 : i32 to index
          %swap3A_1211 = arith.constant 32 : index
          %swap3A_1212 = tpu.vector_load %arg10[%swap3A_1209, %swap3A_1210, %swap3A_1211] {strides = array<i32>} : memref<2x128x128xf32, #tpu.memory_space<vmem>>, vector<1x1x16xf32>,
          %swap3A_1213 = vector.shape_cast %swap3A_1212 : vector<1x1x16xf32> to vector<16xf32>
          %swap3A_1214 = vector.shape_cast %mul3A_1207 : vector<16xf32> to vector<1x1x16xf32>
          tpu.vector_store %arg10[%swap3A_1209, %swap3A_1210, %swap3A_1211], %swap3A_1214 {strides = array<i32>} : memref<2x128x128xf32, #tpu.memory_space<vmem>>, vector<1x1x16xf32>,
          %get3A_1215 = arith.constant 1 : i32
          %get3A_1216 = arith.index_cast %get3A_1215 : i32 to index
          %get3A_1217 = arith.index_cast %add3A_1172 : i32 to index
          %get3A_1218 = arith.constant 48 : index
          %get3A_1219 = tpu.vector_load %arg10[%get3A_1216, %get3A_1217, %get3A_1218] {strides = array<i32>} : memref<2x128x128xf32, #tpu.memory_space<vmem>>, vector<1x1x16xf32>,
          %get3A_1220 = vector.shape_cast %get3A_1219 : vector<1x1x16xf32> to vector<16xf32>
          %mul3A_1221 = arith.mulf %get3A_1220, %gather3A_1168 : vector<16xf32>
          %swap3A_1222 = arith.constant 1 : i32
          %swap3A_1223 = arith.index_cast %swap3A_1222 : i32 to index
          %swap3A_1224 = arith.index_cast %add3A_1172 : i32 to index
          %swap3A_1225 = arith.constant 48 : index
          %swap3A_1226 = tpu.vector_load %arg10[%swap3A_1223, %swap3A_1224, %swap3A_1225] {strides = array<i32>} : memref<2x128x128xf32, #tpu.memory_space<vmem>>, vector<1x1x16xf32>,
          %swap3A_1227 = vector.shape_cast %swap3A_1226 : vector<1x1x16xf32> to vector<16xf32>
          %swap3A_1228 = vector.shape_cast %mul3A_1221 : vector<16xf32> to vector<1x1x16xf32>
          tpu.vector_store %arg10[%swap3A_1223, %swap3A_1224, %swap3A_1225], %swap3A_1228 {strides = array<i32>} : memref<2x128x128xf32, #tpu.memory_space<vmem>>, vector<1x1x16xf32>,
          %get3A_1229 = arith.constant 1 : i32
          %get3A_1230 = arith.index_cast %get3A_1229 : i32 to index
          %get3A_1231 = arith.index_cast %add3A_1172 : i32 to index
          %get3A_1232 = arith.constant 64 : index
          %get3A_1233 = tpu.vector_load %arg10[%get3A_1230, %get3A_1231, %get3A_1232] {strides = array<i32>} : memref<2x128x128xf32, #tpu.memory_space<vmem>>, vector<1x1x16xf32>,
          %get3A_1234 = vector.shape_cast %get3A_1233 : vector<1x1x16xf32> to vector<16xf32>
          %mul3A_1235 = arith.mulf %get3A_1234, %gather3A_1168 : vector<16xf32>
          %swap3A_1236 = arith.constant 1 : i32
          %swap3A_1237 = arith.index_cast %swap3A_1236 : i32 to index
          %swap3A_1238 = arith.index_cast %add3A_1172 : i32 to index
          %swap3A_1239 = arith.constant 64 : index
          %swap3A_1240 = tpu.vector_load %arg10[%swap3A_1237, %swap3A_1238, %swap3A_1239] {strides = array<i32>} : memref<2x128x128xf32, #tpu.memory_space<vmem>>, vector<1x1x16xf32>,
          %swap3A_1241 = vector.shape_cast %swap3A_1240 : vector<1x1x16xf32> to vector<16xf32>
          %swap3A_1242 = vector.shape_cast %mul3A_1235 : vector<16xf32> to vector<1x1x16xf32>
          tpu.vector_store %arg10[%swap3A_1237, %swap3A_1238, %swap3A_1239], %swap3A_1242 {strides = array<i32>} : memref<2x128x128xf32, #tpu.memory_space<vmem>>, vector<1x1x16xf32>,
          %get3A_1243 = arith.constant 1 : i32
          %get3A_1244 = arith.index_cast %get3A_1243 : i32 to index
          %get3A_1245 = arith.index_cast %add3A_1172 : i32 to index
          %get3A_1246 = arith.constant 80 : index
          %get3A_1247 = tpu.vector_load %arg10[%get3A_1244, %get3A_1245, %get3A_1246] {strides = array<i32>} : memref<2x128x128xf32, #tpu.memory_space<vmem>>, vector<1x1x16xf32>,
          %get3A_1248 = vector.shape_cast %get3A_1247 : vector<1x1x16xf32> to vector<16xf32>
          %mul3A_1249 = arith.mulf %get3A_1248, %gather3A_1168 : vector<16xf32>
          %swap3A_1250 = arith.constant 1 : i32
          %swap3A_1251 = arith.index_cast %swap3A_1250 : i32 to index
          %swap3A_1252 = arith.index_cast %add3A_1172 : i32 to index
          %swap3A_1253 = arith.constant 80 : index
          %swap3A_1254 = tpu.vector_load %arg10[%swap3A_1251, %swap3A_1252, %swap3A_1253] {strides = array<i32>} : memref<2x128x128xf32, #tpu.memory_space<vmem>>, vector<1x1x16xf32>,
          %swap3A_1255 = vector.shape_cast %swap3A_1254 : vector<1x1x16xf32> to vector<16xf32>
          %swap3A_1256 = vector.shape_cast %mul3A_1249 : vector<16xf32> to vector<1x1x16xf32>
          tpu.vector_store %arg10[%swap3A_1251, %swap3A_1252, %swap3A_1253], %swap3A_1256 {strides = array<i32>} : memref<2x128x128xf32, #tpu.memory_space<vmem>>, vector<1x1x16xf32>,
          %get3A_1257 = arith.constant 1 : i32
          %get3A_1258 = arith.index_cast %get3A_1257 : i32 to index
          %get3A_1259 = arith.index_cast %add3A_1172 : i32 to index
          %get3A_1260 = arith.constant 96 : index
          %get3A_1261 = tpu.vector_load %arg10[%get3A_1258, %get3A_1259, %get3A_1260] {strides = array<i32>} : memref<2x128x128xf32, #tpu.memory_space<vmem>>, vector<1x1x16xf32>,
          %get3A_1262 = vector.shape_cast %get3A_1261 : vector<1x1x16xf32> to vector<16xf32>
          %mul3A_1263 = arith.mulf %get3A_1262, %gather3A_1168 : vector<16xf32>
          %swap3A_1264 = arith.constant 1 : i32
          %swap3A_1265 = arith.index_cast %swap3A_1264 : i32 to index
          %swap3A_1266 = arith.index_cast %add3A_1172 : i32 to index
          %swap3A_1267 = arith.constant 96 : index
          %swap3A_1268 = tpu.vector_load %arg10[%swap3A_1265, %swap3A_1266, %swap3A_1267] {strides = array<i32>} : memref<2x128x128xf32, #tpu.memory_space<vmem>>, vector<1x1x16xf32>,
          %swap3A_1269 = vector.shape_cast %swap3A_1268 : vector<1x1x16xf32> to vector<16xf32>
          %swap3A_1270 = vector.shape_cast %mul3A_1263 : vector<16xf32> to vector<1x1x16xf32>
          tpu.vector_store %arg10[%swap3A_1265, %swap3A_1266, %swap3A_1267], %swap3A_1270 {strides = array<i32>} : memref<2x128x128xf32, #tpu.memory_space<vmem>>, vector<1x1x16xf32>,
          %get3A_1271 = arith.constant 1 : i32
          %get3A_1272 = arith.index_cast %get3A_1271 : i32 to index
          %get3A_1273 = arith.index_cast %add3A_1172 : i32 to index
          %get3A_1274 = arith.constant 112 : index
          %get3A_1275 = tpu.vector_load %arg10[%get3A_1272, %get3A_1273, %get3A_1274] {strides = array<i32>} : memref<2x128x128xf32, #tpu.memory_space<vmem>>, vector<1x1x16xf32>,
          %get3A_1276 = vector.shape_cast %get3A_1275 : vector<1x1x16xf32> to vector<16xf32>
          %mul3A_1277 = arith.mulf %get3A_1276, %gather3A_1168 : vector<16xf32>
          %swap3A_1278 = arith.constant 1 : i32
          %swap3A_1279 = arith.index_cast %swap3A_1278 : i32 to index
          %swap3A_1280 = arith.index_cast %add3A_1172 : i32 to index
          %swap3A_1281 = arith.constant 112 : index
          %swap3A_1282 = tpu.vector_load %arg10[%swap3A_1279, %swap3A_1280, %swap3A_1281] {strides = array<i32>} : memref<2x128x128xf32, #tpu.memory_space<vmem>>, vector<1x1x16xf32>,
          %swap3A_1283 = vector.shape_cast %swap3A_1282 : vector<1x1x16xf32> to vector<16xf32>
          %swap3A_1284 = vector.shape_cast %mul3A_1277 : vector<16xf32> to vector<1x1x16xf32>
          tpu.vector_store %arg10[%swap3A_1279, %swap3A_1280, %swap3A_1281], %swap3A_1284 {strides = array<i32>} : memref<2x128x128xf32, #tpu.memory_space<vmem>>, vector<1x1x16xf32>,
          %broadcast_in_dim3A_1285 = arith.constant 9 : i32
          %broadcast_in_dim3A_1286 = vector.broadcast %broadcast_in_dim3A_1285 : i32 to vector<16x1xi32>
          %gather3A_1287 = vector.shape_cast %broadcast_in_dim3A_1286 : vector<16x1xi32> to vector<16xi32>
          %gather3A_1288 = tpu.dynamic_gather %get3A_207[%gather3A_1287] in [0] : vector<16xf32>, vector<16xi32> -> vector<16xf32>
          %mul3A_1289 = arith.constant 16 : i32
          %mul3A_1290 = arith.muli %add3A_202, %mul3A_1289 : i32
          %add3A_1291 = arith.constant 9 : i32
          %add3A_1292 = arith.addi %mul3A_1290, %add3A_1291 : i32
          %get3A_1293 = arith.constant 1 : i32
          %get3A_1294 = arith.index_cast %get3A_1293 : i32 to index
          %get3A_1295 = arith.index_cast %add3A_1292 : i32 to index
          %get3A_1296 = arith.constant 0 : index
          %get3A_1297 = tpu.vector_load %arg10[%get3A_1294, %get3A_1295, %get3A_1296] {strides = array<i32>} : memref<2x128x128xf32, #tpu.memory_space<vmem>>, vector<1x1x16xf32>,
          %get3A_1298 = vector.shape_cast %get3A_1297 : vector<1x1x16xf32> to vector<16xf32>
          %mul3A_1299 = arith.mulf %get3A_1298, %gather3A_1288 : vector<16xf32>
          %swap3A_1300 = arith.constant 1 : i32
          %swap3A_1301 = arith.index_cast %swap3A_1300 : i32 to index
          %swap3A_1302 = arith.index_cast %add3A_1292 : i32 to index
          %swap3A_1303 = arith.constant 0 : index
          %swap3A_1304 = tpu.vector_load %arg10[%swap3A_1301, %swap3A_1302, %swap3A_1303] {strides = array<i32>} : memref<2x128x128xf32, #tpu.memory_space<vmem>>, vector<1x1x16xf32>,
          %swap3A_1305 = vector.shape_cast %swap3A_1304 : vector<1x1x16xf32> to vector<16xf32>
          %swap3A_1306 = vector.shape_cast %mul3A_1299 : vector<16xf32> to vector<1x1x16xf32>
          tpu.vector_store %arg10[%swap3A_1301, %swap3A_1302, %swap3A_1303], %swap3A_1306 {strides = array<i32>} : memref<2x128x128xf32, #tpu.memory_space<vmem>>, vector<1x1x16xf32>,
          %get3A_1307 = arith.constant 1 : i32
          %get3A_1308 = arith.index_cast %get3A_1307 : i32 to index
          %get3A_1309 = arith.index_cast %add3A_1292 : i32 to index
          %get3A_1310 = arith.constant 16 : index
          %get3A_1311 = tpu.vector_load %arg10[%get3A_1308, %get3A_1309, %get3A_1310] {strides = array<i32>} : memref<2x128x128xf32, #tpu.memory_space<vmem>>, vector<1x1x16xf32>,
          %get3A_1312 = vector.shape_cast %get3A_1311 : vector<1x1x16xf32> to vector<16xf32>
          %mul3A_1313 = arith.mulf %get3A_1312, %gather3A_1288 : vector<16xf32>
          %swap3A_1314 = arith.constant 1 : i32
          %swap3A_1315 = arith.index_cast %swap3A_1314 : i32 to index
          %swap3A_1316 = arith.index_cast %add3A_1292 : i32 to index
          %swap3A_1317 = arith.constant 16 : index
          %swap3A_1318 = tpu.vector_load %arg10[%swap3A_1315, %swap3A_1316, %swap3A_1317] {strides = array<i32>} : memref<2x128x128xf32, #tpu.memory_space<vmem>>, vector<1x1x16xf32>,
          %swap3A_1319 = vector.shape_cast %swap3A_1318 : vector<1x1x16xf32> to vector<16xf32>
          %swap3A_1320 = vector.shape_cast %mul3A_1313 : vector<16xf32> to vector<1x1x16xf32>
          tpu.vector_store %arg10[%swap3A_1315, %swap3A_1316, %swap3A_1317], %swap3A_1320 {strides = array<i32>} : memref<2x128x128xf32, #tpu.memory_space<vmem>>, vector<1x1x16xf32>,
          %get3A_1321 = arith.constant 1 : i32
          %get3A_1322 = arith.index_cast %get3A_1321 : i32 to index
          %get3A_1323 = arith.index_cast %add3A_1292 : i32 to index
          %get3A_1324 = arith.constant 32 : index
          %get3A_1325 = tpu.vector_load %arg10[%get3A_1322, %get3A_1323, %get3A_1324] {strides = array<i32>} : memref<2x128x128xf32, #tpu.memory_space<vmem>>, vector<1x1x16xf32>,
          %get3A_1326 = vector.shape_cast %get3A_1325 : vector<1x1x16xf32> to vector<16xf32>
          %mul3A_1327 = arith.mulf %get3A_1326, %gather3A_1288 : vector<16xf32>
          %swap3A_1328 = arith.constant 1 : i32
          %swap3A_1329 = arith.index_cast %swap3A_1328 : i32 to index
          %swap3A_1330 = arith.index_cast %add3A_1292 : i32 to index
          %swap3A_1331 = arith.constant 32 : index
          %swap3A_1332 = tpu.vector_load %arg10[%swap3A_1329, %swap3A_1330, %swap3A_1331] {strides = array<i32>} : memref<2x128x128xf32, #tpu.memory_space<vmem>>, vector<1x1x16xf32>,
          %swap3A_1333 = vector.shape_cast %swap3A_1332 : vector<1x1x16xf32> to vector<16xf32>
          %swap3A_1334 = vector.shape_cast %mul3A_1327 : vector<16xf32> to vector<1x1x16xf32>
          tpu.vector_store %arg10[%swap3A_1329, %swap3A_1330, %swap3A_1331], %swap3A_1334 {strides = array<i32>} : memref<2x128x128xf32, #tpu.memory_space<vmem>>, vector<1x1x16xf32>,
          %get3A_1335 = arith.constant 1 : i32
          %get3A_1336 = arith.index_cast %get3A_1335 : i32 to index
          %get3A_1337 = arith.index_cast %add3A_1292 : i32 to index
          %get3A_1338 = arith.constant 48 : index
          %get3A_1339 = tpu.vector_load %arg10[%get3A_1336, %get3A_1337, %get3A_1338] {strides = array<i32>} : memref<2x128x128xf32, #tpu.memory_space<vmem>>, vector<1x1x16xf32>,
          %get3A_1340 = vector.shape_cast %get3A_1339 : vector<1x1x16xf32> to vector<16xf32>
          %mul3A_1341 = arith.mulf %get3A_1340, %gather3A_1288 : vector<16xf32>
          %swap3A_1342 = arith.constant 1 : i32
          %swap3A_1343 = arith.index_cast %swap3A_1342 : i32 to index
          %swap3A_1344 = arith.index_cast %add3A_1292 : i32 to index
          %swap3A_1345 = arith.constant 48 : index
          %swap3A_1346 = tpu.vector_load %arg10[%swap3A_1343, %swap3A_1344, %swap3A_1345] {strides = array<i32>} : memref<2x128x128xf32, #tpu.memory_space<vmem>>, vector<1x1x16xf32>,
          %swap3A_1347 = vector.shape_cast %swap3A_1346 : vector<1x1x16xf32> to vector<16xf32>
          %swap3A_1348 = vector.shape_cast %mul3A_1341 : vector<16xf32> to vector<1x1x16xf32>
          tpu.vector_store %arg10[%swap3A_1343, %swap3A_1344, %swap3A_1345], %swap3A_1348 {strides = array<i32>} : memref<2x128x128xf32, #tpu.memory_space<vmem>>, vector<1x1x16xf32>,
          %get3A_1349 = arith.constant 1 : i32
          %get3A_1350 = arith.index_cast %get3A_1349 : i32 to index
          %get3A_1351 = arith.index_cast %add3A_1292 : i32 to index
          %get3A_1352 = arith.constant 64 : index
          %get3A_1353 = tpu.vector_load %arg10[%get3A_1350, %get3A_1351, %get3A_1352] {strides = array<i32>} : memref<2x128x128xf32, #tpu.memory_space<vmem>>, vector<1x1x16xf32>,
          %get3A_1354 = vector.shape_cast %get3A_1353 : vector<1x1x16xf32> to vector<16xf32>
          %mul3A_1355 = arith.mulf %get3A_1354, %gather3A_1288 : vector<16xf32>
          %swap3A_1356 = arith.constant 1 : i32
          %swap3A_1357 = arith.index_cast %swap3A_1356 : i32 to index
          %swap3A_1358 = arith.index_cast %add3A_1292 : i32 to index
          %swap3A_1359 = arith.constant 64 : index
          %swap3A_1360 = tpu.vector_load %arg10[%swap3A_1357, %swap3A_1358, %swap3A_1359] {strides = array<i32>} : memref<2x128x128xf32, #tpu.memory_space<vmem>>, vector<1x1x16xf32>,
          %swap3A_1361 = vector.shape_cast %swap3A_1360 : vector<1x1x16xf32> to vector<16xf32>
          %swap3A_1362 = vector.shape_cast %mul3A_1355 : vector<16xf32> to vector<1x1x16xf32>
          tpu.vector_store %arg10[%swap3A_1357, %swap3A_1358, %swap3A_1359], %swap3A_1362 {strides = array<i32>} : memref<2x128x128xf32, #tpu.memory_space<vmem>>, vector<1x1x16xf32>,
          %get3A_1363 = arith.constant 1 : i32
          %get3A_1364 = arith.index_cast %get3A_1363 : i32 to index
          %get3A_1365 = arith.index_cast %add3A_1292 : i32 to index
          %get3A_1366 = arith.constant 80 : index
          %get3A_1367 = tpu.vector_load %arg10[%get3A_1364, %get3A_1365, %get3A_1366] {strides = array<i32>} : memref<2x128x128xf32, #tpu.memory_space<vmem>>, vector<1x1x16xf32>,
          %get3A_1368 = vector.shape_cast %get3A_1367 : vector<1x1x16xf32> to vector<16xf32>
          %mul3A_1369 = arith.mulf %get3A_1368, %gather3A_1288 : vector<16xf32>
          %swap3A_1370 = arith.constant 1 : i32
          %swap3A_1371 = arith.index_cast %swap3A_1370 : i32 to index
          %swap3A_1372 = arith.index_cast %add3A_1292 : i32 to index
          %swap3A_1373 = arith.constant 80 : index
          %swap3A_1374 = tpu.vector_load %arg10[%swap3A_1371, %swap3A_1372, %swap3A_1373] {strides = array<i32>} : memref<2x128x128xf32, #tpu.memory_space<vmem>>, vector<1x1x16xf32>,
          %swap3A_1375 = vector.shape_cast %swap3A_1374 : vector<1x1x16xf32> to vector<16xf32>
          %swap3A_1376 = vector.shape_cast %mul3A_1369 : vector<16xf32> to vector<1x1x16xf32>
          tpu.vector_store %arg10[%swap3A_1371, %swap3A_1372, %swap3A_1373], %swap3A_1376 {strides = array<i32>} : memref<2x128x128xf32, #tpu.memory_space<vmem>>, vector<1x1x16xf32>,
          %get3A_1377 = arith.constant 1 : i32
          %get3A_1378 = arith.index_cast %get3A_1377 : i32 to index
          %get3A_1379 = arith.index_cast %add3A_1292 : i32 to index
          %get3A_1380 = arith.constant 96 : index
          %get3A_1381 = tpu.vector_load %arg10[%get3A_1378, %get3A_1379, %get3A_1380] {strides = array<i32>} : memref<2x128x128xf32, #tpu.memory_space<vmem>>, vector<1x1x16xf32>,
          %get3A_1382 = vector.shape_cast %get3A_1381 : vector<1x1x16xf32> to vector<16xf32>
          %mul3A_1383 = arith.mulf %get3A_1382, %gather3A_1288 : vector<16xf32>
          %swap3A_1384 = arith.constant 1 : i32
          %swap3A_1385 = arith.index_cast %swap3A_1384 : i32 to index
          %swap3A_1386 = arith.index_cast %add3A_1292 : i32 to index
          %swap3A_1387 = arith.constant 96 : index
          %swap3A_1388 = tpu.vector_load %arg10[%swap3A_1385, %swap3A_1386, %swap3A_1387] {strides = array<i32>} : memref<2x128x128xf32, #tpu.memory_space<vmem>>, vector<1x1x16xf32>,
          %swap3A_1389 = vector.shape_cast %swap3A_1388 : vector<1x1x16xf32> to vector<16xf32>
          %swap3A_1390 = vector.shape_cast %mul3A_1383 : vector<16xf32> to vector<1x1x16xf32>
          tpu.vector_store %arg10[%swap3A_1385, %swap3A_1386, %swap3A_1387], %swap3A_1390 {strides = array<i32>} : memref<2x128x128xf32, #tpu.memory_space<vmem>>, vector<1x1x16xf32>,
          %get3A_1391 = arith.constant 1 : i32
          %get3A_1392 = arith.index_cast %get3A_1391 : i32 to index
          %get3A_1393 = arith.index_cast %add3A_1292 : i32 to index
          %get3A_1394 = arith.constant 112 : index
          %get3A_1395 = tpu.vector_load %arg10[%get3A_1392, %get3A_1393, %get3A_1394] {strides = array<i32>} : memref<2x128x128xf32, #tpu.memory_space<vmem>>, vector<1x1x16xf32>,
          %get3A_1396 = vector.shape_cast %get3A_1395 : vector<1x1x16xf32> to vector<16xf32>
          %mul3A_1397 = arith.mulf %get3A_1396, %gather3A_1288 : vector<16xf32>
          %swap3A_1398 = arith.constant 1 : i32
          %swap3A_1399 = arith.index_cast %swap3A_1398 : i32 to index
          %swap3A_1400 = arith.index_cast %add3A_1292 : i32 to index
          %swap3A_1401 = arith.constant 112 : index
          %swap3A_1402 = tpu.vector_load %arg10[%swap3A_1399, %swap3A_1400, %swap3A_1401] {strides = array<i32>} : memref<2x128x128xf32, #tpu.memory_space<vmem>>, vector<1x1x16xf32>,
          %swap3A_1403 = vector.shape_cast %swap3A_1402 : vector<1x1x16xf32> to vector<16xf32>
          %swap3A_1404 = vector.shape_cast %mul3A_1397 : vector<16xf32> to vector<1x1x16xf32>
          tpu.vector_store %arg10[%swap3A_1399, %swap3A_1400, %swap3A_1401], %swap3A_1404 {strides = array<i32>} : memref<2x128x128xf32, #tpu.memory_space<vmem>>, vector<1x1x16xf32>,
          %broadcast_in_dim3A_1405 = arith.constant 10 : i32
          %broadcast_in_dim3A_1406 = vector.broadcast %broadcast_in_dim3A_1405 : i32 to vector<16x1xi32>
          %gather3A_1407 = vector.shape_cast %broadcast_in_dim3A_1406 : vector<16x1xi32> to vector<16xi32>
          %gather3A_1408 = tpu.dynamic_gather %get3A_207[%gather3A_1407] in [0] : vector<16xf32>, vector<16xi32> -> vector<16xf32>
          %mul3A_1409 = arith.constant 16 : i32
          %mul3A_1410 = arith.muli %add3A_202, %mul3A_1409 : i32
          %add3A_1411 = arith.constant 10 : i32
          %add3A_1412 = arith.addi %mul3A_1410, %add3A_1411 : i32
          %get3A_1413 = arith.constant 1 : i32
          %get3A_1414 = arith.index_cast %get3A_1413 : i32 to index
          %get3A_1415 = arith.index_cast %add3A_1412 : i32 to index
          %get3A_1416 = arith.constant 0 : index
          %get3A_1417 = tpu.vector_load %arg10[%get3A_1414, %get3A_1415, %get3A_1416] {strides = array<i32>} : memref<2x128x128xf32, #tpu.memory_space<vmem>>, vector<1x1x16xf32>,
          %get3A_1418 = vector.shape_cast %get3A_1417 : vector<1x1x16xf32> to vector<16xf32>
          %mul3A_1419 = arith.mulf %get3A_1418, %gather3A_1408 : vector<16xf32>
          %swap3A_1420 = arith.constant 1 : i32
          %swap3A_1421 = arith.index_cast %swap3A_1420 : i32 to index
          %swap3A_1422 = arith.index_cast %add3A_1412 : i32 to index
          %swap3A_1423 = arith.constant 0 : index
          %swap3A_1424 = tpu.vector_load %arg10[%swap3A_1421, %swap3A_1422, %swap3A_1423] {strides = array<i32>} : memref<2x128x128xf32, #tpu.memory_space<vmem>>, vector<1x1x16xf32>,
          %swap3A_1425 = vector.shape_cast %swap3A_1424 : vector<1x1x16xf32> to vector<16xf32>
          %swap3A_1426 = vector.shape_cast %mul3A_1419 : vector<16xf32> to vector<1x1x16xf32>
          tpu.vector_store %arg10[%swap3A_1421, %swap3A_1422, %swap3A_1423], %swap3A_1426 {strides = array<i32>} : memref<2x128x128xf32, #tpu.memory_space<vmem>>, vector<1x1x16xf32>,
          %get3A_1427 = arith.constant 1 : i32
          %get3A_1428 = arith.index_cast %get3A_1427 : i32 to index
          %get3A_1429 = arith.index_cast %add3A_1412 : i32 to index
          %get3A_1430 = arith.constant 16 : index
          %get3A_1431 = tpu.vector_load %arg10[%get3A_1428, %get3A_1429, %get3A_1430] {strides = array<i32>} : memref<2x128x128xf32, #tpu.memory_space<vmem>>, vector<1x1x16xf32>,
          %get3A_1432 = vector.shape_cast %get3A_1431 : vector<1x1x16xf32> to vector<16xf32>
          %mul3A_1433 = arith.mulf %get3A_1432, %gather3A_1408 : vector<16xf32>
          %swap3A_1434 = arith.constant 1 : i32
          %swap3A_1435 = arith.index_cast %swap3A_1434 : i32 to index
          %swap3A_1436 = arith.index_cast %add3A_1412 : i32 to index
          %swap3A_1437 = arith.constant 16 : index
          %swap3A_1438 = tpu.vector_load %arg10[%swap3A_1435, %swap3A_1436, %swap3A_1437] {strides = array<i32>} : memref<2x128x128xf32, #tpu.memory_space<vmem>>, vector<1x1x16xf32>,
          %swap3A_1439 = vector.shape_cast %swap3A_1438 : vector<1x1x16xf32> to vector<16xf32>
          %swap3A_1440 = vector.shape_cast %mul3A_1433 : vector<16xf32> to vector<1x1x16xf32>
          tpu.vector_store %arg10[%swap3A_1435, %swap3A_1436, %swap3A_1437], %swap3A_1440 {strides = array<i32>} : memref<2x128x128xf32, #tpu.memory_space<vmem>>, vector<1x1x16xf32>,
          %get3A_1441 = arith.constant 1 : i32
          %get3A_1442 = arith.index_cast %get3A_1441 : i32 to index
          %get3A_1443 = arith.index_cast %add3A_1412 : i32 to index
          %get3A_1444 = arith.constant 32 : index
          %get3A_1445 = tpu.vector_load %arg10[%get3A_1442, %get3A_1443, %get3A_1444] {strides = array<i32>} : memref<2x128x128xf32, #tpu.memory_space<vmem>>, vector<1x1x16xf32>,
          %get3A_1446 = vector.shape_cast %get3A_1445 : vector<1x1x16xf32> to vector<16xf32>
          %mul3A_1447 = arith.mulf %get3A_1446, %gather3A_1408 : vector<16xf32>
          %swap3A_1448 = arith.constant 1 : i32
          %swap3A_1449 = arith.index_cast %swap3A_1448 : i32 to index
          %swap3A_1450 = arith.index_cast %add3A_1412 : i32 to index
          %swap3A_1451 = arith.constant 32 : index
          %swap3A_1452 = tpu.vector_load %arg10[%swap3A_1449, %swap3A_1450, %swap3A_1451] {strides = array<i32>} : memref<2x128x128xf32, #tpu.memory_space<vmem>>, vector<1x1x16xf32>,
          %swap3A_1453 = vector.shape_cast %swap3A_1452 : vector<1x1x16xf32> to vector<16xf32>
          %swap3A_1454 = vector.shape_cast %mul3A_1447 : vector<16xf32> to vector<1x1x16xf32>
          tpu.vector_store %arg10[%swap3A_1449, %swap3A_1450, %swap3A_1451], %swap3A_1454 {strides = array<i32>} : memref<2x128x128xf32, #tpu.memory_space<vmem>>, vector<1x1x16xf32>,
          %get3A_1455 = arith.constant 1 : i32
          %get3A_1456 = arith.index_cast %get3A_1455 : i32 to index
          %get3A_1457 = arith.index_cast %add3A_1412 : i32 to index
          %get3A_1458 = arith.constant 48 : index
          %get3A_1459 = tpu.vector_load %arg10[%get3A_1456, %get3A_1457, %get3A_1458] {strides = array<i32>} : memref<2x128x128xf32, #tpu.memory_space<vmem>>, vector<1x1x16xf32>,
          %get3A_1460 = vector.shape_cast %get3A_1459 : vector<1x1x16xf32> to vector<16xf32>
          %mul3A_1461 = arith.mulf %get3A_1460, %gather3A_1408 : vector<16xf32>
          %swap3A_1462 = arith.constant 1 : i32
          %swap3A_1463 = arith.index_cast %swap3A_1462 : i32 to index
          %swap3A_1464 = arith.index_cast %add3A_1412 : i32 to index
          %swap3A_1465 = arith.constant 48 : index
          %swap3A_1466 = tpu.vector_load %arg10[%swap3A_1463, %swap3A_1464, %swap3A_1465] {strides = array<i32>} : memref<2x128x128xf32, #tpu.memory_space<vmem>>, vector<1x1x16xf32>,
          %swap3A_1467 = vector.shape_cast %swap3A_1466 : vector<1x1x16xf32> to vector<16xf32>
          %swap3A_1468 = vector.shape_cast %mul3A_1461 : vector<16xf32> to vector<1x1x16xf32>
          tpu.vector_store %arg10[%swap3A_1463, %swap3A_1464, %swap3A_1465], %swap3A_1468 {strides = array<i32>} : memref<2x128x128xf32, #tpu.memory_space<vmem>>, vector<1x1x16xf32>,
          %get3A_1469 = arith.constant 1 : i32
          %get3A_1470 = arith.index_cast %get3A_1469 : i32 to index
          %get3A_1471 = arith.index_cast %add3A_1412 : i32 to index
          %get3A_1472 = arith.constant 64 : index
          %get3A_1473 = tpu.vector_load %arg10[%get3A_1470, %get3A_1471, %get3A_1472] {strides = array<i32>} : memref<2x128x128xf32, #tpu.memory_space<vmem>>, vector<1x1x16xf32>,
          %get3A_1474 = vector.shape_cast %get3A_1473 : vector<1x1x16xf32> to vector<16xf32>
          %mul3A_1475 = arith.mulf %get3A_1474, %gather3A_1408 : vector<16xf32>
          %swap3A_1476 = arith.constant 1 : i32
          %swap3A_1477 = arith.index_cast %swap3A_1476 : i32 to index
          %swap3A_1478 = arith.index_cast %add3A_1412 : i32 to index
          %swap3A_1479 = arith.constant 64 : index
          %swap3A_1480 = tpu.vector_load %arg10[%swap3A_1477, %swap3A_1478, %swap3A_1479] {strides = array<i32>} : memref<2x128x128xf32, #tpu.memory_space<vmem>>, vector<1x1x16xf32>,
          %swap3A_1481 = vector.shape_cast %swap3A_1480 : vector<1x1x16xf32> to vector<16xf32>
          %swap3A_1482 = vector.shape_cast %mul3A_1475 : vector<16xf32> to vector<1x1x16xf32>
          tpu.vector_store %arg10[%swap3A_1477, %swap3A_1478, %swap3A_1479], %swap3A_1482 {strides = array<i32>} : memref<2x128x128xf32, #tpu.memory_space<vmem>>, vector<1x1x16xf32>,
          %get3A_1483 = arith.constant 1 : i32
          %get3A_1484 = arith.index_cast %get3A_1483 : i32 to index
          %get3A_1485 = arith.index_cast %add3A_1412 : i32 to index
          %get3A_1486 = arith.constant 80 : index
          %get3A_1487 = tpu.vector_load %arg10[%get3A_1484, %get3A_1485, %get3A_1486] {strides = array<i32>} : memref<2x128x128xf32, #tpu.memory_space<vmem>>, vector<1x1x16xf32>,
          %get3A_1488 = vector.shape_cast %get3A_1487 : vector<1x1x16xf32> to vector<16xf32>
          %mul3A_1489 = arith.mulf %get3A_1488, %gather3A_1408 : vector<16xf32>
          %swap3A_1490 = arith.constant 1 : i32
          %swap3A_1491 = arith.index_cast %swap3A_1490 : i32 to index
          %swap3A_1492 = arith.index_cast %add3A_1412 : i32 to index
          %swap3A_1493 = arith.constant 80 : index
          %swap3A_1494 = tpu.vector_load %arg10[%swap3A_1491, %swap3A_1492, %swap3A_1493] {strides = array<i32>} : memref<2x128x128xf32, #tpu.memory_space<vmem>>, vector<1x1x16xf32>,
          %swap3A_1495 = vector.shape_cast %swap3A_1494 : vector<1x1x16xf32> to vector<16xf32>
          %swap3A_1496 = vector.shape_cast %mul3A_1489 : vector<16xf32> to vector<1x1x16xf32>
          tpu.vector_store %arg10[%swap3A_1491, %swap3A_1492, %swap3A_1493], %swap3A_1496 {strides = array<i32>} : memref<2x128x128xf32, #tpu.memory_space<vmem>>, vector<1x1x16xf32>,
          %get3A_1497 = arith.constant 1 : i32
          %get3A_1498 = arith.index_cast %get3A_1497 : i32 to index
          %get3A_1499 = arith.index_cast %add3A_1412 : i32 to index
          %get3A_1500 = arith.constant 96 : index
          %get3A_1501 = tpu.vector_load %arg10[%get3A_1498, %get3A_1499, %get3A_1500] {strides = array<i32>} : memref<2x128x128xf32, #tpu.memory_space<vmem>>, vector<1x1x16xf32>,
          %get3A_1502 = vector.shape_cast %get3A_1501 : vector<1x1x16xf32> to vector<16xf32>
          %mul3A_1503 = arith.mulf %get3A_1502, %gather3A_1408 : vector<16xf32>
          %swap3A_1504 = arith.constant 1 : i32
          %swap3A_1505 = arith.index_cast %swap3A_1504 : i32 to index
          %swap3A_1506 = arith.index_cast %add3A_1412 : i32 to index
          %swap3A_1507 = arith.constant 96 : index
          %swap3A_1508 = tpu.vector_load %arg10[%swap3A_1505, %swap3A_1506, %swap3A_1507] {strides = array<i32>} : memref<2x128x128xf32, #tpu.memory_space<vmem>>, vector<1x1x16xf32>,
          %swap3A_1509 = vector.shape_cast %swap3A_1508 : vector<1x1x16xf32> to vector<16xf32>
          %swap3A_1510 = vector.shape_cast %mul3A_1503 : vector<16xf32> to vector<1x1x16xf32>
          tpu.vector_store %arg10[%swap3A_1505, %swap3A_1506, %swap3A_1507], %swap3A_1510 {strides = array<i32>} : memref<2x128x128xf32, #tpu.memory_space<vmem>>, vector<1x1x16xf32>,
          %get3A_1511 = arith.constant 1 : i32
          %get3A_1512 = arith.index_cast %get3A_1511 : i32 to index
          %get3A_1513 = arith.index_cast %add3A_1412 : i32 to index
          %get3A_1514 = arith.constant 112 : index
          %get3A_1515 = tpu.vector_load %arg10[%get3A_1512, %get3A_1513, %get3A_1514] {strides = array<i32>} : memref<2x128x128xf32, #tpu.memory_space<vmem>>, vector<1x1x16xf32>,
          %get3A_1516 = vector.shape_cast %get3A_1515 : vector<1x1x16xf32> to vector<16xf32>
          %mul3A_1517 = arith.mulf %get3A_1516, %gather3A_1408 : vector<16xf32>
          %swap3A_1518 = arith.constant 1 : i32
          %swap3A_1519 = arith.index_cast %swap3A_1518 : i32 to index
          %swap3A_1520 = arith.index_cast %add3A_1412 : i32 to index
          %swap3A_1521 = arith.constant 112 : index
          %swap3A_1522 = tpu.vector_load %arg10[%swap3A_1519, %swap3A_1520, %swap3A_1521] {strides = array<i32>} : memref<2x128x128xf32, #tpu.memory_space<vmem>>, vector<1x1x16xf32>,
          %swap3A_1523 = vector.shape_cast %swap3A_1522 : vector<1x1x16xf32> to vector<16xf32>
          %swap3A_1524 = vector.shape_cast %mul3A_1517 : vector<16xf32> to vector<1x1x16xf32>
          tpu.vector_store %arg10[%swap3A_1519, %swap3A_1520, %swap3A_1521], %swap3A_1524 {strides = array<i32>} : memref<2x128x128xf32, #tpu.memory_space<vmem>>, vector<1x1x16xf32>,
          %broadcast_in_dim3A_1525 = arith.constant 11 : i32
          %broadcast_in_dim3A_1526 = vector.broadcast %broadcast_in_dim3A_1525 : i32 to vector<16x1xi32>
          %gather3A_1527 = vector.shape_cast %broadcast_in_dim3A_1526 : vector<16x1xi32> to vector<16xi32>
          %gather3A_1528 = tpu.dynamic_gather %get3A_207[%gather3A_1527] in [0] : vector<16xf32>, vector<16xi32> -> vector<16xf32>
          %mul3A_1529 = arith.constant 16 : i32
          %mul3A_1530 = arith.muli %add3A_202, %mul3A_1529 : i32
          %add3A_1531 = arith.constant 11 : i32
          %add3A_1532 = arith.addi %mul3A_1530, %add3A_1531 : i32
          %get3A_1533 = arith.constant 1 : i32
          %get3A_1534 = arith.index_cast %get3A_1533 : i32 to index
          %get3A_1535 = arith.index_cast %add3A_1532 : i32 to index
          %get3A_1536 = arith.constant 0 : index
          %get3A_1537 = tpu.vector_load %arg10[%get3A_1534, %get3A_1535, %get3A_1536] {strides = array<i32>} : memref<2x128x128xf32, #tpu.memory_space<vmem>>, vector<1x1x16xf32>,
          %get3A_1538 = vector.shape_cast %get3A_1537 : vector<1x1x16xf32> to vector<16xf32>
          %mul3A_1539 = arith.mulf %get3A_1538, %gather3A_1528 : vector<16xf32>
          %swap3A_1540 = arith.constant 1 : i32
          %swap3A_1541 = arith.index_cast %swap3A_1540 : i32 to index
          %swap3A_1542 = arith.index_cast %add3A_1532 : i32 to index
          %swap3A_1543 = arith.constant 0 : index
          %swap3A_1544 = tpu.vector_load %arg10[%swap3A_1541, %swap3A_1542, %swap3A_1543] {strides = array<i32>} : memref<2x128x128xf32, #tpu.memory_space<vmem>>, vector<1x1x16xf32>,
          %swap3A_1545 = vector.shape_cast %swap3A_1544 : vector<1x1x16xf32> to vector<16xf32>
          %swap3A_1546 = vector.shape_cast %mul3A_1539 : vector<16xf32> to vector<1x1x16xf32>
          tpu.vector_store %arg10[%swap3A_1541, %swap3A_1542, %swap3A_1543], %swap3A_1546 {strides = array<i32>} : memref<2x128x128xf32, #tpu.memory_space<vmem>>, vector<1x1x16xf32>,
          %get3A_1547 = arith.constant 1 : i32
          %get3A_1548 = arith.index_cast %get3A_1547 : i32 to index
          %get3A_1549 = arith.index_cast %add3A_1532 : i32 to index
          %get3A_1550 = arith.constant 16 : index
          %get3A_1551 = tpu.vector_load %arg10[%get3A_1548, %get3A_1549, %get3A_1550] {strides = array<i32>} : memref<2x128x128xf32, #tpu.memory_space<vmem>>, vector<1x1x16xf32>,
          %get3A_1552 = vector.shape_cast %get3A_1551 : vector<1x1x16xf32> to vector<16xf32>
          %mul3A_1553 = arith.mulf %get3A_1552, %gather3A_1528 : vector<16xf32>
          %swap3A_1554 = arith.constant 1 : i32
          %swap3A_1555 = arith.index_cast %swap3A_1554 : i32 to index
          %swap3A_1556 = arith.index_cast %add3A_1532 : i32 to index
          %swap3A_1557 = arith.constant 16 : index
          %swap3A_1558 = tpu.vector_load %arg10[%swap3A_1555, %swap3A_1556, %swap3A_1557] {strides = array<i32>} : memref<2x128x128xf32, #tpu.memory_space<vmem>>, vector<1x1x16xf32>,
          %swap3A_1559 = vector.shape_cast %swap3A_1558 : vector<1x1x16xf32> to vector<16xf32>
          %swap3A_1560 = vector.shape_cast %mul3A_1553 : vector<16xf32> to vector<1x1x16xf32>
          tpu.vector_store %arg10[%swap3A_1555, %swap3A_1556, %swap3A_1557], %swap3A_1560 {strides = array<i32>} : memref<2x128x128xf32, #tpu.memory_space<vmem>>, vector<1x1x16xf32>,
          %get3A_1561 = arith.constant 1 : i32
          %get3A_1562 = arith.index_cast %get3A_1561 : i32 to index
          %get3A_1563 = arith.index_cast %add3A_1532 : i32 to index
          %get3A_1564 = arith.constant 32 : index
          %get3A_1565 = tpu.vector_load %arg10[%get3A_1562, %get3A_1563, %get3A_1564] {strides = array<i32>} : memref<2x128x128xf32, #tpu.memory_space<vmem>>, vector<1x1x16xf32>,
          %get3A_1566 = vector.shape_cast %get3A_1565 : vector<1x1x16xf32> to vector<16xf32>
          %mul3A_1567 = arith.mulf %get3A_1566, %gather3A_1528 : vector<16xf32>
          %swap3A_1568 = arith.constant 1 : i32
          %swap3A_1569 = arith.index_cast %swap3A_1568 : i32 to index
          %swap3A_1570 = arith.index_cast %add3A_1532 : i32 to index
          %swap3A_1571 = arith.constant 32 : index
          %swap3A_1572 = tpu.vector_load %arg10[%swap3A_1569, %swap3A_1570, %swap3A_1571] {strides = array<i32>} : memref<2x128x128xf32, #tpu.memory_space<vmem>>, vector<1x1x16xf32>,
          %swap3A_1573 = vector.shape_cast %swap3A_1572 : vector<1x1x16xf32> to vector<16xf32>
          %swap3A_1574 = vector.shape_cast %mul3A_1567 : vector<16xf32> to vector<1x1x16xf32>
          tpu.vector_store %arg10[%swap3A_1569, %swap3A_1570, %swap3A_1571], %swap3A_1574 {strides = array<i32>} : memref<2x128x128xf32, #tpu.memory_space<vmem>>, vector<1x1x16xf32>,
          %get3A_1575 = arith.constant 1 : i32
          %get3A_1576 = arith.index_cast %get3A_1575 : i32 to index
          %get3A_1577 = arith.index_cast %add3A_1532 : i32 to index
          %get3A_1578 = arith.constant 48 : index
          %get3A_1579 = tpu.vector_load %arg10[%get3A_1576, %get3A_1577, %get3A_1578] {strides = array<i32>} : memref<2x128x128xf32, #tpu.memory_space<vmem>>, vector<1x1x16xf32>,
          %get3A_1580 = vector.shape_cast %get3A_1579 : vector<1x1x16xf32> to vector<16xf32>
          %mul3A_1581 = arith.mulf %get3A_1580, %gather3A_1528 : vector<16xf32>
          %swap3A_1582 = arith.constant 1 : i32
          %swap3A_1583 = arith.index_cast %swap3A_1582 : i32 to index
          %swap3A_1584 = arith.index_cast %add3A_1532 : i32 to index
          %swap3A_1585 = arith.constant 48 : index
          %swap3A_1586 = tpu.vector_load %arg10[%swap3A_1583, %swap3A_1584, %swap3A_1585] {strides = array<i32>} : memref<2x128x128xf32, #tpu.memory_space<vmem>>, vector<1x1x16xf32>,
          %swap3A_1587 = vector.shape_cast %swap3A_1586 : vector<1x1x16xf32> to vector<16xf32>
          %swap3A_1588 = vector.shape_cast %mul3A_1581 : vector<16xf32> to vector<1x1x16xf32>
          tpu.vector_store %arg10[%swap3A_1583, %swap3A_1584, %swap3A_1585], %swap3A_1588 {strides = array<i32>} : memref<2x128x128xf32, #tpu.memory_space<vmem>>, vector<1x1x16xf32>,
          %get3A_1589 = arith.constant 1 : i32
          %get3A_1590 = arith.index_cast %get3A_1589 : i32 to index
          %get3A_1591 = arith.index_cast %add3A_1532 : i32 to index
          %get3A_1592 = arith.constant 64 : index
          %get3A_1593 = tpu.vector_load %arg10[%get3A_1590, %get3A_1591, %get3A_1592] {strides = array<i32>} : memref<2x128x128xf32, #tpu.memory_space<vmem>>, vector<1x1x16xf32>,
          %get3A_1594 = vector.shape_cast %get3A_1593 : vector<1x1x16xf32> to vector<16xf32>
          %mul3A_1595 = arith.mulf %get3A_1594, %gather3A_1528 : vector<16xf32>
          %swap3A_1596 = arith.constant 1 : i32
          %swap3A_1597 = arith.index_cast %swap3A_1596 : i32 to index
          %swap3A_1598 = arith.index_cast %add3A_1532 : i32 to index
          %swap3A_1599 = arith.constant 64 : index
          %swap3A_1600 = tpu.vector_load %arg10[%swap3A_1597, %swap3A_1598, %swap3A_1599] {strides = array<i32>} : memref<2x128x128xf32, #tpu.memory_space<vmem>>, vector<1x1x16xf32>,
          %swap3A_1601 = vector.shape_cast %swap3A_1600 : vector<1x1x16xf32> to vector<16xf32>
          %swap3A_1602 = vector.shape_cast %mul3A_1595 : vector<16xf32> to vector<1x1x16xf32>
          tpu.vector_store %arg10[%swap3A_1597, %swap3A_1598, %swap3A_1599], %swap3A_1602 {strides = array<i32>} : memref<2x128x128xf32, #tpu.memory_space<vmem>>, vector<1x1x16xf32>,
          %get3A_1603 = arith.constant 1 : i32
          %get3A_1604 = arith.index_cast %get3A_1603 : i32 to index
          %get3A_1605 = arith.index_cast %add3A_1532 : i32 to index
          %get3A_1606 = arith.constant 80 : index
          %get3A_1607 = tpu.vector_load %arg10[%get3A_1604, %get3A_1605, %get3A_1606] {strides = array<i32>} : memref<2x128x128xf32, #tpu.memory_space<vmem>>, vector<1x1x16xf32>,
          %get3A_1608 = vector.shape_cast %get3A_1607 : vector<1x1x16xf32> to vector<16xf32>
          %mul3A_1609 = arith.mulf %get3A_1608, %gather3A_1528 : vector<16xf32>
          %swap3A_1610 = arith.constant 1 : i32
          %swap3A_1611 = arith.index_cast %swap3A_1610 : i32 to index
          %swap3A_1612 = arith.index_cast %add3A_1532 : i32 to index
          %swap3A_1613 = arith.constant 80 : index
          %swap3A_1614 = tpu.vector_load %arg10[%swap3A_1611, %swap3A_1612, %swap3A_1613] {strides = array<i32>} : memref<2x128x128xf32, #tpu.memory_space<vmem>>, vector<1x1x16xf32>,
          %swap3A_1615 = vector.shape_cast %swap3A_1614 : vector<1x1x16xf32> to vector<16xf32>
          %swap3A_1616 = vector.shape_cast %mul3A_1609 : vector<16xf32> to vector<1x1x16xf32>
          tpu.vector_store %arg10[%swap3A_1611, %swap3A_1612, %swap3A_1613], %swap3A_1616 {strides = array<i32>} : memref<2x128x128xf32, #tpu.memory_space<vmem>>, vector<1x1x16xf32>,
          %get3A_1617 = arith.constant 1 : i32
          %get3A_1618 = arith.index_cast %get3A_1617 : i32 to index
          %get3A_1619 = arith.index_cast %add3A_1532 : i32 to index
          %get3A_1620 = arith.constant 96 : index
          %get3A_1621 = tpu.vector_load %arg10[%get3A_1618, %get3A_1619, %get3A_1620] {strides = array<i32>} : memref<2x128x128xf32, #tpu.memory_space<vmem>>, vector<1x1x16xf32>,
          %get3A_1622 = vector.shape_cast %get3A_1621 : vector<1x1x16xf32> to vector<16xf32>
          %mul3A_1623 = arith.mulf %get3A_1622, %gather3A_1528 : vector<16xf32>
          %swap3A_1624 = arith.constant 1 : i32
          %swap3A_1625 = arith.index_cast %swap3A_1624 : i32 to index
          %swap3A_1626 = arith.index_cast %add3A_1532 : i32 to index
          %swap3A_1627 = arith.constant 96 : index
          %swap3A_1628 = tpu.vector_load %arg10[%swap3A_1625, %swap3A_1626, %swap3A_1627] {strides = array<i32>} : memref<2x128x128xf32, #tpu.memory_space<vmem>>, vector<1x1x16xf32>,
          %swap3A_1629 = vector.shape_cast %swap3A_1628 : vector<1x1x16xf32> to vector<16xf32>
          %swap3A_1630 = vector.shape_cast %mul3A_1623 : vector<16xf32> to vector<1x1x16xf32>
          tpu.vector_store %arg10[%swap3A_1625, %swap3A_1626, %swap3A_1627], %swap3A_1630 {strides = array<i32>} : memref<2x128x128xf32, #tpu.memory_space<vmem>>, vector<1x1x16xf32>,
          %get3A_1631 = arith.constant 1 : i32
          %get3A_1632 = arith.index_cast %get3A_1631 : i32 to index
          %get3A_1633 = arith.index_cast %add3A_1532 : i32 to index
          %get3A_1634 = arith.constant 112 : index
          %get3A_1635 = tpu.vector_load %arg10[%get3A_1632, %get3A_1633, %get3A_1634] {strides = array<i32>} : memref<2x128x128xf32, #tpu.memory_space<vmem>>, vector<1x1x16xf32>,
          %get3A_1636 = vector.shape_cast %get3A_1635 : vector<1x1x16xf32> to vector<16xf32>
          %mul3A_1637 = arith.mulf %get3A_1636, %gather3A_1528 : vector<16xf32>
          %swap3A_1638 = arith.constant 1 : i32
          %swap3A_1639 = arith.index_cast %swap3A_1638 : i32 to index
          %swap3A_1640 = arith.index_cast %add3A_1532 : i32 to index
          %swap3A_1641 = arith.constant 112 : index
          %swap3A_1642 = tpu.vector_load %arg10[%swap3A_1639, %swap3A_1640, %swap3A_1641] {strides = array<i32>} : memref<2x128x128xf32, #tpu.memory_space<vmem>>, vector<1x1x16xf32>,
          %swap3A_1643 = vector.shape_cast %swap3A_1642 : vector<1x1x16xf32> to vector<16xf32>
          %swap3A_1644 = vector.shape_cast %mul3A_1637 : vector<16xf32> to vector<1x1x16xf32>
          tpu.vector_store %arg10[%swap3A_1639, %swap3A_1640, %swap3A_1641], %swap3A_1644 {strides = array<i32>} : memref<2x128x128xf32, #tpu.memory_space<vmem>>, vector<1x1x16xf32>,
          %broadcast_in_dim3A_1645 = arith.constant 12 : i32
          %broadcast_in_dim3A_1646 = vector.broadcast %broadcast_in_dim3A_1645 : i32 to vector<16x1xi32>
          %gather3A_1647 = vector.shape_cast %broadcast_in_dim3A_1646 : vector<16x1xi32> to vector<16xi32>
          %gather3A_1648 = tpu.dynamic_gather %get3A_207[%gather3A_1647] in [0] : vector<16xf32>, vector<16xi32> -> vector<16xf32>
          %mul3A_1649 = arith.constant 16 : i32
          %mul3A_1650 = arith.muli %add3A_202, %mul3A_1649 : i32
          %add3A_1651 = arith.constant 12 : i32
          %add3A_1652 = arith.addi %mul3A_1650, %add3A_1651 : i32
          %get3A_1653 = arith.constant 1 : i32
          %get3A_1654 = arith.index_cast %get3A_1653 : i32 to index
          %get3A_1655 = arith.index_cast %add3A_1652 : i32 to index
          %get3A_1656 = arith.constant 0 : index
          %get3A_1657 = tpu.vector_load %arg10[%get3A_1654, %get3A_1655, %get3A_1656] {strides = array<i32>} : memref<2x128x128xf32, #tpu.memory_space<vmem>>, vector<1x1x16xf32>,
          %get3A_1658 = vector.shape_cast %get3A_1657 : vector<1x1x16xf32> to vector<16xf32>
          %mul3A_1659 = arith.mulf %get3A_1658, %gather3A_1648 : vector<16xf32>
          %swap3A_1660 = arith.constant 1 : i32
          %swap3A_1661 = arith.index_cast %swap3A_1660 : i32 to index
          %swap3A_1662 = arith.index_cast %add3A_1652 : i32 to index
          %swap3A_1663 = arith.constant 0 : index
          %swap3A_1664 = tpu.vector_load %arg10[%swap3A_1661, %swap3A_1662, %swap3A_1663] {strides = array<i32>} : memref<2x128x128xf32, #tpu.memory_space<vmem>>, vector<1x1x16xf32>,
          %swap3A_1665 = vector.shape_cast %swap3A_1664 : vector<1x1x16xf32> to vector<16xf32>
          %swap3A_1666 = vector.shape_cast %mul3A_1659 : vector<16xf32> to vector<1x1x16xf32>
          tpu.vector_store %arg10[%swap3A_1661, %swap3A_1662, %swap3A_1663], %swap3A_1666 {strides = array<i32>} : memref<2x128x128xf32, #tpu.memory_space<vmem>>, vector<1x1x16xf32>,
          %get3A_1667 = arith.constant 1 : i32
          %get3A_1668 = arith.index_cast %get3A_1667 : i32 to index
          %get3A_1669 = arith.index_cast %add3A_1652 : i32 to index
          %get3A_1670 = arith.constant 16 : index
          %get3A_1671 = tpu.vector_load %arg10[%get3A_1668, %get3A_1669, %get3A_1670] {strides = array<i32>} : memref<2x128x128xf32, #tpu.memory_space<vmem>>, vector<1x1x16xf32>,
          %get3A_1672 = vector.shape_cast %get3A_1671 : vector<1x1x16xf32> to vector<16xf32>
          %mul3A_1673 = arith.mulf %get3A_1672, %gather3A_1648 : vector<16xf32>
          %swap3A_1674 = arith.constant 1 : i32
          %swap3A_1675 = arith.index_cast %swap3A_1674 : i32 to index
          %swap3A_1676 = arith.index_cast %add3A_1652 : i32 to index
          %swap3A_1677 = arith.constant 16 : index
          %swap3A_1678 = tpu.vector_load %arg10[%swap3A_1675, %swap3A_1676, %swap3A_1677] {strides = array<i32>} : memref<2x128x128xf32, #tpu.memory_space<vmem>>, vector<1x1x16xf32>,
          %swap3A_1679 = vector.shape_cast %swap3A_1678 : vector<1x1x16xf32> to vector<16xf32>
          %swap3A_1680 = vector.shape_cast %mul3A_1673 : vector<16xf32> to vector<1x1x16xf32>
          tpu.vector_store %arg10[%swap3A_1675, %swap3A_1676, %swap3A_1677], %swap3A_1680 {strides = array<i32>} : memref<2x128x128xf32, #tpu.memory_space<vmem>>, vector<1x1x16xf32>,
          %get3A_1681 = arith.constant 1 : i32
          %get3A_1682 = arith.index_cast %get3A_1681 : i32 to index
          %get3A_1683 = arith.index_cast %add3A_1652 : i32 to index
          %get3A_1684 = arith.constant 32 : index
          %get3A_1685 = tpu.vector_load %arg10[%get3A_1682, %get3A_1683, %get3A_1684] {strides = array<i32>} : memref<2x128x128xf32, #tpu.memory_space<vmem>>, vector<1x1x16xf32>,
          %get3A_1686 = vector.shape_cast %get3A_1685 : vector<1x1x16xf32> to vector<16xf32>
          %mul3A_1687 = arith.mulf %get3A_1686, %gather3A_1648 : vector<16xf32>
          %swap3A_1688 = arith.constant 1 : i32
          %swap3A_1689 = arith.index_cast %swap3A_1688 : i32 to index
          %swap3A_1690 = arith.index_cast %add3A_1652 : i32 to index
          %swap3A_1691 = arith.constant 32 : index
          %swap3A_1692 = tpu.vector_load %arg10[%swap3A_1689, %swap3A_1690, %swap3A_1691] {strides = array<i32>} : memref<2x128x128xf32, #tpu.memory_space<vmem>>, vector<1x1x16xf32>,
          %swap3A_1693 = vector.shape_cast %swap3A_1692 : vector<1x1x16xf32> to vector<16xf32>
          %swap3A_1694 = vector.shape_cast %mul3A_1687 : vector<16xf32> to vector<1x1x16xf32>
          tpu.vector_store %arg10[%swap3A_1689, %swap3A_1690, %swap3A_1691], %swap3A_1694 {strides = array<i32>} : memref<2x128x128xf32, #tpu.memory_space<vmem>>, vector<1x1x16xf32>,
          %get3A_1695 = arith.constant 1 : i32
          %get3A_1696 = arith.index_cast %get3A_1695 : i32 to index
          %get3A_1697 = arith.index_cast %add3A_1652 : i32 to index
          %get3A_1698 = arith.constant 48 : index
          %get3A_1699 = tpu.vector_load %arg10[%get3A_1696, %get3A_1697, %get3A_1698] {strides = array<i32>} : memref<2x128x128xf32, #tpu.memory_space<vmem>>, vector<1x1x16xf32>,
          %get3A_1700 = vector.shape_cast %get3A_1699 : vector<1x1x16xf32> to vector<16xf32>
          %mul3A_1701 = arith.mulf %get3A_1700, %gather3A_1648 : vector<16xf32>
          %swap3A_1702 = arith.constant 1 : i32
          %swap3A_1703 = arith.index_cast %swap3A_1702 : i32 to index
          %swap3A_1704 = arith.index_cast %add3A_1652 : i32 to index
          %swap3A_1705 = arith.constant 48 : index
          %swap3A_1706 = tpu.vector_load %arg10[%swap3A_1703, %swap3A_1704, %swap3A_1705] {strides = array<i32>} : memref<2x128x128xf32, #tpu.memory_space<vmem>>, vector<1x1x16xf32>,
          %swap3A_1707 = vector.shape_cast %swap3A_1706 : vector<1x1x16xf32> to vector<16xf32>
          %swap3A_1708 = vector.shape_cast %mul3A_1701 : vector<16xf32> to vector<1x1x16xf32>
          tpu.vector_store %arg10[%swap3A_1703, %swap3A_1704, %swap3A_1705], %swap3A_1708 {strides = array<i32>} : memref<2x128x128xf32, #tpu.memory_space<vmem>>, vector<1x1x16xf32>,
          %get3A_1709 = arith.constant 1 : i32
          %get3A_1710 = arith.index_cast %get3A_1709 : i32 to index
          %get3A_1711 = arith.index_cast %add3A_1652 : i32 to index
          %get3A_1712 = arith.constant 64 : index
          %get3A_1713 = tpu.vector_load %arg10[%get3A_1710, %get3A_1711, %get3A_1712] {strides = array<i32>} : memref<2x128x128xf32, #tpu.memory_space<vmem>>, vector<1x1x16xf32>,
          %get3A_1714 = vector.shape_cast %get3A_1713 : vector<1x1x16xf32> to vector<16xf32>
          %mul3A_1715 = arith.mulf %get3A_1714, %gather3A_1648 : vector<16xf32>
          %swap3A_1716 = arith.constant 1 : i32
          %swap3A_1717 = arith.index_cast %swap3A_1716 : i32 to index
          %swap3A_1718 = arith.index_cast %add3A_1652 : i32 to index
          %swap3A_1719 = arith.constant 64 : index
          %swap3A_1720 = tpu.vector_load %arg10[%swap3A_1717, %swap3A_1718, %swap3A_1719] {strides = array<i32>} : memref<2x128x128xf32, #tpu.memory_space<vmem>>, vector<1x1x16xf32>,
          %swap3A_1721 = vector.shape_cast %swap3A_1720 : vector<1x1x16xf32> to vector<16xf32>
          %swap3A_1722 = vector.shape_cast %mul3A_1715 : vector<16xf32> to vector<1x1x16xf32>
          tpu.vector_store %arg10[%swap3A_1717, %swap3A_1718, %swap3A_1719], %swap3A_1722 {strides = array<i32>} : memref<2x128x128xf32, #tpu.memory_space<vmem>>, vector<1x1x16xf32>,
          %get3A_1723 = arith.constant 1 : i32
          %get3A_1724 = arith.index_cast %get3A_1723 : i32 to index
          %get3A_1725 = arith.index_cast %add3A_1652 : i32 to index
          %get3A_1726 = arith.constant 80 : index
          %get3A_1727 = tpu.vector_load %arg10[%get3A_1724, %get3A_1725, %get3A_1726] {strides = array<i32>} : memref<2x128x128xf32, #tpu.memory_space<vmem>>, vector<1x1x16xf32>,
          %get3A_1728 = vector.shape_cast %get3A_1727 : vector<1x1x16xf32> to vector<16xf32>
          %mul3A_1729 = arith.mulf %get3A_1728, %gather3A_1648 : vector<16xf32>
          %swap3A_1730 = arith.constant 1 : i32
          %swap3A_1731 = arith.index_cast %swap3A_1730 : i32 to index
          %swap3A_1732 = arith.index_cast %add3A_1652 : i32 to index
          %swap3A_1733 = arith.constant 80 : index
          %swap3A_1734 = tpu.vector_load %arg10[%swap3A_1731, %swap3A_1732, %swap3A_1733] {strides = array<i32>} : memref<2x128x128xf32, #tpu.memory_space<vmem>>, vector<1x1x16xf32>,
          %swap3A_1735 = vector.shape_cast %swap3A_1734 : vector<1x1x16xf32> to vector<16xf32>
          %swap3A_1736 = vector.shape_cast %mul3A_1729 : vector<16xf32> to vector<1x1x16xf32>
          tpu.vector_store %arg10[%swap3A_1731, %swap3A_1732, %swap3A_1733], %swap3A_1736 {strides = array<i32>} : memref<2x128x128xf32, #tpu.memory_space<vmem>>, vector<1x1x16xf32>,
          %get3A_1737 = arith.constant 1 : i32
          %get3A_1738 = arith.index_cast %get3A_1737 : i32 to index
          %get3A_1739 = arith.index_cast %add3A_1652 : i32 to index
          %get3A_1740 = arith.constant 96 : index
          %get3A_1741 = tpu.vector_load %arg10[%get3A_1738, %get3A_1739, %get3A_1740] {strides = array<i32>} : memref<2x128x128xf32, #tpu.memory_space<vmem>>, vector<1x1x16xf32>,
          %get3A_1742 = vector.shape_cast %get3A_1741 : vector<1x1x16xf32> to vector<16xf32>
          %mul3A_1743 = arith.mulf %get3A_1742, %gather3A_1648 : vector<16xf32>
          %swap3A_1744 = arith.constant 1 : i32
          %swap3A_1745 = arith.index_cast %swap3A_1744 : i32 to index
          %swap3A_1746 = arith.index_cast %add3A_1652 : i32 to index
          %swap3A_1747 = arith.constant 96 : index
          %swap3A_1748 = tpu.vector_load %arg10[%swap3A_1745, %swap3A_1746, %swap3A_1747] {strides = array<i32>} : memref<2x128x128xf32, #tpu.memory_space<vmem>>, vector<1x1x16xf32>,
          %swap3A_1749 = vector.shape_cast %swap3A_1748 : vector<1x1x16xf32> to vector<16xf32>
          %swap3A_1750 = vector.shape_cast %mul3A_1743 : vector<16xf32> to vector<1x1x16xf32>
          tpu.vector_store %arg10[%swap3A_1745, %swap3A_1746, %swap3A_1747], %swap3A_1750 {strides = array<i32>} : memref<2x128x128xf32, #tpu.memory_space<vmem>>, vector<1x1x16xf32>,
          %get3A_1751 = arith.constant 1 : i32
          %get3A_1752 = arith.index_cast %get3A_1751 : i32 to index
          %get3A_1753 = arith.index_cast %add3A_1652 : i32 to index
          %get3A_1754 = arith.constant 112 : index
          %get3A_1755 = tpu.vector_load %arg10[%get3A_1752, %get3A_1753, %get3A_1754] {strides = array<i32>} : memref<2x128x128xf32, #tpu.memory_space<vmem>>, vector<1x1x16xf32>,
          %get3A_1756 = vector.shape_cast %get3A_1755 : vector<1x1x16xf32> to vector<16xf32>
          %mul3A_1757 = arith.mulf %get3A_1756, %gather3A_1648 : vector<16xf32>
          %swap3A_1758 = arith.constant 1 : i32
          %swap3A_1759 = arith.index_cast %swap3A_1758 : i32 to index
          %swap3A_1760 = arith.index_cast %add3A_1652 : i32 to index
          %swap3A_1761 = arith.constant 112 : index
          %swap3A_1762 = tpu.vector_load %arg10[%swap3A_1759, %swap3A_1760, %swap3A_1761] {strides = array<i32>} : memref<2x128x128xf32, #tpu.memory_space<vmem>>, vector<1x1x16xf32>,
          %swap3A_1763 = vector.shape_cast %swap3A_1762 : vector<1x1x16xf32> to vector<16xf32>
          %swap3A_1764 = vector.shape_cast %mul3A_1757 : vector<16xf32> to vector<1x1x16xf32>
          tpu.vector_store %arg10[%swap3A_1759, %swap3A_1760, %swap3A_1761], %swap3A_1764 {strides = array<i32>} : memref<2x128x128xf32, #tpu.memory_space<vmem>>, vector<1x1x16xf32>,
          %broadcast_in_dim3A_1765 = arith.constant 13 : i32
          %broadcast_in_dim3A_1766 = vector.broadcast %broadcast_in_dim3A_1765 : i32 to vector<16x1xi32>
          %gather3A_1767 = vector.shape_cast %broadcast_in_dim3A_1766 : vector<16x1xi32> to vector<16xi32>
          %gather3A_1768 = tpu.dynamic_gather %get3A_207[%gather3A_1767] in [0] : vector<16xf32>, vector<16xi32> -> vector<16xf32>
          %mul3A_1769 = arith.constant 16 : i32
          %mul3A_1770 = arith.muli %add3A_202, %mul3A_1769 : i32
          %add3A_1771 = arith.constant 13 : i32
          %add3A_1772 = arith.addi %mul3A_1770, %add3A_1771 : i32
          %get3A_1773 = arith.constant 1 : i32
          %get3A_1774 = arith.index_cast %get3A_1773 : i32 to index
          %get3A_1775 = arith.index_cast %add3A_1772 : i32 to index
          %get3A_1776 = arith.constant 0 : index
          %get3A_1777 = tpu.vector_load %arg10[%get3A_1774, %get3A_1775, %get3A_1776] {strides = array<i32>} : memref<2x128x128xf32, #tpu.memory_space<vmem>>, vector<1x1x16xf32>,
          %get3A_1778 = vector.shape_cast %get3A_1777 : vector<1x1x16xf32> to vector<16xf32>
          %mul3A_1779 = arith.mulf %get3A_1778, %gather3A_1768 : vector<16xf32>
          %swap3A_1780 = arith.constant 1 : i32
          %swap3A_1781 = arith.index_cast %swap3A_1780 : i32 to index
          %swap3A_1782 = arith.index_cast %add3A_1772 : i32 to index
          %swap3A_1783 = arith.constant 0 : index
          %swap3A_1784 = tpu.vector_load %arg10[%swap3A_1781, %swap3A_1782, %swap3A_1783] {strides = array<i32>} : memref<2x128x128xf32, #tpu.memory_space<vmem>>, vector<1x1x16xf32>,
          %swap3A_1785 = vector.shape_cast %swap3A_1784 : vector<1x1x16xf32> to vector<16xf32>
          %swap3A_1786 = vector.shape_cast %mul3A_1779 : vector<16xf32> to vector<1x1x16xf32>
          tpu.vector_store %arg10[%swap3A_1781, %swap3A_1782, %swap3A_1783], %swap3A_1786 {strides = array<i32>} : memref<2x128x128xf32, #tpu.memory_space<vmem>>, vector<1x1x16xf32>,
          %get3A_1787 = arith.constant 1 : i32
          %get3A_1788 = arith.index_cast %get3A_1787 : i32 to index
          %get3A_1789 = arith.index_cast %add3A_1772 : i32 to index
          %get3A_1790 = arith.constant 16 : index
          %get3A_1791 = tpu.vector_load %arg10[%get3A_1788, %get3A_1789, %get3A_1790] {strides = array<i32>} : memref<2x128x128xf32, #tpu.memory_space<vmem>>, vector<1x1x16xf32>,
          %get3A_1792 = vector.shape_cast %get3A_1791 : vector<1x1x16xf32> to vector<16xf32>
          %mul3A_1793 = arith.mulf %get3A_1792, %gather3A_1768 : vector<16xf32>
          %swap3A_1794 = arith.constant 1 : i32
          %swap3A_1795 = arith.index_cast %swap3A_1794 : i32 to index
          %swap3A_1796 = arith.index_cast %add3A_1772 : i32 to index
          %swap3A_1797 = arith.constant 16 : index
          %swap3A_1798 = tpu.vector_load %arg10[%swap3A_1795, %swap3A_1796, %swap3A_1797] {strides = array<i32>} : memref<2x128x128xf32, #tpu.memory_space<vmem>>, vector<1x1x16xf32>,
          %swap3A_1799 = vector.shape_cast %swap3A_1798 : vector<1x1x16xf32> to vector<16xf32>
          %swap3A_1800 = vector.shape_cast %mul3A_1793 : vector<16xf32> to vector<1x1x16xf32>
          tpu.vector_store %arg10[%swap3A_1795, %swap3A_1796, %swap3A_1797], %swap3A_1800 {strides = array<i32>} : memref<2x128x128xf32, #tpu.memory_space<vmem>>, vector<1x1x16xf32>,
          %get3A_1801 = arith.constant 1 : i32
          %get3A_1802 = arith.index_cast %get3A_1801 : i32 to index
          %get3A_1803 = arith.index_cast %add3A_1772 : i32 to index
          %get3A_1804 = arith.constant 32 : index
          %get3A_1805 = tpu.vector_load %arg10[%get3A_1802, %get3A_1803, %get3A_1804] {strides = array<i32>} : memref<2x128x128xf32, #tpu.memory_space<vmem>>, vector<1x1x16xf32>,
          %get3A_1806 = vector.shape_cast %get3A_1805 : vector<1x1x16xf32> to vector<16xf32>
          %mul3A_1807 = arith.mulf %get3A_1806, %gather3A_1768 : vector<16xf32>
          %swap3A_1808 = arith.constant 1 : i32
          %swap3A_1809 = arith.index_cast %swap3A_1808 : i32 to index
          %swap3A_1810 = arith.index_cast %add3A_1772 : i32 to index
          %swap3A_1811 = arith.constant 32 : index
          %swap3A_1812 = tpu.vector_load %arg10[%swap3A_1809, %swap3A_1810, %swap3A_1811] {strides = array<i32>} : memref<2x128x128xf32, #tpu.memory_space<vmem>>, vector<1x1x16xf32>,
          %swap3A_1813 = vector.shape_cast %swap3A_1812 : vector<1x1x16xf32> to vector<16xf32>
          %swap3A_1814 = vector.shape_cast %mul3A_1807 : vector<16xf32> to vector<1x1x16xf32>
          tpu.vector_store %arg10[%swap3A_1809, %swap3A_1810, %swap3A_1811], %swap3A_1814 {strides = array<i32>} : memref<2x128x128xf32, #tpu.memory_space<vmem>>, vector<1x1x16xf32>,
          %get3A_1815 = arith.constant 1 : i32
          %get3A_1816 = arith.index_cast %get3A_1815 : i32 to index
          %get3A_1817 = arith.index_cast %add3A_1772 : i32 to index
          %get3A_1818 = arith.constant 48 : index
          %get3A_1819 = tpu.vector_load %arg10[%get3A_1816, %get3A_1817, %get3A_1818] {strides = array<i32>} : memref<2x128x128xf32, #tpu.memory_space<vmem>>, vector<1x1x16xf32>,
          %get3A_1820 = vector.shape_cast %get3A_1819 : vector<1x1x16xf32> to vector<16xf32>
          %mul3A_1821 = arith.mulf %get3A_1820, %gather3A_1768 : vector<16xf32>
          %swap3A_1822 = arith.constant 1 : i32
          %swap3A_1823 = arith.index_cast %swap3A_1822 : i32 to index
          %swap3A_1824 = arith.index_cast %add3A_1772 : i32 to index
          %swap3A_1825 = arith.constant 48 : index
          %swap3A_1826 = tpu.vector_load %arg10[%swap3A_1823, %swap3A_1824, %swap3A_1825] {strides = array<i32>} : memref<2x128x128xf32, #tpu.memory_space<vmem>>, vector<1x1x16xf32>,
          %swap3A_1827 = vector.shape_cast %swap3A_1826 : vector<1x1x16xf32> to vector<16xf32>
          %swap3A_1828 = vector.shape_cast %mul3A_1821 : vector<16xf32> to vector<1x1x16xf32>
          tpu.vector_store %arg10[%swap3A_1823, %swap3A_1824, %swap3A_1825], %swap3A_1828 {strides = array<i32>} : memref<2x128x128xf32, #tpu.memory_space<vmem>>, vector<1x1x16xf32>,
          %get3A_1829 = arith.constant 1 : i32
          %get3A_1830 = arith.index_cast %get3A_1829 : i32 to index
          %get3A_1831 = arith.index_cast %add3A_1772 : i32 to index
          %get3A_1832 = arith.constant 64 : index
          %get3A_1833 = tpu.vector_load %arg10[%get3A_1830, %get3A_1831, %get3A_1832] {strides = array<i32>} : memref<2x128x128xf32, #tpu.memory_space<vmem>>, vector<1x1x16xf32>,
          %get3A_1834 = vector.shape_cast %get3A_1833 : vector<1x1x16xf32> to vector<16xf32>
          %mul3A_1835 = arith.mulf %get3A_1834, %gather3A_1768 : vector<16xf32>
          %swap3A_1836 = arith.constant 1 : i32
          %swap3A_1837 = arith.index_cast %swap3A_1836 : i32 to index
          %swap3A_1838 = arith.index_cast %add3A_1772 : i32 to index
          %swap3A_1839 = arith.constant 64 : index
          %swap3A_1840 = tpu.vector_load %arg10[%swap3A_1837, %swap3A_1838, %swap3A_1839] {strides = array<i32>} : memref<2x128x128xf32, #tpu.memory_space<vmem>>, vector<1x1x16xf32>,
          %swap3A_1841 = vector.shape_cast %swap3A_1840 : vector<1x1x16xf32> to vector<16xf32>
          %swap3A_1842 = vector.shape_cast %mul3A_1835 : vector<16xf32> to vector<1x1x16xf32>
          tpu.vector_store %arg10[%swap3A_1837, %swap3A_1838, %swap3A_1839], %swap3A_1842 {strides = array<i32>} : memref<2x128x128xf32, #tpu.memory_space<vmem>>, vector<1x1x16xf32>,
          %get3A_1843 = arith.constant 1 : i32
          %get3A_1844 = arith.index_cast %get3A_1843 : i32 to index
          %get3A_1845 = arith.index_cast %add3A_1772 : i32 to index
          %get3A_1846 = arith.constant 80 : index
          %get3A_1847 = tpu.vector_load %arg10[%get3A_1844, %get3A_1845, %get3A_1846] {strides = array<i32>} : memref<2x128x128xf32, #tpu.memory_space<vmem>>, vector<1x1x16xf32>,
          %get3A_1848 = vector.shape_cast %get3A_1847 : vector<1x1x16xf32> to vector<16xf32>
          %mul3A_1849 = arith.mulf %get3A_1848, %gather3A_1768 : vector<16xf32>
          %swap3A_1850 = arith.constant 1 : i32
          %swap3A_1851 = arith.index_cast %swap3A_1850 : i32 to index
          %swap3A_1852 = arith.index_cast %add3A_1772 : i32 to index
          %swap3A_1853 = arith.constant 80 : index
          %swap3A_1854 = tpu.vector_load %arg10[%swap3A_1851, %swap3A_1852, %swap3A_1853] {strides = array<i32>} : memref<2x128x128xf32, #tpu.memory_space<vmem>>, vector<1x1x16xf32>,
          %swap3A_1855 = vector.shape_cast %swap3A_1854 : vector<1x1x16xf32> to vector<16xf32>
          %swap3A_1856 = vector.shape_cast %mul3A_1849 : vector<16xf32> to vector<1x1x16xf32>
          tpu.vector_store %arg10[%swap3A_1851, %swap3A_1852, %swap3A_1853], %swap3A_1856 {strides = array<i32>} : memref<2x128x128xf32, #tpu.memory_space<vmem>>, vector<1x1x16xf32>,
          %get3A_1857 = arith.constant 1 : i32
          %get3A_1858 = arith.index_cast %get3A_1857 : i32 to index
          %get3A_1859 = arith.index_cast %add3A_1772 : i32 to index
          %get3A_1860 = arith.constant 96 : index
          %get3A_1861 = tpu.vector_load %arg10[%get3A_1858, %get3A_1859, %get3A_1860] {strides = array<i32>} : memref<2x128x128xf32, #tpu.memory_space<vmem>>, vector<1x1x16xf32>,
          %get3A_1862 = vector.shape_cast %get3A_1861 : vector<1x1x16xf32> to vector<16xf32>
          %mul3A_1863 = arith.mulf %get3A_1862, %gather3A_1768 : vector<16xf32>
          %swap3A_1864 = arith.constant 1 : i32
          %swap3A_1865 = arith.index_cast %swap3A_1864 : i32 to index
          %swap3A_1866 = arith.index_cast %add3A_1772 : i32 to index
          %swap3A_1867 = arith.constant 96 : index
          %swap3A_1868 = tpu.vector_load %arg10[%swap3A_1865, %swap3A_1866, %swap3A_1867] {strides = array<i32>} : memref<2x128x128xf32, #tpu.memory_space<vmem>>, vector<1x1x16xf32>,
          %swap3A_1869 = vector.shape_cast %swap3A_1868 : vector<1x1x16xf32> to vector<16xf32>
          %swap3A_1870 = vector.shape_cast %mul3A_1863 : vector<16xf32> to vector<1x1x16xf32>
          tpu.vector_store %arg10[%swap3A_1865, %swap3A_1866, %swap3A_1867], %swap3A_1870 {strides = array<i32>} : memref<2x128x128xf32, #tpu.memory_space<vmem>>, vector<1x1x16xf32>,
          %get3A_1871 = arith.constant 1 : i32
          %get3A_1872 = arith.index_cast %get3A_1871 : i32 to index
          %get3A_1873 = arith.index_cast %add3A_1772 : i32 to index
          %get3A_1874 = arith.constant 112 : index
          %get3A_1875 = tpu.vector_load %arg10[%get3A_1872, %get3A_1873, %get3A_1874] {strides = array<i32>} : memref<2x128x128xf32, #tpu.memory_space<vmem>>, vector<1x1x16xf32>,
          %get3A_1876 = vector.shape_cast %get3A_1875 : vector<1x1x16xf32> to vector<16xf32>
          %mul3A_1877 = arith.mulf %get3A_1876, %gather3A_1768 : vector<16xf32>
          %swap3A_1878 = arith.constant 1 : i32
          %swap3A_1879 = arith.index_cast %swap3A_1878 : i32 to index
          %swap3A_1880 = arith.index_cast %add3A_1772 : i32 to index
          %swap3A_1881 = arith.constant 112 : index
          %swap3A_1882 = tpu.vector_load %arg10[%swap3A_1879, %swap3A_1880, %swap3A_1881] {strides = array<i32>} : memref<2x128x128xf32, #tpu.memory_space<vmem>>, vector<1x1x16xf32>,
          %swap3A_1883 = vector.shape_cast %swap3A_1882 : vector<1x1x16xf32> to vector<16xf32>
          %swap3A_1884 = vector.shape_cast %mul3A_1877 : vector<16xf32> to vector<1x1x16xf32>
          tpu.vector_store %arg10[%swap3A_1879, %swap3A_1880, %swap3A_1881], %swap3A_1884 {strides = array<i32>} : memref<2x128x128xf32, #tpu.memory_space<vmem>>, vector<1x1x16xf32>,
          %broadcast_in_dim3A_1885 = arith.constant 14 : i32
          %broadcast_in_dim3A_1886 = vector.broadcast %broadcast_in_dim3A_1885 : i32 to vector<16x1xi32>
          %gather3A_1887 = vector.shape_cast %broadcast_in_dim3A_1886 : vector<16x1xi32> to vector<16xi32>
          %gather3A_1888 = tpu.dynamic_gather %get3A_207[%gather3A_1887] in [0] : vector<16xf32>, vector<16xi32> -> vector<16xf32>
          %mul3A_1889 = arith.constant 16 : i32
          %mul3A_1890 = arith.muli %add3A_202, %mul3A_1889 : i32
          %add3A_1891 = arith.constant 14 : i32
          %add3A_1892 = arith.addi %mul3A_1890, %add3A_1891 : i32
          %get3A_1893 = arith.constant 1 : i32
          %get3A_1894 = arith.index_cast %get3A_1893 : i32 to index
          %get3A_1895 = arith.index_cast %add3A_1892 : i32 to index
          %get3A_1896 = arith.constant 0 : index
          %get3A_1897 = tpu.vector_load %arg10[%get3A_1894, %get3A_1895, %get3A_1896] {strides = array<i32>} : memref<2x128x128xf32, #tpu.memory_space<vmem>>, vector<1x1x16xf32>,
          %get3A_1898 = vector.shape_cast %get3A_1897 : vector<1x1x16xf32> to vector<16xf32>
          %mul3A_1899 = arith.mulf %get3A_1898, %gather3A_1888 : vector<16xf32>
          %swap3A_1900 = arith.constant 1 : i32
          %swap3A_1901 = arith.index_cast %swap3A_1900 : i32 to index
          %swap3A_1902 = arith.index_cast %add3A_1892 : i32 to index
          %swap3A_1903 = arith.constant 0 : index
          %swap3A_1904 = tpu.vector_load %arg10[%swap3A_1901, %swap3A_1902, %swap3A_1903] {strides = array<i32>} : memref<2x128x128xf32, #tpu.memory_space<vmem>>, vector<1x1x16xf32>,
          %swap3A_1905 = vector.shape_cast %swap3A_1904 : vector<1x1x16xf32> to vector<16xf32>
          %swap3A_1906 = vector.shape_cast %mul3A_1899 : vector<16xf32> to vector<1x1x16xf32>
          tpu.vector_store %arg10[%swap3A_1901, %swap3A_1902, %swap3A_1903], %swap3A_1906 {strides = array<i32>} : memref<2x128x128xf32, #tpu.memory_space<vmem>>, vector<1x1x16xf32>,
          %get3A_1907 = arith.constant 1 : i32
          %get3A_1908 = arith.index_cast %get3A_1907 : i32 to index
          %get3A_1909 = arith.index_cast %add3A_1892 : i32 to index
          %get3A_1910 = arith.constant 16 : index
          %get3A_1911 = tpu.vector_load %arg10[%get3A_1908, %get3A_1909, %get3A_1910] {strides = array<i32>} : memref<2x128x128xf32, #tpu.memory_space<vmem>>, vector<1x1x16xf32>,
          %get3A_1912 = vector.shape_cast %get3A_1911 : vector<1x1x16xf32> to vector<16xf32>
          %mul3A_1913 = arith.mulf %get3A_1912, %gather3A_1888 : vector<16xf32>
          %swap3A_1914 = arith.constant 1 : i32
          %swap3A_1915 = arith.index_cast %swap3A_1914 : i32 to index
          %swap3A_1916 = arith.index_cast %add3A_1892 : i32 to index
          %swap3A_1917 = arith.constant 16 : index
          %swap3A_1918 = tpu.vector_load %arg10[%swap3A_1915, %swap3A_1916, %swap3A_1917] {strides = array<i32>} : memref<2x128x128xf32, #tpu.memory_space<vmem>>, vector<1x1x16xf32>,
          %swap3A_1919 = vector.shape_cast %swap3A_1918 : vector<1x1x16xf32> to vector<16xf32>
          %swap3A_1920 = vector.shape_cast %mul3A_1913 : vector<16xf32> to vector<1x1x16xf32>
          tpu.vector_store %arg10[%swap3A_1915, %swap3A_1916, %swap3A_1917], %swap3A_1920 {strides = array<i32>} : memref<2x128x128xf32, #tpu.memory_space<vmem>>, vector<1x1x16xf32>,
          %get3A_1921 = arith.constant 1 : i32
          %get3A_1922 = arith.index_cast %get3A_1921 : i32 to index
          %get3A_1923 = arith.index_cast %add3A_1892 : i32 to index
          %get3A_1924 = arith.constant 32 : index
          %get3A_1925 = tpu.vector_load %arg10[%get3A_1922, %get3A_1923, %get3A_1924] {strides = array<i32>} : memref<2x128x128xf32, #tpu.memory_space<vmem>>, vector<1x1x16xf32>,
          %get3A_1926 = vector.shape_cast %get3A_1925 : vector<1x1x16xf32> to vector<16xf32>
          %mul3A_1927 = arith.mulf %get3A_1926, %gather3A_1888 : vector<16xf32>
          %swap3A_1928 = arith.constant 1 : i32
          %swap3A_1929 = arith.index_cast %swap3A_1928 : i32 to index
          %swap3A_1930 = arith.index_cast %add3A_1892 : i32 to index
          %swap3A_1931 = arith.constant 32 : index
          %swap3A_1932 = tpu.vector_load %arg10[%swap3A_1929, %swap3A_1930, %swap3A_1931] {strides = array<i32>} : memref<2x128x128xf32, #tpu.memory_space<vmem>>, vector<1x1x16xf32>,
          %swap3A_1933 = vector.shape_cast %swap3A_1932 : vector<1x1x16xf32> to vector<16xf32>
          %swap3A_1934 = vector.shape_cast %mul3A_1927 : vector<16xf32> to vector<1x1x16xf32>
          tpu.vector_store %arg10[%swap3A_1929, %swap3A_1930, %swap3A_1931], %swap3A_1934 {strides = array<i32>} : memref<2x128x128xf32, #tpu.memory_space<vmem>>, vector<1x1x16xf32>,
          %get3A_1935 = arith.constant 1 : i32
          %get3A_1936 = arith.index_cast %get3A_1935 : i32 to index
          %get3A_1937 = arith.index_cast %add3A_1892 : i32 to index
          %get3A_1938 = arith.constant 48 : index
          %get3A_1939 = tpu.vector_load %arg10[%get3A_1936, %get3A_1937, %get3A_1938] {strides = array<i32>} : memref<2x128x128xf32, #tpu.memory_space<vmem>>, vector<1x1x16xf32>,
          %get3A_1940 = vector.shape_cast %get3A_1939 : vector<1x1x16xf32> to vector<16xf32>
          %mul3A_1941 = arith.mulf %get3A_1940, %gather3A_1888 : vector<16xf32>
          %swap3A_1942 = arith.constant 1 : i32
          %swap3A_1943 = arith.index_cast %swap3A_1942 : i32 to index
          %swap3A_1944 = arith.index_cast %add3A_1892 : i32 to index
          %swap3A_1945 = arith.constant 48 : index
          %swap3A_1946 = tpu.vector_load %arg10[%swap3A_1943, %swap3A_1944, %swap3A_1945] {strides = array<i32>} : memref<2x128x128xf32, #tpu.memory_space<vmem>>, vector<1x1x16xf32>,
          %swap3A_1947 = vector.shape_cast %swap3A_1946 : vector<1x1x16xf32> to vector<16xf32>
          %swap3A_1948 = vector.shape_cast %mul3A_1941 : vector<16xf32> to vector<1x1x16xf32>
          tpu.vector_store %arg10[%swap3A_1943, %swap3A_1944, %swap3A_1945], %swap3A_1948 {strides = array<i32>} : memref<2x128x128xf32, #tpu.memory_space<vmem>>, vector<1x1x16xf32>,
          %get3A_1949 = arith.constant 1 : i32
          %get3A_1950 = arith.index_cast %get3A_1949 : i32 to index
          %get3A_1951 = arith.index_cast %add3A_1892 : i32 to index
          %get3A_1952 = arith.constant 64 : index
          %get3A_1953 = tpu.vector_load %arg10[%get3A_1950, %get3A_1951, %get3A_1952] {strides = array<i32>} : memref<2x128x128xf32, #tpu.memory_space<vmem>>, vector<1x1x16xf32>,
          %get3A_1954 = vector.shape_cast %get3A_1953 : vector<1x1x16xf32> to vector<16xf32>
          %mul3A_1955 = arith.mulf %get3A_1954, %gather3A_1888 : vector<16xf32>
          %swap3A_1956 = arith.constant 1 : i32
          %swap3A_1957 = arith.index_cast %swap3A_1956 : i32 to index
          %swap3A_1958 = arith.index_cast %add3A_1892 : i32 to index
          %swap3A_1959 = arith.constant 64 : index
          %swap3A_1960 = tpu.vector_load %arg10[%swap3A_1957, %swap3A_1958, %swap3A_1959] {strides = array<i32>} : memref<2x128x128xf32, #tpu.memory_space<vmem>>, vector<1x1x16xf32>,
          %swap3A_1961 = vector.shape_cast %swap3A_1960 : vector<1x1x16xf32> to vector<16xf32>
          %swap3A_1962 = vector.shape_cast %mul3A_1955 : vector<16xf32> to vector<1x1x16xf32>
          tpu.vector_store %arg10[%swap3A_1957, %swap3A_1958, %swap3A_1959], %swap3A_1962 {strides = array<i32>} : memref<2x128x128xf32, #tpu.memory_space<vmem>>, vector<1x1x16xf32>,
          %get3A_1963 = arith.constant 1 : i32
          %get3A_1964 = arith.index_cast %get3A_1963 : i32 to index
          %get3A_1965 = arith.index_cast %add3A_1892 : i32 to index
          %get3A_1966 = arith.constant 80 : index
          %get3A_1967 = tpu.vector_load %arg10[%get3A_1964, %get3A_1965, %get3A_1966] {strides = array<i32>} : memref<2x128x128xf32, #tpu.memory_space<vmem>>, vector<1x1x16xf32>,
          %get3A_1968 = vector.shape_cast %get3A_1967 : vector<1x1x16xf32> to vector<16xf32>
          %mul3A_1969 = arith.mulf %get3A_1968, %gather3A_1888 : vector<16xf32>
          %swap3A_1970 = arith.constant 1 : i32
          %swap3A_1971 = arith.index_cast %swap3A_1970 : i32 to index
          %swap3A_1972 = arith.index_cast %add3A_1892 : i32 to index
          %swap3A_1973 = arith.constant 80 : index
          %swap3A_1974 = tpu.vector_load %arg10[%swap3A_1971, %swap3A_1972, %swap3A_1973] {strides = array<i32>} : memref<2x128x128xf32, #tpu.memory_space<vmem>>, vector<1x1x16xf32>,
          %swap3A_1975 = vector.shape_cast %swap3A_1974 : vector<1x1x16xf32> to vector<16xf32>
          %swap3A_1976 = vector.shape_cast %mul3A_1969 : vector<16xf32> to vector<1x1x16xf32>
          tpu.vector_store %arg10[%swap3A_1971, %swap3A_1972, %swap3A_1973], %swap3A_1976 {strides = array<i32>} : memref<2x128x128xf32, #tpu.memory_space<vmem>>, vector<1x1x16xf32>,
          %get3A_1977 = arith.constant 1 : i32
          %get3A_1978 = arith.index_cast %get3A_1977 : i32 to index
          %get3A_1979 = arith.index_cast %add3A_1892 : i32 to index
          %get3A_1980 = arith.constant 96 : index
          %get3A_1981 = tpu.vector_load %arg10[%get3A_1978, %get3A_1979, %get3A_1980] {strides = array<i32>} : memref<2x128x128xf32, #tpu.memory_space<vmem>>, vector<1x1x16xf32>,
          %get3A_1982 = vector.shape_cast %get3A_1981 : vector<1x1x16xf32> to vector<16xf32>
          %mul3A_1983 = arith.mulf %get3A_1982, %gather3A_1888 : vector<16xf32>
          %swap3A_1984 = arith.constant 1 : i32
          %swap3A_1985 = arith.index_cast %swap3A_1984 : i32 to index
          %swap3A_1986 = arith.index_cast %add3A_1892 : i32 to index
          %swap3A_1987 = arith.constant 96 : index
          %swap3A_1988 = tpu.vector_load %arg10[%swap3A_1985, %swap3A_1986, %swap3A_1987] {strides = array<i32>} : memref<2x128x128xf32, #tpu.memory_space<vmem>>, vector<1x1x16xf32>,
          %swap3A_1989 = vector.shape_cast %swap3A_1988 : vector<1x1x16xf32> to vector<16xf32>
          %swap3A_1990 = vector.shape_cast %mul3A_1983 : vector<16xf32> to vector<1x1x16xf32>
          tpu.vector_store %arg10[%swap3A_1985, %swap3A_1986, %swap3A_1987], %swap3A_1990 {strides = array<i32>} : memref<2x128x128xf32, #tpu.memory_space<vmem>>, vector<1x1x16xf32>,
          %get3A_1991 = arith.constant 1 : i32
          %get3A_1992 = arith.index_cast %get3A_1991 : i32 to index
          %get3A_1993 = arith.index_cast %add3A_1892 : i32 to index
          %get3A_1994 = arith.constant 112 : index
          %get3A_1995 = tpu.vector_load %arg10[%get3A_1992, %get3A_1993, %get3A_1994] {strides = array<i32>} : memref<2x128x128xf32, #tpu.memory_space<vmem>>, vector<1x1x16xf32>,
          %get3A_1996 = vector.shape_cast %get3A_1995 : vector<1x1x16xf32> to vector<16xf32>
          %mul3A_1997 = arith.mulf %get3A_1996, %gather3A_1888 : vector<16xf32>
          %swap3A_1998 = arith.constant 1 : i32
          %swap3A_1999 = arith.index_cast %swap3A_1998 : i32 to index
          %swap3A_2000 = arith.index_cast %add3A_1892 : i32 to index
          %swap3A_2001 = arith.constant 112 : index
          %swap3A_2002 = tpu.vector_load %arg10[%swap3A_1999, %swap3A_2000, %swap3A_2001] {strides = array<i32>} : memref<2x128x128xf32, #tpu.memory_space<vmem>>, vector<1x1x16xf32>,
          %swap3A_2003 = vector.shape_cast %swap3A_2002 : vector<1x1x16xf32> to vector<16xf32>
          %swap3A_2004 = vector.shape_cast %mul3A_1997 : vector<16xf32> to vector<1x1x16xf32>
          tpu.vector_store %arg10[%swap3A_1999, %swap3A_2000, %swap3A_2001], %swap3A_2004 {strides = array<i32>} : memref<2x128x128xf32, #tpu.memory_space<vmem>>, vector<1x1x16xf32>,
          %broadcast_in_dim3A_2005 = arith.constant 15 : i32
          %broadcast_in_dim3A_2006 = vector.broadcast %broadcast_in_dim3A_2005 : i32 to vector<16x1xi32>
          %gather3A_2007 = vector.shape_cast %broadcast_in_dim3A_2006 : vector<16x1xi32> to vector<16xi32>
          %gather3A_2008 = tpu.dynamic_gather %get3A_207[%gather3A_2007] in [0] : vector<16xf32>, vector<16xi32> -> vector<16xf32>
          %mul3A_2009 = arith.constant 16 : i32
          %mul3A_2010 = arith.muli %add3A_202, %mul3A_2009 : i32
          %add3A_2011 = arith.constant 15 : i32
          %add3A_2012 = arith.addi %mul3A_2010, %add3A_2011 : i32
          %get3A_2013 = arith.constant 1 : i32
          %get3A_2014 = arith.index_cast %get3A_2013 : i32 to index
          %get3A_2015 = arith.index_cast %add3A_2012 : i32 to index
          %get3A_2016 = arith.constant 0 : index
          %get3A_2017 = tpu.vector_load %arg10[%get3A_2014, %get3A_2015, %get3A_2016] {strides = array<i32>} : memref<2x128x128xf32, #tpu.memory_space<vmem>>, vector<1x1x16xf32>,
          %get3A_2018 = vector.shape_cast %get3A_2017 : vector<1x1x16xf32> to vector<16xf32>
          %mul3A_2019 = arith.mulf %get3A_2018, %gather3A_2008 : vector<16xf32>
          %swap3A_2020 = arith.constant 1 : i32
          %swap3A_2021 = arith.index_cast %swap3A_2020 : i32 to index
          %swap3A_2022 = arith.index_cast %add3A_2012 : i32 to index
          %swap3A_2023 = arith.constant 0 : index
          %swap3A_2024 = tpu.vector_load %arg10[%swap3A_2021, %swap3A_2022, %swap3A_2023] {strides = array<i32>} : memref<2x128x128xf32, #tpu.memory_space<vmem>>, vector<1x1x16xf32>,
          %swap3A_2025 = vector.shape_cast %swap3A_2024 : vector<1x1x16xf32> to vector<16xf32>
          %swap3A_2026 = vector.shape_cast %mul3A_2019 : vector<16xf32> to vector<1x1x16xf32>
          tpu.vector_store %arg10[%swap3A_2021, %swap3A_2022, %swap3A_2023], %swap3A_2026 {strides = array<i32>} : memref<2x128x128xf32, #tpu.memory_space<vmem>>, vector<1x1x16xf32>,
          %get3A_2027 = arith.constant 1 : i32
          %get3A_2028 = arith.index_cast %get3A_2027 : i32 to index
          %get3A_2029 = arith.index_cast %add3A_2012 : i32 to index
          %get3A_2030 = arith.constant 16 : index
          %get3A_2031 = tpu.vector_load %arg10[%get3A_2028, %get3A_2029, %get3A_2030] {strides = array<i32>} : memref<2x128x128xf32, #tpu.memory_space<vmem>>, vector<1x1x16xf32>,
          %get3A_2032 = vector.shape_cast %get3A_2031 : vector<1x1x16xf32> to vector<16xf32>
          %mul3A_2033 = arith.mulf %get3A_2032, %gather3A_2008 : vector<16xf32>
          %swap3A_2034 = arith.constant 1 : i32
          %swap3A_2035 = arith.index_cast %swap3A_2034 : i32 to index
          %swap3A_2036 = arith.index_cast %add3A_2012 : i32 to index
          %swap3A_2037 = arith.constant 16 : index
          %swap3A_2038 = tpu.vector_load %arg10[%swap3A_2035, %swap3A_2036, %swap3A_2037] {strides = array<i32>} : memref<2x128x128xf32, #tpu.memory_space<vmem>>, vector<1x1x16xf32>,
          %swap3A_2039 = vector.shape_cast %swap3A_2038 : vector<1x1x16xf32> to vector<16xf32>
          %swap3A_2040 = vector.shape_cast %mul3A_2033 : vector<16xf32> to vector<1x1x16xf32>
          tpu.vector_store %arg10[%swap3A_2035, %swap3A_2036, %swap3A_2037], %swap3A_2040 {strides = array<i32>} : memref<2x128x128xf32, #tpu.memory_space<vmem>>, vector<1x1x16xf32>,
          %get3A_2041 = arith.constant 1 : i32
          %get3A_2042 = arith.index_cast %get3A_2041 : i32 to index
          %get3A_2043 = arith.index_cast %add3A_2012 : i32 to index
          %get3A_2044 = arith.constant 32 : index
          %get3A_2045 = tpu.vector_load %arg10[%get3A_2042, %get3A_2043, %get3A_2044] {strides = array<i32>} : memref<2x128x128xf32, #tpu.memory_space<vmem>>, vector<1x1x16xf32>,
          %get3A_2046 = vector.shape_cast %get3A_2045 : vector<1x1x16xf32> to vector<16xf32>
          %mul3A_2047 = arith.mulf %get3A_2046, %gather3A_2008 : vector<16xf32>
          %swap3A_2048 = arith.constant 1 : i32
          %swap3A_2049 = arith.index_cast %swap3A_2048 : i32 to index
          %swap3A_2050 = arith.index_cast %add3A_2012 : i32 to index
          %swap3A_2051 = arith.constant 32 : index
          %swap3A_2052 = tpu.vector_load %arg10[%swap3A_2049, %swap3A_2050, %swap3A_2051] {strides = array<i32>} : memref<2x128x128xf32, #tpu.memory_space<vmem>>, vector<1x1x16xf32>,
          %swap3A_2053 = vector.shape_cast %swap3A_2052 : vector<1x1x16xf32> to vector<16xf32>
          %swap3A_2054 = vector.shape_cast %mul3A_2047 : vector<16xf32> to vector<1x1x16xf32>
          tpu.vector_store %arg10[%swap3A_2049, %swap3A_2050, %swap3A_2051], %swap3A_2054 {strides = array<i32>} : memref<2x128x128xf32, #tpu.memory_space<vmem>>, vector<1x1x16xf32>,
          %get3A_2055 = arith.constant 1 : i32
          %get3A_2056 = arith.index_cast %get3A_2055 : i32 to index
          %get3A_2057 = arith.index_cast %add3A_2012 : i32 to index
          %get3A_2058 = arith.constant 48 : index
          %get3A_2059 = tpu.vector_load %arg10[%get3A_2056, %get3A_2057, %get3A_2058] {strides = array<i32>} : memref<2x128x128xf32, #tpu.memory_space<vmem>>, vector<1x1x16xf32>,
          %get3A_2060 = vector.shape_cast %get3A_2059 : vector<1x1x16xf32> to vector<16xf32>
          %mul3A_2061 = arith.mulf %get3A_2060, %gather3A_2008 : vector<16xf32>
          %swap3A_2062 = arith.constant 1 : i32
          %swap3A_2063 = arith.index_cast %swap3A_2062 : i32 to index
          %swap3A_2064 = arith.index_cast %add3A_2012 : i32 to index
          %swap3A_2065 = arith.constant 48 : index
          %swap3A_2066 = tpu.vector_load %arg10[%swap3A_2063, %swap3A_2064, %swap3A_2065] {strides = array<i32>} : memref<2x128x128xf32, #tpu.memory_space<vmem>>, vector<1x1x16xf32>,
          %swap3A_2067 = vector.shape_cast %swap3A_2066 : vector<1x1x16xf32> to vector<16xf32>
          %swap3A_2068 = vector.shape_cast %mul3A_2061 : vector<16xf32> to vector<1x1x16xf32>
          tpu.vector_store %arg10[%swap3A_2063, %swap3A_2064, %swap3A_2065], %swap3A_2068 {strides = array<i32>} : memref<2x128x128xf32, #tpu.memory_space<vmem>>, vector<1x1x16xf32>,
          %get3A_2069 = arith.constant 1 : i32
          %get3A_2070 = arith.index_cast %get3A_2069 : i32 to index
          %get3A_2071 = arith.index_cast %add3A_2012 : i32 to index
          %get3A_2072 = arith.constant 64 : index
          %get3A_2073 = tpu.vector_load %arg10[%get3A_2070, %get3A_2071, %get3A_2072] {strides = array<i32>} : memref<2x128x128xf32, #tpu.memory_space<vmem>>, vector<1x1x16xf32>,
          %get3A_2074 = vector.shape_cast %get3A_2073 : vector<1x1x16xf32> to vector<16xf32>
          %mul3A_2075 = arith.mulf %get3A_2074, %gather3A_2008 : vector<16xf32>
          %swap3A_2076 = arith.constant 1 : i32
          %swap3A_2077 = arith.index_cast %swap3A_2076 : i32 to index
          %swap3A_2078 = arith.index_cast %add3A_2012 : i32 to index
          %swap3A_2079 = arith.constant 64 : index
          %swap3A_2080 = tpu.vector_load %arg10[%swap3A_2077, %swap3A_2078, %swap3A_2079] {strides = array<i32>} : memref<2x128x128xf32, #tpu.memory_space<vmem>>, vector<1x1x16xf32>,
          %swap3A_2081 = vector.shape_cast %swap3A_2080 : vector<1x1x16xf32> to vector<16xf32>
          %swap3A_2082 = vector.shape_cast %mul3A_2075 : vector<16xf32> to vector<1x1x16xf32>
          tpu.vector_store %arg10[%swap3A_2077, %swap3A_2078, %swap3A_2079], %swap3A_2082 {strides = array<i32>} : memref<2x128x128xf32, #tpu.memory_space<vmem>>, vector<1x1x16xf32>,
          %get3A_2083 = arith.constant 1 : i32
          %get3A_2084 = arith.index_cast %get3A_2083 : i32 to index
          %get3A_2085 = arith.index_cast %add3A_2012 : i32 to index
          %get3A_2086 = arith.constant 80 : index
          %get3A_2087 = tpu.vector_load %arg10[%get3A_2084, %get3A_2085, %get3A_2086] {strides = array<i32>} : memref<2x128x128xf32, #tpu.memory_space<vmem>>, vector<1x1x16xf32>,
          %get3A_2088 = vector.shape_cast %get3A_2087 : vector<1x1x16xf32> to vector<16xf32>
          %mul3A_2089 = arith.mulf %get3A_2088, %gather3A_2008 : vector<16xf32>
          %swap3A_2090 = arith.constant 1 : i32
          %swap3A_2091 = arith.index_cast %swap3A_2090 : i32 to index
          %swap3A_2092 = arith.index_cast %add3A_2012 : i32 to index
          %swap3A_2093 = arith.constant 80 : index
          %swap3A_2094 = tpu.vector_load %arg10[%swap3A_2091, %swap3A_2092, %swap3A_2093] {strides = array<i32>} : memref<2x128x128xf32, #tpu.memory_space<vmem>>, vector<1x1x16xf32>,
          %swap3A_2095 = vector.shape_cast %swap3A_2094 : vector<1x1x16xf32> to vector<16xf32>
          %swap3A_2096 = vector.shape_cast %mul3A_2089 : vector<16xf32> to vector<1x1x16xf32>
          tpu.vector_store %arg10[%swap3A_2091, %swap3A_2092, %swap3A_2093], %swap3A_2096 {strides = array<i32>} : memref<2x128x128xf32, #tpu.memory_space<vmem>>, vector<1x1x16xf32>,
          %get3A_2097 = arith.constant 1 : i32
          %get3A_2098 = arith.index_cast %get3A_2097 : i32 to index
          %get3A_2099 = arith.index_cast %add3A_2012 : i32 to index
          %get3A_2100 = arith.constant 96 : index
          %get3A_2101 = tpu.vector_load %arg10[%get3A_2098, %get3A_2099, %get3A_2100] {strides = array<i32>} : memref<2x128x128xf32, #tpu.memory_space<vmem>>, vector<1x1x16xf32>,
          %get3A_2102 = vector.shape_cast %get3A_2101 : vector<1x1x16xf32> to vector<16xf32>
          %mul3A_2103 = arith.mulf %get3A_2102, %gather3A_2008 : vector<16xf32>
          %swap3A_2104 = arith.constant 1 : i32
          %swap3A_2105 = arith.index_cast %swap3A_2104 : i32 to index
          %swap3A_2106 = arith.index_cast %add3A_2012 : i32 to index
          %swap3A_2107 = arith.constant 96 : index
          %swap3A_2108 = tpu.vector_load %arg10[%swap3A_2105, %swap3A_2106, %swap3A_2107] {strides = array<i32>} : memref<2x128x128xf32, #tpu.memory_space<vmem>>, vector<1x1x16xf32>,
          %swap3A_2109 = vector.shape_cast %swap3A_2108 : vector<1x1x16xf32> to vector<16xf32>
          %swap3A_2110 = vector.shape_cast %mul3A_2103 : vector<16xf32> to vector<1x1x16xf32>
          tpu.vector_store %arg10[%swap3A_2105, %swap3A_2106, %swap3A_2107], %swap3A_2110 {strides = array<i32>} : memref<2x128x128xf32, #tpu.memory_space<vmem>>, vector<1x1x16xf32>,
          %get3A_2111 = arith.constant 1 : i32
          %get3A_2112 = arith.index_cast %get3A_2111 : i32 to index
          %get3A_2113 = arith.index_cast %add3A_2012 : i32 to index
          %get3A_2114 = arith.constant 112 : index
          %get3A_2115 = tpu.vector_load %arg10[%get3A_2112, %get3A_2113, %get3A_2114] {strides = array<i32>} : memref<2x128x128xf32, #tpu.memory_space<vmem>>, vector<1x1x16xf32>,
          %get3A_2116 = vector.shape_cast %get3A_2115 : vector<1x1x16xf32> to vector<16xf32>
          %mul3A_2117 = arith.mulf %get3A_2116, %gather3A_2008 : vector<16xf32>
          %swap3A_2118 = arith.constant 1 : i32
          %swap3A_2119 = arith.index_cast %swap3A_2118 : i32 to index
          %swap3A_2120 = arith.index_cast %add3A_2012 : i32 to index
          %swap3A_2121 = arith.constant 112 : index
          %swap3A_2122 = tpu.vector_load %arg10[%swap3A_2119, %swap3A_2120, %swap3A_2121] {strides = array<i32>} : memref<2x128x128xf32, #tpu.memory_space<vmem>>, vector<1x1x16xf32>,
          %swap3A_2123 = vector.shape_cast %swap3A_2122 : vector<1x1x16xf32> to vector<16xf32>
          %swap3A_2124 = vector.shape_cast %mul3A_2117 : vector<16xf32> to vector<1x1x16xf32>
          tpu.vector_store %arg10[%swap3A_2119, %swap3A_2120, %swap3A_2121], %swap3A_2124 {strides = array<i32>} : memref<2x128x128xf32, #tpu.memory_space<vmem>>, vector<1x1x16xf32>,
        }
        %scan3A_186 = arith.constant 8 : i32
        %dma_start3A_187 = arith.constant 1 : i32
        %dma_start3A_188 = arith.constant 0 : i32
        %dma_start3A_189 = arith.constant 0 : i32
        %dma_start3A_190 = tpu.memref_slice %arg10[%dma_start3A_187, %dma_start3A_188, %dma_start3A_189] : memref<2x128x128xf32, #tpu.memory_space<vmem>> -> memref<1x128x128xf32, #tpu.memory_space<vmem>>
        %dma_start3A_191 = tpu.memref_squeeze %dma_start3A_190 : memref<1x128x128xf32, #tpu.memory_space<vmem>> -> memref<128x128xf32, #tpu.memory_space<vmem>>
        %dma_start3A_192 = arith.constant 0 : i32
        %dma_start3A_193 = tpu.memref_slice %arg8[%add3A_154, %dma_start3A_192] : memref<16x128xi32, #tpu.memory_space<vmem>> -> memref<1x128xi32, #tpu.memory_space<vmem>>
        %dma_start3A_194 = tpu.memref_squeeze %dma_start3A_193 : memref<1x128xi32, #tpu.memory_space<vmem>> -> memref<128xi32, #tpu.memory_space<vmem>>
        %dma_start3A_195 = arith.constant 0 : i32
        %dma_start3A_196 = arith.constant 0 : i32
        %dma_start3A_197 = tpu.memref_slice %arg11[%dma_start3A_195, %dma_start3A_196] : memref<10000x128xf32, #tpu.memory_space<vmem_shared>> -> memref<10000x128xf32, #tpu.memory_space<vmem_shared>>
        tpu.enqueue_indirect_dma source(%dma_start3A_191 : memref<128x128xf32, #tpu.memory_space<vmem>>) target(%dma_start3A_197 : memref<10000x128xf32, #tpu.memory_space<vmem_shared>>) offsets(%dma_start3A_194 : memref<128xi32, #tpu.memory_space<vmem>>) semaphore(%arg15 : memref<!tpu.dma_semaphore, #tpu.memory_space<semaphore_mem>>) {add = true}
      }
      %scan3A_85 = arith.constant 8 : i32
      %dma_wait3A_86 = arith.constant 1 : i32
      %dma_wait3A_87 = arith.constant 0 : i32
      %dma_wait3A_88 = arith.constant 0 : i32
      %dma_wait3A_89 = arith.constant 0 : i32
      %dma_wait3A_90 = tpu.memref_slice %arg10[%dma_wait3A_86, %dma_wait3A_88, %dma_wait3A_89] : memref<2x128x128xf32, #tpu.memory_space<vmem>> -> memref<1x128x128xf32, #tpu.memory_space<vmem>>
      %dma_wait3A_91 = tpu.memref_squeeze %dma_wait3A_90 : memref<1x128x128xf32, #tpu.memory_space<vmem>> -> memref<128x128xf32, #tpu.memory_space<vmem>>
      %dma_wait3A_92 = arith.constant 0 : i32
      %dma_wait3A_93 = tpu.memref_slice %arg8[%dma_wait3A_87, %dma_wait3A_92] : memref<16x128xi32, #tpu.memory_space<vmem>> -> memref<1x128xi32, #tpu.memory_space<vmem>>
      %dma_wait3A_94 = tpu.memref_squeeze %dma_wait3A_93 : memref<1x128xi32, #tpu.memory_space<vmem>> -> memref<128xi32, #tpu.memory_space<vmem>>
      %dma_wait3A_95 = arith.constant 0 : i32
      %dma_wait3A_96 = arith.constant 0 : i32
      %dma_wait3A_97 = tpu.memref_slice %arg11[%dma_wait3A_95, %dma_wait3A_96] : memref<10000x128xf32, #tpu.memory_space<vmem_shared>> -> memref<10000x128xf32, #tpu.memory_space<vmem_shared>>
      tpu.wait_indirect_dma semaphore(%arg15 : memref<!tpu.dma_semaphore, #tpu.memory_space<semaphore_mem>>) src(%dma_wait3A_91 : memref<128x128xf32, #tpu.memory_space<vmem>>) dst(%dma_wait3A_97 : memref<10000x128xf32, #tpu.memory_space<vmem_shared>>)
    }
    %scan3A_11 = arith.constant 5 : i32
    %barrier3A_12 = arith.constant 0 : index
    tpu.barrier barrier_id(%barrier3A_12)
    %lt3A_13 = arith.constant 10 : i32
    %lt3A_14 = arith.cmpi slt, %arg1, %lt3A_13 : i32
    %convert_element_type3A_15 = arith.extui %lt3A_14 : i1 to i32
    %cond3A_16 = arith.constant 0 : i32
    %cond3A_17 = arith.cmpi ne, %convert_element_type3A_15, %cond3A_16 : i32
    scf.if %cond3A_17 {
      %mul3A_18 = arith.constant 1000 : i32
      %mul3A_19 = arith.muli %arg1, %mul3A_18 : i32
      %mul3A_20 = arith.constant 1000 : i32
      %mul3A_21 = arith.muli %arg1, %mul3A_20 : i32
      "tpu.region"() ({
        %run_scoped3A = tpu.sem_alloc : memref<!tpu.dma_semaphore, #tpu.memory_space<semaphore_mem>>
        %dma_start3A = arith.constant 0 : i32
        %dma_start3A_22 = tpu.memref_slice %arg6[%arg0, %mul3A_21, %dma_start3A] : memref<2x10000x128xf32, #tpu.memory_space<hbm>> -> memref<1x1000x128xf32, #tpu.memory_space<hbm>>
        %dma_start3A_23 = tpu.memref_squeeze %dma_start3A_22 : memref<1x1000x128xf32, #tpu.memory_space<hbm>> -> memref<1000x128xf32, #tpu.memory_space<hbm>>
        %dma_start3A_24 = arith.constant 0 : i32
        %dma_start3A_25 = tpu.memref_slice %arg11[%mul3A_19, %dma_start3A_24] : memref<10000x128xf32, #tpu.memory_space<vmem_shared>> -> memref<1000x128xf32, #tpu.memory_space<vmem_shared>>
        tpu.enqueue_dma source(%dma_start3A_25 : memref<1000x128xf32, #tpu.memory_space<vmem_shared>>) target(%dma_start3A_23 : memref<1000x128xf32, #tpu.memory_space<hbm>>) target_semaphore(%run_scoped3A : memref<!tpu.dma_semaphore, #tpu.memory_space<semaphore_mem>>)
        %dma_wait3A = arith.constant 0 : i32
        %dma_wait3A_26 = tpu.memref_slice %arg6[%arg0, %mul3A_21, %dma_wait3A] : memref<2x10000x128xf32, #tpu.memory_space<hbm>> -> memref<1x1000x128xf32, #tpu.memory_space<hbm>>
        %dma_wait3A_27 = tpu.memref_squeeze %dma_wait3A_26 : memref<1x1000x128xf32, #tpu.memory_space<hbm>> -> memref<1000x128xf32, #tpu.memory_space<hbm>>
        %dma_wait3A_28 = arith.constant 0 : i32
        %dma_wait3A_29 = tpu.memref_slice %arg11[%mul3A_19, %dma_wait3A_28] : memref<10000x128xf32, #tpu.memory_space<vmem_shared>> -> memref<1000x128xf32, #tpu.memory_space<vmem_shared>>
        tpu.wait_dma2 semaphore(%run_scoped3A : memref<!tpu.dma_semaphore, #tpu.memory_space<semaphore_mem>>) src(%dma_wait3A_29 : memref<1000x128xf32, #tpu.memory_space<vmem_shared>>) dst(%dma_wait3A_27 : memref<1000x128xf32, #tpu.memory_space<hbm>>)
        tpu.yield
      }) : () -> ()
    } else {
    }
    return
  }
}

module attributes {stable_mosaic.version = 14 : i64} {
  func.func @body(%arg0: i32, %arg1: memref<2x2000x128xf32, #tpu.memory_space<vmem>>, %arg2: memref<128x128xf32, #tpu.memory_space<vmem>>, %arg3: memref<1x128xf32, #tpu.memory_space<vmem>>, %arg4: memref<2000x128xf32, #tpu.memory_space<vmem>>) attributes {dimension_semantics = [#tpu.dimension_semantics<arbitrary>], iteration_bounds = array<i64: 5>, scalar_prefetch = 0 : i64, scratch_operands = 0 : i64, tpu.core_type = #tpu.core_type<tc>, window_params = [{transform_indices = @transform_0, window_bounds = array<i64: 2, 2000, 128>}, {pipeline_mode = #tpu.pipeline_mode<synchronous>, transform_indices = @transform_1, window_bounds = array<i64: 128, 128>}, {pipeline_mode = #tpu.pipeline_mode<synchronous>, transform_indices = @transform_2, window_bounds = array<i64: 1, 128>}, {transform_indices = @transform_3, window_bounds = array<i64: 2000, 128>}]} {
    %get3A = arith.constant 0 : index
    %get3A_0 = arith.constant 0 : index
    %get3A_1 = arith.constant 0 : index
    %get3A_2 = vector.load %arg1[%get3A, %get3A_0, %get3A_1] : memref<2x2000x128xf32, #tpu.memory_space<vmem>>, vector<1x2000x128xf32>
    %get3A_3 = vector.shape_cast %get3A_2 : vector<1x2000x128xf32> to vector<2000x128xf32>
    %get3A_4 = arith.constant 1 : index
    %get3A_5 = arith.constant 0 : index
    %get3A_6 = arith.constant 0 : index
    %get3A_7 = vector.load %arg1[%get3A_4, %get3A_5, %get3A_6] : memref<2x2000x128xf32, #tpu.memory_space<vmem>>, vector<1x2000x128xf32>
    %get3A_8 = vector.shape_cast %get3A_7 : vector<1x2000x128xf32> to vector<2000x128xf32>
    %add3A = arith.addf %get3A_3, %get3A_8 : vector<2000x128xf32>
    %get3A_9 = arith.constant 0 : index
    %get3A_10 = arith.constant 0 : index
    %get3A_11 = vector.load %arg2[%get3A_9, %get3A_10] : memref<128x128xf32, #tpu.memory_space<vmem>>, vector<128x128xf32>
    %dot_general3A = arith.constant dense<0.000000e+00> : vector<2000x128xf32>
    %dot_general3A_12 = tpu.matmul %add3A, %get3A_11, %dot_general3A {dimension_numbers = #tpu.dot_dimension_numbers<[1], [0], [0], [1], [0, 0, 1, 1], [], []>, transpose_lhs_hint = false} : vector<2000x128xf32>, vector<128x128xf32>, vector<2000x128xf32> -> vector<2000x128xf32>
    %get3A_13 = arith.constant 0 : index
    %get3A_14 = arith.constant 0 : index
    %get3A_15 = vector.load %arg3[%get3A_13, %get3A_14] : memref<1x128xf32, #tpu.memory_space<vmem>>, vector<1x128xf32>
    %add3A_16 = vector.broadcast %get3A_15 : vector<1x128xf32> to vector<2000x128xf32>
    %add3A_17 = arith.addf %dot_general3A_12, %add3A_16 : vector<2000x128xf32>
    %swap3A = arith.constant 0 : index
    %swap3A_18 = arith.constant 0 : index
    %swap3A_19 = vector.load %arg4[%swap3A, %swap3A_18] : memref<2000x128xf32, #tpu.memory_space<vmem>>, vector<2000x128xf32>
    tpu.vector_store %arg4[%swap3A, %swap3A_18], %add3A_17 {strides = array<i32>} : memref<2000x128xf32, #tpu.memory_space<vmem>>, vector<2000x128xf32>,
    return
  }
  func.func @transform_0(%arg0: i32) -> (i32, i32, i32) {
    %c0_i32 = arith.constant 0 : i32
    %c0_i32_0 = arith.constant 0 : i32
    %c0_i32_1 = arith.constant 0 : i32
    return %c0_i32, %arg0, %c0_i32_0 : i32, i32, i32
  }
  func.func @transform_1(%arg0: i32) -> (i32, i32) {
    %c0_i32 = arith.constant 0 : i32
    %c0_i32_0 = arith.constant 0 : i32
    %c0_i32_1 = arith.constant 0 : i32
    return %c0_i32, %c0_i32_0 : i32, i32
  }
  func.func @transform_2(%arg0: i32) -> (i32, i32) {
    %c0_i32 = arith.constant 0 : i32
    %c0_i32_0 = arith.constant 0 : i32
    %c0_i32_1 = arith.constant 0 : i32
    return %c0_i32, %c0_i32_0 : i32, i32
  }
  func.func @transform_3(%arg0: i32) -> (i32, i32) {
    %c0_i32 = arith.constant 0 : i32
    %c0_i32_0 = arith.constant 0 : i32
    return %arg0, %c0_i32 : i32, i32
  }
}

</mosaic_0001>

<sc_bundles>
// kernel: kernel.4.cloned.1.call-start
scs
__scs_entry_jumppad:
0x0: {  	(pc) =	sbr.rel $0x88, $3  }
0x1: {  	(tag) =	ssettag $0x0;
	lr =	simm.s32 $0x1  }
0x2: {  	[smem:$0x3F9C] =	sst lr;
	_ =	strace $0xD0000000  }
0x3: {  	_ = 	snop  }
0x4: {  	_ = 	snop  }
0x5: {  	_ = 	snop  }
0x6: {  	_ = 	snop  }
0x7: {  	_ = 	snop  }
__scs_overlays_trampoline_lowered:
0x8: {  	[smem:$0x3FAB] =	sst s0  }
0x9: {  	[smem:$0x3FAC] =	sst s1  }
0xa: {  	[smem:$0x3FAD] =	sst s2  }
0xb: {  	[smem:$0x3FAE] =	sst s3  }
0xc: {  	[smem:$0x3FAF] =	sst s4  }
0xd: {  	[smem:$0x3FB0] =	sst s5  }
0xe: {  	[smem:$0x3FB1] =	sst s6  }
0xf: {  	[smem:$0x3FB2] =	sst s7  }
0x10: {  	[smem:$0x3FB3] =	sst s8  }
0x11: {  	[smem:$0x3FB4] =	sst s9;
	s0 =	simm.s32 @!p0 $0x0  }
0x12: {  	s1 =	sld [smem:$0x3F9A];
	s0 =	simm.s32 @p0 $0x1  }
0x13: {  	[smem:$0x3FB5] =	sst s0;
	s0 =	simm.s32 @!p1 $0x0  }
0x14: {  	s2 =	sld [smem:$0x3F99];
	s0 =	simm.s32 @p1 $0x1  }
0x15: {  	[smem:$0x3FB6] =	sst s0;
	s0 =	simm.s32 @!p2 $0x0  }
0x16: {  	s3 =	sld [smem:$0x3FDB];
	s0 =	simm.s32 @p2 $0x1  }
0x17: {  	s4 =	simm.s32 $0x1BF5;
	[smem:$0x3FB8] =	sst s0  }
0x18: {  	s0 =	sld [smem:$0x3F9B];
	_ =	swait.ge [sflag:s4], $0x0  }
0x19: {  	s7 =	sld [smem:$0x3F9C]  }
0x1a: {  	s8 =	sadd.s32 $0xFFFFE003, lr  }
0x1b: {  	s9 =	sadd.s32 $0xFFFFFEF7, lr;
	s5 =	simm.s32 $0xFFFFFFFF;
	p2 =	slt.u32 s8, $0xFFFFF086  }
0x1c: {  	p1 =	slt.u32 s9, $0xF7A;
	s5 =	simm.s32 @!p2 $0x0  }
0x1d: {  	s5 =	simm.s32 @p1 $0x1;
	p0 =	seq.s32 s7, s2  }
0x1e: {  	s7 =	smul.u32 @!p0 $0xF7A, s2;
	p2 =	seq.s32 @!p0 s5, $0x0  }
0x1f: {  	s9 =	smul.u32 $0xF7A, s1;
	s8 =	simm.s32 @!p0 $0x1BF5;
	p2 =	por !p2, p0  }
0x20: {  	[sflag:s8] =	ssyncset.s32 @!p0 $0xFFFFF086;
	s6 =	sadd.s32 @!p0 s3, s7;
	s7 =	simm.s32 @!p0 $0x108  }
0x21: {  	s3 =	sadd.s32 s3, s9;
	s6 =	sadd.s32 @!p0 $0x88, s6;
	s7 =	simm.s32 @p2 $0x1082  }
0x22: {  	[simem:s7], [sflag:s8] =	dma.local @!p0 [hbm:s6], $0xF7A  }
0x23: {  	s9 =	sor.u32 $0xD0000000, s2;
	s6 =	simm.s32 $0x108;
	_ =	swait.ge @!p0 [sflag:s8], $0x0  }
0x24: {  	s3 =	sadd.s32 $0x88, s3;
	s6 =	simm.s32 @!p1 $0x1082;
	[sflag:s4] =	ssyncset.s32 $0xFFFFF086  }
0x25: {  	[simem:s6], [sflag:s4] =	dma.local [hbm:s3], $0xF7A  }
0x26: {  	[smem:$0x3F9C] =	sst s1;
	(tag) =	ssettag s2;
	_ =	strace s9  }
0x27: {  	s1 =	sld [smem:$0x3FAC]  }
0x28: {  	s2 =	sld [smem:$0x3FAD]  }
0x29: {  	s4 =	sld [smem:$0x3FAF]  }
0x2a: {  	p0 =	seq.s32 s5, $0x0;
	s5 =	sld [smem:$0x3FB0]  }
0x2b: {  	s6 =	sld [smem:$0x3FB1]  }
0x2c: {  	s7 =	sld [smem:$0x3FB2]  }
0x2d: {  	s3 =	simm.s32 $0x108;
	s8 =	sld [smem:$0x3FB3]  }
0x2e: {  	s3 =	simm.s32 @!p0 $0x1082;
	s9 =	sld [smem:$0x3FB4]  }
0x2f: {  	lr =	sadd.s32 s0, s3;
	s0 =	sld [smem:$0x3FAB]  }
0x30: {  	s3 =	sld [smem:$0x3FAE]  }
0x31: {  	[smem:$0x3FB7] =	sst s10  }
0x32: {  	s10 =	sld [smem:$0x3FB5];
	_ =	sdelay $0x3  }
0x33: {  	p0 =	seq.s32 s10, $0x1;
	s10 =	sld [smem:$0x3FB7];
	_ =	sdelay $0x3  }
0x34: {  	[smem:$0x3FB7] =	sst s10  }
0x35: {  	s10 =	sld [smem:$0x3FB6];
	_ =	sdelay $0x3  }
0x36: {  	p1 =	seq.s32 s10, $0x1;
	s10 =	sld [smem:$0x3FB7];
	_ =	sdelay $0x3  }
0x37: {  	[smem:$0x3FB7] =	sst s10  }
0x38: {  	s10 =	sld [smem:$0x3FB8]  }
0x39: {  	_ = 	snop;
	(pc) =	sbr.ind lr, $3  }
0x3a: {  	_ = 	snop  }
0x3b: {  	_ = 	snop  }
0x3c: {  	p2 =	seq.s32 s10, $0x1;
	s10 =	sld [smem:$0x3FB7]  }
0x3d: {  	_ =	shalt  }
0x3e: {  	_ =	shalt  }
0x3f: {  	_ =	shalt  }
0x40: {  	_ =	shalt  }
0x41: {  	_ =	shalt  }
0x42: {  	_ =	shalt  }
0x43: {  	_ =	shalt  }
0x44: {  	_ =	shalt  }
0x45: {  	_ =	shalt  }
0x46: {  	_ =	shalt  }
0x47: {  	_ =	shalt  }
0x48: {  	_ =	shalt  }
0x49: {  	_ =	shalt  }
0x4a: {  	_ =	shalt  }
0x4b: {  	_ =	shalt  }
0x4c: {  	_ =	shalt  }
0x4d: {  	_ =	shalt  }
0x4e: {  	_ =	shalt  }
0x4f: {  	_ =	shalt  }
0x50: {  	_ =	shalt  }
0x51: {  	_ =	shalt  }
0x52: {  	_ =	shalt  }
0x53: {  	_ =	shalt  }
0x54: {  	_ =	shalt  }
0x55: {  	_ =	shalt  }
0x56: {  	_ =	shalt  }
0x57: {  	_ =	shalt  }
0x58: {  	_ =	shalt  }
0x59: {  	_ =	shalt  }
0x5a: {  	_ =	shalt  }
0x5b: {  	_ =	shalt  }
0x5c: {  	_ =	shalt  }
0x5d: {  	_ =	shalt  }
0x5e: {  	_ =	shalt  }
0x5f: {  	_ =	shalt  }
0x60: {  	_ =	shalt  }
0x61: {  	_ =	shalt  }
0x62: {  	_ =	shalt  }
0x63: {  	_ =	shalt  }
0x64: {  	_ =	shalt  }
0x65: {  	_ =	shalt  }
0x66: {  	_ =	shalt  }
0x67: {  	_ =	shalt  }
0x68: {  	_ =	shalt  }
0x69: {  	_ =	shalt  }
0x6a: {  	_ =	shalt  }
0x6b: {  	_ =	shalt  }
0x6c: {  	_ =	shalt  }
0x6d: {  	_ =	shalt  }
0x6e: {  	_ =	shalt  }
0x6f: {  	_ =	shalt  }
0x70: {  	_ =	shalt  }
0x71: {  	_ =	shalt  }
0x72: {  	_ =	shalt  }
0x73: {  	_ =	shalt  }
0x74: {  	_ =	shalt  }
0x75: {  	_ =	shalt  }
0x76: {  	_ =	shalt  }
0x77: {  	_ =	shalt  }
0x78: {  	_ =	shalt  }
0x79: {  	_ =	shalt  }
0x7a: {  	_ =	shalt  }
0x7b: {  	_ =	shalt  }
0x7c: {  	_ =	shalt  }
0x7d: {  	_ =	shalt  }
0x7e: {  	_ =	shalt  }
0x7f: {  	_ =	shalt  }
0x80: {  	_ =	shalt  }
0x81: {  	_ =	shalt  }
0x82: {  	_ =	shalt  }
0x83: {  	_ =	shalt  }
0x84: {  	_ =	shalt  }
0x85: {  	_ =	shalt  }
0x86: {  	_ =	shalt  }
0x87: {  	_ =	shalt  }
.Lfunc_end0:
.L_simem_size_0:
called_computation_lowered:
.L_overlay_start_0:
0x88: {  	s2 =	sld [smem:$0x3FD9]  }
0x89: {  	s3 =	sld [smem:$0x3FFE];
	_ =	sdelay $0x1  }
0x8a: {  	s1 =	srdreg.scid  }
0x8b: {  	s0 =	sand.u32 $0x1, s1  }
0x8c: {  	s17 =	sshll.u32 s0, $0xA;
	s2 =	sadd.s32 s3, s2  }
0x8d: {  	s2 =	sadd.s32 s2, s17  }
0x8e: {  	[smem:$0x3FC3] =	sst s2  }
0x8f: {  	_ = 	snop  }
0x90: {  	s2 =	sld [smem:$0x3FC9]  }
0x91: {  	s18 =	sld [smem:$0x3FD0];
	(tm) =	ssettm $0x1  }
0x92: {  	s4 =	sld [smem:$0x3FFB];
	_ =	sdelay $0x3  }
0x93: {  	_ =	strace s4  }
0x94: {  	s4 =	sld [smem:$0x3FFC];
	_ =	sdelay $0x3  }
0x95: {  	_ =	strace s4  }
0x96: {  	s4 =	sld [smem:$0x3FFD];
	_ =	sdelay $0x3  }
0x97: {  	_ =	strace s4  }
0x98: {  	_ =	strace $0x8FFFFFFF  }
0x99: {  	s19 =	sld [smem:$0x3FDB];
	_ =	sdelay $0x1  }
0x9a: {  	s5 =	simm.s32 $_scs_section_size  }
0x9b: {  	s6 =	simm.s32 $_size__tile_overlayer_lowered;
	s7 =	simm.s32 $_tile_overlayer_lowered  }
0x9c: {  	s22 =	simm.s32 $0x1BFF;
	s21 =	sshll.u32 s7, $0x1;
	s4 =	sadd.s32 s5, s19  }
0x9d: {  	s8 =	simm.s32 $0x0;
	s20 =	sshll.u32 s6, $0x1;
	s6 =	sadd.s32 s21, s4  }
0x9e: {  	[timem:s8], [sflag:s22] =	dma.local [hbm:s6], s20  }
0x9f: {  	_ =	swait.ge [sflag:s22], s20  }
0xa0: {  	s5 =	ssub.s32 $0x0, s20;
	[sflag:s22] =	ssyncset.done $0x0  }
0xa1: {  	[sflag:s22] =	ssyncadd.s32 s5;
	_ =	sdelay $0x1  }
0xa2: {  	s23 =	simm.s32 $0x1B8B  }
0xa3: {  	_ =	swait.ge [sflag:s23], $0x1  }
0xa4: {  	[sflag:s23] =	ssyncset.done $0x0  }
0xa5: {  	s25 =	simm.s32 $0x1B8E;
	s24 =	sld [smem:$0x3FFE];
	[sflag:s23] =	ssyncadd.s32 $0xFFFFFFFF  }
0xa6: {  	s26 =	simm.s32 $execute0_lowered;
	[smem:$0x3FD2] =	sst s25  }
0xa7: {  	s6 =	sshll.u32 s26, $0x1;
	_ =	strace $0x80000046;
	[dreg:$0x1] =	wrdreg $0xFFFFFFFF  }
0xa8: {  	s28 =	simm.s32 $_size_execute0_lowered;
	s4 =	sadd.s32 s4, s6;
	[dreg:$0x0] =	wrdreg $0x0  }
0xa9: {  	s6 =	sshll.u32 s28, $0x1;
	[dreg:$0x2] =	wrdreg s4  }
0xaa: {  	[dreg:$0x3] =	wrdreg s6  }
0xab: {  	[dreg:$0x4] =	wrdreg $0xC0  }
0xac: {  	_ =	task [dreg:s8], $0x5FFFF  }
0xad: {  	[dreg:$0x1] =	wrdreg $0xFFFFFFFF  }
0xae: {  	[dreg:$0x0] =	wrdreg $0x60  }
0xaf: {  	[dreg:$0x2] =	wrdreg s2  }
0xb0: {  	[dreg:$0x3] =	wrdreg s24  }
0xb1: {  	[dreg:$0x4] =	wrdreg s18  }
0xb2: {  	[dreg:$0x5] =	wrdreg $0x98000  }
0xb3: {  	[dreg:$0x6] =	wrdreg $0x9  }
0xb4: {  	_ =	task.clear_ibuf [dreg:s8], $0x7FFFF;
	_ =	strace $0x90000046  }
0xb5: {  	s29 =	simm.s32 $0x9;
	_ =	strace $0x80000048  }
0xb6: {  	_ =	swait.ge [sflag:s29], $0x1  }
0xb7: {  	[sflag:s29] =	ssyncadd.s32 $0xFFFFFFFF  }
0xb8: {  	_ =	strace $0x90000048  }
0xb9: {  	_ =	sfence  }
0xba: {  	s30 =	sld [smem:$0x0];
	_ =	sdelay $0x2  }
0xbb: {  	s31 =	sshll.u32 s1, $0xD;
	s1 =	sshrl.u32 s1, $0x2  }
0xbc: {  	s3 =	sand.u32 $0x4000, s31;
	s1 =	sadd.s32 s1, s30  }
0xbd: {  	s0 =	sor.u32 s3, s0;
	s1 =	sshll.u32 s1, $0x11  }
0xbe: {  	s0 =	sor.u32 s1, s0  }
0xbf: {  	s0 =	sadd.s32 $0x8F2B, s0  }
0xc0: {  	[sflag:s0] =	ssyncadd.remote.s32 $0x1  }
0xc1: {  	_ =	sfence.sel $0xFFFF  }
0xc2: {  	[dreg:$0x0] =	wrdreg $0xFFFFFFFF;
	(pc) =	sbr.abs _section_cstart, $3  }
0xc3: {  	[dreg:$0x1] =	wrdreg $0xFFFFFFFF  }
0xc4: {  	_ =	task.clear_ibuf [dreg:s8], $0x2FFFF;
	_ =	strace $0x9FFFFFFF  }
0xc5: {  	(tm) =	ssettm $0x7FFFFFFF  }
tec
execute0_lowered:
.L_overlay_start_1:
0x0: {  	(tag) =	ssettag $0x1  }
0x1: {  	s0 =	rddreg [dreg:$0x0]  }
0x2: {  	s1 =	rddreg [dreg:$0x1]  }
0x3: {  	s3 =	rddreg [dreg:$0x2];
	s2 =	srdreg.scid  }
0x4: {  	s4 =	rddreg [dreg:$0x3];
	s13 =	stileid.u32  }
0x5: {  	s5 =	simm.s32 $0x0;
	s19 =	simm.s32 $0x800;
	s20 =	simm.s32 $0x1000  }
0x6: {  	s21 =	simm.s32 $0x5;
	s22 =	simm.s32 $0x80;
	s23 =	simm.s32 $0x1800  }
0x7: {  	s24 =	simm.s32 $0x1;
	s28 =	simm.s32 $0x3;
	s29 =	simm.s32 $0x4  }
0x8: {  	s30 =	simm.s32 $0x0;
	s2 =	sand.u32 $0x1, s2;
	s7 =	smul.u32 $0x1F400, s13  }
0x9: {  	[smem:$0x7FF] =	sst s5;
	s9 =	smul.u32 $0x7D000, s13;
	s11 =	sshll.u32 s13, $0x1  }
0xa: {  	p0 =	sgt.u32 s13, $0x9;
	s6 =	smul.u32 $0x138800, s2;
	s25 =	ssub.s32 $0x2, s2  }
0xb: {  	_ =	strace $0x80000047;
	s2 =	sor.u32 s2, s11;
	s10 =	sshrl.u32 s25, $0x1  }
0xc: {  	s9 =	sshrl.u32 s9, $0x2;
	s7 =	sadd.s32 s7, s6;
	s6 =	sadd.s32 $0xA600, s1  }
0xd: {  	s12 =	ssub.s32 s25, s10;
	s10 =	smul.u32 $0x2800, s2;
	s25 =	simm.s32 $0x5800  }
0xe: {  	v0 =	vimm.f32 $0.0e+00;
	v1 =	vimm.s32 $0x0;
	s8 =	sshrl.u32 s7, $0x3;
	s7 =	sadd.s32 $0x600, s1;
	s26 =	smax.u32 s12, $0x1  }
0xf: {  	v2 =	vimm.s32 $0x1;
	v3 =	vimm.s32 $0x2;
	v4 =	vimm.s32 $0x3;
	s1 =	sadd.s32 s8, s1;
	s8 =	sadd.s32 s9, s4;
	[dreg:$0x7] =	wrdreg s26  }
0x10: {  	v5 =	vimm.s32 $0x4;
	v6 =	vimm.s32 $0x5;
	v7 =	vimm.s32 $0x6;
	s26 =	simm.s32 $0x2;
	s9 =	sadd.s32 $0x1C000, s8;
	s1 =	sadd.s32 $0x14600, s1  }
0x11: {  	v8 =	vimm.s32 $0x7;
	v9 =	vimm.s32 $0x8;
	v10 =	vimm.s32 $0x9;
	s31 =	sadd.s32 $0x4000, s8;
	s14 =	sadd.s32 $0x8000, s8;
	[dreg:$0x5] =	wrdreg s9  }
0x12: {  	v11 =	vimm.s32 $0xA;
	v12 =	vimm.s32 $0xB;
	v13 =	vimm.s32 $0xC;
	s15 =	sadd.s32 $0xC000, s8;
	s16 =	sadd.s32 $0x10000, s8;
	[dreg:$0x6] =	wrdreg s1  }
0x13: {  	v14 =	vimm.s32 $0xD;
	v15 =	vimm.s32 $0xE;
	v16 =	vimm.s32 $0xF;
	s17 =	sadd.s32 $0x14000, s8;
	s18 =	sadd.s32 $0x18000, s8;
	[dreg:$0x8] =	wrdreg s31  }
.LBB2_1:
0x14: {  	s1 =	simm.s32 $0x0;
	s2 =	simm.s32 $0x200  }
.LBB2_2:
0x15: {  	p1 =	sne.s32 s2, $0xFE00;
	[tilespmem:s1+$0x1870] =	vst v0  }
0x16: {  	[tilespmem:s1+$0x1800] =	vst v0  }
0x17: {  	[tilespmem:s1+$0x1810] =	vst v0  }
.Ltmp0:
0x18: {  	[tilespmem:s1+$0x1820] =	vst v0;
	(pc) =	sbr.rel @p1 .LBB2_2-.Ltmp0, $4  }
0x19: {  	[tilespmem:s1+$0x1830] =	vst v0  }
0x1a: {  	[tilespmem:s1+$0x1840] =	vst v0  }
0x1b: {  	[tilespmem:s1+$0x1850] =	vst v0  }
0x1c: {  	[tilespmem:s1+$0x1860] =	vst v0;
	s1 =	sshra.s32 s2, $0x2;
	s2 =	sadd.s32 $0x200, s2  }
0x1d: {  	[tilespmem:s1+$0x1870] =	vst v0  }
0x1e: {  	[tilespmem:s1+$0x1800] =	vst v0  }
0x1f: {  	[tilespmem:s1+$0x1810] =	vst v0  }
0x20: {  	[tilespmem:s1+$0x1820] =	vst v0  }
0x21: {  	[tilespmem:s1+$0x1830] =	vst v0  }
0x22: {  	[tilespmem:s1+$0x1840] =	vst v0  }
0x23: {  	[tilespmem:s1+$0x1850] =	vst v0  }
0x24: {  	[tilespmem:s1+$0x1860] =	vst v0;
	s1 =	simm.s32 @!p0 $0x1800;
	s2 =	simm.s32 @!p0 $0x6  }
0x25: {  	[spmem:s8] =	stream.linear.scatter @!p0 [tilespmem:s1], [sflag:$0x6], $0x4000, $0x38;
	[tilespmem:$0x1D080] =	vst v63  }
0x26: {  	_ =	swait.ge @!p0 [sflag:s2], $0x4000  }
0x27: {  	[sflag:s2] =	ssyncset.done @!p0 $0x0  }
0x28: {  	s9 =	rddreg [dreg:$0x8];
	[sflag:s2] =	ssyncadd.s32 @!p0 $0xFFFFC000  }
0x29: {  	[spmem:s9] =	stream.linear.scatter @!p0 [tilespmem:s1], [sflag:$0x6], $0x4000, $0x38;
	[tilespmem:$0x1D080] =	vst v63  }
0x2a: {  	_ =	swait.ge @!p0 [sflag:s2], $0x4000  }
0x2b: {  	[sflag:s2] =	ssyncset.done @!p0 $0x0  }
0x2c: {  	[sflag:s2] =	ssyncadd.s32 @!p0 $0xFFFFC000  }
0x2d: {  	[spmem:s14] =	stream.linear.scatter @!p0 [tilespmem:s1], [sflag:$0x6], $0x4000, $0x38;
	[tilespmem:$0x1D080] =	vst v63  }
0x2e: {  	_ =	swait.ge @!p0 [sflag:s2], $0x4000  }
0x2f: {  	[sflag:s2] =	ssyncset.done @!p0 $0x0  }
0x30: {  	[sflag:s2] =	ssyncadd.s32 @!p0 $0xFFFFC000  }
0x31: {  	[spmem:s15] =	stream.linear.scatter @!p0 [tilespmem:s1], [sflag:$0x6], $0x4000, $0x38;
	[tilespmem:$0x1D080] =	vst v63  }
0x32: {  	_ =	swait.ge @!p0 [sflag:s2], $0x4000  }
0x33: {  	[sflag:s2] =	ssyncset.done @!p0 $0x0  }
0x34: {  	[sflag:s2] =	ssyncadd.s32 @!p0 $0xFFFFC000  }
0x35: {  	[spmem:s16] =	stream.linear.scatter @!p0 [tilespmem:s1], [sflag:$0x6], $0x4000, $0x38;
	[tilespmem:$0x1D080] =	vst v63  }
0x36: {  	_ =	swait.ge @!p0 [sflag:s2], $0x4000  }
0x37: {  	[sflag:s2] =	ssyncset.done @!p0 $0x0  }
0x38: {  	[sflag:s2] =	ssyncadd.s32 @!p0 $0xFFFFC000  }
0x39: {  	[spmem:s17] =	stream.linear.scatter @!p0 [tilespmem:s1], [sflag:$0x6], $0x4000, $0x38;
	[tilespmem:$0x1D080] =	vst v63  }
0x3a: {  	_ =	swait.ge @!p0 [sflag:s2], $0x4000  }
0x3b: {  	[sflag:s2] =	ssyncset.done @!p0 $0x0  }
0x3c: {  	[sflag:s2] =	ssyncadd.s32 @!p0 $0xFFFFC000  }
0x3d: {  	[spmem:s18] =	stream.linear.scatter @!p0 [tilespmem:s1], [sflag:$0x6], $0x4000, $0x38;
	[tilespmem:$0x1D080] =	vst v63  }
0x3e: {  	_ =	swait.ge @!p0 [sflag:s2], $0x4000  }
0x3f: {  	[sflag:s2] =	ssyncset.done @!p0 $0x0  }
0x40: {  	s9 =	rddreg [dreg:$0x5];
	[sflag:s2] =	ssyncadd.s32 @!p0 $0xFFFFC000  }
0x41: {  	[spmem:s9] =	stream.linear.scatter @!p0 [tilespmem:s1], [sflag:$0x6], $0x3400, $0x38;
	[tilespmem:$0x1D080] =	vst v63  }
0x42: {  	_ =	swait.ge @!p0 [sflag:s2], $0x3400  }
0x43: {  	[sflag:s2] =	ssyncset.done @!p0 $0x0  }
0x44: {  	[sflag:s2] =	ssyncadd.s32 @!p0 $0xFFFFCC00  }
0x45: {  	s31 =	simm.s32 $0x0;
	[bflag:$0x0] =	sbarrier.arrive $0xFFFF  }
.LBB2_4:
0x46: {  	s1 =	sshll.u32 s31, $0xB  }
0x47: {  	s1 =	sadd.s32 s10, s1  }
0x48: {  	s1 =	sshrl.u32 s1, $0x3  }
0x49: {  	s2 =	sadd.s32 s6, s1  }
0x4a: {  	[tilespmem:s30], [sflag:$0x5] =	stream.linear.gather [hbm4b:s2+s30], $0x800, $0x38;
	[tilespmem:$0x1D080] =	vst v63  }
0x4b: {  	s13 =	sadd.s32 s3, s1  }
0x4c: {  	[tilespmem:s19], [sflag:$0x5] =	stream.linear.gather [hbm4b:s13+s30], $0x800, $0x38;
	[tilespmem:$0x1D080] =	vst v63  }
0x4d: {  	s1 =	sadd.s32 s7, s1  }
0x4e: {  	[tilespmem:s20], [sflag:$0x5] =	stream.linear.gather [hbm4b:s1+s30], $0x800, $0x38;
	[tilespmem:$0x1D080] =	vst v63  }
0x4f: {  	_ =	swait.ge [sflag:s21], $0x800  }
0x50: {  	[sflag:s21] =	ssyncset.done $0x0  }
0x51: {  	[sflag:s21] =	ssyncadd.s32 $0xFFFFF800  }
0x52: {  	_ =	swait.ge [sflag:s21], $0x800  }
0x53: {  	[sflag:s21] =	ssyncset.done $0x0  }
0x54: {  	[sflag:s21] =	ssyncadd.s32 $0xFFFFF800  }
0x55: {  	_ =	swait.ge [sflag:s21], $0x800  }
0x56: {  	[sflag:s21] =	ssyncset.done $0x0  }
0x57: {  	s1 =	simm.s32 $0x0;
	[sflag:s21] =	ssyncadd.s32 $0xFFFFF800  }
0x58: {  	[tilespmem:s23], [sflag:$0x1] =	stream.indirect.gather [hbm4b:s0+s22], $0x80, s30, s22, $0xb8;
	[tilespmem:$0x1D080] =	vst v63  }
.LBB2_5:
0x59: {  	_ =	swait.ge [sflag:s24], $0x4000  }
0x5a: {  	p1 =	seq.s32 s1, $0x0;
	[sflag:s24] =	ssyncset.done $0x0  }
0x5b: {  	s2 =	simm.s32 @!p1 $0x4;
	[sflag:s24] =	ssyncadd.s32 $0xFFFFC000  }
0x5c: {  	_ =	swait.ge @!p1 [sflag:s2], $0x4000  }
0x5d: {  	s9 =	sshll.u32 s1, $0x8;
	[sflag:s2] =	ssyncset.done @!p1 $0x0  }
0x5e: {  	[sflag:s2] =	ssyncadd.s32 @!p1 $0xFFFFC000;
	s2 =	sor.u32 $0x80, s9;
	s9 =	sshll.u32 s1, $0xA  }
0x5f: {  	s11 =	sshrl.u32 s9, $0x2  }
0x60: {  	s13 =	sadd.s32 $0x1000, s11  }
0x61: {  	v17 =	vmov s13  }
0x62: {  	s12 =	simm.s32 $0x0  }
0x63: {  	[tilespmem:s25], [sflag:$0x2] =	stream.indirect.gather [hbm4b:s0+s22], $0x80, s2, s22, $0xb8;
	[tilespmem:$0x1D080] =	vst v63  }
.LBB2_6:
0x64: {  	s13 =	sshll.u32 s12, $0x4  }
0x65: {  	s13 =	sand.u32 $0x3FFFFFF0, s13  }
0x66: {  	v18 =	vld.idx.msk [tilespmem:v17+s13+$0x0 ss:$0x1], $0xffff;
	s13 =	sshll.u32 s12, $0xB  }
0x67: {  	s13 =	sand.u32 $0x3FFFF800, s13  }
0x68: {  	v19 =	vld [tilespmem:s13+$0x1800]  }
0x69: {  	v20 =	vld [tilespmem:s13+$0x1810]  }
0x6a: {  	v21 =	vld [tilespmem:s13+$0x1820]  }
0x6b: {  	v23 =	vld [tilespmem:s13+$0x1830];
	v22 =	vperm.xlane v18, v1  }
0x6c: {  	v24 =	vld [tilespmem:s13+$0x1840]  }
0x6d: {  	v25 =	vld [tilespmem:s13+$0x1850];
	v19 =	vmul.f32 v19, v22  }
0x6e: {  	v26 =	vld [tilespmem:s13+$0x1860];
	v20 =	vmul.f32 v20, v22  }
0x6f: {  	v43 =	vld [tilespmem:s13+$0x1870];
	[tilespmem:s13+$0x1800] =	vst v19;
	v19 =	vmul.f32 v21, v22  }
0x70: {  	v45 =	vld [tilespmem:s13+$0x1880];
	v44 =	vmul.f32 v23, v22;
	[tilespmem:s13+$0x1810] =	vst v20  }
0x71: {  	v46 =	vld [tilespmem:s13+$0x1890];
	[tilespmem:s13+$0x1820] =	vst v19;
	v19 =	vmul.f32 v24, v22  }
0x72: {  	v48 =	vld [tilespmem:s13+$0x18A0];
	v47 =	vmul.f32 v25, v22;
	[tilespmem:s13+$0x1830] =	vst v44  }
0x73: {  	v27 =	vld [tilespmem:s13+$0x18B0];
	v49 =	vperm.xlane v18, v2;
	[tilespmem:s13+$0x1840] =	vst v19;
	v19 =	vmul.f32 v26, v22  }
0x74: {  	v51 =	vld [tilespmem:s13+$0x18C0];
	v50 =	vmul.f32 v43, v22;
	[tilespmem:s13+$0x1850] =	vst v47  }
0x75: {  	v52 =	vld [tilespmem:s13+$0x18D0];
	[tilespmem:s13+$0x1860] =	vst v19;
	v19 =	vmul.f32 v45, v49  }
0x76: {  	v54 =	vld [tilespmem:s13+$0x18E0];
	v53 =	vmul.f32 v46, v49;
	[tilespmem:s13+$0x1870] =	vst v50  }
0x77: {  	v55 =	vld [tilespmem:s13+$0x18F0];
	[tilespmem:s13+$0x1880] =	vst v19;
	v19 =	vmul.f32 v48, v49  }
0x78: {  	v57 =	vld [tilespmem:s13+$0x1900];
	v56 =	vmul.f32 v27, v49;
	[tilespmem:s13+$0x1890] =	vst v53  }
0x79: {  	v58 =	vld [tilespmem:s13+$0x1910];
	[tilespmem:s13+$0x18A0] =	vst v19;
	v19 =	vmul.f32 v51, v49  }
0x7a: {  	v60 =	vld [tilespmem:s13+$0x1920];
	v59 =	vmul.f32 v52, v49;
	[tilespmem:s13+$0x18B0] =	vst v56  }
0x7b: {  	v62 =	vld [tilespmem:s13+$0x1930];
	v61 =	vperm.xlane v18, v3;
	[tilespmem:s13+$0x18C0] =	vst v19;
	v19 =	vmul.f32 v54, v49  }
0x7c: {  	v28 =	vld [tilespmem:s13+$0x1940];
	v63 =	vmul.f32 v55, v49;
	[tilespmem:s13+$0x18D0] =	vst v59  }
0x7d: {  	v29 =	vld [tilespmem:s13+$0x1950];
	[tilespmem:s13+$0x18E0] =	vst v19;
	v19 =	vmul.f32 v57, v61  }
0x7e: {  	v31 =	vld [tilespmem:s13+$0x1960];
	v30 =	vmul.f32 v58, v61;
	[tilespmem:s13+$0x18F0] =	vst v63  }
0x7f: {  	v32 =	vld [tilespmem:s13+$0x1970];
	[tilespmem:s13+$0x1900] =	vst v19;
	v19 =	vmul.f32 v60, v61  }
0x80: {  	v34 =	vld [tilespmem:s13+$0x1980];
	v33 =	vmul.f32 v62, v61;
	[tilespmem:s13+$0x1910] =	vst v30  }
0x81: {  	v35 =	vld [tilespmem:s13+$0x1990];
	[tilespmem:s13+$0x1920] =	vst v19;
	v19 =	vmul.f32 v28, v61  }
0x82: {  	v37 =	vld [tilespmem:s13+$0x19A0];
	v36 =	vmul.f32 v29, v61;
	[tilespmem:s13+$0x1930] =	vst v33  }
0x83: {  	v39 =	vld [tilespmem:s13+$0x19B0];
	v38 =	vperm.xlane v18, v4;
	[tilespmem:s13+$0x1940] =	vst v19;
	v19 =	vmul.f32 v31, v61  }
0x84: {  	v41 =	vld [tilespmem:s13+$0x19C0];
	v40 =	vmul.f32 v32, v61;
	[tilespmem:s13+$0x1950] =	vst v36  }
0x85: {  	v45 =	vld [tilespmem:s13+$0x19F0];
	[tilespmem:s13+$0x1960] =	vst v19;
	v19 =	vmul.f32 v34, v38  }
0x86: {  	v43 =	vmul.f32 v35, v38;
	[tilespmem:s13+$0x1970] =	vst v40;
	v44 =	vld [tilespmem:s13+$0x19E0]  }
0x87: {  	v42 =	vld [tilespmem:s13+$0x19D0];
	[tilespmem:s13+$0x1980] =	vst v19;
	v19 =	vmul.f32 v37, v38  }
0x88: {  	v46 =	vmul.f32 v39, v38;
	[tilespmem:s13+$0x1990] =	vst v43;
	v47 =	vld [tilespmem:s13+$0x1A00]  }
0x89: {  	v52 =	vld [tilespmem:s13+$0x1A30];
	[tilespmem:s13+$0x19A0] =	vst v19;
	v19 =	vmul.f32 v41, v38  }
0x8a: {  	[tilespmem:s13+$0x19B0] =	vst v46;
	v50 =	vld [tilespmem:s13+$0x1A20];
	v53 =	vmul.f32 v45, v38  }
0x8b: {  	v55 =	vld [tilespmem:s13+$0x1A50];
	v51 =	vperm.xlane v18, v5;
	[tilespmem:s13+$0x19C0] =	vst v19;
	v19 =	vmul.f32 v44, v38  }
0x8c: {  	v49 =	vmul.f32 v42, v38;
	v54 =	vld [tilespmem:s13+$0x1A40];
	[tilespmem:s13+$0x19F0] =	vst v53  }
0x8d: {  	v58 =	vld [tilespmem:s13+$0x1A70];
	[tilespmem:s13+$0x19E0] =	vst v19;
	v19 =	vmul.f32 v47, v51  }
0x8e: {  	v59 =	vmul.f32 v52, v51;
	[tilespmem:s13+$0x19D0] =	vst v49;
	v57 =	vld [tilespmem:s13+$0x1A60]  }
0x8f: {  	v48 =	vld [tilespmem:s13+$0x1A10];
	[tilespmem:s13+$0x1A00] =	vst v19;
	v19 =	vmul.f32 v50, v51  }
0x90: {  	v62 =	vmul.f32 v55, v51;
	[tilespmem:s13+$0x1A30] =	vst v59;
	v60 =	vld [tilespmem:s13+$0x1A80]  }
0x91: {  	v40 =	vld [tilespmem:s13+$0x1B10];
	[tilespmem:s13+$0x1A20] =	vst v19;
	v19 =	vmul.f32 v54, v51  }
0x92: {  	v63 =	vld [tilespmem:s13+$0x1AA0];
	v32 =	vmul.f32 v58, v51;
	[tilespmem:s13+$0x1A50] =	vst v62  }
0x93: {  	v30 =	vperm.xlane v18, v6;
	v61 =	vld [tilespmem:s13+$0x1A90];
	[tilespmem:s13+$0x1A40] =	vst v19;
	v19 =	vmul.f32 v57, v51  }
0x94: {  	v33 =	vld [tilespmem:s13+$0x1AC0];
	v43 =	vperm.xlane v18, v7;
	v56 =	vmul.f32 v48, v51;
	[tilespmem:s13+$0x1A70] =	vst v32  }
0x95: {  	v53 =	vld [tilespmem:s13+$0x1B90];
	[tilespmem:s13+$0x1A60] =	vst v19;
	v19 =	vmul.f32 v60, v30  }
0x96: {  	v36 =	vld [tilespmem:s13+$0x1AE0];
	v48 =	vmul.f32 v40, v43;
	[tilespmem:s13+$0x1A10] =	vst v56  }
0x97: {  	v31 =	vld [tilespmem:s13+$0x1AB0];
	[tilespmem:s13+$0x1A80] =	vst v19;
	v19 =	vmul.f32 v63, v30  }
0x98: {  	v39 =	vld [tilespmem:s13+$0x1B00];
	[tilespmem:s13+$0x1B10] =	vst v48;
	v56 =	vperm.xlane v18, v8;
	v35 =	vmul.f32 v61, v30  }
0x99: {  	v34 =	vld [tilespmem:s13+$0x1AD0];
	[tilespmem:s13+$0x1AA0] =	vst v19;
	v19 =	vmul.f32 v33, v30  }
0x9a: {  	v42 =	vld [tilespmem:s13+$0x1B20];
	v61 =	vmul.f32 v53, v56;
	[tilespmem:s13+$0x1A90] =	vst v35  }
0x9b: {  	v37 =	vld [tilespmem:s13+$0x1AF0];
	[tilespmem:s13+$0x1AC0] =	vst v19;
	v19 =	vmul.f32 v36, v30  }
0x9c: {  	v46 =	vld [tilespmem:s13+$0x1B40];
	[tilespmem:s13+$0x1B90] =	vst v61;
	v38 =	vmul.f32 v31, v30  }
0x9d: {  	v47 =	vld [tilespmem:s13+$0x1B50];
	[tilespmem:s13+$0x1AE0] =	vst v19;
	v19 =	vmul.f32 v39, v43  }
0x9e: {  	v49 =	vld [tilespmem:s13+$0x1B60];
	v41 =	vmul.f32 v34, v30;
	[tilespmem:s13+$0x1AB0] =	vst v38  }
0x9f: {  	v38 =	vld [tilespmem:s13+$0x1C50];
	[tilespmem:s13+$0x1B00] =	vst v19;
	v19 =	vmul.f32 v42, v43  }
0xa0: {  	v52 =	vld [tilespmem:s13+$0x1B80];
	[tilespmem:s13+$0x1AD0] =	vst v41;
	v45 =	vmul.f32 v37, v30  }
0xa1: {  	v44 =	vld [tilespmem:s13+$0x1B30];
	[tilespmem:s13+$0x1B20] =	vst v19;
	v19 =	vmul.f32 v46, v43  }
0xa2: {  	v55 =	vld [tilespmem:s13+$0x1BA0];
	v34 =	vperm.xlane v18, v9;
	[tilespmem:s13+$0x1AF0] =	vst v45;
	v54 =	vmul.f32 v47, v43  }
0xa3: {  	v50 =	vld [tilespmem:s13+$0x1B70];
	[tilespmem:s13+$0x1B40] =	vst v19;
	v19 =	vmul.f32 v49, v43  }
0xa4: {  	v59 =	vld [tilespmem:s13+$0x1BC0];
	v45 =	vmul.f32 v38, v34;
	[tilespmem:s13+$0x1B50] =	vst v54  }
0xa5: {  	v57 =	vld [tilespmem:s13+$0x1BB0];
	[tilespmem:s13+$0x1B60] =	vst v19;
	v19 =	vmul.f32 v52, v56  }
0xa6: {  	v62 =	vld [tilespmem:s13+$0x1BE0];
	v51 =	vmul.f32 v44, v43;
	[tilespmem:s13+$0x1C50] =	vst v45  }
0xa7: {  	v60 =	vld [tilespmem:s13+$0x1BD0];
	[tilespmem:s13+$0x1B80] =	vst v19;
	v19 =	vmul.f32 v55, v56  }
0xa8: {  	v58 =	vmul.f32 v50, v43;
	[tilespmem:s13+$0x1B30] =	vst v51;
	v30 =	vld [tilespmem:s13+$0x1C00]  }
0xa9: {  	v51 =	vld [tilespmem:s13+$0x1CD0];
	[tilespmem:s13+$0x1BA0] =	vst v19;
	v19 =	vmul.f32 v59, v56  }
0xaa: {  	[tilespmem:s13+$0x1B70] =	vst v58;
	v29 =	vmul.f32 v57, v56;
	v33 =	vld [tilespmem:s13+$0x1C20]  }
0xab: {  	v63 =	vld [tilespmem:s13+$0x1BF0];
	[tilespmem:s13+$0x1BC0] =	vst v19;
	v19 =	vmul.f32 v62, v56  }
0xac: {  	v37 =	vld [tilespmem:s13+$0x1C40];
	v47 =	vperm.xlane v18, v10;
	[tilespmem:s13+$0x1BB0] =	vst v29;
	v32 =	vmul.f32 v60, v56  }
0xad: {  	v61 =	vld [tilespmem:s13+$0x1D30];
	[tilespmem:s13+$0x1BE0] =	vst v19;
	v19 =	vmul.f32 v30, v34  }
0xae: {  	v40 =	vld [tilespmem:s13+$0x1C60];
	v58 =	vmul.f32 v51, v47;
	[tilespmem:s13+$0x1BD0] =	vst v32  }
0xaf: {  	v31 =	vld [tilespmem:s13+$0x1C10];
	[tilespmem:s13+$0x1C00] =	vst v19;
	v19 =	vmul.f32 v33, v34  }
0xb0: {  	v60 =	vperm.xlane v18, v11;
	v36 =	vmul.f32 v63, v56;
	[tilespmem:s13+$0x1CD0] =	vst v58;
	v43 =	vld [tilespmem:s13+$0x1C80]  }
0xb1: {  	v57 =	vld [tilespmem:s13+$0x1D10];
	[tilespmem:s13+$0x1C20] =	vst v19;
	v19 =	vmul.f32 v37, v34  }
0xb2: {  	v32 =	vmul.f32 v61, v60;
	[tilespmem:s13+$0x1BF0] =	vst v36;
	v46 =	vld [tilespmem:s13+$0x1CA0]  }
0xb3: {  	v35 =	vld [tilespmem:s13+$0x1C30];
	[tilespmem:s13+$0x1C40] =	vst v19;
	v19 =	vmul.f32 v40, v34  }
0xb4: {  	v50 =	vld [tilespmem:s13+$0x1CC0];
	v39 =	vmul.f32 v31, v34;
	[tilespmem:s13+$0x1D30] =	vst v32  }
0xb5: {  	v28 =	vld [tilespmem:s13+$0x1D50];
	[tilespmem:s13+$0x1C60] =	vst v19;
	v19 =	vmul.f32 v43, v47  }
0xb6: {  	v53 =	vld [tilespmem:s13+$0x1CE0];
	v29 =	vmul.f32 v57, v60;
	[tilespmem:s13+$0x1C10] =	vst v39  }
0xb7: {  	v31 =	vld [tilespmem:s13+$0x1D70];
	[tilespmem:s13+$0x1C80] =	vst v19;
	v19 =	vmul.f32 v46, v47  }
0xb8: {  	v42 =	vmul.f32 v35, v34;
	[tilespmem:s13+$0x1D10] =	vst v29;
	v56 =	vld [tilespmem:s13+$0x1D00]  }
0xb9: {  	v41 =	vld [tilespmem:s13+$0x1C70];
	[tilespmem:s13+$0x1CA0] =	vst v19;
	v19 =	vmul.f32 v50, v47  }
0xba: {  	v35 =	vmul.f32 v28, v60;
	[tilespmem:s13+$0x1C30] =	vst v42;
	v59 =	vld [tilespmem:s13+$0x1D20]  }
0xbb: {  	v44 =	vld [tilespmem:s13+$0x1C90];
	[tilespmem:s13+$0x1CC0] =	vst v19;
	v19 =	vmul.f32 v53, v47  }
0xbc: {  	v63 =	vld [tilespmem:s13+$0x1D40];
	[tilespmem:s13+$0x1D50] =	vst v35;
	v39 =	vmul.f32 v31, v60  }
0xbd: {  	v48 =	vld [tilespmem:s13+$0x1CB0];
	[tilespmem:s13+$0x1CE0] =	vst v19;
	v19 =	vmul.f32 v56, v60  }
0xbe: {  	v49 =	vmul.f32 v41, v34;
	[tilespmem:s13+$0x1D70] =	vst v39;
	v30 =	vld [tilespmem:s13+$0x1D60]  }
0xbf: {  	v54 =	vld [tilespmem:s13+$0x1CF0];
	[tilespmem:s13+$0x1D00] =	vst v19;
	v19 =	vmul.f32 v59, v60  }
0xc0: {  	[tilespmem:s13+$0x1C70] =	vst v49;
	v52 =	vmul.f32 v44, v47;
	v33 =	vld [tilespmem:s13+$0x1D80]  }
0xc1: {  	v38 =	vld [tilespmem:s13+$0x1DB0];
	[tilespmem:s13+$0x1D20] =	vst v19;
	v19 =	vmul.f32 v63, v60  }
0xc2: {  	v36 =	vld [tilespmem:s13+$0x1DA0];
	[tilespmem:s13+$0x1C90] =	vst v52;
	v55 =	vmul.f32 v48, v47  }
0xc3: {  	v41 =	vld [tilespmem:s13+$0x1DD0];
	v37 =	vperm.xlane v18, v12;
	[tilespmem:s13+$0x1D40] =	vst v19;
	v19 =	vmul.f32 v30, v60  }
0xc4: {  	[tilespmem:s13+$0x1CB0] =	vst v55;
	v62 =	vmul.f32 v54, v47;
	v40 =	vld [tilespmem:s13+$0x1DC0]  }
0xc5: {  	v44 =	vld [tilespmem:s13+$0x1DF0];
	[tilespmem:s13+$0x1D60] =	vst v19;
	v19 =	vmul.f32 v33, v37  }
0xc6: {  	[tilespmem:s13+$0x1CF0] =	vst v62;
	v45 =	vmul.f32 v38, v37;
	v43 =	vld [tilespmem:s13+$0x1DE0]  }
0xc7: {  	v34 =	vld [tilespmem:s13+$0x1D90];
	[tilespmem:s13+$0x1D80] =	vst v19;
	v19 =	vmul.f32 v36, v37  }
0xc8: {  	v48 =	vmul.f32 v41, v37;
	[tilespmem:s13+$0x1DB0] =	vst v45;
	v46 =	vld [tilespmem:s13+$0x1E00]  }
0xc9: {  	v51 =	vld [tilespmem:s13+$0x1E30];
	[tilespmem:s13+$0x1DA0] =	vst v19;
	v19 =	vmul.f32 v40, v37  }
0xca: {  	v49 =	vld [tilespmem:s13+$0x1E20];
	v52 =	vmul.f32 v44, v37;
	[tilespmem:s13+$0x1DD0] =	vst v48  }
0xcb: {  	v54 =	vld [tilespmem:s13+$0x1E50];
	v50 =	vperm.xlane v18, v13;
	[tilespmem:s13+$0x1DC0] =	vst v19;
	v19 =	vmul.f32 v43, v37  }
0xcc: {  	[tilespmem:s13+$0x1DF0] =	vst v52;
	v42 =	vmul.f32 v34, v37;
	v53 =	vld [tilespmem:s13+$0x1E40]  }
0xcd: {  	v57 =	vld [tilespmem:s13+$0x1E70];
	[tilespmem:s13+$0x1DE0] =	vst v19;
	v19 =	vmul.f32 v46, v50  }
0xce: {  	[tilespmem:s13+$0x1D90] =	vst v42;
	v58 =	vmul.f32 v51, v50;
	v56 =	vld [tilespmem:s13+$0x1E60]  }
0xcf: {  	v47 =	vld [tilespmem:s13+$0x1E10];
	[tilespmem:s13+$0x1E00] =	vst v19;
	v19 =	vmul.f32 v49, v50  }
0xd0: {  	v61 =	vmul.f32 v54, v50;
	[tilespmem:s13+$0x1E30] =	vst v58;
	v59 =	vld [tilespmem:s13+$0x1E80]  }
0xd1: {  	v39 =	vld [tilespmem:s13+$0x1F10];
	[tilespmem:s13+$0x1E20] =	vst v19;
	v19 =	vmul.f32 v53, v50  }
0xd2: {  	v62 =	vld [tilespmem:s13+$0x1EA0];
	v31 =	vmul.f32 v57, v50;
	[tilespmem:s13+$0x1E50] =	vst v61  }
0xd3: {  	v63 =	vperm.xlane v18, v14;
	v60 =	vld [tilespmem:s13+$0x1E90];
	[tilespmem:s13+$0x1E40] =	vst v19;
	v19 =	vmul.f32 v56, v50  }
0xd4: {  	v32 =	vld [tilespmem:s13+$0x1EC0];
	v42 =	vperm.xlane v18, v15;
	[tilespmem:s13+$0x1E70] =	vst v31;
	v55 =	vmul.f32 v47, v50  }
0xd5: {  	v33 =	vld [tilespmem:s13+$0x1ED0];
	[tilespmem:s13+$0x1E60] =	vst v19;
	v19 =	vmul.f32 v59, v63  }
0xd6: {  	v35 =	vld [tilespmem:s13+$0x1EE0];
	v47 =	vmul.f32 v39, v42;
	[tilespmem:s13+$0x1E10] =	vst v55  }
0xd7: {  	v30 =	vld [tilespmem:s13+$0x1EB0];
	[tilespmem:s13+$0x1E80] =	vst v19;
	v19 =	vmul.f32 v62, v63  }
0xd8: {  	v38 =	vld [tilespmem:s13+$0x1F00];
	[tilespmem:s13+$0x1F10] =	vst v47;
	v34 =	vmul.f32 v60, v63  }
0xd9: {  	v36 =	vld [tilespmem:s13+$0x1EF0];
	[tilespmem:s13+$0x1EA0] =	vst v19;
	v19 =	vmul.f32 v32, v63  }
0xda: {  	v41 =	vld [tilespmem:s13+$0x1F20];
	[tilespmem:s13+$0x1E90] =	vst v34;
	v40 =	vmul.f32 v33, v63  }
0xdb: {  	v46 =	vld [tilespmem:s13+$0x1F50];
	[tilespmem:s13+$0x1EC0] =	vst v19;
	v19 =	vmul.f32 v35, v63  }
0xdc: {  	v45 =	vld [tilespmem:s13+$0x1F40];
	v37 =	vmul.f32 v30, v63;
	[tilespmem:s13+$0x1ED0] =	vst v40  }
0xdd: {  	v43 =	vld [tilespmem:s13+$0x1F30];
	[tilespmem:s13+$0x1EE0] =	vst v19;
	v19 =	vmul.f32 v38, v42  }
0xde: {  	v48 =	vld [tilespmem:s13+$0x1F60];
	v44 =	vmul.f32 v36, v63;
	[tilespmem:s13+$0x1EB0] =	vst v37  }
0xdf: {  	v49 =	vld [tilespmem:s13+$0x1F70];
	[tilespmem:s13+$0x1F00] =	vst v19;
	v19 =	vmul.f32 v41, v42  }
0xe0: {  	v51 =	vld [tilespmem:s13+$0x1F80];
	[tilespmem:s13+$0x1EF0] =	vst v44;
	v53 =	vmul.f32 v46, v42  }
0xe1: {  	v52 =	vld [tilespmem:s13+$0x1F90];
	[tilespmem:s13+$0x1F20] =	vst v19;
	v19 =	vmul.f32 v45, v42  }
0xe2: {  	v54 =	vld [tilespmem:s13+$0x1FA0];
	v50 =	vmul.f32 v43, v42;
	[tilespmem:s13+$0x1F50] =	vst v53  }
0xe3: {  	v18 =	vperm.xlane v18, v16;
	v55 =	vld [tilespmem:s13+$0x1FB0];
	[tilespmem:s13+$0x1F40] =	vst v19;
	v19 =	vmul.f32 v48, v42  }
0xe4: {  	v57 =	vld [tilespmem:s13+$0x1FC0];
	v56 =	vmul.f32 v49, v42;
	[tilespmem:s13+$0x1F30] =	vst v50  }
0xe5: {  	v58 =	vld [tilespmem:s13+$0x1FD0];
	[tilespmem:s13+$0x1F60] =	vst v19;
	v19 =	vmul.f32 v51, v18  }
0xe6: {  	v60 =	vld [tilespmem:s13+$0x1FE0];
	v59 =	vmul.f32 v52, v18;
	[tilespmem:s13+$0x1F70] =	vst v56  }
0xe7: {  	v61 =	vld [tilespmem:s13+$0x1FF0];
	[tilespmem:s13+$0x1F80] =	vst v19;
	v19 =	vmul.f32 v54, v18  }
0xe8: {  	[tilespmem:s13+$0x1F90] =	vst v59;
	v62 =	vmul.f32 v55, v18  }
0xe9: {  	p1 =	sne.s32 s12, $0x7;
	[tilespmem:s13+$0x1FA0] =	vst v19;
	v19 =	vmul.f32 v57, v18  }
.Ltmp1:
0xea: {  	[tilespmem:s13+$0x1FB0] =	vst v62;
	v63 =	vmul.f32 v58, v18;
	(pc) =	sbr.rel @p1 .LBB2_6-.Ltmp1, $4  }
0xeb: {  	[tilespmem:s13+$0x1FC0] =	vst v19;
	v19 =	vmul.f32 v60, v18  }
0xec: {  	[tilespmem:s13+$0x1FD0] =	vst v63;
	v18 =	vmul.f32 v61, v18  }
0xed: {  	[tilespmem:s13+$0x1FE0] =	vst v19  }
0xee: {  	s12 =	sadd.s32 $0x1, s12;
	[tilespmem:s13+$0x1FF0] =	vst v18  }
0xef: {  	s11 =	sadd.s32 $0x800, s11  }
0xf0: {  	[spmem:s4] =	stream.indirect.scatter.add.f32 [tilespmem:s23], [sflag:$0x3], $0x80, s11, s22, $0xb8;
	[tilespmem:$0x1D080] =	vst v63  }
0xf1: {  	_ =	swait.ge [sflag:s26], $0x4000  }
0xf2: {  	[sflag:s26] =	ssyncset.done $0x0  }
0xf3: {  	[sflag:s26] =	ssyncadd.s32 $0xFFFFC000  }
0xf4: {  	p1 =	seq.s32 s1, $0x7;
	s13 =	sadd.s32 $0x1000, s2;
	_ =	swait.ge [sflag:s28], $0x4000  }
0xf5: {  	s9 =	sshrl.u32 @!p1 s9, $0x2;
	s11 =	simm.s32 @!p1 $0x80;
	[sflag:s28] =	ssyncset.done $0x0  }
0xf6: {  	s12 =	simm.s32 @!p1 $0x1800;
	v17 =	vmov s13;
	s9 =	sadd.s32 @!p1 $0x100, s9;
	[sflag:s28] =	ssyncadd.s32 $0xFFFFC000  }
0xf7: {  	[tilespmem:s12], [sflag:$0x1] =	stream.indirect.gather @!p1 [hbm4b:s0+s11], $0x80, s9, s11, $0xb8;
	[tilespmem:$0x1D080] =	vst v63  }
0xf8: {  	s9 =	simm.s32 $0x0  }
.LBB2_8:
0xf9: {  	s11 =	sshll.u32 s9, $0x4  }
0xfa: {  	s11 =	sand.u32 $0x3FFFFFF0, s11  }
0xfb: {  	s13 =	sshll.u32 s9, $0xB;
	v18 =	vld.idx.msk [tilespmem:v17+s11+$0x0 ss:$0x1], $0xffff  }
0xfc: {  	s11 =	sand.u32 $0x3FFFF800, s13  }
0xfd: {  	v19 =	vld [tilespmem:s11+$0x5800]  }
0xfe: {  	v20 =	vld [tilespmem:s11+$0x5810]  }
0xff: {  	v21 =	vld [tilespmem:s11+$0x5820]  }
0x100: {  	v23 =	vld [tilespmem:s11+$0x5830];
	v22 =	vperm.xlane v18, v1  }
0x101: {  	v24 =	vld [tilespmem:s11+$0x5840]  }
0x102: {  	v25 =	vld [tilespmem:s11+$0x5850];
	v19 =	vmul.f32 v19, v22  }
0x103: {  	v26 =	vld [tilespmem:s11+$0x5860];
	v20 =	vmul.f32 v20, v22  }
0x104: {  	v43 =	vld [tilespmem:s11+$0x5870];
	[tilespmem:s11+$0x5800] =	vst v19;
	v19 =	vmul.f32 v21, v22  }
0x105: {  	v45 =	vld [tilespmem:s11+$0x5880];
	v44 =	vmul.f32 v23, v22;
	[tilespmem:s11+$0x5810] =	vst v20  }
0x106: {  	v46 =	vld [tilespmem:s11+$0x5890];
	[tilespmem:s11+$0x5820] =	vst v19;
	v19 =	vmul.f32 v24, v22  }
0x107: {  	v48 =	vld [tilespmem:s11+$0x58A0];
	v47 =	vmul.f32 v25, v22;
	[tilespmem:s11+$0x5830] =	vst v44  }
0x108: {  	v27 =	vld [tilespmem:s11+$0x58B0];
	v49 =	vperm.xlane v18, v2;
	[tilespmem:s11+$0x5840] =	vst v19;
	v19 =	vmul.f32 v26, v22  }
0x109: {  	v51 =	vld [tilespmem:s11+$0x58C0];
	v50 =	vmul.f32 v43, v22;
	[tilespmem:s11+$0x5850] =	vst v47  }
0x10a: {  	v52 =	vld [tilespmem:s11+$0x58D0];
	[tilespmem:s11+$0x5860] =	vst v19;
	v19 =	vmul.f32 v45, v49  }
0x10b: {  	v54 =	vld [tilespmem:s11+$0x58E0];
	v53 =	vmul.f32 v46, v49;
	[tilespmem:s11+$0x5870] =	vst v50  }
0x10c: {  	v55 =	vld [tilespmem:s11+$0x58F0];
	[tilespmem:s11+$0x5880] =	vst v19;
	v19 =	vmul.f32 v48, v49  }
0x10d: {  	v57 =	vld [tilespmem:s11+$0x5900];
	v56 =	vmul.f32 v27, v49;
	[tilespmem:s11+$0x5890] =	vst v53  }
0x10e: {  	v58 =	vld [tilespmem:s11+$0x5910];
	[tilespmem:s11+$0x58A0] =	vst v19;
	v19 =	vmul.f32 v51, v49  }
0x10f: {  	v60 =	vld [tilespmem:s11+$0x5920];
	v59 =	vmul.f32 v52, v49;
	[tilespmem:s11+$0x58B0] =	vst v56  }
0x110: {  	v62 =	vld [tilespmem:s11+$0x5930];
	v61 =	vperm.xlane v18, v3;
	[tilespmem:s11+$0x58C0] =	vst v19;
	v19 =	vmul.f32 v54, v49  }
0x111: {  	v28 =	vld [tilespmem:s11+$0x5940];
	v63 =	vmul.f32 v55, v49;
	[tilespmem:s11+$0x58D0] =	vst v59  }
0x112: {  	v29 =	vld [tilespmem:s11+$0x5950];
	[tilespmem:s11+$0x58E0] =	vst v19;
	v19 =	vmul.f32 v57, v61  }
0x113: {  	v31 =	vld [tilespmem:s11+$0x5960];
	v30 =	vmul.f32 v58, v61;
	[tilespmem:s11+$0x58F0] =	vst v63  }
0x114: {  	v32 =	vld [tilespmem:s11+$0x5970];
	[tilespmem:s11+$0x5900] =	vst v19;
	v19 =	vmul.f32 v60, v61  }
0x115: {  	v34 =	vld [tilespmem:s11+$0x5980];
	v33 =	vmul.f32 v62, v61;
	[tilespmem:s11+$0x5910] =	vst v30  }
0x116: {  	v35 =	vld [tilespmem:s11+$0x5990];
	[tilespmem:s11+$0x5920] =	vst v19;
	v19 =	vmul.f32 v28, v61  }
0x117: {  	v37 =	vld [tilespmem:s11+$0x59A0];
	v36 =	vmul.f32 v29, v61;
	[tilespmem:s11+$0x5930] =	vst v33  }
0x118: {  	v39 =	vld [tilespmem:s11+$0x59B0];
	v38 =	vperm.xlane v18, v4;
	[tilespmem:s11+$0x5940] =	vst v19;
	v19 =	vmul.f32 v31, v61  }
0x119: {  	v41 =	vld [tilespmem:s11+$0x59C0];
	v40 =	vmul.f32 v32, v61;
	[tilespmem:s11+$0x5950] =	vst v36  }
0x11a: {  	v45 =	vld [tilespmem:s11+$0x59F0];
	[tilespmem:s11+$0x5960] =	vst v19;
	v19 =	vmul.f32 v34, v38  }
0x11b: {  	v43 =	vmul.f32 v35, v38;
	[tilespmem:s11+$0x5970] =	vst v40;
	v44 =	vld [tilespmem:s11+$0x59E0]  }
0x11c: {  	v42 =	vld [tilespmem:s11+$0x59D0];
	[tilespmem:s11+$0x5980] =	vst v19;
	v19 =	vmul.f32 v37, v38  }
0x11d: {  	v46 =	vmul.f32 v39, v38;
	[tilespmem:s11+$0x5990] =	vst v43;
	v47 =	vld [tilespmem:s11+$0x5A00]  }
0x11e: {  	v52 =	vld [tilespmem:s11+$0x5A30];
	[tilespmem:s11+$0x59A0] =	vst v19;
	v19 =	vmul.f32 v41, v38  }
0x11f: {  	[tilespmem:s11+$0x59B0] =	vst v46;
	v50 =	vld [tilespmem:s11+$0x5A20];
	v53 =	vmul.f32 v45, v38  }
0x120: {  	v55 =	vld [tilespmem:s11+$0x5A50];
	v51 =	vperm.xlane v18, v5;
	[tilespmem:s11+$0x59C0] =	vst v19;
	v19 =	vmul.f32 v44, v38  }
0x121: {  	v49 =	vmul.f32 v42, v38;
	v54 =	vld [tilespmem:s11+$0x5A40];
	[tilespmem:s11+$0x59F0] =	vst v53  }
0x122: {  	v58 =	vld [tilespmem:s11+$0x5A70];
	[tilespmem:s11+$0x59E0] =	vst v19;
	v19 =	vmul.f32 v47, v51  }
0x123: {  	v59 =	vmul.f32 v52, v51;
	[tilespmem:s11+$0x59D0] =	vst v49;
	v57 =	vld [tilespmem:s11+$0x5A60]  }
0x124: {  	v48 =	vld [tilespmem:s11+$0x5A10];
	[tilespmem:s11+$0x5A00] =	vst v19;
	v19 =	vmul.f32 v50, v51  }
0x125: {  	v62 =	vmul.f32 v55, v51;
	[tilespmem:s11+$0x5A30] =	vst v59;
	v60 =	vld [tilespmem:s11+$0x5A80]  }
0x126: {  	v40 =	vld [tilespmem:s11+$0x5B10];
	[tilespmem:s11+$0x5A20] =	vst v19;
	v19 =	vmul.f32 v54, v51  }
0x127: {  	v63 =	vld [tilespmem:s11+$0x5AA0];
	v32 =	vmul.f32 v58, v51;
	[tilespmem:s11+$0x5A50] =	vst v62  }
0x128: {  	v30 =	vperm.xlane v18, v6;
	v61 =	vld [tilespmem:s11+$0x5A90];
	[tilespmem:s11+$0x5A40] =	vst v19;
	v19 =	vmul.f32 v57, v51  }
0x129: {  	v33 =	vld [tilespmem:s11+$0x5AC0];
	v43 =	vperm.xlane v18, v7;
	v56 =	vmul.f32 v48, v51;
	[tilespmem:s11+$0x5A70] =	vst v32  }
0x12a: {  	v53 =	vld [tilespmem:s11+$0x5B90];
	[tilespmem:s11+$0x5A60] =	vst v19;
	v19 =	vmul.f32 v60, v30  }
0x12b: {  	v36 =	vld [tilespmem:s11+$0x5AE0];
	v48 =	vmul.f32 v40, v43;
	[tilespmem:s11+$0x5A10] =	vst v56  }
0x12c: {  	v31 =	vld [tilespmem:s11+$0x5AB0];
	[tilespmem:s11+$0x5A80] =	vst v19;
	v19 =	vmul.f32 v63, v30  }
0x12d: {  	v39 =	vld [tilespmem:s11+$0x5B00];
	[tilespmem:s11+$0x5B10] =	vst v48;
	v56 =	vperm.xlane v18, v8;
	v35 =	vmul.f32 v61, v30  }
0x12e: {  	v34 =	vld [tilespmem:s11+$0x5AD0];
	[tilespmem:s11+$0x5AA0] =	vst v19;
	v19 =	vmul.f32 v33, v30  }
0x12f: {  	v42 =	vld [tilespmem:s11+$0x5B20];
	v61 =	vmul.f32 v53, v56;
	[tilespmem:s11+$0x5A90] =	vst v35  }
0x130: {  	v37 =	vld [tilespmem:s11+$0x5AF0];
	[tilespmem:s11+$0x5AC0] =	vst v19;
	v19 =	vmul.f32 v36, v30  }
0x131: {  	v46 =	vld [tilespmem:s11+$0x5B40];
	[tilespmem:s11+$0x5B90] =	vst v61;
	v38 =	vmul.f32 v31, v30  }
0x132: {  	v47 =	vld [tilespmem:s11+$0x5B50];
	[tilespmem:s11+$0x5AE0] =	vst v19;
	v19 =	vmul.f32 v39, v43  }
0x133: {  	v49 =	vld [tilespmem:s11+$0x5B60];
	v41 =	vmul.f32 v34, v30;
	[tilespmem:s11+$0x5AB0] =	vst v38  }
0x134: {  	v38 =	vld [tilespmem:s11+$0x5C50];
	[tilespmem:s11+$0x5B00] =	vst v19;
	v19 =	vmul.f32 v42, v43  }
0x135: {  	v52 =	vld [tilespmem:s11+$0x5B80];
	[tilespmem:s11+$0x5AD0] =	vst v41;
	v45 =	vmul.f32 v37, v30  }
0x136: {  	v44 =	vld [tilespmem:s11+$0x5B30];
	[tilespmem:s11+$0x5B20] =	vst v19;
	v19 =	vmul.f32 v46, v43  }
0x137: {  	v55 =	vld [tilespmem:s11+$0x5BA0];
	v34 =	vperm.xlane v18, v9;
	[tilespmem:s11+$0x5AF0] =	vst v45;
	v54 =	vmul.f32 v47, v43  }
0x138: {  	v50 =	vld [tilespmem:s11+$0x5B70];
	[tilespmem:s11+$0x5B40] =	vst v19;
	v19 =	vmul.f32 v49, v43  }
0x139: {  	v59 =	vld [tilespmem:s11+$0x5BC0];
	v45 =	vmul.f32 v38, v34;
	[tilespmem:s11+$0x5B50] =	vst v54  }
0x13a: {  	v57 =	vld [tilespmem:s11+$0x5BB0];
	[tilespmem:s11+$0x5B60] =	vst v19;
	v19 =	vmul.f32 v52, v56  }
0x13b: {  	v62 =	vld [tilespmem:s11+$0x5BE0];
	v51 =	vmul.f32 v44, v43;
	[tilespmem:s11+$0x5C50] =	vst v45  }
0x13c: {  	v60 =	vld [tilespmem:s11+$0x5BD0];
	[tilespmem:s11+$0x5B80] =	vst v19;
	v19 =	vmul.f32 v55, v56  }
0x13d: {  	v58 =	vmul.f32 v50, v43;
	[tilespmem:s11+$0x5B30] =	vst v51;
	v30 =	vld [tilespmem:s11+$0x5C00]  }
0x13e: {  	v51 =	vld [tilespmem:s11+$0x5CD0];
	[tilespmem:s11+$0x5BA0] =	vst v19;
	v19 =	vmul.f32 v59, v56  }
0x13f: {  	[tilespmem:s11+$0x5B70] =	vst v58;
	v29 =	vmul.f32 v57, v56;
	v33 =	vld [tilespmem:s11+$0x5C20]  }
0x140: {  	v63 =	vld [tilespmem:s11+$0x5BF0];
	[tilespmem:s11+$0x5BC0] =	vst v19;
	v19 =	vmul.f32 v62, v56  }
0x141: {  	v37 =	vld [tilespmem:s11+$0x5C40];
	v47 =	vperm.xlane v18, v10;
	[tilespmem:s11+$0x5BB0] =	vst v29;
	v32 =	vmul.f32 v60, v56  }
0x142: {  	v61 =	vld [tilespmem:s11+$0x5D30];
	[tilespmem:s11+$0x5BE0] =	vst v19;
	v19 =	vmul.f32 v30, v34  }
0x143: {  	v40 =	vld [tilespmem:s11+$0x5C60];
	v58 =	vmul.f32 v51, v47;
	[tilespmem:s11+$0x5BD0] =	vst v32  }
0x144: {  	v31 =	vld [tilespmem:s11+$0x5C10];
	[tilespmem:s11+$0x5C00] =	vst v19;
	v19 =	vmul.f32 v33, v34  }
0x145: {  	v60 =	vperm.xlane v18, v11;
	v36 =	vmul.f32 v63, v56;
	[tilespmem:s11+$0x5CD0] =	vst v58;
	v43 =	vld [tilespmem:s11+$0x5C80]  }
0x146: {  	v57 =	vld [tilespmem:s11+$0x5D10];
	[tilespmem:s11+$0x5C20] =	vst v19;
	v19 =	vmul.f32 v37, v34  }
0x147: {  	v32 =	vmul.f32 v61, v60;
	[tilespmem:s11+$0x5BF0] =	vst v36;
	v46 =	vld [tilespmem:s11+$0x5CA0]  }
0x148: {  	v35 =	vld [tilespmem:s11+$0x5C30];
	[tilespmem:s11+$0x5C40] =	vst v19;
	v19 =	vmul.f32 v40, v34  }
0x149: {  	v50 =	vld [tilespmem:s11+$0x5CC0];
	v39 =	vmul.f32 v31, v34;
	[tilespmem:s11+$0x5D30] =	vst v32  }
0x14a: {  	v28 =	vld [tilespmem:s11+$0x5D50];
	[tilespmem:s11+$0x5C60] =	vst v19;
	v19 =	vmul.f32 v43, v47  }
0x14b: {  	v53 =	vld [tilespmem:s11+$0x5CE0];
	v29 =	vmul.f32 v57, v60;
	[tilespmem:s11+$0x5C10] =	vst v39  }
0x14c: {  	v31 =	vld [tilespmem:s11+$0x5D70];
	[tilespmem:s11+$0x5C80] =	vst v19;
	v19 =	vmul.f32 v46, v47  }
0x14d: {  	v42 =	vmul.f32 v35, v34;
	[tilespmem:s11+$0x5D10] =	vst v29;
	v56 =	vld [tilespmem:s11+$0x5D00]  }
0x14e: {  	v41 =	vld [tilespmem:s11+$0x5C70];
	[tilespmem:s11+$0x5CA0] =	vst v19;
	v19 =	vmul.f32 v50, v47  }
0x14f: {  	v35 =	vmul.f32 v28, v60;
	[tilespmem:s11+$0x5C30] =	vst v42;
	v59 =	vld [tilespmem:s11+$0x5D20]  }
0x150: {  	v44 =	vld [tilespmem:s11+$0x5C90];
	[tilespmem:s11+$0x5CC0] =	vst v19;
	v19 =	vmul.f32 v53, v47  }
0x151: {  	v63 =	vld [tilespmem:s11+$0x5D40];
	[tilespmem:s11+$0x5D50] =	vst v35;
	v39 =	vmul.f32 v31, v60  }
0x152: {  	v48 =	vld [tilespmem:s11+$0x5CB0];
	[tilespmem:s11+$0x5CE0] =	vst v19;
	v19 =	vmul.f32 v56, v60  }
0x153: {  	v49 =	vmul.f32 v41, v34;
	[tilespmem:s11+$0x5D70] =	vst v39;
	v30 =	vld [tilespmem:s11+$0x5D60]  }
0x154: {  	v54 =	vld [tilespmem:s11+$0x5CF0];
	[tilespmem:s11+$0x5D00] =	vst v19;
	v19 =	vmul.f32 v59, v60  }
0x155: {  	[tilespmem:s11+$0x5C70] =	vst v49;
	v52 =	vmul.f32 v44, v47;
	v33 =	vld [tilespmem:s11+$0x5D80]  }
0x156: {  	v38 =	vld [tilespmem:s11+$0x5DB0];
	[tilespmem:s11+$0x5D20] =	vst v19;
	v19 =	vmul.f32 v63, v60  }
0x157: {  	v36 =	vld [tilespmem:s11+$0x5DA0];
	[tilespmem:s11+$0x5C90] =	vst v52;
	v55 =	vmul.f32 v48, v47  }
0x158: {  	v41 =	vld [tilespmem:s11+$0x5DD0];
	v37 =	vperm.xlane v18, v12;
	[tilespmem:s11+$0x5D40] =	vst v19;
	v19 =	vmul.f32 v30, v60  }
0x159: {  	[tilespmem:s11+$0x5CB0] =	vst v55;
	v62 =	vmul.f32 v54, v47;
	v40 =	vld [tilespmem:s11+$0x5DC0]  }
0x15a: {  	v44 =	vld [tilespmem:s11+$0x5DF0];
	[tilespmem:s11+$0x5D60] =	vst v19;
	v19 =	vmul.f32 v33, v37  }
0x15b: {  	[tilespmem:s11+$0x5CF0] =	vst v62;
	v45 =	vmul.f32 v38, v37;
	v43 =	vld [tilespmem:s11+$0x5DE0]  }
0x15c: {  	v34 =	vld [tilespmem:s11+$0x5D90];
	[tilespmem:s11+$0x5D80] =	vst v19;
	v19 =	vmul.f32 v36, v37  }
0x15d: {  	v48 =	vmul.f32 v41, v37;
	[tilespmem:s11+$0x5DB0] =	vst v45;
	v46 =	vld [tilespmem:s11+$0x5E00]  }
0x15e: {  	v51 =	vld [tilespmem:s11+$0x5E30];
	[tilespmem:s11+$0x5DA0] =	vst v19;
	v19 =	vmul.f32 v40, v37  }
0x15f: {  	v49 =	vld [tilespmem:s11+$0x5E20];
	v52 =	vmul.f32 v44, v37;
	[tilespmem:s11+$0x5DD0] =	vst v48  }
0x160: {  	v54 =	vld [tilespmem:s11+$0x5E50];
	v50 =	vperm.xlane v18, v13;
	[tilespmem:s11+$0x5DC0] =	vst v19;
	v19 =	vmul.f32 v43, v37  }
0x161: {  	[tilespmem:s11+$0x5DF0] =	vst v52;
	v42 =	vmul.f32 v34, v37;
	v53 =	vld [tilespmem:s11+$0x5E40]  }
0x162: {  	v57 =	vld [tilespmem:s11+$0x5E70];
	[tilespmem:s11+$0x5DE0] =	vst v19;
	v19 =	vmul.f32 v46, v50  }
0x163: {  	[tilespmem:s11+$0x5D90] =	vst v42;
	v58 =	vmul.f32 v51, v50;
	v56 =	vld [tilespmem:s11+$0x5E60]  }
0x164: {  	v47 =	vld [tilespmem:s11+$0x5E10];
	[tilespmem:s11+$0x5E00] =	vst v19;
	v19 =	vmul.f32 v49, v50  }
0x165: {  	v61 =	vmul.f32 v54, v50;
	[tilespmem:s11+$0x5E30] =	vst v58;
	v59 =	vld [tilespmem:s11+$0x5E80]  }
0x166: {  	v39 =	vld [tilespmem:s11+$0x5F10];
	[tilespmem:s11+$0x5E20] =	vst v19;
	v19 =	vmul.f32 v53, v50  }
0x167: {  	v62 =	vld [tilespmem:s11+$0x5EA0];
	v31 =	vmul.f32 v57, v50;
	[tilespmem:s11+$0x5E50] =	vst v61  }
0x168: {  	v63 =	vperm.xlane v18, v14;
	v60 =	vld [tilespmem:s11+$0x5E90];
	[tilespmem:s11+$0x5E40] =	vst v19;
	v19 =	vmul.f32 v56, v50  }
0x169: {  	v32 =	vld [tilespmem:s11+$0x5EC0];
	v42 =	vperm.xlane v18, v15;
	[tilespmem:s11+$0x5E70] =	vst v31;
	v55 =	vmul.f32 v47, v50  }
0x16a: {  	v33 =	vld [tilespmem:s11+$0x5ED0];
	[tilespmem:s11+$0x5E60] =	vst v19;
	v19 =	vmul.f32 v59, v63  }
0x16b: {  	v35 =	vld [tilespmem:s11+$0x5EE0];
	v47 =	vmul.f32 v39, v42;
	[tilespmem:s11+$0x5E10] =	vst v55  }
0x16c: {  	v30 =	vld [tilespmem:s11+$0x5EB0];
	[tilespmem:s11+$0x5E80] =	vst v19;
	v19 =	vmul.f32 v62, v63  }
0x16d: {  	v38 =	vld [tilespmem:s11+$0x5F00];
	[tilespmem:s11+$0x5F10] =	vst v47;
	v34 =	vmul.f32 v60, v63  }
0x16e: {  	v36 =	vld [tilespmem:s11+$0x5EF0];
	[tilespmem:s11+$0x5EA0] =	vst v19;
	v19 =	vmul.f32 v32, v63  }
0x16f: {  	v41 =	vld [tilespmem:s11+$0x5F20];
	[tilespmem:s11+$0x5E90] =	vst v34;
	v40 =	vmul.f32 v33, v63  }
0x170: {  	v46 =	vld [tilespmem:s11+$0x5F50];
	[tilespmem:s11+$0x5EC0] =	vst v19;
	v19 =	vmul.f32 v35, v63  }
0x171: {  	v45 =	vld [tilespmem:s11+$0x5F40];
	v37 =	vmul.f32 v30, v63;
	[tilespmem:s11+$0x5ED0] =	vst v40  }
0x172: {  	v43 =	vld [tilespmem:s11+$0x5F30];
	[tilespmem:s11+$0x5EE0] =	vst v19;
	v19 =	vmul.f32 v38, v42  }
0x173: {  	v48 =	vld [tilespmem:s11+$0x5F60];
	v44 =	vmul.f32 v36, v63;
	[tilespmem:s11+$0x5EB0] =	vst v37  }
0x174: {  	v49 =	vld [tilespmem:s11+$0x5F70];
	[tilespmem:s11+$0x5F00] =	vst v19;
	v19 =	vmul.f32 v41, v42  }
0x175: {  	v51 =	vld [tilespmem:s11+$0x5F80];
	[tilespmem:s11+$0x5EF0] =	vst v44;
	v53 =	vmul.f32 v46, v42  }
0x176: {  	v52 =	vld [tilespmem:s11+$0x5F90];
	[tilespmem:s11+$0x5F20] =	vst v19;
	v19 =	vmul.f32 v45, v42  }
0x177: {  	v54 =	vld [tilespmem:s11+$0x5FA0];
	v50 =	vmul.f32 v43, v42;
	[tilespmem:s11+$0x5F50] =	vst v53  }
0x178: {  	v18 =	vperm.xlane v18, v16;
	v55 =	vld [tilespmem:s11+$0x5FB0];
	[tilespmem:s11+$0x5F40] =	vst v19;
	v19 =	vmul.f32 v48, v42  }
0x179: {  	v57 =	vld [tilespmem:s11+$0x5FC0];
	v56 =	vmul.f32 v49, v42;
	[tilespmem:s11+$0x5F30] =	vst v50  }
0x17a: {  	v58 =	vld [tilespmem:s11+$0x5FD0];
	[tilespmem:s11+$0x5F60] =	vst v19;
	v19 =	vmul.f32 v51, v18  }
0x17b: {  	v60 =	vld [tilespmem:s11+$0x5FE0];
	v59 =	vmul.f32 v52, v18;
	[tilespmem:s11+$0x5F70] =	vst v56  }
0x17c: {  	v61 =	vld [tilespmem:s11+$0x5FF0];
	[tilespmem:s11+$0x5F80] =	vst v19;
	v19 =	vmul.f32 v54, v18  }
0x17d: {  	[tilespmem:s11+$0x5F90] =	vst v59;
	v62 =	vmul.f32 v55, v18  }
0x17e: {  	p1 =	sne.s32 s9, $0x7;
	[tilespmem:s11+$0x5FA0] =	vst v19;
	v19 =	vmul.f32 v57, v18  }
.Ltmp2:
0x17f: {  	[tilespmem:s11+$0x5FB0] =	vst v62;
	v63 =	vmul.f32 v58, v18;
	(pc) =	sbr.rel @p1 .LBB2_8-.Ltmp2, $4  }
0x180: {  	[tilespmem:s11+$0x5FC0] =	vst v19;
	v19 =	vmul.f32 v60, v18  }
0x181: {  	[tilespmem:s11+$0x5FD0] =	vst v63;
	v18 =	vmul.f32 v61, v18  }
0x182: {  	[tilespmem:s11+$0x5FE0] =	vst v19  }
0x183: {  	s9 =	sadd.s32 $0x1, s9;
	[tilespmem:s11+$0x5FF0] =	vst v18  }
0x184: {  	s1 =	sadd.s32 $0x1, s1  }
0x185: {  	p1 =	sne.s32 s1, $0x8  }
.Ltmp3:
0x186: {  	_ = 	snop;
	(pc) =	sbr.rel @p1 .LBB2_5-.Ltmp3, $3  }
0x187: {  	_ =	sdelay $0x1  }
0x188: {  	s2 =	sadd.s32 $0x800, s2  }
0x189: {  	[spmem:s4] =	stream.indirect.scatter.add.f32 [tilespmem:s25], [sflag:$0x4], $0x80, s2, s22, $0xb8;
	[tilespmem:$0x1D080] =	vst v63  }
0x18a: {  	s31 =	sadd.s32 $0x1, s31  }
0x18b: {  	p1 =	sne.s32 s31, $0x5  }
.Ltmp4:
0x18c: {  	_ = 	snop;
	(pc) =	sbr.rel @p1 .LBB2_4-.Ltmp4, $4  }
0x18d: {  	_ = 	snop  }
0x18e: {  	_ =	swait.ge [sflag:s29], $0x4000  }
0x18f: {  	[sflag:s29] =	ssyncset.done $0x0  }
0x190: {  	[sflag:s29] =	ssyncadd.s32 $0xFFFFC000  }
0x191: {  	s1 =	stileid.u32  }
0x192: {  	[bflag:$0x0] =	sbarrier.arrive $0xFFFF;
	s1 =	sshll.u32 @!p0 s1, $0x6  }
0x193: {  	s2 =	sshrl.u32 @!p0 s8, $0x3;
	s9 =	rddreg [dreg:$0x6];
	s1 =	sor.u32 @!p0 $0x1C06, s1  }
0x194: {  	[hbm:s9], [sflag:s1] =	dma.local @!p0 [spmem:s2], $0x3E80  }
0x195: {  	s1 =	simm.s32 @!p0 $0x6  }
0x196: {  	_ =	swait.ge @!p0 [sflag:s1], $0x3E80  }
0x197: {  	s5 =	sadd.s32 $0x1, s5;
	s31 =	rddreg [dreg:$0x7]  }
0x198: {  	p1 =	sne.s32 s5, s31  }
.Ltmp5:
0x199: {  	_ = 	snop;
	(pc) =	sbr.rel @p1 .LBB2_1-.Ltmp5, $3  }
0x19a: {  	_ =	sdelay $0x1  }
0x19b: {  	[sflag:s1] =	ssyncset.done @!p0 $0x0  }
0x19c: {  	[sflag:s1] =	ssyncadd.s32 @!p0 $0xFFFFC180  }
0x19d: {  	_ =	sfence.sel $0x180000  }
0x19e: {  	[bflag:$0x0] =	sbarrier.arrive $0xFFFF  }
0x19f: {  	_ =	strace $0x90000047  }
0x1a0: {  	s0 =	stileid.u32;
	[bflag:$0x2] =	sbarrier.arrive $0xFFFF  }
0x1a1: {  	p0 =	sne.s32 s0, $0x0;
	s0 =	rddreg [dreg:$0x4]  }
0x1a2: {  	s0 =	sadd.s32 @!p0 $0x100000, s0  }
0x1a3: {  	[sflag:s0] =	ssyncadd.tile.s32 @!p0 $0x1;
	_ =	shalt  }
.Lfunc_end2:
_tile_overlayer_lowered:
.L_overlay_start_2:
0x1a4: {  	(tag) =	ssettag $0x2  }
0x1a5: {  	s0 =	rddreg [dreg:$0x0];
	s2 =	stileid.u32  }
0x1a6: {  	s1 =	rddreg [dreg:$0x1];
	p0 =	sne.s32 s2, $0x0  }
0x1a7: {  	s3 =	rddreg [dreg:$0x2];
	[bflag:$0x3] =	sbarrier.arrive $0xFFFF;
	s2 =	simm.s32 @!p0 $0x1C06  }
0x1a8: {  	[timem:s3], [sflag:s2] =	dma.local @!p0 [hbm:s0], s1  }
0x1a9: {  	s0 =	simm.s32 @!p0 $0x6  }
0x1aa: {  	_ =	swait.ge @!p0 [sflag:s0], s1  }
0x1ab: {  	s1 =	ssub.s32 @!p0 $0x0, s1;
	[sflag:s0] =	ssyncset.done @!p0 $0x0  }
0x1ac: {  	[sflag:s0] =	ssyncadd.s32 @!p0 s1  }
0x1ad: {  	[bflag:$0x3] =	sbarrier.arrive $0xFFFF  }
0x1ae: {  	_ =	shalt  }

</sc_bundles>
